<compile_context>
chip_gen: v7x
topology: tpu7x:2x2x1
jax: 0.10.2.dev20260603
libtpu: 0.0.44.dev20260713+nightly
codegen_flags: <defaults>
</compile_context>

<pallas_src>
import functools

import jax
import jax.numpy as jnp
from jax import lax
from jax.experimental import pallas as pl
from jax.experimental.pallas import tpu as pltpu
from jax.experimental.pallas import tpu_sc as plsc

B = 1024
L = 20
NB = 16
D = 128
LP = 32
NCH = 4
CH = (L * NB) // NCH
NC = 2
NS = 16
NWORK = NC * NS
BPW = B // NWORK
DC = D // 16


def _ln_body(emb_ref, g_ref, b_ref, out_ref):
    h = emb_ref[...]
    mu = jnp.mean(h, axis=-1, keepdims=True)
    var = jnp.mean((h - mu) ** 2, axis=-1, keepdims=True)
    out_ref[...] = (h - mu) * lax.rsqrt(var + 1e-5) * g_ref[...] + b_ref[...]


def _fc_body(h_ref, w_ref, b_ref, out_ref):
    out_ref[...] = (
        jnp.dot(h_ref[...], w_ref[...], preferred_element_type=jnp.float32)
        + b_ref[...]
    )


def _sc_body(ln_tab, edge1, eta1, xp, nb2, we2, out_hbm,
             xv_all, nb_all, we_all,
             rows0, rows1, wv0, wv1, cen0, cen1, etav0, etav1,
             out_buf, semr0, semr1, semc0, semc1):
    wid = lax.axis_index("s") * NC + lax.axis_index("c")
    b0 = wid * BPW

    pltpu.sync_copy(xp.at[pl.ds(b0 * LP, BPW * LP)], xv_all)
    pltpu.sync_copy(nb2.at[pl.ds(b0 * L * NB, BPW * L * NB)], nb_all)
    pltpu.sync_copy(we2.at[pl.ds(b0 * L * NB, BPW * L * NB)], we_all)

    rbufs = ((rows0, wv0, semr0), (rows1, wv1, semr1))
    cbufs = ((cen0, etav0, semc0), (cen1, etav1, semc1))
    zeros16 = jnp.zeros((16,), jnp.int32)

    def rows_copies(b, h, slot):
        rows, wv, sem = rbufs[slot]
        cps = []
        for j in range(2):
            idx = nb_all.at[pl.ds((b * NCH + h * 2 + j) * CH, CH)]
            cps.append(pltpu.make_async_copy(
                ln_tab.at[idx], rows.at[pl.ds(j * CH, CH)], sem))
            widx = we_all.at[pl.ds((b * NCH + h * 2 + j) * CH, CH)]
            cps.append(pltpu.make_async_copy(
                edge1.at[widx], wv.at[pl.ds(j * CH, CH)], sem))
        return cps

    def cen_copies(b, cs):
        cen, etav, sem = cbufs[cs]
        xidx = xv_all.at[pl.ds(b * LP, LP)]
        return [pltpu.make_async_copy(ln_tab.at[xidx], cen, sem),
                pltpu.make_async_copy(eta1.at[xidx], etav, sem)]

    def compute_half(b, h, slot, cs):
        rows, wv, _ = rbufs[slot]
        cen, etav, _ = cbufs[cs]

        def per_item(lit, carry):
            it = h * (L // 2) + lit
            base = lit * NB
            wks = [
                plsc.load_gather(wv, [jnp.full((16,), base + k, jnp.int32)])
                for k in range(NB)
            ]
            eta = plsc.load_gather(etav, [jnp.full((16,), it, jnp.int32)])
            om = 1.0 - eta
            for c in range(DC):
                dsl = pl.ds(c * 16, 16)
                m = wks[0] * rows[base, dsl]
                for k in range(1, NB):
                    m = jnp.maximum(m, wks[k] * rows[base + k, dsl])
                out_buf[b, dsl] = out_buf[b, dsl] + om * m + eta * cen[it, dsl]
            return carry

        lax.fori_loop(0, L // 2, per_item, 0)

    for cp in rows_copies(0, 0, 0) + cen_copies(0, 0):
        cp.start()

    def per_pair(bp, _):
        for db in range(2):
            b = 2 * bp + db
            for cp in rows_copies(b, 1, 1):
                cp.start()
            for cp in rows_copies(b, 0, 0) + cen_copies(b, db):
                cp.wait()
            for c in range(DC):
                out_buf[b, pl.ds(c * 16, 16)] = jnp.zeros((16,), jnp.float32)
            compute_half(b, 0, 0, db)

            @pl.when(b + 1 < BPW)
            def _fire_next():
                for cp in rows_copies(b + 1, 0, 0) + cen_copies(b + 1, 1 - db):
                    cp.start()

            for cp in rows_copies(b, 1, 1):
                cp.wait()
            compute_half(b, 1, 1, db)
        return _

    lax.fori_loop(0, BPW // 2, per_pair, 0)
    pltpu.sync_copy(out_buf, out_hbm.at[pl.ds(b0, BPW)])


def kernel(x, nb_x, w_edge, emb_table, edge_table, eta_table,
           ln_gamma, ln_beta, fc_W, fc_b):
    x = x.astype(jnp.int32)
    nb_x = nb_x.astype(jnp.int32)
    w_edge = w_edge.astype(jnp.int32)

    ln_tab = pl.pallas_call(
        _ln_body,
        out_shape=jax.ShapeDtypeStruct((emb_table.shape[0], D), jnp.float32),
    )(emb_table, ln_gamma.reshape(1, D), ln_beta.reshape(1, D))

    xp = jnp.pad(x, ((0, 0), (0, LP - L))).reshape(B * LP)
    nb2 = nb_x.reshape(-1)
    we2 = w_edge.reshape(-1)

    mesh = plsc.VectorSubcoreMesh(core_axis_name="c", subcore_axis_name="s")
    sc = functools.partial(
        pl.kernel,
        mesh=mesh,
        compiler_params=pltpu.CompilerParams(needs_layout_passes=False),
        out_type=jax.ShapeDtypeStruct((B, D), jnp.float32),
        scratch_types=[
            pltpu.VMEM((BPW * LP,), jnp.int32),
            pltpu.VMEM((BPW * L * NB,), jnp.int32),
            pltpu.VMEM((BPW * L * NB,), jnp.int32),
            pltpu.VMEM((2 * CH, D), jnp.float32),
            pltpu.VMEM((2 * CH, D), jnp.float32),
            pltpu.VMEM((2 * CH,), jnp.float32),
            pltpu.VMEM((2 * CH,), jnp.float32),
            pltpu.VMEM((LP, D), jnp.float32),
            pltpu.VMEM((LP, D), jnp.float32),
            pltpu.VMEM((LP,), jnp.float32),
            pltpu.VMEM((LP,), jnp.float32),
            pltpu.VMEM((BPW, D), jnp.float32),
            pltpu.SemaphoreType.DMA,
            pltpu.SemaphoreType.DMA,
            pltpu.SemaphoreType.DMA,
            pltpu.SemaphoreType.DMA,
        ],
    )(_sc_body)
    edge_flat = jnp.pad(edge_table, ((0, 839), (0, 0))).reshape(-1)
    hsum = sc(ln_tab, edge_flat, eta_table[:, 0], xp, nb2, we2)

    scores = pl.pallas_call(
        _fc_body,
        out_shape=jax.ShapeDtypeStruct((B, fc_W.shape[0]), jnp.float32),
    )(hsum, fc_W.T, fc_b.reshape(1, -1))
    return scores

# --- scband reference (transcript-rebuilt; emitter-appended) ---
"""Pipeline reference for scband-text-level-gnn-9337258901945 (READ-ONLY COPY).

The authoritative reference and input builder live on the scoring server;
editing this copy changes nothing except your own understanding.
"""

import jax, jax.numpy as jnp
import numpy as np

N_WORD = 5000
D_MODEL = 128
N_CAT = 50
MAX_LEN = 20
BATCH = 1024
N_NB = 16
N_EDGE_VOCAB = (N_WORD - 1) * N_WORD + 1


def setup_inputs(seed: int = 0) -> dict:
    key = jax.random.key(seed)
    ks = jax.random.split(key, 8)
    x = jax.random.randint(ks[0], (BATCH, MAX_LEN), 0, N_WORD)
    nb_x = jax.random.randint(ks[1], (BATCH, MAX_LEN, N_NB), 0, N_WORD)
    w_edge = jax.random.randint(ks[2], (BATCH, MAX_LEN, N_NB), 0, N_EDGE_VOCAB)
    emb_table = jax.random.normal(ks[3], (N_WORD, D_MODEL), dtype=jnp.float32) * 0.02
    emb_table = emb_table.at[0].set(0.0)  # padding_idx=0
    edge_table = jax.random.normal(ks[4], (N_EDGE_VOCAB, 1), dtype=jnp.float32) * 0.02
    edge_table = edge_table.at[0].set(0.0)  # padding_idx=0
    eta_table = jax.random.normal(ks[5], (N_WORD, 1), dtype=jnp.float32) * 0.02
    eta_table = eta_table.at[0].set(0.0)  # padding_idx=0
    ln_gamma = jnp.ones((D_MODEL,), dtype=jnp.float32)
    ln_beta = jnp.zeros((D_MODEL,), dtype=jnp.float32)
    fc_W = jax.random.normal(ks[6], (N_CAT, D_MODEL), dtype=jnp.float32) * 0.02
    fc_b = jnp.zeros((N_CAT,), dtype=jnp.float32)
    return {
        "x": x,
        "nb_x": nb_x,
        "w_edge": w_edge,
        "emb_table": emb_table,
        "edge_table": edge_table,
        "eta_table": eta_table,
        "ln_gamma": ln_gamma,
        "ln_beta": ln_beta,
        "fc_W": fc_W,
        "fc_b": fc_b,
    }


def _layer_norm(h, gamma, beta, eps=1e-5):
    mu = jnp.mean(h, axis=-1, keepdims=True)
    var = jnp.mean((h - mu) ** 2, axis=-1, keepdims=True)
    return (h - mu) / jnp.sqrt(var + eps) * gamma + beta


def reference(x, nb_x, w_edge, emb_table, edge_table, eta_table, ln_gamma, ln_beta, fc_W, fc_b):
    # idx_nodes: (B, L, n_degree*2 + 1) -- neighbors then center node
    idx_nodes = jnp.concatenate([nb_x, x[..., None]], axis=-1)
    emb_nodes = jnp.take(emb_table, idx_nodes, axis=0)  # (B, L, 17, D)
    emb_nodes = _layer_norm(emb_nodes, ln_gamma, ln_beta)
    w = jnp.take(edge_table, w_edge, axis=0)  # (B, L, 16, 1)
    msg_nb = jnp.max(w * emb_nodes[:, :, :-1, :], axis=2)  # (B, L, D)
    eta = jnp.take(eta_table, x, axis=0)  # (B, L, 1)
    h_node = (1.0 - eta) * msg_nb + eta * emb_nodes[:, :, -1, :]
    scores = h_node.sum(axis=1) @ fc_W.T + fc_b  # (B, n_category)
    return scores

if __name__ == "__main__":
    import jax
    _d = setup_inputs()
    print(jax.jit(kernel)(*tuple(_d.values())))

</pallas_src>

<mosaic_0001>
#map = affine_map<(d0, d1) -> (0, 0)>
#map1 = affine_map<(d0, d1) -> (0)>
module attributes {stable_mosaic.version = 14 : i64} {
  func.func @_sc_body(%arg0: i32, %arg1: i32, %arg2: memref<5000x128xf32, #tpu.memory_space<hbm>>, %arg3: memref<24995840xf32, #tpu.memory_space<hbm>>, %arg4: memref<5000xf32, #tpu.memory_space<hbm>>, %arg5: memref<32768xi32, #tpu.memory_space<hbm>>, %arg6: memref<327680xi32, #tpu.memory_space<hbm>>, %arg7: memref<327680xi32, #tpu.memory_space<hbm>>, %arg8: memref<1024x128xf32, #tpu.memory_space<hbm>>, %arg9: memref<1024xi32, #tpu.memory_space<vmem>>, %arg10: memref<10240xi32, #tpu.memory_space<vmem>>, %arg11: memref<10240xi32, #tpu.memory_space<vmem>>, %arg12: memref<160x128xf32, #tpu.memory_space<vmem>>, %arg13: memref<160x128xf32, #tpu.memory_space<vmem>>, %arg14: memref<160xf32, #tpu.memory_space<vmem>>, %arg15: memref<160xf32, #tpu.memory_space<vmem>>, %arg16: memref<32x128xf32, #tpu.memory_space<vmem>>, %arg17: memref<32x128xf32, #tpu.memory_space<vmem>>, %arg18: memref<32xf32, #tpu.memory_space<vmem>>, %arg19: memref<32xf32, #tpu.memory_space<vmem>>, %arg20: memref<32x128xf32, #tpu.memory_space<vmem>>, %arg21: memref<!tpu.dma_semaphore, #tpu.memory_space<semaphore_mem>>, %arg22: memref<!tpu.dma_semaphore, #tpu.memory_space<semaphore_mem>>, %arg23: memref<!tpu.dma_semaphore, #tpu.memory_space<semaphore_mem>>, %arg24: memref<!tpu.dma_semaphore, #tpu.memory_space<semaphore_mem>>) attributes {dimension_semantics = [#tpu.dimension_semantics<core_parallel>, #tpu.dimension_semantics<subcore_parallel>], iteration_bounds = array<i64: 2, 16>, scalar_prefetch = 0 : i64, scratch_operands = 16 : i64, tpu.core_type = #tpu.core_type<sc_vector_subcore>, window_params = [{transform_indices = #map}, {transform_indices = #map1}, {transform_indices = #map1}, {transform_indices = #map1}, {transform_indices = #map1}, {transform_indices = #map1}, {transform_indices = #map}]} {
    %mul3A = arith.constant 2 : i32
    %mul3A_0 = arith.muli %arg1, %mul3A : i32
    %add3A = arith.addi %mul3A_0, %arg0 : i32
    %mul3A_1 = arith.constant 32 : i32
    %mul3A_2 = arith.muli %add3A, %mul3A_1 : i32
    %mul3A_3 = arith.constant 32 : i32
    %mul3A_4 = arith.muli %mul3A_2, %mul3A_3 : i32
    "tpu.region"() ({
      %run_scoped3A = tpu.sem_alloc : memref<!tpu.dma_semaphore, #tpu.memory_space<semaphore_mem>>
      %dma_start3A_55 = tpu.memref_slice %arg5[%mul3A_4] : memref<32768xi32, #tpu.memory_space<hbm>> -> memref<1024xi32, #tpu.memory_space<hbm>>
      %dma_start3A_56 = tpu.memref_slice %arg5[%mul3A_4] : memref<32768xi32, #tpu.memory_space<hbm>> -> memref<1024xi32, #tpu.memory_space<hbm>>
      tpu.enqueue_dma source(%dma_start3A_56 : memref<1024xi32, #tpu.memory_space<hbm>>) target(%arg9 : memref<1024xi32, #tpu.memory_space<vmem>>) target_semaphore(%run_scoped3A : memref<!tpu.dma_semaphore, #tpu.memory_space<semaphore_mem>>)
      %dma_wait3A = tpu.memref_slice %arg5[%mul3A_4] : memref<32768xi32, #tpu.memory_space<hbm>> -> memref<1024xi32, #tpu.memory_space<hbm>>
      %dma_wait3A_57 = tpu.memref_slice %arg5[%mul3A_4] : memref<32768xi32, #tpu.memory_space<hbm>> -> memref<1024xi32, #tpu.memory_space<hbm>>
      tpu.wait_dma2 semaphore(%run_scoped3A : memref<!tpu.dma_semaphore, #tpu.memory_space<semaphore_mem>>) src(%dma_wait3A_57 : memref<1024xi32, #tpu.memory_space<hbm>>) dst(%arg9 : memref<1024xi32, #tpu.memory_space<vmem>>)
      tpu.yield
    }) : () -> ()
    %mul3A_5 = arith.constant 20 : i32
    %mul3A_6 = arith.muli %mul3A_2, %mul3A_5 : i32
    %mul3A_7 = arith.constant 16 : i32
    %mul3A_8 = arith.muli %mul3A_6, %mul3A_7 : i32
    "tpu.region"() ({
      %run_scoped3A = tpu.sem_alloc : memref<!tpu.dma_semaphore, #tpu.memory_space<semaphore_mem>>
      %dma_start3A_55 = tpu.memref_slice %arg6[%mul3A_8] : memref<327680xi32, #tpu.memory_space<hbm>> -> memref<10240xi32, #tpu.memory_space<hbm>>
      %dma_start3A_56 = tpu.memref_slice %arg6[%mul3A_8] : memref<327680xi32, #tpu.memory_space<hbm>> -> memref<10240xi32, #tpu.memory_space<hbm>>
      tpu.enqueue_dma source(%dma_start3A_56 : memref<10240xi32, #tpu.memory_space<hbm>>) target(%arg10 : memref<10240xi32, #tpu.memory_space<vmem>>) target_semaphore(%run_scoped3A : memref<!tpu.dma_semaphore, #tpu.memory_space<semaphore_mem>>)
      %dma_wait3A = tpu.memref_slice %arg6[%mul3A_8] : memref<327680xi32, #tpu.memory_space<hbm>> -> memref<10240xi32, #tpu.memory_space<hbm>>
      %dma_wait3A_57 = tpu.memref_slice %arg6[%mul3A_8] : memref<327680xi32, #tpu.memory_space<hbm>> -> memref<10240xi32, #tpu.memory_space<hbm>>
      tpu.wait_dma2 semaphore(%run_scoped3A : memref<!tpu.dma_semaphore, #tpu.memory_space<semaphore_mem>>) src(%dma_wait3A_57 : memref<10240xi32, #tpu.memory_space<hbm>>) dst(%arg10 : memref<10240xi32, #tpu.memory_space<vmem>>)
      tpu.yield
    }) : () -> ()
    %mul3A_9 = arith.constant 20 : i32
    %mul3A_10 = arith.muli %mul3A_2, %mul3A_9 : i32
    %mul3A_11 = arith.constant 16 : i32
    %mul3A_12 = arith.muli %mul3A_10, %mul3A_11 : i32
    "tpu.region"() ({
      %run_scoped3A = tpu.sem_alloc : memref<!tpu.dma_semaphore, #tpu.memory_space<semaphore_mem>>
      %dma_start3A_55 = tpu.memref_slice %arg7[%mul3A_12] : memref<327680xi32, #tpu.memory_space<hbm>> -> memref<10240xi32, #tpu.memory_space<hbm>>
      %dma_start3A_56 = tpu.memref_slice %arg7[%mul3A_12] : memref<327680xi32, #tpu.memory_space<hbm>> -> memref<10240xi32, #tpu.memory_space<hbm>>
      tpu.enqueue_dma source(%dma_start3A_56 : memref<10240xi32, #tpu.memory_space<hbm>>) target(%arg11 : memref<10240xi32, #tpu.memory_space<vmem>>) target_semaphore(%run_scoped3A : memref<!tpu.dma_semaphore, #tpu.memory_space<semaphore_mem>>)
      %dma_wait3A = tpu.memref_slice %arg7[%mul3A_12] : memref<327680xi32, #tpu.memory_space<hbm>> -> memref<10240xi32, #tpu.memory_space<hbm>>
      %dma_wait3A_57 = tpu.memref_slice %arg7[%mul3A_12] : memref<327680xi32, #tpu.memory_space<hbm>> -> memref<10240xi32, #tpu.memory_space<hbm>>
      tpu.wait_dma2 semaphore(%run_scoped3A : memref<!tpu.dma_semaphore, #tpu.memory_space<semaphore_mem>>) src(%dma_wait3A_57 : memref<10240xi32, #tpu.memory_space<hbm>>) dst(%arg11 : memref<10240xi32, #tpu.memory_space<vmem>>)
      tpu.yield
    }) : () -> ()
    %broadcast_in_dim3A = arith.constant 0 : i32
    %broadcast_in_dim3A_13 = vector.broadcast %broadcast_in_dim3A : i32 to vector<16xi32>
    %dma_start3A = arith.constant 0 : i32
    %dma_start3A_14 = arith.constant 0 : i32
    %dma_start3A_15 = tpu.memref_slice %arg12[%dma_start3A, %dma_start3A_14] : memref<160x128xf32, #tpu.memory_space<vmem>> -> memref<80x128xf32, #tpu.memory_space<vmem>>
    %dma_start3A_16 = arith.constant 0 : i32
    %dma_start3A_17 = tpu.memref_slice %arg10[%dma_start3A_16] : memref<10240xi32, #tpu.memory_space<vmem>> -> memref<80xi32, #tpu.memory_space<vmem>>
    %dma_start3A_18 = arith.constant 0 : i32
    %dma_start3A_19 = arith.constant 0 : i32
    %dma_start3A_20 = tpu.memref_slice %arg2[%dma_start3A_18, %dma_start3A_19] : memref<5000x128xf32, #tpu.memory_space<hbm>> -> memref<5000x128xf32, #tpu.memory_space<hbm>>
    tpu.enqueue_indirect_dma source(%dma_start3A_20 : memref<5000x128xf32, #tpu.memory_space<hbm>>) target(%dma_start3A_15 : memref<80x128xf32, #tpu.memory_space<vmem>>) offsets(%dma_start3A_17 : memref<80xi32, #tpu.memory_space<vmem>>) semaphore(%arg21 : memref<!tpu.dma_semaphore, #tpu.memory_space<semaphore_mem>>)
    %dma_start3A_21 = arith.constant 0 : i32
    %dma_start3A_22 = tpu.memref_slice %arg14[%dma_start3A_21] : memref<160xf32, #tpu.memory_space<vmem>> -> memref<80xf32, #tpu.memory_space<vmem>>
    %dma_start3A_23 = arith.constant 0 : i32
    %dma_start3A_24 = tpu.memref_slice %arg11[%dma_start3A_23] : memref<10240xi32, #tpu.memory_space<vmem>> -> memref<80xi32, #tpu.memory_space<vmem>>
    %dma_start3A_25 = arith.constant 0 : i32
    %dma_start3A_26 = tpu.memref_slice %arg3[%dma_start3A_25] : memref<24995840xf32, #tpu.memory_space<hbm>> -> memref<24995840xf32, #tpu.memory_space<hbm>>
    tpu.enqueue_indirect_dma source(%dma_start3A_26 : memref<24995840xf32, #tpu.memory_space<hbm>>) target(%dma_start3A_22 : memref<80xf32, #tpu.memory_space<vmem>>) offsets(%dma_start3A_24 : memref<80xi32, #tpu.memory_space<vmem>>) semaphore(%arg21 : memref<!tpu.dma_semaphore, #tpu.memory_space<semaphore_mem>>)
    %dma_start3A_27 = arith.constant 80 : i32
    %dma_start3A_28 = arith.constant 0 : i32
    %dma_start3A_29 = tpu.memref_slice %arg12[%dma_start3A_27, %dma_start3A_28] : memref<160x128xf32, #tpu.memory_space<vmem>> -> memref<80x128xf32, #tpu.memory_space<vmem>>
    %dma_start3A_30 = arith.constant 80 : i32
    %dma_start3A_31 = tpu.memref_slice %arg10[%dma_start3A_30] : memref<10240xi32, #tpu.memory_space<vmem>> -> memref<80xi32, #tpu.memory_space<vmem>>
    %dma_start3A_32 = arith.constant 0 : i32
    %dma_start3A_33 = arith.constant 0 : i32
    %dma_start3A_34 = tpu.memref_slice %arg2[%dma_start3A_32, %dma_start3A_33] : memref<5000x128xf32, #tpu.memory_space<hbm>> -> memref<5000x128xf32, #tpu.memory_space<hbm>>
    tpu.enqueue_indirect_dma source(%dma_start3A_34 : memref<5000x128xf32, #tpu.memory_space<hbm>>) target(%dma_start3A_29 : memref<80x128xf32, #tpu.memory_space<vmem>>) offsets(%dma_start3A_31 : memref<80xi32, #tpu.memory_space<vmem>>) semaphore(%arg21 : memref<!tpu.dma_semaphore, #tpu.memory_space<semaphore_mem>>)
    %dma_start3A_35 = arith.constant 80 : i32
    %dma_start3A_36 = tpu.memref_slice %arg14[%dma_start3A_35] : memref<160xf32, #tpu.memory_space<vmem>> -> memref<80xf32, #tpu.memory_space<vmem>>
    %dma_start3A_37 = arith.constant 80 : i32
    %dma_start3A_38 = tpu.memref_slice %arg11[%dma_start3A_37] : memref<10240xi32, #tpu.memory_space<vmem>> -> memref<80xi32, #tpu.memory_space<vmem>>
    %dma_start3A_39 = arith.constant 0 : i32
    %dma_start3A_40 = tpu.memref_slice %arg3[%dma_start3A_39] : memref<24995840xf32, #tpu.memory_space<hbm>> -> memref<24995840xf32, #tpu.memory_space<hbm>>
    tpu.enqueue_indirect_dma source(%dma_start3A_40 : memref<24995840xf32, #tpu.memory_space<hbm>>) target(%dma_start3A_36 : memref<80xf32, #tpu.memory_space<vmem>>) offsets(%dma_start3A_38 : memref<80xi32, #tpu.memory_space<vmem>>) semaphore(%arg21 : memref<!tpu.dma_semaphore, #tpu.memory_space<semaphore_mem>>)
    %dma_start3A_41 = arith.constant 0 : i32
    %dma_start3A_42 = tpu.memref_slice %arg9[%dma_start3A_41] : memref<1024xi32, #tpu.memory_space<vmem>> -> memref<32xi32, #tpu.memory_space<vmem>>
    %dma_start3A_43 = arith.constant 0 : i32
    %dma_start3A_44 = arith.constant 0 : i32
    %dma_start3A_45 = tpu.memref_slice %arg2[%dma_start3A_43, %dma_start3A_44] : memref<5000x128xf32, #tpu.memory_space<hbm>> -> memref<5000x128xf32, #tpu.memory_space<hbm>>
    tpu.enqueue_indirect_dma source(%dma_start3A_45 : memref<5000x128xf32, #tpu.memory_space<hbm>>) target(%arg16 : memref<32x128xf32, #tpu.memory_space<vmem>>) offsets(%dma_start3A_42 : memref<32xi32, #tpu.memory_space<vmem>>) semaphore(%arg23 : memref<!tpu.dma_semaphore, #tpu.memory_space<semaphore_mem>>)
    %dma_start3A_46 = arith.constant 0 : i32
    %dma_start3A_47 = tpu.memref_slice %arg9[%dma_start3A_46] : memref<1024xi32, #tpu.memory_space<vmem>> -> memref<32xi32, #tpu.memory_space<vmem>>
    %dma_start3A_48 = arith.constant 0 : i32
    %dma_start3A_49 = tpu.memref_slice %arg4[%dma_start3A_48] : memref<5000xf32, #tpu.memory_space<hbm>> -> memref<5000xf32, #tpu.memory_space<hbm>>
    tpu.enqueue_indirect_dma source(%dma_start3A_49 : memref<5000xf32, #tpu.memory_space<hbm>>) target(%arg18 : memref<32xf32, #tpu.memory_space<vmem>>) offsets(%dma_start3A_47 : memref<32xi32, #tpu.memory_space<vmem>>) semaphore(%arg23 : memref<!tpu.dma_semaphore, #tpu.memory_space<semaphore_mem>>)
    %scan3A = arith.constant 0 : i32
    %scan3A_50 = arith.constant 0 : i32
    %scan3A_51 = arith.constant 16 : i32
    %scan3A_52 = arith.addi %scan3A_50, %scan3A_51 : i32
    %scan3A_53 = arith.constant 1 : i32
    scf.for %scan3A_55 = %scan3A_50 to %scan3A_52 step %scan3A_53  : i32 {
      %mul3A_56 = arith.constant 2 : i32
      %mul3A_57 = arith.muli %mul3A_56, %scan3A_55 : i32
      %add3A_58 = arith.constant 0 : i32
      %add3A_59 = arith.addi %mul3A_57, %add3A_58 : i32
      %mul3A_60 = arith.constant 4 : i32
      %mul3A_61 = arith.muli %add3A_59, %mul3A_60 : i32
      %add3A_62 = arith.constant 2 : i32
      %add3A_63 = arith.addi %mul3A_61, %add3A_62 : i32
      %add3A_64 = arith.constant 0 : i32
      %add3A_65 = arith.addi %add3A_63, %add3A_64 : i32
      %mul3A_66 = arith.constant 80 : i32
      %mul3A_67 = arith.muli %add3A_65, %mul3A_66 : i32
      %mul3A_68 = arith.constant 4 : i32
      %mul3A_69 = arith.muli %add3A_59, %mul3A_68 : i32
      %add3A_70 = arith.constant 2 : i32
      %add3A_71 = arith.addi %mul3A_69, %add3A_70 : i32
      %add3A_72 = arith.constant 0 : i32
      %add3A_73 = arith.addi %add3A_71, %add3A_72 : i32
      %mul3A_74 = arith.constant 80 : i32
      %mul3A_75 = arith.muli %add3A_73, %mul3A_74 : i32
      %mul3A_76 = arith.constant 4 : i32
      %mul3A_77 = arith.muli %add3A_59, %mul3A_76 : i32
      %add3A_78 = arith.constant 2 : i32
      %add3A_79 = arith.addi %mul3A_77, %add3A_78 : i32
      %add3A_80 = arith.constant 1 : i32
      %add3A_81 = arith.addi %add3A_79, %add3A_80 : i32
      %mul3A_82 = arith.constant 80 : i32
      %mul3A_83 = arith.muli %add3A_81, %mul3A_82 : i32
      %mul3A_84 = arith.constant 4 : i32
      %mul3A_85 = arith.muli %add3A_59, %mul3A_84 : i32
      %add3A_86 = arith.constant 2 : i32
      %add3A_87 = arith.addi %mul3A_85, %add3A_86 : i32
      %add3A_88 = arith.constant 1 : i32
      %add3A_89 = arith.addi %add3A_87, %add3A_88 : i32
      %mul3A_90 = arith.constant 80 : i32
      %mul3A_91 = arith.muli %add3A_89, %mul3A_90 : i32
      %dma_start3A_92 = arith.constant 0 : i32
      %dma_start3A_93 = arith.constant 0 : i32
      %dma_start3A_94 = tpu.memref_slice %arg13[%dma_start3A_92, %dma_start3A_93] : memref<160x128xf32, #tpu.memory_space<vmem>> -> memref<80x128xf32, #tpu.memory_space<vmem>>
      %dma_start3A_95 = tpu.memref_slice %arg10[%mul3A_67] : memref<10240xi32, #tpu.memory_space<vmem>> -> memref<80xi32, #tpu.memory_space<vmem>>
      %dma_start3A_96 = arith.constant 0 : i32
      %dma_start3A_97 = arith.constant 0 : i32
      %dma_start3A_98 = tpu.memref_slice %arg2[%dma_start3A_96, %dma_start3A_97] : memref<5000x128xf32, #tpu.memory_space<hbm>> -> memref<5000x128xf32, #tpu.memory_space<hbm>>
      tpu.enqueue_indirect_dma source(%dma_start3A_98 : memref<5000x128xf32, #tpu.memory_space<hbm>>) target(%dma_start3A_94 : memref<80x128xf32, #tpu.memory_space<vmem>>) offsets(%dma_start3A_95 : memref<80xi32, #tpu.memory_space<vmem>>) semaphore(%arg22 : memref<!tpu.dma_semaphore, #tpu.memory_space<semaphore_mem>>)
      %dma_start3A_99 = arith.constant 0 : i32
      %dma_start3A_100 = tpu.memref_slice %arg15[%dma_start3A_99] : memref<160xf32, #tpu.memory_space<vmem>> -> memref<80xf32, #tpu.memory_space<vmem>>
      %dma_start3A_101 = tpu.memref_slice %arg11[%mul3A_75] : memref<10240xi32, #tpu.memory_space<vmem>> -> memref<80xi32, #tpu.memory_space<vmem>>
      %dma_start3A_102 = arith.constant 0 : i32
      %dma_start3A_103 = tpu.memref_slice %arg3[%dma_start3A_102] : memref<24995840xf32, #tpu.memory_space<hbm>> -> memref<24995840xf32, #tpu.memory_space<hbm>>
      tpu.enqueue_indirect_dma source(%dma_start3A_103 : memref<24995840xf32, #tpu.memory_space<hbm>>) target(%dma_start3A_100 : memref<80xf32, #tpu.memory_space<vmem>>) offsets(%dma_start3A_101 : memref<80xi32, #tpu.memory_space<vmem>>) semaphore(%arg22 : memref<!tpu.dma_semaphore, #tpu.memory_space<semaphore_mem>>)
      %dma_start3A_104 = arith.constant 80 : i32
      %dma_start3A_105 = arith.constant 0 : i32
      %dma_start3A_106 = tpu.memref_slice %arg13[%dma_start3A_104, %dma_start3A_105] : memref<160x128xf32, #tpu.memory_space<vmem>> -> memref<80x128xf32, #tpu.memory_space<vmem>>
      %dma_start3A_107 = tpu.memref_slice %arg10[%mul3A_83] : memref<10240xi32, #tpu.memory_space<vmem>> -> memref<80xi32, #tpu.memory_space<vmem>>
      %dma_start3A_108 = arith.constant 0 : i32
      %dma_start3A_109 = arith.constant 0 : i32
      %dma_start3A_110 = tpu.memref_slice %arg2[%dma_start3A_108, %dma_start3A_109] : memref<5000x128xf32, #tpu.memory_space<hbm>> -> memref<5000x128xf32, #tpu.memory_space<hbm>>
      tpu.enqueue_indirect_dma source(%dma_start3A_110 : memref<5000x128xf32, #tpu.memory_space<hbm>>) target(%dma_start3A_106 : memref<80x128xf32, #tpu.memory_space<vmem>>) offsets(%dma_start3A_107 : memref<80xi32, #tpu.memory_space<vmem>>) semaphore(%arg22 : memref<!tpu.dma_semaphore, #tpu.memory_space<semaphore_mem>>)
      %dma_start3A_111 = arith.constant 80 : i32
      %dma_start3A_112 = tpu.memref_slice %arg15[%dma_start3A_111] : memref<160xf32, #tpu.memory_space<vmem>> -> memref<80xf32, #tpu.memory_space<vmem>>
      %dma_start3A_113 = tpu.memref_slice %arg11[%mul3A_91] : memref<10240xi32, #tpu.memory_space<vmem>> -> memref<80xi32, #tpu.memory_space<vmem>>
      %dma_start3A_114 = arith.constant 0 : i32
      %dma_start3A_115 = tpu.memref_slice %arg3[%dma_start3A_114] : memref<24995840xf32, #tpu.memory_space<hbm>> -> memref<24995840xf32, #tpu.memory_space<hbm>>
      tpu.enqueue_indirect_dma source(%dma_start3A_115 : memref<24995840xf32, #tpu.memory_space<hbm>>) target(%dma_start3A_112 : memref<80xf32, #tpu.memory_space<vmem>>) offsets(%dma_start3A_113 : memref<80xi32, #tpu.memory_space<vmem>>) semaphore(%arg22 : memref<!tpu.dma_semaphore, #tpu.memory_space<semaphore_mem>>)
      %mul3A_116 = arith.constant 4 : i32
      %mul3A_117 = arith.muli %add3A_59, %mul3A_116 : i32
      %add3A_118 = arith.constant 0 : i32
      %add3A_119 = arith.addi %mul3A_117, %add3A_118 : i32
      %add3A_120 = arith.constant 0 : i32
      %add3A_121 = arith.addi %add3A_119, %add3A_120 : i32
      %mul3A_122 = arith.constant 80 : i32
      %mul3A_123 = arith.muli %add3A_121, %mul3A_122 : i32
      %mul3A_124 = arith.constant 4 : i32
      %mul3A_125 = arith.muli %add3A_59, %mul3A_124 : i32
      %add3A_126 = arith.constant 0 : i32
      %add3A_127 = arith.addi %mul3A_125, %add3A_126 : i32
      %add3A_128 = arith.constant 0 : i32
      %add3A_129 = arith.addi %add3A_127, %add3A_128 : i32
      %mul3A_130 = arith.constant 80 : i32
      %mul3A_131 = arith.muli %add3A_129, %mul3A_130 : i32
      %mul3A_132 = arith.constant 4 : i32
      %mul3A_133 = arith.muli %add3A_59, %mul3A_132 : i32
      %add3A_134 = arith.constant 0 : i32
      %add3A_135 = arith.addi %mul3A_133, %add3A_134 : i32
      %add3A_136 = arith.constant 1 : i32
      %add3A_137 = arith.addi %add3A_135, %add3A_136 : i32
      %mul3A_138 = arith.constant 80 : i32
      %mul3A_139 = arith.muli %add3A_137, %mul3A_138 : i32
      %mul3A_140 = arith.constant 4 : i32
      %mul3A_141 = arith.muli %add3A_59, %mul3A_140 : i32
      %add3A_142 = arith.constant 0 : i32
      %add3A_143 = arith.addi %mul3A_141, %add3A_142 : i32
      %add3A_144 = arith.constant 1 : i32
      %add3A_145 = arith.addi %add3A_143, %add3A_144 : i32
      %mul3A_146 = arith.constant 80 : i32
      %mul3A_147 = arith.muli %add3A_145, %mul3A_146 : i32
      %mul3A_148 = arith.constant 32 : i32
      %mul3A_149 = arith.muli %add3A_59, %mul3A_148 : i32
      %dma_wait3A = arith.constant 0 : i32
      %dma_wait3A_150 = arith.constant 0 : i32
      %dma_wait3A_151 = tpu.memref_slice %arg12[%dma_wait3A, %dma_wait3A_150] : memref<160x128xf32, #tpu.memory_space<vmem>> -> memref<80x128xf32, #tpu.memory_space<vmem>>
      %dma_wait3A_152 = tpu.memref_slice %arg10[%mul3A_123] : memref<10240xi32, #tpu.memory_space<vmem>> -> memref<80xi32, #tpu.memory_space<vmem>>
      %dma_wait3A_153 = arith.constant 0 : i32
      %dma_wait3A_154 = arith.constant 0 : i32
      %dma_wait3A_155 = tpu.memref_slice %arg2[%dma_wait3A_153, %dma_wait3A_154] : memref<5000x128xf32, #tpu.memory_space<hbm>> -> memref<5000x128xf32, #tpu.memory_space<hbm>>
      tpu.wait_indirect_dma semaphore(%arg21 : memref<!tpu.dma_semaphore, #tpu.memory_space<semaphore_mem>>) src(%dma_wait3A_155 : memref<5000x128xf32, #tpu.memory_space<hbm>>) dst(%dma_wait3A_151 : memref<80x128xf32, #tpu.memory_space<vmem>>)
      %dma_wait3A_156 = arith.constant 0 : i32
      %dma_wait3A_157 = tpu.memref_slice %arg14[%dma_wait3A_156] : memref<160xf32, #tpu.memory_space<vmem>> -> memref<80xf32, #tpu.memory_space<vmem>>
      %dma_wait3A_158 = tpu.memref_slice %arg11[%mul3A_131] : memref<10240xi32, #tpu.memory_space<vmem>> -> memref<80xi32, #tpu.memory_space<vmem>>
      %dma_wait3A_159 = arith.constant 0 : i32
      %dma_wait3A_160 = tpu.memref_slice %arg3[%dma_wait3A_159] : memref<24995840xf32, #tpu.memory_space<hbm>> -> memref<24995840xf32, #tpu.memory_space<hbm>>
      tpu.wait_indirect_dma semaphore(%arg21 : memref<!tpu.dma_semaphore, #tpu.memory_space<semaphore_mem>>) src(%dma_wait3A_160 : memref<24995840xf32, #tpu.memory_space<hbm>>) dst(%dma_wait3A_157 : memref<80xf32, #tpu.memory_space<vmem>>)
      %dma_wait3A_161 = arith.constant 80 : i32
      %dma_wait3A_162 = arith.constant 0 : i32
      %dma_wait3A_163 = tpu.memref_slice %arg12[%dma_wait3A_161, %dma_wait3A_162] : memref<160x128xf32, #tpu.memory_space<vmem>> -> memref<80x128xf32, #tpu.memory_space<vmem>>
      %dma_wait3A_164 = tpu.memref_slice %arg10[%mul3A_139] : memref<10240xi32, #tpu.memory_space<vmem>> -> memref<80xi32, #tpu.memory_space<vmem>>
      %dma_wait3A_165 = arith.constant 0 : i32
      %dma_wait3A_166 = arith.constant 0 : i32
      %dma_wait3A_167 = tpu.memref_slice %arg2[%dma_wait3A_165, %dma_wait3A_166] : memref<5000x128xf32, #tpu.memory_space<hbm>> -> memref<5000x128xf32, #tpu.memory_space<hbm>>
      tpu.wait_indirect_dma semaphore(%arg21 : memref<!tpu.dma_semaphore, #tpu.memory_space<semaphore_mem>>) src(%dma_wait3A_167 : memref<5000x128xf32, #tpu.memory_space<hbm>>) dst(%dma_wait3A_163 : memref<80x128xf32, #tpu.memory_space<vmem>>)
      %dma_wait3A_168 = arith.constant 80 : i32
      %dma_wait3A_169 = tpu.memref_slice %arg14[%dma_wait3A_168] : memref<160xf32, #tpu.memory_space<vmem>> -> memref<80xf32, #tpu.memory_space<vmem>>
      %dma_wait3A_170 = tpu.memref_slice %arg11[%mul3A_147] : memref<10240xi32, #tpu.memory_space<vmem>> -> memref<80xi32, #tpu.memory_space<vmem>>
      %dma_wait3A_171 = arith.constant 0 : i32
      %dma_wait3A_172 = tpu.memref_slice %arg3[%dma_wait3A_171] : memref<24995840xf32, #tpu.memory_space<hbm>> -> memref<24995840xf32, #tpu.memory_space<hbm>>
      tpu.wait_indirect_dma semaphore(%arg21 : memref<!tpu.dma_semaphore, #tpu.memory_space<semaphore_mem>>) src(%dma_wait3A_172 : memref<24995840xf32, #tpu.memory_space<hbm>>) dst(%dma_wait3A_169 : memref<80xf32, #tpu.memory_space<vmem>>)
      %dma_wait3A_173 = tpu.memref_slice %arg9[%mul3A_149] : memref<1024xi32, #tpu.memory_space<vmem>> -> memref<32xi32, #tpu.memory_space<vmem>>
      %dma_wait3A_174 = arith.constant 0 : i32
      %dma_wait3A_175 = arith.constant 0 : i32
      %dma_wait3A_176 = tpu.memref_slice %arg2[%dma_wait3A_174, %dma_wait3A_175] : memref<5000x128xf32, #tpu.memory_space<hbm>> -> memref<5000x128xf32, #tpu.memory_space<hbm>>
      tpu.wait_indirect_dma semaphore(%arg23 : memref<!tpu.dma_semaphore, #tpu.memory_space<semaphore_mem>>) src(%dma_wait3A_176 : memref<5000x128xf32, #tpu.memory_space<hbm>>) dst(%arg16 : memref<32x128xf32, #tpu.memory_space<vmem>>)
      %dma_wait3A_177 = tpu.memref_slice %arg9[%mul3A_149] : memref<1024xi32, #tpu.memory_space<vmem>> -> memref<32xi32, #tpu.memory_space<vmem>>
      %dma_wait3A_178 = arith.constant 0 : i32
      %dma_wait3A_179 = tpu.memref_slice %arg4[%dma_wait3A_178] : memref<5000xf32, #tpu.memory_space<hbm>> -> memref<5000xf32, #tpu.memory_space<hbm>>
      tpu.wait_indirect_dma semaphore(%arg23 : memref<!tpu.dma_semaphore, #tpu.memory_space<semaphore_mem>>) src(%dma_wait3A_179 : memref<5000xf32, #tpu.memory_space<hbm>>) dst(%arg18 : memref<32xf32, #tpu.memory_space<vmem>>)
      %broadcast_in_dim3A_180 = arith.constant 0.000000e+00 : f32
      %broadcast_in_dim3A_181 = vector.broadcast %broadcast_in_dim3A_180 : f32 to vector<16xf32>
      %swap3A = arith.index_cast %add3A_59 : i32 to index
      %swap3A_182 = arith.constant 0 : index
      %swap3A_183 = tpu.vector_load %arg20[%swap3A, %swap3A_182] {strides = array<i32>} : memref<32x128xf32, #tpu.memory_space<vmem>>, vector<16xf32>,
      tpu.vector_store %arg20[%swap3A, %swap3A_182], %broadcast_in_dim3A_181 {strides = array<i32>} : memref<32x128xf32, #tpu.memory_space<vmem>>, vector<16xf32>,
      %broadcast_in_dim3A_184 = arith.constant 0.000000e+00 : f32
      %broadcast_in_dim3A_185 = vector.broadcast %broadcast_in_dim3A_184 : f32 to vector<16xf32>
      %swap3A_186 = arith.index_cast %add3A_59 : i32 to index
      %swap3A_187 = arith.constant 16 : index
      %swap3A_188 = tpu.vector_load %arg20[%swap3A_186, %swap3A_187] {strides = array<i32>} : memref<32x128xf32, #tpu.memory_space<vmem>>, vector<16xf32>,
      tpu.vector_store %arg20[%swap3A_186, %swap3A_187], %broadcast_in_dim3A_185 {strides = array<i32>} : memref<32x128xf32, #tpu.memory_space<vmem>>, vector<16xf32>,
      %broadcast_in_dim3A_189 = arith.constant 0.000000e+00 : f32
      %broadcast_in_dim3A_190 = vector.broadcast %broadcast_in_dim3A_189 : f32 to vector<16xf32>
      %swap3A_191 = arith.index_cast %add3A_59 : i32 to index
      %swap3A_192 = arith.constant 32 : index
      %swap3A_193 = tpu.vector_load %arg20[%swap3A_191, %swap3A_192] {strides = array<i32>} : memref<32x128xf32, #tpu.memory_space<vmem>>, vector<16xf32>,
      tpu.vector_store %arg20[%swap3A_191, %swap3A_192], %broadcast_in_dim3A_190 {strides = array<i32>} : memref<32x128xf32, #tpu.memory_space<vmem>>, vector<16xf32>,
      %broadcast_in_dim3A_194 = arith.constant 0.000000e+00 : f32
      %broadcast_in_dim3A_195 = vector.broadcast %broadcast_in_dim3A_194 : f32 to vector<16xf32>
      %swap3A_196 = arith.index_cast %add3A_59 : i32 to index
      %swap3A_197 = arith.constant 48 : index
      %swap3A_198 = tpu.vector_load %arg20[%swap3A_196, %swap3A_197] {strides = array<i32>} : memref<32x128xf32, #tpu.memory_space<vmem>>, vector<16xf32>,
      tpu.vector_store %arg20[%swap3A_196, %swap3A_197], %broadcast_in_dim3A_195 {strides = array<i32>} : memref<32x128xf32, #tpu.memory_space<vmem>>, vector<16xf32>,
      %broadcast_in_dim3A_199 = arith.constant 0.000000e+00 : f32
      %broadcast_in_dim3A_200 = vector.broadcast %broadcast_in_dim3A_199 : f32 to vector<16xf32>
      %swap3A_201 = arith.index_cast %add3A_59 : i32 to index
      %swap3A_202 = arith.constant 64 : index
      %swap3A_203 = tpu.vector_load %arg20[%swap3A_201, %swap3A_202] {strides = array<i32>} : memref<32x128xf32, #tpu.memory_space<vmem>>, vector<16xf32>,
      tpu.vector_store %arg20[%swap3A_201, %swap3A_202], %broadcast_in_dim3A_200 {strides = array<i32>} : memref<32x128xf32, #tpu.memory_space<vmem>>, vector<16xf32>,
      %broadcast_in_dim3A_204 = arith.constant 0.000000e+00 : f32
      %broadcast_in_dim3A_205 = vector.broadcast %broadcast_in_dim3A_204 : f32 to vector<16xf32>
      %swap3A_206 = arith.index_cast %add3A_59 : i32 to index
      %swap3A_207 = arith.constant 80 : index
      %swap3A_208 = tpu.vector_load %arg20[%swap3A_206, %swap3A_207] {strides = array<i32>} : memref<32x128xf32, #tpu.memory_space<vmem>>, vector<16xf32>,
      tpu.vector_store %arg20[%swap3A_206, %swap3A_207], %broadcast_in_dim3A_205 {strides = array<i32>} : memref<32x128xf32, #tpu.memory_space<vmem>>, vector<16xf32>,
      %broadcast_in_dim3A_209 = arith.constant 0.000000e+00 : f32
      %broadcast_in_dim3A_210 = vector.broadcast %broadcast_in_dim3A_209 : f32 to vector<16xf32>
      %swap3A_211 = arith.index_cast %add3A_59 : i32 to index
      %swap3A_212 = arith.constant 96 : index
      %swap3A_213 = tpu.vector_load %arg20[%swap3A_211, %swap3A_212] {strides = array<i32>} : memref<32x128xf32, #tpu.memory_space<vmem>>, vector<16xf32>,
      tpu.vector_store %arg20[%swap3A_211, %swap3A_212], %broadcast_in_dim3A_210 {strides = array<i32>} : memref<32x128xf32, #tpu.memory_space<vmem>>, vector<16xf32>,
      %broadcast_in_dim3A_214 = arith.constant 0.000000e+00 : f32
      %broadcast_in_dim3A_215 = vector.broadcast %broadcast_in_dim3A_214 : f32 to vector<16xf32>
      %swap3A_216 = arith.index_cast %add3A_59 : i32 to index
      %swap3A_217 = arith.constant 112 : index
      %swap3A_218 = tpu.vector_load %arg20[%swap3A_216, %swap3A_217] {strides = array<i32>} : memref<32x128xf32, #tpu.memory_space<vmem>>, vector<16xf32>,
      tpu.vector_store %arg20[%swap3A_216, %swap3A_217], %broadcast_in_dim3A_215 {strides = array<i32>} : memref<32x128xf32, #tpu.memory_space<vmem>>, vector<16xf32>,
      %scan3A_219 = arith.constant 0 : i32
      %scan3A_220 = arith.constant 0 : i32
      %scan3A_221 = arith.constant 10 : i32
      %scan3A_222 = arith.addi %scan3A_220, %scan3A_221 : i32
      %scan3A_223 = arith.constant 1 : i32
      scf.for %scan3A_531 = %scan3A_220 to %scan3A_222 step %scan3A_223  : i32 {
        %add3A_532 = arith.constant 0 : i32
        %add3A_533 = arith.addi %add3A_532, %scan3A_531 : i32
        %mul3A_534 = arith.constant 16 : i32
        %mul3A_535 = arith.muli %scan3A_531, %mul3A_534 : i32
        %add3A_536 = arith.constant 0 : i32
        %add3A_537 = arith.addi %mul3A_535, %add3A_536 : i32
        %broadcast_in_dim3A_538 = vector.broadcast %add3A_537 : i32 to vector<16xi32>
        %gather3A = tpu.vector_load_idx %arg14[%broadcast_in_dim3A_538] : memref<160xf32, #tpu.memory_space<vmem>>[vector<16xi32>], vector<16xf32>,
        %add3A_539 = arith.constant 1 : i32
        %add3A_540 = arith.addi %mul3A_535, %add3A_539 : i32
        %broadcast_in_dim3A_541 = vector.broadcast %add3A_540 : i32 to vector<16xi32>
        %gather3A_542 = tpu.vector_load_idx %arg14[%broadcast_in_dim3A_541] : memref<160xf32, #tpu.memory_space<vmem>>[vector<16xi32>], vector<16xf32>,
        %add3A_543 = arith.constant 2 : i32
        %add3A_544 = arith.addi %mul3A_535, %add3A_543 : i32
        %broadcast_in_dim3A_545 = vector.broadcast %add3A_544 : i32 to vector<16xi32>
        %gather3A_546 = tpu.vector_load_idx %arg14[%broadcast_in_dim3A_545] : memref<160xf32, #tpu.memory_space<vmem>>[vector<16xi32>], vector<16xf32>,
        %add3A_547 = arith.constant 3 : i32
        %add3A_548 = arith.addi %mul3A_535, %add3A_547 : i32
        %broadcast_in_dim3A_549 = vector.broadcast %add3A_548 : i32 to vector<16xi32>
        %gather3A_550 = tpu.vector_load_idx %arg14[%broadcast_in_dim3A_549] : memref<160xf32, #tpu.memory_space<vmem>>[vector<16xi32>], vector<16xf32>,
        %add3A_551 = arith.constant 4 : i32
        %add3A_552 = arith.addi %mul3A_535, %add3A_551 : i32
        %broadcast_in_dim3A_553 = vector.broadcast %add3A_552 : i32 to vector<16xi32>
        %gather3A_554 = tpu.vector_load_idx %arg14[%broadcast_in_dim3A_553] : memref<160xf32, #tpu.memory_space<vmem>>[vector<16xi32>], vector<16xf32>,
        %add3A_555 = arith.constant 5 : i32
        %add3A_556 = arith.addi %mul3A_535, %add3A_555 : i32
        %broadcast_in_dim3A_557 = vector.broadcast %add3A_556 : i32 to vector<16xi32>
        %gather3A_558 = tpu.vector_load_idx %arg14[%broadcast_in_dim3A_557] : memref<160xf32, #tpu.memory_space<vmem>>[vector<16xi32>], vector<16xf32>,
        %add3A_559 = arith.constant 6 : i32
        %add3A_560 = arith.addi %mul3A_535, %add3A_559 : i32
        %broadcast_in_dim3A_561 = vector.broadcast %add3A_560 : i32 to vector<16xi32>
        %gather3A_562 = tpu.vector_load_idx %arg14[%broadcast_in_dim3A_561] : memref<160xf32, #tpu.memory_space<vmem>>[vector<16xi32>], vector<16xf32>,
        %add3A_563 = arith.constant 7 : i32
        %add3A_564 = arith.addi %mul3A_535, %add3A_563 : i32
        %broadcast_in_dim3A_565 = vector.broadcast %add3A_564 : i32 to vector<16xi32>
        %gather3A_566 = tpu.vector_load_idx %arg14[%broadcast_in_dim3A_565] : memref<160xf32, #tpu.memory_space<vmem>>[vector<16xi32>], vector<16xf32>,
        %add3A_567 = arith.constant 8 : i32
        %add3A_568 = arith.addi %mul3A_535, %add3A_567 : i32
        %broadcast_in_dim3A_569 = vector.broadcast %add3A_568 : i32 to vector<16xi32>
        %gather3A_570 = tpu.vector_load_idx %arg14[%broadcast_in_dim3A_569] : memref<160xf32, #tpu.memory_space<vmem>>[vector<16xi32>], vector<16xf32>,
        %add3A_571 = arith.constant 9 : i32
        %add3A_572 = arith.addi %mul3A_535, %add3A_571 : i32
        %broadcast_in_dim3A_573 = vector.broadcast %add3A_572 : i32 to vector<16xi32>
        %gather3A_574 = tpu.vector_load_idx %arg14[%broadcast_in_dim3A_573] : memref<160xf32, #tpu.memory_space<vmem>>[vector<16xi32>], vector<16xf32>,
        %add3A_575 = arith.constant 10 : i32
        %add3A_576 = arith.addi %mul3A_535, %add3A_575 : i32
        %broadcast_in_dim3A_577 = vector.broadcast %add3A_576 : i32 to vector<16xi32>
        %gather3A_578 = tpu.vector_load_idx %arg14[%broadcast_in_dim3A_577] : memref<160xf32, #tpu.memory_space<vmem>>[vector<16xi32>], vector<16xf32>,
        %add3A_579 = arith.constant 11 : i32
        %add3A_580 = arith.addi %mul3A_535, %add3A_579 : i32
        %broadcast_in_dim3A_581 = vector.broadcast %add3A_580 : i32 to vector<16xi32>
        %gather3A_582 = tpu.vector_load_idx %arg14[%broadcast_in_dim3A_581] : memref<160xf32, #tpu.memory_space<vmem>>[vector<16xi32>], vector<16xf32>,
        %add3A_583 = arith.constant 12 : i32
        %add3A_584 = arith.addi %mul3A_535, %add3A_583 : i32
        %broadcast_in_dim3A_585 = vector.broadcast %add3A_584 : i32 to vector<16xi32>
        %gather3A_586 = tpu.vector_load_idx %arg14[%broadcast_in_dim3A_585] : memref<160xf32, #tpu.memory_space<vmem>>[vector<16xi32>], vector<16xf32>,
        %add3A_587 = arith.constant 13 : i32
        %add3A_588 = arith.addi %mul3A_535, %add3A_587 : i32
        %broadcast_in_dim3A_589 = vector.broadcast %add3A_588 : i32 to vector<16xi32>
        %gather3A_590 = tpu.vector_load_idx %arg14[%broadcast_in_dim3A_589] : memref<160xf32, #tpu.memory_space<vmem>>[vector<16xi32>], vector<16xf32>,
        %add3A_591 = arith.constant 14 : i32
        %add3A_592 = arith.addi %mul3A_535, %add3A_591 : i32
        %broadcast_in_dim3A_593 = vector.broadcast %add3A_592 : i32 to vector<16xi32>
        %gather3A_594 = tpu.vector_load_idx %arg14[%broadcast_in_dim3A_593] : memref<160xf32, #tpu.memory_space<vmem>>[vector<16xi32>], vector<16xf32>,
        %add3A_595 = arith.constant 15 : i32
        %add3A_596 = arith.addi %mul3A_535, %add3A_595 : i32
        %broadcast_in_dim3A_597 = vector.broadcast %add3A_596 : i32 to vector<16xi32>
        %gather3A_598 = tpu.vector_load_idx %arg14[%broadcast_in_dim3A_597] : memref<160xf32, #tpu.memory_space<vmem>>[vector<16xi32>], vector<16xf32>,
        %broadcast_in_dim3A_599 = vector.broadcast %add3A_533 : i32 to vector<16xi32>
        %gather3A_600 = tpu.vector_load_idx %arg18[%broadcast_in_dim3A_599] : memref<32xf32, #tpu.memory_space<vmem>>[vector<16xi32>], vector<16xf32>,
        %sub3A = arith.constant 1.000000e+00 : f32
        %sub3A_601 = vector.broadcast %sub3A : f32 to vector<16xf32>
        %sub3A_602 = arith.subf %sub3A_601, %gather3A_600 : vector<16xf32>
        %get3A = arith.index_cast %mul3A_535 : i32 to index
        %get3A_603 = arith.constant 0 : index
        %get3A_604 = tpu.vector_load %arg12[%get3A, %get3A_603] {strides = array<i32>} : memref<160x128xf32, #tpu.memory_space<vmem>>, vector<16xf32>,
        %mul3A_605 = arith.mulf %gather3A, %get3A_604 : vector<16xf32>
        %add3A_606 = arith.constant 1 : i32
        %add3A_607 = arith.addi %mul3A_535, %add3A_606 : i32
        %get3A_608 = arith.index_cast %add3A_607 : i32 to index
        %get3A_609 = arith.constant 0 : index
        %get3A_610 = tpu.vector_load %arg12[%get3A_608, %get3A_609] {strides = array<i32>} : memref<160x128xf32, #tpu.memory_space<vmem>>, vector<16xf32>,
        %mul3A_611 = arith.mulf %gather3A_542, %get3A_610 : vector<16xf32>
        %max3A = arith.maximumf %mul3A_605, %mul3A_611 : vector<16xf32>
        %add3A_612 = arith.constant 2 : i32
        %add3A_613 = arith.addi %mul3A_535, %add3A_612 : i32
        %get3A_614 = arith.index_cast %add3A_613 : i32 to index
        %get3A_615 = arith.constant 0 : index
        %get3A_616 = tpu.vector_load %arg12[%get3A_614, %get3A_615] {strides = array<i32>} : memref<160x128xf32, #tpu.memory_space<vmem>>, vector<16xf32>,
        %mul3A_617 = arith.mulf %gather3A_546, %get3A_616 : vector<16xf32>
        %max3A_618 = arith.maximumf %max3A, %mul3A_617 : vector<16xf32>
        %add3A_619 = arith.constant 3 : i32
        %add3A_620 = arith.addi %mul3A_535, %add3A_619 : i32
        %get3A_621 = arith.index_cast %add3A_620 : i32 to index
        %get3A_622 = arith.constant 0 : index
        %get3A_623 = tpu.vector_load %arg12[%get3A_621, %get3A_622] {strides = array<i32>} : memref<160x128xf32, #tpu.memory_space<vmem>>, vector<16xf32>,
        %mul3A_624 = arith.mulf %gather3A_550, %get3A_623 : vector<16xf32>
        %max3A_625 = arith.maximumf %max3A_618, %mul3A_624 : vector<16xf32>
        %add3A_626 = arith.constant 4 : i32
        %add3A_627 = arith.addi %mul3A_535, %add3A_626 : i32
        %get3A_628 = arith.index_cast %add3A_627 : i32 to index
        %get3A_629 = arith.constant 0 : index
        %get3A_630 = tpu.vector_load %arg12[%get3A_628, %get3A_629] {strides = array<i32>} : memref<160x128xf32, #tpu.memory_space<vmem>>, vector<16xf32>,
        %mul3A_631 = arith.mulf %gather3A_554, %get3A_630 : vector<16xf32>
        %max3A_632 = arith.maximumf %max3A_625, %mul3A_631 : vector<16xf32>
        %add3A_633 = arith.constant 5 : i32
        %add3A_634 = arith.addi %mul3A_535, %add3A_633 : i32
        %get3A_635 = arith.index_cast %add3A_634 : i32 to index
        %get3A_636 = arith.constant 0 : index
        %get3A_637 = tpu.vector_load %arg12[%get3A_635, %get3A_636] {strides = array<i32>} : memref<160x128xf32, #tpu.memory_space<vmem>>, vector<16xf32>,
        %mul3A_638 = arith.mulf %gather3A_558, %get3A_637 : vector<16xf32>
        %max3A_639 = arith.maximumf %max3A_632, %mul3A_638 : vector<16xf32>
        %add3A_640 = arith.constant 6 : i32
        %add3A_641 = arith.addi %mul3A_535, %add3A_640 : i32
        %get3A_642 = arith.index_cast %add3A_641 : i32 to index
        %get3A_643 = arith.constant 0 : index
        %get3A_644 = tpu.vector_load %arg12[%get3A_642, %get3A_643] {strides = array<i32>} : memref<160x128xf32, #tpu.memory_space<vmem>>, vector<16xf32>,
        %mul3A_645 = arith.mulf %gather3A_562, %get3A_644 : vector<16xf32>
        %max3A_646 = arith.maximumf %max3A_639, %mul3A_645 : vector<16xf32>
        %add3A_647 = arith.constant 7 : i32
        %add3A_648 = arith.addi %mul3A_535, %add3A_647 : i32
        %get3A_649 = arith.index_cast %add3A_648 : i32 to index
        %get3A_650 = arith.constant 0 : index
        %get3A_651 = tpu.vector_load %arg12[%get3A_649, %get3A_650] {strides = array<i32>} : memref<160x128xf32, #tpu.memory_space<vmem>>, vector<16xf32>,
        %mul3A_652 = arith.mulf %gather3A_566, %get3A_651 : vector<16xf32>
        %max3A_653 = arith.maximumf %max3A_646, %mul3A_652 : vector<16xf32>
        %add3A_654 = arith.constant 8 : i32
        %add3A_655 = arith.addi %mul3A_535, %add3A_654 : i32
        %get3A_656 = arith.index_cast %add3A_655 : i32 to index
        %get3A_657 = arith.constant 0 : index
        %get3A_658 = tpu.vector_load %arg12[%get3A_656, %get3A_657] {strides = array<i32>} : memref<160x128xf32, #tpu.memory_space<vmem>>, vector<16xf32>,
        %mul3A_659 = arith.mulf %gather3A_570, %get3A_658 : vector<16xf32>
        %max3A_660 = arith.maximumf %max3A_653, %mul3A_659 : vector<16xf32>
        %add3A_661 = arith.constant 9 : i32
        %add3A_662 = arith.addi %mul3A_535, %add3A_661 : i32
        %get3A_663 = arith.index_cast %add3A_662 : i32 to index
        %get3A_664 = arith.constant 0 : index
        %get3A_665 = tpu.vector_load %arg12[%get3A_663, %get3A_664] {strides = array<i32>} : memref<160x128xf32, #tpu.memory_space<vmem>>, vector<16xf32>,
        %mul3A_666 = arith.mulf %gather3A_574, %get3A_665 : vector<16xf32>
        %max3A_667 = arith.maximumf %max3A_660, %mul3A_666 : vector<16xf32>
        %add3A_668 = arith.constant 10 : i32
        %add3A_669 = arith.addi %mul3A_535, %add3A_668 : i32
        %get3A_670 = arith.index_cast %add3A_669 : i32 to index
        %get3A_671 = arith.constant 0 : index
        %get3A_672 = tpu.vector_load %arg12[%get3A_670, %get3A_671] {strides = array<i32>} : memref<160x128xf32, #tpu.memory_space<vmem>>, vector<16xf32>,
        %mul3A_673 = arith.mulf %gather3A_578, %get3A_672 : vector<16xf32>
        %max3A_674 = arith.maximumf %max3A_667, %mul3A_673 : vector<16xf32>
        %add3A_675 = arith.constant 11 : i32
        %add3A_676 = arith.addi %mul3A_535, %add3A_675 : i32
        %get3A_677 = arith.index_cast %add3A_676 : i32 to index
        %get3A_678 = arith.constant 0 : index
        %get3A_679 = tpu.vector_load %arg12[%get3A_677, %get3A_678] {strides = array<i32>} : memref<160x128xf32, #tpu.memory_space<vmem>>, vector<16xf32>,
        %mul3A_680 = arith.mulf %gather3A_582, %get3A_679 : vector<16xf32>
        %max3A_681 = arith.maximumf %max3A_674, %mul3A_680 : vector<16xf32>
        %add3A_682 = arith.constant 12 : i32
        %add3A_683 = arith.addi %mul3A_535, %add3A_682 : i32
        %get3A_684 = arith.index_cast %add3A_683 : i32 to index
        %get3A_685 = arith.constant 0 : index
        %get3A_686 = tpu.vector_load %arg12[%get3A_684, %get3A_685] {strides = array<i32>} : memref<160x128xf32, #tpu.memory_space<vmem>>, vector<16xf32>,
        %mul3A_687 = arith.mulf %gather3A_586, %get3A_686 : vector<16xf32>
        %max3A_688 = arith.maximumf %max3A_681, %mul3A_687 : vector<16xf32>
        %add3A_689 = arith.constant 13 : i32
        %add3A_690 = arith.addi %mul3A_535, %add3A_689 : i32
        %get3A_691 = arith.index_cast %add3A_690 : i32 to index
        %get3A_692 = arith.constant 0 : index
        %get3A_693 = tpu.vector_load %arg12[%get3A_691, %get3A_692] {strides = array<i32>} : memref<160x128xf32, #tpu.memory_space<vmem>>, vector<16xf32>,
        %mul3A_694 = arith.mulf %gather3A_590, %get3A_693 : vector<16xf32>
        %max3A_695 = arith.maximumf %max3A_688, %mul3A_694 : vector<16xf32>
        %add3A_696 = arith.constant 14 : i32
        %add3A_697 = arith.addi %mul3A_535, %add3A_696 : i32
        %get3A_698 = arith.index_cast %add3A_697 : i32 to index
        %get3A_699 = arith.constant 0 : index
        %get3A_700 = tpu.vector_load %arg12[%get3A_698, %get3A_699] {strides = array<i32>} : memref<160x128xf32, #tpu.memory_space<vmem>>, vector<16xf32>,
        %mul3A_701 = arith.mulf %gather3A_594, %get3A_700 : vector<16xf32>
        %max3A_702 = arith.maximumf %max3A_695, %mul3A_701 : vector<16xf32>
        %add3A_703 = arith.constant 15 : i32
        %add3A_704 = arith.addi %mul3A_535, %add3A_703 : i32
        %get3A_705 = arith.index_cast %add3A_704 : i32 to index
        %get3A_706 = arith.constant 0 : index
        %get3A_707 = tpu.vector_load %arg12[%get3A_705, %get3A_706] {strides = array<i32>} : memref<160x128xf32, #tpu.memory_space<vmem>>, vector<16xf32>,
        %mul3A_708 = arith.mulf %gather3A_598, %get3A_707 : vector<16xf32>
        %max3A_709 = arith.maximumf %max3A_702, %mul3A_708 : vector<16xf32>
        %get3A_710 = arith.index_cast %add3A_59 : i32 to index
        %get3A_711 = arith.constant 0 : index
        %get3A_712 = tpu.vector_load %arg20[%get3A_710, %get3A_711] {strides = array<i32>} : memref<32x128xf32, #tpu.memory_space<vmem>>, vector<16xf32>,
        %mul3A_713 = arith.mulf %sub3A_602, %max3A_709 : vector<16xf32>
        %add3A_714 = arith.addf %get3A_712, %mul3A_713 : vector<16xf32>
        %get3A_715 = arith.index_cast %add3A_533 : i32 to index
        %get3A_716 = arith.constant 0 : index
        %get3A_717 = tpu.vector_load %arg16[%get3A_715, %get3A_716] {strides = array<i32>} : memref<32x128xf32, #tpu.memory_space<vmem>>, vector<16xf32>,
        %mul3A_718 = arith.mulf %gather3A_600, %get3A_717 : vector<16xf32>
        %add3A_719 = arith.addf %add3A_714, %mul3A_718 : vector<16xf32>
        %swap3A_720 = arith.index_cast %add3A_59 : i32 to index
        %swap3A_721 = arith.constant 0 : index
        %swap3A_722 = tpu.vector_load %arg20[%swap3A_720, %swap3A_721] {strides = array<i32>} : memref<32x128xf32, #tpu.memory_space<vmem>>, vector<16xf32>,
        tpu.vector_store %arg20[%swap3A_720, %swap3A_721], %add3A_719 {strides = array<i32>} : memref<32x128xf32, #tpu.memory_space<vmem>>, vector<16xf32>,
        %get3A_723 = arith.index_cast %mul3A_535 : i32 to index
        %get3A_724 = arith.constant 16 : index
        %get3A_725 = tpu.vector_load %arg12[%get3A_723, %get3A_724] {strides = array<i32>} : memref<160x128xf32, #tpu.memory_space<vmem>>, vector<16xf32>,
        %mul3A_726 = arith.mulf %gather3A, %get3A_725 : vector<16xf32>
        %add3A_727 = arith.constant 1 : i32
        %add3A_728 = arith.addi %mul3A_535, %add3A_727 : i32
        %get3A_729 = arith.index_cast %add3A_728 : i32 to index
        %get3A_730 = arith.constant 16 : index
        %get3A_731 = tpu.vector_load %arg12[%get3A_729, %get3A_730] {strides = array<i32>} : memref<160x128xf32, #tpu.memory_space<vmem>>, vector<16xf32>,
        %mul3A_732 = arith.mulf %gather3A_542, %get3A_731 : vector<16xf32>
        %max3A_733 = arith.maximumf %mul3A_726, %mul3A_732 : vector<16xf32>
        %add3A_734 = arith.constant 2 : i32
        %add3A_735 = arith.addi %mul3A_535, %add3A_734 : i32
        %get3A_736 = arith.index_cast %add3A_735 : i32 to index
        %get3A_737 = arith.constant 16 : index
        %get3A_738 = tpu.vector_load %arg12[%get3A_736, %get3A_737] {strides = array<i32>} : memref<160x128xf32, #tpu.memory_space<vmem>>, vector<16xf32>,
        %mul3A_739 = arith.mulf %gather3A_546, %get3A_738 : vector<16xf32>
        %max3A_740 = arith.maximumf %max3A_733, %mul3A_739 : vector<16xf32>
        %add3A_741 = arith.constant 3 : i32
        %add3A_742 = arith.addi %mul3A_535, %add3A_741 : i32
        %get3A_743 = arith.index_cast %add3A_742 : i32 to index
        %get3A_744 = arith.constant 16 : index
        %get3A_745 = tpu.vector_load %arg12[%get3A_743, %get3A_744] {strides = array<i32>} : memref<160x128xf32, #tpu.memory_space<vmem>>, vector<16xf32>,
        %mul3A_746 = arith.mulf %gather3A_550, %get3A_745 : vector<16xf32>
        %max3A_747 = arith.maximumf %max3A_740, %mul3A_746 : vector<16xf32>
        %add3A_748 = arith.constant 4 : i32
        %add3A_749 = arith.addi %mul3A_535, %add3A_748 : i32
        %get3A_750 = arith.index_cast %add3A_749 : i32 to index
        %get3A_751 = arith.constant 16 : index
        %get3A_752 = tpu.vector_load %arg12[%get3A_750, %get3A_751] {strides = array<i32>} : memref<160x128xf32, #tpu.memory_space<vmem>>, vector<16xf32>,
        %mul3A_753 = arith.mulf %gather3A_554, %get3A_752 : vector<16xf32>
        %max3A_754 = arith.maximumf %max3A_747, %mul3A_753 : vector<16xf32>
        %add3A_755 = arith.constant 5 : i32
        %add3A_756 = arith.addi %mul3A_535, %add3A_755 : i32
        %get3A_757 = arith.index_cast %add3A_756 : i32 to index
        %get3A_758 = arith.constant 16 : index
        %get3A_759 = tpu.vector_load %arg12[%get3A_757, %get3A_758] {strides = array<i32>} : memref<160x128xf32, #tpu.memory_space<vmem>>, vector<16xf32>,
        %mul3A_760 = arith.mulf %gather3A_558, %get3A_759 : vector<16xf32>
        %max3A_761 = arith.maximumf %max3A_754, %mul3A_760 : vector<16xf32>
        %add3A_762 = arith.constant 6 : i32
        %add3A_763 = arith.addi %mul3A_535, %add3A_762 : i32
        %get3A_764 = arith.index_cast %add3A_763 : i32 to index
        %get3A_765 = arith.constant 16 : index
        %get3A_766 = tpu.vector_load %arg12[%get3A_764, %get3A_765] {strides = array<i32>} : memref<160x128xf32, #tpu.memory_space<vmem>>, vector<16xf32>,
        %mul3A_767 = arith.mulf %gather3A_562, %get3A_766 : vector<16xf32>
        %max3A_768 = arith.maximumf %max3A_761, %mul3A_767 : vector<16xf32>
        %add3A_769 = arith.constant 7 : i32
        %add3A_770 = arith.addi %mul3A_535, %add3A_769 : i32
        %get3A_771 = arith.index_cast %add3A_770 : i32 to index
        %get3A_772 = arith.constant 16 : index
        %get3A_773 = tpu.vector_load %arg12[%get3A_771, %get3A_772] {strides = array<i32>} : memref<160x128xf32, #tpu.memory_space<vmem>>, vector<16xf32>,
        %mul3A_774 = arith.mulf %gather3A_566, %get3A_773 : vector<16xf32>
        %max3A_775 = arith.maximumf %max3A_768, %mul3A_774 : vector<16xf32>
        %add3A_776 = arith.constant 8 : i32
        %add3A_777 = arith.addi %mul3A_535, %add3A_776 : i32
        %get3A_778 = arith.index_cast %add3A_777 : i32 to index
        %get3A_779 = arith.constant 16 : index
        %get3A_780 = tpu.vector_load %arg12[%get3A_778, %get3A_779] {strides = array<i32>} : memref<160x128xf32, #tpu.memory_space<vmem>>, vector<16xf32>,
        %mul3A_781 = arith.mulf %gather3A_570, %get3A_780 : vector<16xf32>
        %max3A_782 = arith.maximumf %max3A_775, %mul3A_781 : vector<16xf32>
        %add3A_783 = arith.constant 9 : i32
        %add3A_784 = arith.addi %mul3A_535, %add3A_783 : i32
        %get3A_785 = arith.index_cast %add3A_784 : i32 to index
        %get3A_786 = arith.constant 16 : index
        %get3A_787 = tpu.vector_load %arg12[%get3A_785, %get3A_786] {strides = array<i32>} : memref<160x128xf32, #tpu.memory_space<vmem>>, vector<16xf32>,
        %mul3A_788 = arith.mulf %gather3A_574, %get3A_787 : vector<16xf32>
        %max3A_789 = arith.maximumf %max3A_782, %mul3A_788 : vector<16xf32>
        %add3A_790 = arith.constant 10 : i32
        %add3A_791 = arith.addi %mul3A_535, %add3A_790 : i32
        %get3A_792 = arith.index_cast %add3A_791 : i32 to index
        %get3A_793 = arith.constant 16 : index
        %get3A_794 = tpu.vector_load %arg12[%get3A_792, %get3A_793] {strides = array<i32>} : memref<160x128xf32, #tpu.memory_space<vmem>>, vector<16xf32>,
        %mul3A_795 = arith.mulf %gather3A_578, %get3A_794 : vector<16xf32>
        %max3A_796 = arith.maximumf %max3A_789, %mul3A_795 : vector<16xf32>
        %add3A_797 = arith.constant 11 : i32
        %add3A_798 = arith.addi %mul3A_535, %add3A_797 : i32
        %get3A_799 = arith.index_cast %add3A_798 : i32 to index
        %get3A_800 = arith.constant 16 : index
        %get3A_801 = tpu.vector_load %arg12[%get3A_799, %get3A_800] {strides = array<i32>} : memref<160x128xf32, #tpu.memory_space<vmem>>, vector<16xf32>,
        %mul3A_802 = arith.mulf %gather3A_582, %get3A_801 : vector<16xf32>
        %max3A_803 = arith.maximumf %max3A_796, %mul3A_802 : vector<16xf32>
        %add3A_804 = arith.constant 12 : i32
        %add3A_805 = arith.addi %mul3A_535, %add3A_804 : i32
        %get3A_806 = arith.index_cast %add3A_805 : i32 to index
        %get3A_807 = arith.constant 16 : index
        %get3A_808 = tpu.vector_load %arg12[%get3A_806, %get3A_807] {strides = array<i32>} : memref<160x128xf32, #tpu.memory_space<vmem>>, vector<16xf32>,
        %mul3A_809 = arith.mulf %gather3A_586, %get3A_808 : vector<16xf32>
        %max3A_810 = arith.maximumf %max3A_803, %mul3A_809 : vector<16xf32>
        %add3A_811 = arith.constant 13 : i32
        %add3A_812 = arith.addi %mul3A_535, %add3A_811 : i32
        %get3A_813 = arith.index_cast %add3A_812 : i32 to index
        %get3A_814 = arith.constant 16 : index
        %get3A_815 = tpu.vector_load %arg12[%get3A_813, %get3A_814] {strides = array<i32>} : memref<160x128xf32, #tpu.memory_space<vmem>>, vector<16xf32>,
        %mul3A_816 = arith.mulf %gather3A_590, %get3A_815 : vector<16xf32>
        %max3A_817 = arith.maximumf %max3A_810, %mul3A_816 : vector<16xf32>
        %add3A_818 = arith.constant 14 : i32
        %add3A_819 = arith.addi %mul3A_535, %add3A_818 : i32
        %get3A_820 = arith.index_cast %add3A_819 : i32 to index
        %get3A_821 = arith.constant 16 : index
        %get3A_822 = tpu.vector_load %arg12[%get3A_820, %get3A_821] {strides = array<i32>} : memref<160x128xf32, #tpu.memory_space<vmem>>, vector<16xf32>,
        %mul3A_823 = arith.mulf %gather3A_594, %get3A_822 : vector<16xf32>
        %max3A_824 = arith.maximumf %max3A_817, %mul3A_823 : vector<16xf32>
        %add3A_825 = arith.constant 15 : i32
        %add3A_826 = arith.addi %mul3A_535, %add3A_825 : i32
        %get3A_827 = arith.index_cast %add3A_826 : i32 to index
        %get3A_828 = arith.constant 16 : index
        %get3A_829 = tpu.vector_load %arg12[%get3A_827, %get3A_828] {strides = array<i32>} : memref<160x128xf32, #tpu.memory_space<vmem>>, vector<16xf32>,
        %mul3A_830 = arith.mulf %gather3A_598, %get3A_829 : vector<16xf32>
        %max3A_831 = arith.maximumf %max3A_824, %mul3A_830 : vector<16xf32>
        %get3A_832 = arith.index_cast %add3A_59 : i32 to index
        %get3A_833 = arith.constant 16 : index
        %get3A_834 = tpu.vector_load %arg20[%get3A_832, %get3A_833] {strides = array<i32>} : memref<32x128xf32, #tpu.memory_space<vmem>>, vector<16xf32>,
        %mul3A_835 = arith.mulf %sub3A_602, %max3A_831 : vector<16xf32>
        %add3A_836 = arith.addf %get3A_834, %mul3A_835 : vector<16xf32>
        %get3A_837 = arith.index_cast %add3A_533 : i32 to index
        %get3A_838 = arith.constant 16 : index
        %get3A_839 = tpu.vector_load %arg16[%get3A_837, %get3A_838] {strides = array<i32>} : memref<32x128xf32, #tpu.memory_space<vmem>>, vector<16xf32>,
        %mul3A_840 = arith.mulf %gather3A_600, %get3A_839 : vector<16xf32>
        %add3A_841 = arith.addf %add3A_836, %mul3A_840 : vector<16xf32>
        %swap3A_842 = arith.index_cast %add3A_59 : i32 to index
        %swap3A_843 = arith.constant 16 : index
        %swap3A_844 = tpu.vector_load %arg20[%swap3A_842, %swap3A_843] {strides = array<i32>} : memref<32x128xf32, #tpu.memory_space<vmem>>, vector<16xf32>,
        tpu.vector_store %arg20[%swap3A_842, %swap3A_843], %add3A_841 {strides = array<i32>} : memref<32x128xf32, #tpu.memory_space<vmem>>, vector<16xf32>,
        %get3A_845 = arith.index_cast %mul3A_535 : i32 to index
        %get3A_846 = arith.constant 32 : index
        %get3A_847 = tpu.vector_load %arg12[%get3A_845, %get3A_846] {strides = array<i32>} : memref<160x128xf32, #tpu.memory_space<vmem>>, vector<16xf32>,
        %mul3A_848 = arith.mulf %gather3A, %get3A_847 : vector<16xf32>
        %add3A_849 = arith.constant 1 : i32
        %add3A_850 = arith.addi %mul3A_535, %add3A_849 : i32
        %get3A_851 = arith.index_cast %add3A_850 : i32 to index
        %get3A_852 = arith.constant 32 : index
        %get3A_853 = tpu.vector_load %arg12[%get3A_851, %get3A_852] {strides = array<i32>} : memref<160x128xf32, #tpu.memory_space<vmem>>, vector<16xf32>,
        %mul3A_854 = arith.mulf %gather3A_542, %get3A_853 : vector<16xf32>
        %max3A_855 = arith.maximumf %mul3A_848, %mul3A_854 : vector<16xf32>
        %add3A_856 = arith.constant 2 : i32
        %add3A_857 = arith.addi %mul3A_535, %add3A_856 : i32
        %get3A_858 = arith.index_cast %add3A_857 : i32 to index
        %get3A_859 = arith.constant 32 : index
        %get3A_860 = tpu.vector_load %arg12[%get3A_858, %get3A_859] {strides = array<i32>} : memref<160x128xf32, #tpu.memory_space<vmem>>, vector<16xf32>,
        %mul3A_861 = arith.mulf %gather3A_546, %get3A_860 : vector<16xf32>
        %max3A_862 = arith.maximumf %max3A_855, %mul3A_861 : vector<16xf32>
        %add3A_863 = arith.constant 3 : i32
        %add3A_864 = arith.addi %mul3A_535, %add3A_863 : i32
        %get3A_865 = arith.index_cast %add3A_864 : i32 to index
        %get3A_866 = arith.constant 32 : index
        %get3A_867 = tpu.vector_load %arg12[%get3A_865, %get3A_866] {strides = array<i32>} : memref<160x128xf32, #tpu.memory_space<vmem>>, vector<16xf32>,
        %mul3A_868 = arith.mulf %gather3A_550, %get3A_867 : vector<16xf32>
        %max3A_869 = arith.maximumf %max3A_862, %mul3A_868 : vector<16xf32>
        %add3A_870 = arith.constant 4 : i32
        %add3A_871 = arith.addi %mul3A_535, %add3A_870 : i32
        %get3A_872 = arith.index_cast %add3A_871 : i32 to index
        %get3A_873 = arith.constant 32 : index
        %get3A_874 = tpu.vector_load %arg12[%get3A_872, %get3A_873] {strides = array<i32>} : memref<160x128xf32, #tpu.memory_space<vmem>>, vector<16xf32>,
        %mul3A_875 = arith.mulf %gather3A_554, %get3A_874 : vector<16xf32>
        %max3A_876 = arith.maximumf %max3A_869, %mul3A_875 : vector<16xf32>
        %add3A_877 = arith.constant 5 : i32
        %add3A_878 = arith.addi %mul3A_535, %add3A_877 : i32
        %get3A_879 = arith.index_cast %add3A_878 : i32 to index
        %get3A_880 = arith.constant 32 : index
        %get3A_881 = tpu.vector_load %arg12[%get3A_879, %get3A_880] {strides = array<i32>} : memref<160x128xf32, #tpu.memory_space<vmem>>, vector<16xf32>,
        %mul3A_882 = arith.mulf %gather3A_558, %get3A_881 : vector<16xf32>
        %max3A_883 = arith.maximumf %max3A_876, %mul3A_882 : vector<16xf32>
        %add3A_884 = arith.constant 6 : i32
        %add3A_885 = arith.addi %mul3A_535, %add3A_884 : i32
        %get3A_886 = arith.index_cast %add3A_885 : i32 to index
        %get3A_887 = arith.constant 32 : index
        %get3A_888 = tpu.vector_load %arg12[%get3A_886, %get3A_887] {strides = array<i32>} : memref<160x128xf32, #tpu.memory_space<vmem>>, vector<16xf32>,
        %mul3A_889 = arith.mulf %gather3A_562, %get3A_888 : vector<16xf32>
        %max3A_890 = arith.maximumf %max3A_883, %mul3A_889 : vector<16xf32>
        %add3A_891 = arith.constant 7 : i32
        %add3A_892 = arith.addi %mul3A_535, %add3A_891 : i32
        %get3A_893 = arith.index_cast %add3A_892 : i32 to index
        %get3A_894 = arith.constant 32 : index
        %get3A_895 = tpu.vector_load %arg12[%get3A_893, %get3A_894] {strides = array<i32>} : memref<160x128xf32, #tpu.memory_space<vmem>>, vector<16xf32>,
        %mul3A_896 = arith.mulf %gather3A_566, %get3A_895 : vector<16xf32>
        %max3A_897 = arith.maximumf %max3A_890, %mul3A_896 : vector<16xf32>
        %add3A_898 = arith.constant 8 : i32
        %add3A_899 = arith.addi %mul3A_535, %add3A_898 : i32
        %get3A_900 = arith.index_cast %add3A_899 : i32 to index
        %get3A_901 = arith.constant 32 : index
        %get3A_902 = tpu.vector_load %arg12[%get3A_900, %get3A_901] {strides = array<i32>} : memref<160x128xf32, #tpu.memory_space<vmem>>, vector<16xf32>,
        %mul3A_903 = arith.mulf %gather3A_570, %get3A_902 : vector<16xf32>
        %max3A_904 = arith.maximumf %max3A_897, %mul3A_903 : vector<16xf32>
        %add3A_905 = arith.constant 9 : i32
        %add3A_906 = arith.addi %mul3A_535, %add3A_905 : i32
        %get3A_907 = arith.index_cast %add3A_906 : i32 to index
        %get3A_908 = arith.constant 32 : index
        %get3A_909 = tpu.vector_load %arg12[%get3A_907, %get3A_908] {strides = array<i32>} : memref<160x128xf32, #tpu.memory_space<vmem>>, vector<16xf32>,
        %mul3A_910 = arith.mulf %gather3A_574, %get3A_909 : vector<16xf32>
        %max3A_911 = arith.maximumf %max3A_904, %mul3A_910 : vector<16xf32>
        %add3A_912 = arith.constant 10 : i32
        %add3A_913 = arith.addi %mul3A_535, %add3A_912 : i32
        %get3A_914 = arith.index_cast %add3A_913 : i32 to index
        %get3A_915 = arith.constant 32 : index
        %get3A_916 = tpu.vector_load %arg12[%get3A_914, %get3A_915] {strides = array<i32>} : memref<160x128xf32, #tpu.memory_space<vmem>>, vector<16xf32>,
        %mul3A_917 = arith.mulf %gather3A_578, %get3A_916 : vector<16xf32>
        %max3A_918 = arith.maximumf %max3A_911, %mul3A_917 : vector<16xf32>
        %add3A_919 = arith.constant 11 : i32
        %add3A_920 = arith.addi %mul3A_535, %add3A_919 : i32
        %get3A_921 = arith.index_cast %add3A_920 : i32 to index
        %get3A_922 = arith.constant 32 : index
        %get3A_923 = tpu.vector_load %arg12[%get3A_921, %get3A_922] {strides = array<i32>} : memref<160x128xf32, #tpu.memory_space<vmem>>, vector<16xf32>,
        %mul3A_924 = arith.mulf %gather3A_582, %get3A_923 : vector<16xf32>
        %max3A_925 = arith.maximumf %max3A_918, %mul3A_924 : vector<16xf32>
        %add3A_926 = arith.constant 12 : i32
        %add3A_927 = arith.addi %mul3A_535, %add3A_926 : i32
        %get3A_928 = arith.index_cast %add3A_927 : i32 to index
        %get3A_929 = arith.constant 32 : index
        %get3A_930 = tpu.vector_load %arg12[%get3A_928, %get3A_929] {strides = array<i32>} : memref<160x128xf32, #tpu.memory_space<vmem>>, vector<16xf32>,
        %mul3A_931 = arith.mulf %gather3A_586, %get3A_930 : vector<16xf32>
        %max3A_932 = arith.maximumf %max3A_925, %mul3A_931 : vector<16xf32>
        %add3A_933 = arith.constant 13 : i32
        %add3A_934 = arith.addi %mul3A_535, %add3A_933 : i32
        %get3A_935 = arith.index_cast %add3A_934 : i32 to index
        %get3A_936 = arith.constant 32 : index
        %get3A_937 = tpu.vector_load %arg12[%get3A_935, %get3A_936] {strides = array<i32>} : memref<160x128xf32, #tpu.memory_space<vmem>>, vector<16xf32>,
        %mul3A_938 = arith.mulf %gather3A_590, %get3A_937 : vector<16xf32>
        %max3A_939 = arith.maximumf %max3A_932, %mul3A_938 : vector<16xf32>
        %add3A_940 = arith.constant 14 : i32
        %add3A_941 = arith.addi %mul3A_535, %add3A_940 : i32
        %get3A_942 = arith.index_cast %add3A_941 : i32 to index
        %get3A_943 = arith.constant 32 : index
        %get3A_944 = tpu.vector_load %arg12[%get3A_942, %get3A_943] {strides = array<i32>} : memref<160x128xf32, #tpu.memory_space<vmem>>, vector<16xf32>,
        %mul3A_945 = arith.mulf %gather3A_594, %get3A_944 : vector<16xf32>
        %max3A_946 = arith.maximumf %max3A_939, %mul3A_945 : vector<16xf32>
        %add3A_947 = arith.constant 15 : i32
        %add3A_948 = arith.addi %mul3A_535, %add3A_947 : i32
        %get3A_949 = arith.index_cast %add3A_948 : i32 to index
        %get3A_950 = arith.constant 32 : index
        %get3A_951 = tpu.vector_load %arg12[%get3A_949, %get3A_950] {strides = array<i32>} : memref<160x128xf32, #tpu.memory_space<vmem>>, vector<16xf32>,
        %mul3A_952 = arith.mulf %gather3A_598, %get3A_951 : vector<16xf32>
        %max3A_953 = arith.maximumf %max3A_946, %mul3A_952 : vector<16xf32>
        %get3A_954 = arith.index_cast %add3A_59 : i32 to index
        %get3A_955 = arith.constant 32 : index
        %get3A_956 = tpu.vector_load %arg20[%get3A_954, %get3A_955] {strides = array<i32>} : memref<32x128xf32, #tpu.memory_space<vmem>>, vector<16xf32>,
        %mul3A_957 = arith.mulf %sub3A_602, %max3A_953 : vector<16xf32>
        %add3A_958 = arith.addf %get3A_956, %mul3A_957 : vector<16xf32>
        %get3A_959 = arith.index_cast %add3A_533 : i32 to index
        %get3A_960 = arith.constant 32 : index
        %get3A_961 = tpu.vector_load %arg16[%get3A_959, %get3A_960] {strides = array<i32>} : memref<32x128xf32, #tpu.memory_space<vmem>>, vector<16xf32>,
        %mul3A_962 = arith.mulf %gather3A_600, %get3A_961 : vector<16xf32>
        %add3A_963 = arith.addf %add3A_958, %mul3A_962 : vector<16xf32>
        %swap3A_964 = arith.index_cast %add3A_59 : i32 to index
        %swap3A_965 = arith.constant 32 : index
        %swap3A_966 = tpu.vector_load %arg20[%swap3A_964, %swap3A_965] {strides = array<i32>} : memref<32x128xf32, #tpu.memory_space<vmem>>, vector<16xf32>,
        tpu.vector_store %arg20[%swap3A_964, %swap3A_965], %add3A_963 {strides = array<i32>} : memref<32x128xf32, #tpu.memory_space<vmem>>, vector<16xf32>,
        %get3A_967 = arith.index_cast %mul3A_535 : i32 to index
        %get3A_968 = arith.constant 48 : index
        %get3A_969 = tpu.vector_load %arg12[%get3A_967, %get3A_968] {strides = array<i32>} : memref<160x128xf32, #tpu.memory_space<vmem>>, vector<16xf32>,
        %mul3A_970 = arith.mulf %gather3A, %get3A_969 : vector<16xf32>
        %add3A_971 = arith.constant 1 : i32
        %add3A_972 = arith.addi %mul3A_535, %add3A_971 : i32
        %get3A_973 = arith.index_cast %add3A_972 : i32 to index
        %get3A_974 = arith.constant 48 : index
        %get3A_975 = tpu.vector_load %arg12[%get3A_973, %get3A_974] {strides = array<i32>} : memref<160x128xf32, #tpu.memory_space<vmem>>, vector<16xf32>,
        %mul3A_976 = arith.mulf %gather3A_542, %get3A_975 : vector<16xf32>
        %max3A_977 = arith.maximumf %mul3A_970, %mul3A_976 : vector<16xf32>
        %add3A_978 = arith.constant 2 : i32
        %add3A_979 = arith.addi %mul3A_535, %add3A_978 : i32
        %get3A_980 = arith.index_cast %add3A_979 : i32 to index
        %get3A_981 = arith.constant 48 : index
        %get3A_982 = tpu.vector_load %arg12[%get3A_980, %get3A_981] {strides = array<i32>} : memref<160x128xf32, #tpu.memory_space<vmem>>, vector<16xf32>,
        %mul3A_983 = arith.mulf %gather3A_546, %get3A_982 : vector<16xf32>
        %max3A_984 = arith.maximumf %max3A_977, %mul3A_983 : vector<16xf32>
        %add3A_985 = arith.constant 3 : i32
        %add3A_986 = arith.addi %mul3A_535, %add3A_985 : i32
        %get3A_987 = arith.index_cast %add3A_986 : i32 to index
        %get3A_988 = arith.constant 48 : index
        %get3A_989 = tpu.vector_load %arg12[%get3A_987, %get3A_988] {strides = array<i32>} : memref<160x128xf32, #tpu.memory_space<vmem>>, vector<16xf32>,
        %mul3A_990 = arith.mulf %gather3A_550, %get3A_989 : vector<16xf32>
        %max3A_991 = arith.maximumf %max3A_984, %mul3A_990 : vector<16xf32>
        %add3A_992 = arith.constant 4 : i32
        %add3A_993 = arith.addi %mul3A_535, %add3A_992 : i32
        %get3A_994 = arith.index_cast %add3A_993 : i32 to index
        %get3A_995 = arith.constant 48 : index
        %get3A_996 = tpu.vector_load %arg12[%get3A_994, %get3A_995] {strides = array<i32>} : memref<160x128xf32, #tpu.memory_space<vmem>>, vector<16xf32>,
        %mul3A_997 = arith.mulf %gather3A_554, %get3A_996 : vector<16xf32>
        %max3A_998 = arith.maximumf %max3A_991, %mul3A_997 : vector<16xf32>
        %add3A_999 = arith.constant 5 : i32
        %add3A_1000 = arith.addi %mul3A_535, %add3A_999 : i32
        %get3A_1001 = arith.index_cast %add3A_1000 : i32 to index
        %get3A_1002 = arith.constant 48 : index
        %get3A_1003 = tpu.vector_load %arg12[%get3A_1001, %get3A_1002] {strides = array<i32>} : memref<160x128xf32, #tpu.memory_space<vmem>>, vector<16xf32>,
        %mul3A_1004 = arith.mulf %gather3A_558, %get3A_1003 : vector<16xf32>
        %max3A_1005 = arith.maximumf %max3A_998, %mul3A_1004 : vector<16xf32>
        %add3A_1006 = arith.constant 6 : i32
        %add3A_1007 = arith.addi %mul3A_535, %add3A_1006 : i32
        %get3A_1008 = arith.index_cast %add3A_1007 : i32 to index
        %get3A_1009 = arith.constant 48 : index
        %get3A_1010 = tpu.vector_load %arg12[%get3A_1008, %get3A_1009] {strides = array<i32>} : memref<160x128xf32, #tpu.memory_space<vmem>>, vector<16xf32>,
        %mul3A_1011 = arith.mulf %gather3A_562, %get3A_1010 : vector<16xf32>
        %max3A_1012 = arith.maximumf %max3A_1005, %mul3A_1011 : vector<16xf32>
        %add3A_1013 = arith.constant 7 : i32
        %add3A_1014 = arith.addi %mul3A_535, %add3A_1013 : i32
        %get3A_1015 = arith.index_cast %add3A_1014 : i32 to index
        %get3A_1016 = arith.constant 48 : index
        %get3A_1017 = tpu.vector_load %arg12[%get3A_1015, %get3A_1016] {strides = array<i32>} : memref<160x128xf32, #tpu.memory_space<vmem>>, vector<16xf32>,
        %mul3A_1018 = arith.mulf %gather3A_566, %get3A_1017 : vector<16xf32>
        %max3A_1019 = arith.maximumf %max3A_1012, %mul3A_1018 : vector<16xf32>
        %add3A_1020 = arith.constant 8 : i32
        %add3A_1021 = arith.addi %mul3A_535, %add3A_1020 : i32
        %get3A_1022 = arith.index_cast %add3A_1021 : i32 to index
        %get3A_1023 = arith.constant 48 : index
        %get3A_1024 = tpu.vector_load %arg12[%get3A_1022, %get3A_1023] {strides = array<i32>} : memref<160x128xf32, #tpu.memory_space<vmem>>, vector<16xf32>,
        %mul3A_1025 = arith.mulf %gather3A_570, %get3A_1024 : vector<16xf32>
        %max3A_1026 = arith.maximumf %max3A_1019, %mul3A_1025 : vector<16xf32>
        %add3A_1027 = arith.constant 9 : i32
        %add3A_1028 = arith.addi %mul3A_535, %add3A_1027 : i32
        %get3A_1029 = arith.index_cast %add3A_1028 : i32 to index
        %get3A_1030 = arith.constant 48 : index
        %get3A_1031 = tpu.vector_load %arg12[%get3A_1029, %get3A_1030] {strides = array<i32>} : memref<160x128xf32, #tpu.memory_space<vmem>>, vector<16xf32>,
        %mul3A_1032 = arith.mulf %gather3A_574, %get3A_1031 : vector<16xf32>
        %max3A_1033 = arith.maximumf %max3A_1026, %mul3A_1032 : vector<16xf32>
        %add3A_1034 = arith.constant 10 : i32
        %add3A_1035 = arith.addi %mul3A_535, %add3A_1034 : i32
        %get3A_1036 = arith.index_cast %add3A_1035 : i32 to index
        %get3A_1037 = arith.constant 48 : index
        %get3A_1038 = tpu.vector_load %arg12[%get3A_1036, %get3A_1037] {strides = array<i32>} : memref<160x128xf32, #tpu.memory_space<vmem>>, vector<16xf32>,
        %mul3A_1039 = arith.mulf %gather3A_578, %get3A_1038 : vector<16xf32>
        %max3A_1040 = arith.maximumf %max3A_1033, %mul3A_1039 : vector<16xf32>
        %add3A_1041 = arith.constant 11 : i32
        %add3A_1042 = arith.addi %mul3A_535, %add3A_1041 : i32
        %get3A_1043 = arith.index_cast %add3A_1042 : i32 to index
        %get3A_1044 = arith.constant 48 : index
        %get3A_1045 = tpu.vector_load %arg12[%get3A_1043, %get3A_1044] {strides = array<i32>} : memref<160x128xf32, #tpu.memory_space<vmem>>, vector<16xf32>,
        %mul3A_1046 = arith.mulf %gather3A_582, %get3A_1045 : vector<16xf32>
        %max3A_1047 = arith.maximumf %max3A_1040, %mul3A_1046 : vector<16xf32>
        %add3A_1048 = arith.constant 12 : i32
        %add3A_1049 = arith.addi %mul3A_535, %add3A_1048 : i32
        %get3A_1050 = arith.index_cast %add3A_1049 : i32 to index
        %get3A_1051 = arith.constant 48 : index
        %get3A_1052 = tpu.vector_load %arg12[%get3A_1050, %get3A_1051] {strides = array<i32>} : memref<160x128xf32, #tpu.memory_space<vmem>>, vector<16xf32>,
        %mul3A_1053 = arith.mulf %gather3A_586, %get3A_1052 : vector<16xf32>
        %max3A_1054 = arith.maximumf %max3A_1047, %mul3A_1053 : vector<16xf32>
        %add3A_1055 = arith.constant 13 : i32
        %add3A_1056 = arith.addi %mul3A_535, %add3A_1055 : i32
        %get3A_1057 = arith.index_cast %add3A_1056 : i32 to index
        %get3A_1058 = arith.constant 48 : index
        %get3A_1059 = tpu.vector_load %arg12[%get3A_1057, %get3A_1058] {strides = array<i32>} : memref<160x128xf32, #tpu.memory_space<vmem>>, vector<16xf32>,
        %mul3A_1060 = arith.mulf %gather3A_590, %get3A_1059 : vector<16xf32>
        %max3A_1061 = arith.maximumf %max3A_1054, %mul3A_1060 : vector<16xf32>
        %add3A_1062 = arith.constant 14 : i32
        %add3A_1063 = arith.addi %mul3A_535, %add3A_1062 : i32
        %get3A_1064 = arith.index_cast %add3A_1063 : i32 to index
        %get3A_1065 = arith.constant 48 : index
        %get3A_1066 = tpu.vector_load %arg12[%get3A_1064, %get3A_1065] {strides = array<i32>} : memref<160x128xf32, #tpu.memory_space<vmem>>, vector<16xf32>,
        %mul3A_1067 = arith.mulf %gather3A_594, %get3A_1066 : vector<16xf32>
        %max3A_1068 = arith.maximumf %max3A_1061, %mul3A_1067 : vector<16xf32>
        %add3A_1069 = arith.constant 15 : i32
        %add3A_1070 = arith.addi %mul3A_535, %add3A_1069 : i32
        %get3A_1071 = arith.index_cast %add3A_1070 : i32 to index
        %get3A_1072 = arith.constant 48 : index
        %get3A_1073 = tpu.vector_load %arg12[%get3A_1071, %get3A_1072] {strides = array<i32>} : memref<160x128xf32, #tpu.memory_space<vmem>>, vector<16xf32>,
        %mul3A_1074 = arith.mulf %gather3A_598, %get3A_1073 : vector<16xf32>
        %max3A_1075 = arith.maximumf %max3A_1068, %mul3A_1074 : vector<16xf32>
        %get3A_1076 = arith.index_cast %add3A_59 : i32 to index
        %get3A_1077 = arith.constant 48 : index
        %get3A_1078 = tpu.vector_load %arg20[%get3A_1076, %get3A_1077] {strides = array<i32>} : memref<32x128xf32, #tpu.memory_space<vmem>>, vector<16xf32>,
        %mul3A_1079 = arith.mulf %sub3A_602, %max3A_1075 : vector<16xf32>
        %add3A_1080 = arith.addf %get3A_1078, %mul3A_1079 : vector<16xf32>
        %get3A_1081 = arith.index_cast %add3A_533 : i32 to index
        %get3A_1082 = arith.constant 48 : index
        %get3A_1083 = tpu.vector_load %arg16[%get3A_1081, %get3A_1082] {strides = array<i32>} : memref<32x128xf32, #tpu.memory_space<vmem>>, vector<16xf32>,
        %mul3A_1084 = arith.mulf %gather3A_600, %get3A_1083 : vector<16xf32>
        %add3A_1085 = arith.addf %add3A_1080, %mul3A_1084 : vector<16xf32>
        %swap3A_1086 = arith.index_cast %add3A_59 : i32 to index
        %swap3A_1087 = arith.constant 48 : index
        %swap3A_1088 = tpu.vector_load %arg20[%swap3A_1086, %swap3A_1087] {strides = array<i32>} : memref<32x128xf32, #tpu.memory_space<vmem>>, vector<16xf32>,
        tpu.vector_store %arg20[%swap3A_1086, %swap3A_1087], %add3A_1085 {strides = array<i32>} : memref<32x128xf32, #tpu.memory_space<vmem>>, vector<16xf32>,
        %get3A_1089 = arith.index_cast %mul3A_535 : i32 to index
        %get3A_1090 = arith.constant 64 : index
        %get3A_1091 = tpu.vector_load %arg12[%get3A_1089, %get3A_1090] {strides = array<i32>} : memref<160x128xf32, #tpu.memory_space<vmem>>, vector<16xf32>,
        %mul3A_1092 = arith.mulf %gather3A, %get3A_1091 : vector<16xf32>
        %add3A_1093 = arith.constant 1 : i32
        %add3A_1094 = arith.addi %mul3A_535, %add3A_1093 : i32
        %get3A_1095 = arith.index_cast %add3A_1094 : i32 to index
        %get3A_1096 = arith.constant 64 : index
        %get3A_1097 = tpu.vector_load %arg12[%get3A_1095, %get3A_1096] {strides = array<i32>} : memref<160x128xf32, #tpu.memory_space<vmem>>, vector<16xf32>,
        %mul3A_1098 = arith.mulf %gather3A_542, %get3A_1097 : vector<16xf32>
        %max3A_1099 = arith.maximumf %mul3A_1092, %mul3A_1098 : vector<16xf32>
        %add3A_1100 = arith.constant 2 : i32
        %add3A_1101 = arith.addi %mul3A_535, %add3A_1100 : i32
        %get3A_1102 = arith.index_cast %add3A_1101 : i32 to index
        %get3A_1103 = arith.constant 64 : index
        %get3A_1104 = tpu.vector_load %arg12[%get3A_1102, %get3A_1103] {strides = array<i32>} : memref<160x128xf32, #tpu.memory_space<vmem>>, vector<16xf32>,
        %mul3A_1105 = arith.mulf %gather3A_546, %get3A_1104 : vector<16xf32>
        %max3A_1106 = arith.maximumf %max3A_1099, %mul3A_1105 : vector<16xf32>
        %add3A_1107 = arith.constant 3 : i32
        %add3A_1108 = arith.addi %mul3A_535, %add3A_1107 : i32
        %get3A_1109 = arith.index_cast %add3A_1108 : i32 to index
        %get3A_1110 = arith.constant 64 : index
        %get3A_1111 = tpu.vector_load %arg12[%get3A_1109, %get3A_1110] {strides = array<i32>} : memref<160x128xf32, #tpu.memory_space<vmem>>, vector<16xf32>,
        %mul3A_1112 = arith.mulf %gather3A_550, %get3A_1111 : vector<16xf32>
        %max3A_1113 = arith.maximumf %max3A_1106, %mul3A_1112 : vector<16xf32>
        %add3A_1114 = arith.constant 4 : i32
        %add3A_1115 = arith.addi %mul3A_535, %add3A_1114 : i32
        %get3A_1116 = arith.index_cast %add3A_1115 : i32 to index
        %get3A_1117 = arith.constant 64 : index
        %get3A_1118 = tpu.vector_load %arg12[%get3A_1116, %get3A_1117] {strides = array<i32>} : memref<160x128xf32, #tpu.memory_space<vmem>>, vector<16xf32>,
        %mul3A_1119 = arith.mulf %gather3A_554, %get3A_1118 : vector<16xf32>
        %max3A_1120 = arith.maximumf %max3A_1113, %mul3A_1119 : vector<16xf32>
        %add3A_1121 = arith.constant 5 : i32
        %add3A_1122 = arith.addi %mul3A_535, %add3A_1121 : i32
        %get3A_1123 = arith.index_cast %add3A_1122 : i32 to index
        %get3A_1124 = arith.constant 64 : index
        %get3A_1125 = tpu.vector_load %arg12[%get3A_1123, %get3A_1124] {strides = array<i32>} : memref<160x128xf32, #tpu.memory_space<vmem>>, vector<16xf32>,
        %mul3A_1126 = arith.mulf %gather3A_558, %get3A_1125 : vector<16xf32>
        %max3A_1127 = arith.maximumf %max3A_1120, %mul3A_1126 : vector<16xf32>
        %add3A_1128 = arith.constant 6 : i32
        %add3A_1129 = arith.addi %mul3A_535, %add3A_1128 : i32
        %get3A_1130 = arith.index_cast %add3A_1129 : i32 to index
        %get3A_1131 = arith.constant 64 : index
        %get3A_1132 = tpu.vector_load %arg12[%get3A_1130, %get3A_1131] {strides = array<i32>} : memref<160x128xf32, #tpu.memory_space<vmem>>, vector<16xf32>,
        %mul3A_1133 = arith.mulf %gather3A_562, %get3A_1132 : vector<16xf32>
        %max3A_1134 = arith.maximumf %max3A_1127, %mul3A_1133 : vector<16xf32>
        %add3A_1135 = arith.constant 7 : i32
        %add3A_1136 = arith.addi %mul3A_535, %add3A_1135 : i32
        %get3A_1137 = arith.index_cast %add3A_1136 : i32 to index
        %get3A_1138 = arith.constant 64 : index
        %get3A_1139 = tpu.vector_load %arg12[%get3A_1137, %get3A_1138] {strides = array<i32>} : memref<160x128xf32, #tpu.memory_space<vmem>>, vector<16xf32>,
        %mul3A_1140 = arith.mulf %gather3A_566, %get3A_1139 : vector<16xf32>
        %max3A_1141 = arith.maximumf %max3A_1134, %mul3A_1140 : vector<16xf32>
        %add3A_1142 = arith.constant 8 : i32
        %add3A_1143 = arith.addi %mul3A_535, %add3A_1142 : i32
        %get3A_1144 = arith.index_cast %add3A_1143 : i32 to index
        %get3A_1145 = arith.constant 64 : index
        %get3A_1146 = tpu.vector_load %arg12[%get3A_1144, %get3A_1145] {strides = array<i32>} : memref<160x128xf32, #tpu.memory_space<vmem>>, vector<16xf32>,
        %mul3A_1147 = arith.mulf %gather3A_570, %get3A_1146 : vector<16xf32>
        %max3A_1148 = arith.maximumf %max3A_1141, %mul3A_1147 : vector<16xf32>
        %add3A_1149 = arith.constant 9 : i32
        %add3A_1150 = arith.addi %mul3A_535, %add3A_1149 : i32
        %get3A_1151 = arith.index_cast %add3A_1150 : i32 to index
        %get3A_1152 = arith.constant 64 : index
        %get3A_1153 = tpu.vector_load %arg12[%get3A_1151, %get3A_1152] {strides = array<i32>} : memref<160x128xf32, #tpu.memory_space<vmem>>, vector<16xf32>,
        %mul3A_1154 = arith.mulf %gather3A_574, %get3A_1153 : vector<16xf32>
        %max3A_1155 = arith.maximumf %max3A_1148, %mul3A_1154 : vector<16xf32>
        %add3A_1156 = arith.constant 10 : i32
        %add3A_1157 = arith.addi %mul3A_535, %add3A_1156 : i32
        %get3A_1158 = arith.index_cast %add3A_1157 : i32 to index
        %get3A_1159 = arith.constant 64 : index
        %get3A_1160 = tpu.vector_load %arg12[%get3A_1158, %get3A_1159] {strides = array<i32>} : memref<160x128xf32, #tpu.memory_space<vmem>>, vector<16xf32>,
        %mul3A_1161 = arith.mulf %gather3A_578, %get3A_1160 : vector<16xf32>
        %max3A_1162 = arith.maximumf %max3A_1155, %mul3A_1161 : vector<16xf32>
        %add3A_1163 = arith.constant 11 : i32
        %add3A_1164 = arith.addi %mul3A_535, %add3A_1163 : i32
        %get3A_1165 = arith.index_cast %add3A_1164 : i32 to index
        %get3A_1166 = arith.constant 64 : index
        %get3A_1167 = tpu.vector_load %arg12[%get3A_1165, %get3A_1166] {strides = array<i32>} : memref<160x128xf32, #tpu.memory_space<vmem>>, vector<16xf32>,
        %mul3A_1168 = arith.mulf %gather3A_582, %get3A_1167 : vector<16xf32>
        %max3A_1169 = arith.maximumf %max3A_1162, %mul3A_1168 : vector<16xf32>
        %add3A_1170 = arith.constant 12 : i32
        %add3A_1171 = arith.addi %mul3A_535, %add3A_1170 : i32
        %get3A_1172 = arith.index_cast %add3A_1171 : i32 to index
        %get3A_1173 = arith.constant 64 : index
        %get3A_1174 = tpu.vector_load %arg12[%get3A_1172, %get3A_1173] {strides = array<i32>} : memref<160x128xf32, #tpu.memory_space<vmem>>, vector<16xf32>,
        %mul3A_1175 = arith.mulf %gather3A_586, %get3A_1174 : vector<16xf32>
        %max3A_1176 = arith.maximumf %max3A_1169, %mul3A_1175 : vector<16xf32>
        %add3A_1177 = arith.constant 13 : i32
        %add3A_1178 = arith.addi %mul3A_535, %add3A_1177 : i32
        %get3A_1179 = arith.index_cast %add3A_1178 : i32 to index
        %get3A_1180 = arith.constant 64 : index
        %get3A_1181 = tpu.vector_load %arg12[%get3A_1179, %get3A_1180] {strides = array<i32>} : memref<160x128xf32, #tpu.memory_space<vmem>>, vector<16xf32>,
        %mul3A_1182 = arith.mulf %gather3A_590, %get3A_1181 : vector<16xf32>
        %max3A_1183 = arith.maximumf %max3A_1176, %mul3A_1182 : vector<16xf32>
        %add3A_1184 = arith.constant 14 : i32
        %add3A_1185 = arith.addi %mul3A_535, %add3A_1184 : i32
        %get3A_1186 = arith.index_cast %add3A_1185 : i32 to index
        %get3A_1187 = arith.constant 64 : index
        %get3A_1188 = tpu.vector_load %arg12[%get3A_1186, %get3A_1187] {strides = array<i32>} : memref<160x128xf32, #tpu.memory_space<vmem>>, vector<16xf32>,
        %mul3A_1189 = arith.mulf %gather3A_594, %get3A_1188 : vector<16xf32>
        %max3A_1190 = arith.maximumf %max3A_1183, %mul3A_1189 : vector<16xf32>
        %add3A_1191 = arith.constant 15 : i32
        %add3A_1192 = arith.addi %mul3A_535, %add3A_1191 : i32
        %get3A_1193 = arith.index_cast %add3A_1192 : i32 to index
        %get3A_1194 = arith.constant 64 : index
        %get3A_1195 = tpu.vector_load %arg12[%get3A_1193, %get3A_1194] {strides = array<i32>} : memref<160x128xf32, #tpu.memory_space<vmem>>, vector<16xf32>,
        %mul3A_1196 = arith.mulf %gather3A_598, %get3A_1195 : vector<16xf32>
        %max3A_1197 = arith.maximumf %max3A_1190, %mul3A_1196 : vector<16xf32>
        %get3A_1198 = arith.index_cast %add3A_59 : i32 to index
        %get3A_1199 = arith.constant 64 : index
        %get3A_1200 = tpu.vector_load %arg20[%get3A_1198, %get3A_1199] {strides = array<i32>} : memref<32x128xf32, #tpu.memory_space<vmem>>, vector<16xf32>,
        %mul3A_1201 = arith.mulf %sub3A_602, %max3A_1197 : vector<16xf32>
        %add3A_1202 = arith.addf %get3A_1200, %mul3A_1201 : vector<16xf32>
        %get3A_1203 = arith.index_cast %add3A_533 : i32 to index
        %get3A_1204 = arith.constant 64 : index
        %get3A_1205 = tpu.vector_load %arg16[%get3A_1203, %get3A_1204] {strides = array<i32>} : memref<32x128xf32, #tpu.memory_space<vmem>>, vector<16xf32>,
        %mul3A_1206 = arith.mulf %gather3A_600, %get3A_1205 : vector<16xf32>
        %add3A_1207 = arith.addf %add3A_1202, %mul3A_1206 : vector<16xf32>
        %swap3A_1208 = arith.index_cast %add3A_59 : i32 to index
        %swap3A_1209 = arith.constant 64 : index
        %swap3A_1210 = tpu.vector_load %arg20[%swap3A_1208, %swap3A_1209] {strides = array<i32>} : memref<32x128xf32, #tpu.memory_space<vmem>>, vector<16xf32>,
        tpu.vector_store %arg20[%swap3A_1208, %swap3A_1209], %add3A_1207 {strides = array<i32>} : memref<32x128xf32, #tpu.memory_space<vmem>>, vector<16xf32>,
        %get3A_1211 = arith.index_cast %mul3A_535 : i32 to index
        %get3A_1212 = arith.constant 80 : index
        %get3A_1213 = tpu.vector_load %arg12[%get3A_1211, %get3A_1212] {strides = array<i32>} : memref<160x128xf32, #tpu.memory_space<vmem>>, vector<16xf32>,
        %mul3A_1214 = arith.mulf %gather3A, %get3A_1213 : vector<16xf32>
        %add3A_1215 = arith.constant 1 : i32
        %add3A_1216 = arith.addi %mul3A_535, %add3A_1215 : i32
        %get3A_1217 = arith.index_cast %add3A_1216 : i32 to index
        %get3A_1218 = arith.constant 80 : index
        %get3A_1219 = tpu.vector_load %arg12[%get3A_1217, %get3A_1218] {strides = array<i32>} : memref<160x128xf32, #tpu.memory_space<vmem>>, vector<16xf32>,
        %mul3A_1220 = arith.mulf %gather3A_542, %get3A_1219 : vector<16xf32>
        %max3A_1221 = arith.maximumf %mul3A_1214, %mul3A_1220 : vector<16xf32>
        %add3A_1222 = arith.constant 2 : i32
        %add3A_1223 = arith.addi %mul3A_535, %add3A_1222 : i32
        %get3A_1224 = arith.index_cast %add3A_1223 : i32 to index
        %get3A_1225 = arith.constant 80 : index
        %get3A_1226 = tpu.vector_load %arg12[%get3A_1224, %get3A_1225] {strides = array<i32>} : memref<160x128xf32, #tpu.memory_space<vmem>>, vector<16xf32>,
        %mul3A_1227 = arith.mulf %gather3A_546, %get3A_1226 : vector<16xf32>
        %max3A_1228 = arith.maximumf %max3A_1221, %mul3A_1227 : vector<16xf32>
        %add3A_1229 = arith.constant 3 : i32
        %add3A_1230 = arith.addi %mul3A_535, %add3A_1229 : i32
        %get3A_1231 = arith.index_cast %add3A_1230 : i32 to index
        %get3A_1232 = arith.constant 80 : index
        %get3A_1233 = tpu.vector_load %arg12[%get3A_1231, %get3A_1232] {strides = array<i32>} : memref<160x128xf32, #tpu.memory_space<vmem>>, vector<16xf32>,
        %mul3A_1234 = arith.mulf %gather3A_550, %get3A_1233 : vector<16xf32>
        %max3A_1235 = arith.maximumf %max3A_1228, %mul3A_1234 : vector<16xf32>
        %add3A_1236 = arith.constant 4 : i32
        %add3A_1237 = arith.addi %mul3A_535, %add3A_1236 : i32
        %get3A_1238 = arith.index_cast %add3A_1237 : i32 to index
        %get3A_1239 = arith.constant 80 : index
        %get3A_1240 = tpu.vector_load %arg12[%get3A_1238, %get3A_1239] {strides = array<i32>} : memref<160x128xf32, #tpu.memory_space<vmem>>, vector<16xf32>,
        %mul3A_1241 = arith.mulf %gather3A_554, %get3A_1240 : vector<16xf32>
        %max3A_1242 = arith.maximumf %max3A_1235, %mul3A_1241 : vector<16xf32>
        %add3A_1243 = arith.constant 5 : i32
        %add3A_1244 = arith.addi %mul3A_535, %add3A_1243 : i32
        %get3A_1245 = arith.index_cast %add3A_1244 : i32 to index
        %get3A_1246 = arith.constant 80 : index
        %get3A_1247 = tpu.vector_load %arg12[%get3A_1245, %get3A_1246] {strides = array<i32>} : memref<160x128xf32, #tpu.memory_space<vmem>>, vector<16xf32>,
        %mul3A_1248 = arith.mulf %gather3A_558, %get3A_1247 : vector<16xf32>
        %max3A_1249 = arith.maximumf %max3A_1242, %mul3A_1248 : vector<16xf32>
        %add3A_1250 = arith.constant 6 : i32
        %add3A_1251 = arith.addi %mul3A_535, %add3A_1250 : i32
        %get3A_1252 = arith.index_cast %add3A_1251 : i32 to index
        %get3A_1253 = arith.constant 80 : index
        %get3A_1254 = tpu.vector_load %arg12[%get3A_1252, %get3A_1253] {strides = array<i32>} : memref<160x128xf32, #tpu.memory_space<vmem>>, vector<16xf32>,
        %mul3A_1255 = arith.mulf %gather3A_562, %get3A_1254 : vector<16xf32>
        %max3A_1256 = arith.maximumf %max3A_1249, %mul3A_1255 : vector<16xf32>
        %add3A_1257 = arith.constant 7 : i32
        %add3A_1258 = arith.addi %mul3A_535, %add3A_1257 : i32
        %get3A_1259 = arith.index_cast %add3A_1258 : i32 to index
        %get3A_1260 = arith.constant 80 : index
        %get3A_1261 = tpu.vector_load %arg12[%get3A_1259, %get3A_1260] {strides = array<i32>} : memref<160x128xf32, #tpu.memory_space<vmem>>, vector<16xf32>,
        %mul3A_1262 = arith.mulf %gather3A_566, %get3A_1261 : vector<16xf32>
        %max3A_1263 = arith.maximumf %max3A_1256, %mul3A_1262 : vector<16xf32>
        %add3A_1264 = arith.constant 8 : i32
        %add3A_1265 = arith.addi %mul3A_535, %add3A_1264 : i32
        %get3A_1266 = arith.index_cast %add3A_1265 : i32 to index
        %get3A_1267 = arith.constant 80 : index
        %get3A_1268 = tpu.vector_load %arg12[%get3A_1266, %get3A_1267] {strides = array<i32>} : memref<160x128xf32, #tpu.memory_space<vmem>>, vector<16xf32>,
        %mul3A_1269 = arith.mulf %gather3A_570, %get3A_1268 : vector<16xf32>
        %max3A_1270 = arith.maximumf %max3A_1263, %mul3A_1269 : vector<16xf32>
        %add3A_1271 = arith.constant 9 : i32
        %add3A_1272 = arith.addi %mul3A_535, %add3A_1271 : i32
        %get3A_1273 = arith.index_cast %add3A_1272 : i32 to index
        %get3A_1274 = arith.constant 80 : index
        %get3A_1275 = tpu.vector_load %arg12[%get3A_1273, %get3A_1274] {strides = array<i32>} : memref<160x128xf32, #tpu.memory_space<vmem>>, vector<16xf32>,
        %mul3A_1276 = arith.mulf %gather3A_574, %get3A_1275 : vector<16xf32>
        %max3A_1277 = arith.maximumf %max3A_1270, %mul3A_1276 : vector<16xf32>
        %add3A_1278 = arith.constant 10 : i32
        %add3A_1279 = arith.addi %mul3A_535, %add3A_1278 : i32
        %get3A_1280 = arith.index_cast %add3A_1279 : i32 to index
        %get3A_1281 = arith.constant 80 : index
        %get3A_1282 = tpu.vector_load %arg12[%get3A_1280, %get3A_1281] {strides = array<i32>} : memref<160x128xf32, #tpu.memory_space<vmem>>, vector<16xf32>,
        %mul3A_1283 = arith.mulf %gather3A_578, %get3A_1282 : vector<16xf32>
        %max3A_1284 = arith.maximumf %max3A_1277, %mul3A_1283 : vector<16xf32>
        %add3A_1285 = arith.constant 11 : i32
        %add3A_1286 = arith.addi %mul3A_535, %add3A_1285 : i32
        %get3A_1287 = arith.index_cast %add3A_1286 : i32 to index
        %get3A_1288 = arith.constant 80 : index
        %get3A_1289 = tpu.vector_load %arg12[%get3A_1287, %get3A_1288] {strides = array<i32>} : memref<160x128xf32, #tpu.memory_space<vmem>>, vector<16xf32>,
        %mul3A_1290 = arith.mulf %gather3A_582, %get3A_1289 : vector<16xf32>
        %max3A_1291 = arith.maximumf %max3A_1284, %mul3A_1290 : vector<16xf32>
        %add3A_1292 = arith.constant 12 : i32
        %add3A_1293 = arith.addi %mul3A_535, %add3A_1292 : i32
        %get3A_1294 = arith.index_cast %add3A_1293 : i32 to index
        %get3A_1295 = arith.constant 80 : index
        %get3A_1296 = tpu.vector_load %arg12[%get3A_1294, %get3A_1295] {strides = array<i32>} : memref<160x128xf32, #tpu.memory_space<vmem>>, vector<16xf32>,
        %mul3A_1297 = arith.mulf %gather3A_586, %get3A_1296 : vector<16xf32>
        %max3A_1298 = arith.maximumf %max3A_1291, %mul3A_1297 : vector<16xf32>
        %add3A_1299 = arith.constant 13 : i32
        %add3A_1300 = arith.addi %mul3A_535, %add3A_1299 : i32
        %get3A_1301 = arith.index_cast %add3A_1300 : i32 to index
        %get3A_1302 = arith.constant 80 : index
        %get3A_1303 = tpu.vector_load %arg12[%get3A_1301, %get3A_1302] {strides = array<i32>} : memref<160x128xf32, #tpu.memory_space<vmem>>, vector<16xf32>,
        %mul3A_1304 = arith.mulf %gather3A_590, %get3A_1303 : vector<16xf32>
        %max3A_1305 = arith.maximumf %max3A_1298, %mul3A_1304 : vector<16xf32>
        %add3A_1306 = arith.constant 14 : i32
        %add3A_1307 = arith.addi %mul3A_535, %add3A_1306 : i32
        %get3A_1308 = arith.index_cast %add3A_1307 : i32 to index
        %get3A_1309 = arith.constant 80 : index
        %get3A_1310 = tpu.vector_load %arg12[%get3A_1308, %get3A_1309] {strides = array<i32>} : memref<160x128xf32, #tpu.memory_space<vmem>>, vector<16xf32>,
        %mul3A_1311 = arith.mulf %gather3A_594, %get3A_1310 : vector<16xf32>
        %max3A_1312 = arith.maximumf %max3A_1305, %mul3A_1311 : vector<16xf32>
        %add3A_1313 = arith.constant 15 : i32
        %add3A_1314 = arith.addi %mul3A_535, %add3A_1313 : i32
        %get3A_1315 = arith.index_cast %add3A_1314 : i32 to index
        %get3A_1316 = arith.constant 80 : index
        %get3A_1317 = tpu.vector_load %arg12[%get3A_1315, %get3A_1316] {strides = array<i32>} : memref<160x128xf32, #tpu.memory_space<vmem>>, vector<16xf32>,
        %mul3A_1318 = arith.mulf %gather3A_598, %get3A_1317 : vector<16xf32>
        %max3A_1319 = arith.maximumf %max3A_1312, %mul3A_1318 : vector<16xf32>
        %get3A_1320 = arith.index_cast %add3A_59 : i32 to index
        %get3A_1321 = arith.constant 80 : index
        %get3A_1322 = tpu.vector_load %arg20[%get3A_1320, %get3A_1321] {strides = array<i32>} : memref<32x128xf32, #tpu.memory_space<vmem>>, vector<16xf32>,
        %mul3A_1323 = arith.mulf %sub3A_602, %max3A_1319 : vector<16xf32>
        %add3A_1324 = arith.addf %get3A_1322, %mul3A_1323 : vector<16xf32>
        %get3A_1325 = arith.index_cast %add3A_533 : i32 to index
        %get3A_1326 = arith.constant 80 : index
        %get3A_1327 = tpu.vector_load %arg16[%get3A_1325, %get3A_1326] {strides = array<i32>} : memref<32x128xf32, #tpu.memory_space<vmem>>, vector<16xf32>,
        %mul3A_1328 = arith.mulf %gather3A_600, %get3A_1327 : vector<16xf32>
        %add3A_1329 = arith.addf %add3A_1324, %mul3A_1328 : vector<16xf32>
        %swap3A_1330 = arith.index_cast %add3A_59 : i32 to index
        %swap3A_1331 = arith.constant 80 : index
        %swap3A_1332 = tpu.vector_load %arg20[%swap3A_1330, %swap3A_1331] {strides = array<i32>} : memref<32x128xf32, #tpu.memory_space<vmem>>, vector<16xf32>,
        tpu.vector_store %arg20[%swap3A_1330, %swap3A_1331], %add3A_1329 {strides = array<i32>} : memref<32x128xf32, #tpu.memory_space<vmem>>, vector<16xf32>,
        %get3A_1333 = arith.index_cast %mul3A_535 : i32 to index
        %get3A_1334 = arith.constant 96 : index
        %get3A_1335 = tpu.vector_load %arg12[%get3A_1333, %get3A_1334] {strides = array<i32>} : memref<160x128xf32, #tpu.memory_space<vmem>>, vector<16xf32>,
        %mul3A_1336 = arith.mulf %gather3A, %get3A_1335 : vector<16xf32>
        %add3A_1337 = arith.constant 1 : i32
        %add3A_1338 = arith.addi %mul3A_535, %add3A_1337 : i32
        %get3A_1339 = arith.index_cast %add3A_1338 : i32 to index
        %get3A_1340 = arith.constant 96 : index
        %get3A_1341 = tpu.vector_load %arg12[%get3A_1339, %get3A_1340] {strides = array<i32>} : memref<160x128xf32, #tpu.memory_space<vmem>>, vector<16xf32>,
        %mul3A_1342 = arith.mulf %gather3A_542, %get3A_1341 : vector<16xf32>
        %max3A_1343 = arith.maximumf %mul3A_1336, %mul3A_1342 : vector<16xf32>
        %add3A_1344 = arith.constant 2 : i32
        %add3A_1345 = arith.addi %mul3A_535, %add3A_1344 : i32
        %get3A_1346 = arith.index_cast %add3A_1345 : i32 to index
        %get3A_1347 = arith.constant 96 : index
        %get3A_1348 = tpu.vector_load %arg12[%get3A_1346, %get3A_1347] {strides = array<i32>} : memref<160x128xf32, #tpu.memory_space<vmem>>, vector<16xf32>,
        %mul3A_1349 = arith.mulf %gather3A_546, %get3A_1348 : vector<16xf32>
        %max3A_1350 = arith.maximumf %max3A_1343, %mul3A_1349 : vector<16xf32>
        %add3A_1351 = arith.constant 3 : i32
        %add3A_1352 = arith.addi %mul3A_535, %add3A_1351 : i32
        %get3A_1353 = arith.index_cast %add3A_1352 : i32 to index
        %get3A_1354 = arith.constant 96 : index
        %get3A_1355 = tpu.vector_load %arg12[%get3A_1353, %get3A_1354] {strides = array<i32>} : memref<160x128xf32, #tpu.memory_space<vmem>>, vector<16xf32>,
        %mul3A_1356 = arith.mulf %gather3A_550, %get3A_1355 : vector<16xf32>
        %max3A_1357 = arith.maximumf %max3A_1350, %mul3A_1356 : vector<16xf32>
        %add3A_1358 = arith.constant 4 : i32
        %add3A_1359 = arith.addi %mul3A_535, %add3A_1358 : i32
        %get3A_1360 = arith.index_cast %add3A_1359 : i32 to index
        %get3A_1361 = arith.constant 96 : index
        %get3A_1362 = tpu.vector_load %arg12[%get3A_1360, %get3A_1361] {strides = array<i32>} : memref<160x128xf32, #tpu.memory_space<vmem>>, vector<16xf32>,
        %mul3A_1363 = arith.mulf %gather3A_554, %get3A_1362 : vector<16xf32>
        %max3A_1364 = arith.maximumf %max3A_1357, %mul3A_1363 : vector<16xf32>
        %add3A_1365 = arith.constant 5 : i32
        %add3A_1366 = arith.addi %mul3A_535, %add3A_1365 : i32
        %get3A_1367 = arith.index_cast %add3A_1366 : i32 to index
        %get3A_1368 = arith.constant 96 : index
        %get3A_1369 = tpu.vector_load %arg12[%get3A_1367, %get3A_1368] {strides = array<i32>} : memref<160x128xf32, #tpu.memory_space<vmem>>, vector<16xf32>,
        %mul3A_1370 = arith.mulf %gather3A_558, %get3A_1369 : vector<16xf32>
        %max3A_1371 = arith.maximumf %max3A_1364, %mul3A_1370 : vector<16xf32>
        %add3A_1372 = arith.constant 6 : i32
        %add3A_1373 = arith.addi %mul3A_535, %add3A_1372 : i32
        %get3A_1374 = arith.index_cast %add3A_1373 : i32 to index
        %get3A_1375 = arith.constant 96 : index
        %get3A_1376 = tpu.vector_load %arg12[%get3A_1374, %get3A_1375] {strides = array<i32>} : memref<160x128xf32, #tpu.memory_space<vmem>>, vector<16xf32>,
        %mul3A_1377 = arith.mulf %gather3A_562, %get3A_1376 : vector<16xf32>
        %max3A_1378 = arith.maximumf %max3A_1371, %mul3A_1377 : vector<16xf32>
        %add3A_1379 = arith.constant 7 : i32
        %add3A_1380 = arith.addi %mul3A_535, %add3A_1379 : i32
        %get3A_1381 = arith.index_cast %add3A_1380 : i32 to index
        %get3A_1382 = arith.constant 96 : index
        %get3A_1383 = tpu.vector_load %arg12[%get3A_1381, %get3A_1382] {strides = array<i32>} : memref<160x128xf32, #tpu.memory_space<vmem>>, vector<16xf32>,
        %mul3A_1384 = arith.mulf %gather3A_566, %get3A_1383 : vector<16xf32>
        %max3A_1385 = arith.maximumf %max3A_1378, %mul3A_1384 : vector<16xf32>
        %add3A_1386 = arith.constant 8 : i32
        %add3A_1387 = arith.addi %mul3A_535, %add3A_1386 : i32
        %get3A_1388 = arith.index_cast %add3A_1387 : i32 to index
        %get3A_1389 = arith.constant 96 : index
        %get3A_1390 = tpu.vector_load %arg12[%get3A_1388, %get3A_1389] {strides = array<i32>} : memref<160x128xf32, #tpu.memory_space<vmem>>, vector<16xf32>,
        %mul3A_1391 = arith.mulf %gather3A_570, %get3A_1390 : vector<16xf32>
        %max3A_1392 = arith.maximumf %max3A_1385, %mul3A_1391 : vector<16xf32>
        %add3A_1393 = arith.constant 9 : i32
        %add3A_1394 = arith.addi %mul3A_535, %add3A_1393 : i32
        %get3A_1395 = arith.index_cast %add3A_1394 : i32 to index
        %get3A_1396 = arith.constant 96 : index
        %get3A_1397 = tpu.vector_load %arg12[%get3A_1395, %get3A_1396] {strides = array<i32>} : memref<160x128xf32, #tpu.memory_space<vmem>>, vector<16xf32>,
        %mul3A_1398 = arith.mulf %gather3A_574, %get3A_1397 : vector<16xf32>
        %max3A_1399 = arith.maximumf %max3A_1392, %mul3A_1398 : vector<16xf32>
        %add3A_1400 = arith.constant 10 : i32
        %add3A_1401 = arith.addi %mul3A_535, %add3A_1400 : i32
        %get3A_1402 = arith.index_cast %add3A_1401 : i32 to index
        %get3A_1403 = arith.constant 96 : index
        %get3A_1404 = tpu.vector_load %arg12[%get3A_1402, %get3A_1403] {strides = array<i32>} : memref<160x128xf32, #tpu.memory_space<vmem>>, vector<16xf32>,
        %mul3A_1405 = arith.mulf %gather3A_578, %get3A_1404 : vector<16xf32>
        %max3A_1406 = arith.maximumf %max3A_1399, %mul3A_1405 : vector<16xf32>
        %add3A_1407 = arith.constant 11 : i32
        %add3A_1408 = arith.addi %mul3A_535, %add3A_1407 : i32
        %get3A_1409 = arith.index_cast %add3A_1408 : i32 to index
        %get3A_1410 = arith.constant 96 : index
        %get3A_1411 = tpu.vector_load %arg12[%get3A_1409, %get3A_1410] {strides = array<i32>} : memref<160x128xf32, #tpu.memory_space<vmem>>, vector<16xf32>,
        %mul3A_1412 = arith.mulf %gather3A_582, %get3A_1411 : vector<16xf32>
        %max3A_1413 = arith.maximumf %max3A_1406, %mul3A_1412 : vector<16xf32>
        %add3A_1414 = arith.constant 12 : i32
        %add3A_1415 = arith.addi %mul3A_535, %add3A_1414 : i32
        %get3A_1416 = arith.index_cast %add3A_1415 : i32 to index
        %get3A_1417 = arith.constant 96 : index
        %get3A_1418 = tpu.vector_load %arg12[%get3A_1416, %get3A_1417] {strides = array<i32>} : memref<160x128xf32, #tpu.memory_space<vmem>>, vector<16xf32>,
        %mul3A_1419 = arith.mulf %gather3A_586, %get3A_1418 : vector<16xf32>
        %max3A_1420 = arith.maximumf %max3A_1413, %mul3A_1419 : vector<16xf32>
        %add3A_1421 = arith.constant 13 : i32
        %add3A_1422 = arith.addi %mul3A_535, %add3A_1421 : i32
        %get3A_1423 = arith.index_cast %add3A_1422 : i32 to index
        %get3A_1424 = arith.constant 96 : index
        %get3A_1425 = tpu.vector_load %arg12[%get3A_1423, %get3A_1424] {strides = array<i32>} : memref<160x128xf32, #tpu.memory_space<vmem>>, vector<16xf32>,
        %mul3A_1426 = arith.mulf %gather3A_590, %get3A_1425 : vector<16xf32>
        %max3A_1427 = arith.maximumf %max3A_1420, %mul3A_1426 : vector<16xf32>
        %add3A_1428 = arith.constant 14 : i32
        %add3A_1429 = arith.addi %mul3A_535, %add3A_1428 : i32
        %get3A_1430 = arith.index_cast %add3A_1429 : i32 to index
        %get3A_1431 = arith.constant 96 : index
        %get3A_1432 = tpu.vector_load %arg12[%get3A_1430, %get3A_1431] {strides = array<i32>} : memref<160x128xf32, #tpu.memory_space<vmem>>, vector<16xf32>,
        %mul3A_1433 = arith.mulf %gather3A_594, %get3A_1432 : vector<16xf32>
        %max3A_1434 = arith.maximumf %max3A_1427, %mul3A_1433 : vector<16xf32>
        %add3A_1435 = arith.constant 15 : i32
        %add3A_1436 = arith.addi %mul3A_535, %add3A_1435 : i32
        %get3A_1437 = arith.index_cast %add3A_1436 : i32 to index
        %get3A_1438 = arith.constant 96 : index
        %get3A_1439 = tpu.vector_load %arg12[%get3A_1437, %get3A_1438] {strides = array<i32>} : memref<160x128xf32, #tpu.memory_space<vmem>>, vector<16xf32>,
        %mul3A_1440 = arith.mulf %gather3A_598, %get3A_1439 : vector<16xf32>
        %max3A_1441 = arith.maximumf %max3A_1434, %mul3A_1440 : vector<16xf32>
        %get3A_1442 = arith.index_cast %add3A_59 : i32 to index
        %get3A_1443 = arith.constant 96 : index
        %get3A_1444 = tpu.vector_load %arg20[%get3A_1442, %get3A_1443] {strides = array<i32>} : memref<32x128xf32, #tpu.memory_space<vmem>>, vector<16xf32>,
        %mul3A_1445 = arith.mulf %sub3A_602, %max3A_1441 : vector<16xf32>
        %add3A_1446 = arith.addf %get3A_1444, %mul3A_1445 : vector<16xf32>
        %get3A_1447 = arith.index_cast %add3A_533 : i32 to index
        %get3A_1448 = arith.constant 96 : index
        %get3A_1449 = tpu.vector_load %arg16[%get3A_1447, %get3A_1448] {strides = array<i32>} : memref<32x128xf32, #tpu.memory_space<vmem>>, vector<16xf32>,
        %mul3A_1450 = arith.mulf %gather3A_600, %get3A_1449 : vector<16xf32>
        %add3A_1451 = arith.addf %add3A_1446, %mul3A_1450 : vector<16xf32>
        %swap3A_1452 = arith.index_cast %add3A_59 : i32 to index
        %swap3A_1453 = arith.constant 96 : index
        %swap3A_1454 = tpu.vector_load %arg20[%swap3A_1452, %swap3A_1453] {strides = array<i32>} : memref<32x128xf32, #tpu.memory_space<vmem>>, vector<16xf32>,
        tpu.vector_store %arg20[%swap3A_1452, %swap3A_1453], %add3A_1451 {strides = array<i32>} : memref<32x128xf32, #tpu.memory_space<vmem>>, vector<16xf32>,
        %get3A_1455 = arith.index_cast %mul3A_535 : i32 to index
        %get3A_1456 = arith.constant 112 : index
        %get3A_1457 = tpu.vector_load %arg12[%get3A_1455, %get3A_1456] {strides = array<i32>} : memref<160x128xf32, #tpu.memory_space<vmem>>, vector<16xf32>,
        %mul3A_1458 = arith.mulf %gather3A, %get3A_1457 : vector<16xf32>
        %add3A_1459 = arith.constant 1 : i32
        %add3A_1460 = arith.addi %mul3A_535, %add3A_1459 : i32
        %get3A_1461 = arith.index_cast %add3A_1460 : i32 to index
        %get3A_1462 = arith.constant 112 : index
        %get3A_1463 = tpu.vector_load %arg12[%get3A_1461, %get3A_1462] {strides = array<i32>} : memref<160x128xf32, #tpu.memory_space<vmem>>, vector<16xf32>,
        %mul3A_1464 = arith.mulf %gather3A_542, %get3A_1463 : vector<16xf32>
        %max3A_1465 = arith.maximumf %mul3A_1458, %mul3A_1464 : vector<16xf32>
        %add3A_1466 = arith.constant 2 : i32
        %add3A_1467 = arith.addi %mul3A_535, %add3A_1466 : i32
        %get3A_1468 = arith.index_cast %add3A_1467 : i32 to index
        %get3A_1469 = arith.constant 112 : index
        %get3A_1470 = tpu.vector_load %arg12[%get3A_1468, %get3A_1469] {strides = array<i32>} : memref<160x128xf32, #tpu.memory_space<vmem>>, vector<16xf32>,
        %mul3A_1471 = arith.mulf %gather3A_546, %get3A_1470 : vector<16xf32>
        %max3A_1472 = arith.maximumf %max3A_1465, %mul3A_1471 : vector<16xf32>
        %add3A_1473 = arith.constant 3 : i32
        %add3A_1474 = arith.addi %mul3A_535, %add3A_1473 : i32
        %get3A_1475 = arith.index_cast %add3A_1474 : i32 to index
        %get3A_1476 = arith.constant 112 : index
        %get3A_1477 = tpu.vector_load %arg12[%get3A_1475, %get3A_1476] {strides = array<i32>} : memref<160x128xf32, #tpu.memory_space<vmem>>, vector<16xf32>,
        %mul3A_1478 = arith.mulf %gather3A_550, %get3A_1477 : vector<16xf32>
        %max3A_1479 = arith.maximumf %max3A_1472, %mul3A_1478 : vector<16xf32>
        %add3A_1480 = arith.constant 4 : i32
        %add3A_1481 = arith.addi %mul3A_535, %add3A_1480 : i32
        %get3A_1482 = arith.index_cast %add3A_1481 : i32 to index
        %get3A_1483 = arith.constant 112 : index
        %get3A_1484 = tpu.vector_load %arg12[%get3A_1482, %get3A_1483] {strides = array<i32>} : memref<160x128xf32, #tpu.memory_space<vmem>>, vector<16xf32>,
        %mul3A_1485 = arith.mulf %gather3A_554, %get3A_1484 : vector<16xf32>
        %max3A_1486 = arith.maximumf %max3A_1479, %mul3A_1485 : vector<16xf32>
        %add3A_1487 = arith.constant 5 : i32
        %add3A_1488 = arith.addi %mul3A_535, %add3A_1487 : i32
        %get3A_1489 = arith.index_cast %add3A_1488 : i32 to index
        %get3A_1490 = arith.constant 112 : index
        %get3A_1491 = tpu.vector_load %arg12[%get3A_1489, %get3A_1490] {strides = array<i32>} : memref<160x128xf32, #tpu.memory_space<vmem>>, vector<16xf32>,
        %mul3A_1492 = arith.mulf %gather3A_558, %get3A_1491 : vector<16xf32>
        %max3A_1493 = arith.maximumf %max3A_1486, %mul3A_1492 : vector<16xf32>
        %add3A_1494 = arith.constant 6 : i32
        %add3A_1495 = arith.addi %mul3A_535, %add3A_1494 : i32
        %get3A_1496 = arith.index_cast %add3A_1495 : i32 to index
        %get3A_1497 = arith.constant 112 : index
        %get3A_1498 = tpu.vector_load %arg12[%get3A_1496, %get3A_1497] {strides = array<i32>} : memref<160x128xf32, #tpu.memory_space<vmem>>, vector<16xf32>,
        %mul3A_1499 = arith.mulf %gather3A_562, %get3A_1498 : vector<16xf32>
        %max3A_1500 = arith.maximumf %max3A_1493, %mul3A_1499 : vector<16xf32>
        %add3A_1501 = arith.constant 7 : i32
        %add3A_1502 = arith.addi %mul3A_535, %add3A_1501 : i32
        %get3A_1503 = arith.index_cast %add3A_1502 : i32 to index
        %get3A_1504 = arith.constant 112 : index
        %get3A_1505 = tpu.vector_load %arg12[%get3A_1503, %get3A_1504] {strides = array<i32>} : memref<160x128xf32, #tpu.memory_space<vmem>>, vector<16xf32>,
        %mul3A_1506 = arith.mulf %gather3A_566, %get3A_1505 : vector<16xf32>
        %max3A_1507 = arith.maximumf %max3A_1500, %mul3A_1506 : vector<16xf32>
        %add3A_1508 = arith.constant 8 : i32
        %add3A_1509 = arith.addi %mul3A_535, %add3A_1508 : i32
        %get3A_1510 = arith.index_cast %add3A_1509 : i32 to index
        %get3A_1511 = arith.constant 112 : index
        %get3A_1512 = tpu.vector_load %arg12[%get3A_1510, %get3A_1511] {strides = array<i32>} : memref<160x128xf32, #tpu.memory_space<vmem>>, vector<16xf32>,
        %mul3A_1513 = arith.mulf %gather3A_570, %get3A_1512 : vector<16xf32>
        %max3A_1514 = arith.maximumf %max3A_1507, %mul3A_1513 : vector<16xf32>
        %add3A_1515 = arith.constant 9 : i32
        %add3A_1516 = arith.addi %mul3A_535, %add3A_1515 : i32
        %get3A_1517 = arith.index_cast %add3A_1516 : i32 to index
        %get3A_1518 = arith.constant 112 : index
        %get3A_1519 = tpu.vector_load %arg12[%get3A_1517, %get3A_1518] {strides = array<i32>} : memref<160x128xf32, #tpu.memory_space<vmem>>, vector<16xf32>,
        %mul3A_1520 = arith.mulf %gather3A_574, %get3A_1519 : vector<16xf32>
        %max3A_1521 = arith.maximumf %max3A_1514, %mul3A_1520 : vector<16xf32>
        %add3A_1522 = arith.constant 10 : i32
        %add3A_1523 = arith.addi %mul3A_535, %add3A_1522 : i32
        %get3A_1524 = arith.index_cast %add3A_1523 : i32 to index
        %get3A_1525 = arith.constant 112 : index
        %get3A_1526 = tpu.vector_load %arg12[%get3A_1524, %get3A_1525] {strides = array<i32>} : memref<160x128xf32, #tpu.memory_space<vmem>>, vector<16xf32>,
        %mul3A_1527 = arith.mulf %gather3A_578, %get3A_1526 : vector<16xf32>
        %max3A_1528 = arith.maximumf %max3A_1521, %mul3A_1527 : vector<16xf32>
        %add3A_1529 = arith.constant 11 : i32
        %add3A_1530 = arith.addi %mul3A_535, %add3A_1529 : i32
        %get3A_1531 = arith.index_cast %add3A_1530 : i32 to index
        %get3A_1532 = arith.constant 112 : index
        %get3A_1533 = tpu.vector_load %arg12[%get3A_1531, %get3A_1532] {strides = array<i32>} : memref<160x128xf32, #tpu.memory_space<vmem>>, vector<16xf32>,
        %mul3A_1534 = arith.mulf %gather3A_582, %get3A_1533 : vector<16xf32>
        %max3A_1535 = arith.maximumf %max3A_1528, %mul3A_1534 : vector<16xf32>
        %add3A_1536 = arith.constant 12 : i32
        %add3A_1537 = arith.addi %mul3A_535, %add3A_1536 : i32
        %get3A_1538 = arith.index_cast %add3A_1537 : i32 to index
        %get3A_1539 = arith.constant 112 : index
        %get3A_1540 = tpu.vector_load %arg12[%get3A_1538, %get3A_1539] {strides = array<i32>} : memref<160x128xf32, #tpu.memory_space<vmem>>, vector<16xf32>,
        %mul3A_1541 = arith.mulf %gather3A_586, %get3A_1540 : vector<16xf32>
        %max3A_1542 = arith.maximumf %max3A_1535, %mul3A_1541 : vector<16xf32>
        %add3A_1543 = arith.constant 13 : i32
        %add3A_1544 = arith.addi %mul3A_535, %add3A_1543 : i32
        %get3A_1545 = arith.index_cast %add3A_1544 : i32 to index
        %get3A_1546 = arith.constant 112 : index
        %get3A_1547 = tpu.vector_load %arg12[%get3A_1545, %get3A_1546] {strides = array<i32>} : memref<160x128xf32, #tpu.memory_space<vmem>>, vector<16xf32>,
        %mul3A_1548 = arith.mulf %gather3A_590, %get3A_1547 : vector<16xf32>
        %max3A_1549 = arith.maximumf %max3A_1542, %mul3A_1548 : vector<16xf32>
        %add3A_1550 = arith.constant 14 : i32
        %add3A_1551 = arith.addi %mul3A_535, %add3A_1550 : i32
        %get3A_1552 = arith.index_cast %add3A_1551 : i32 to index
        %get3A_1553 = arith.constant 112 : index
        %get3A_1554 = tpu.vector_load %arg12[%get3A_1552, %get3A_1553] {strides = array<i32>} : memref<160x128xf32, #tpu.memory_space<vmem>>, vector<16xf32>,
        %mul3A_1555 = arith.mulf %gather3A_594, %get3A_1554 : vector<16xf32>
        %max3A_1556 = arith.maximumf %max3A_1549, %mul3A_1555 : vector<16xf32>
        %add3A_1557 = arith.constant 15 : i32
        %add3A_1558 = arith.addi %mul3A_535, %add3A_1557 : i32
        %get3A_1559 = arith.index_cast %add3A_1558 : i32 to index
        %get3A_1560 = arith.constant 112 : index
        %get3A_1561 = tpu.vector_load %arg12[%get3A_1559, %get3A_1560] {strides = array<i32>} : memref<160x128xf32, #tpu.memory_space<vmem>>, vector<16xf32>,
        %mul3A_1562 = arith.mulf %gather3A_598, %get3A_1561 : vector<16xf32>
        %max3A_1563 = arith.maximumf %max3A_1556, %mul3A_1562 : vector<16xf32>
        %get3A_1564 = arith.index_cast %add3A_59 : i32 to index
        %get3A_1565 = arith.constant 112 : index
        %get3A_1566 = tpu.vector_load %arg20[%get3A_1564, %get3A_1565] {strides = array<i32>} : memref<32x128xf32, #tpu.memory_space<vmem>>, vector<16xf32>,
        %mul3A_1567 = arith.mulf %sub3A_602, %max3A_1563 : vector<16xf32>
        %add3A_1568 = arith.addf %get3A_1566, %mul3A_1567 : vector<16xf32>
        %get3A_1569 = arith.index_cast %add3A_533 : i32 to index
        %get3A_1570 = arith.constant 112 : index
        %get3A_1571 = tpu.vector_load %arg16[%get3A_1569, %get3A_1570] {strides = array<i32>} : memref<32x128xf32, #tpu.memory_space<vmem>>, vector<16xf32>,
        %mul3A_1572 = arith.mulf %gather3A_600, %get3A_1571 : vector<16xf32>
        %add3A_1573 = arith.addf %add3A_1568, %mul3A_1572 : vector<16xf32>
        %swap3A_1574 = arith.index_cast %add3A_59 : i32 to index
        %swap3A_1575 = arith.constant 112 : index
        %swap3A_1576 = tpu.vector_load %arg20[%swap3A_1574, %swap3A_1575] {strides = array<i32>} : memref<32x128xf32, #tpu.memory_space<vmem>>, vector<16xf32>,
        tpu.vector_store %arg20[%swap3A_1574, %swap3A_1575], %add3A_1573 {strides = array<i32>} : memref<32x128xf32, #tpu.memory_space<vmem>>, vector<16xf32>,
      }
      %scan3A_224 = arith.constant 10 : i32
      %add3A_225 = arith.constant 1 : i32
      %add3A_226 = arith.addi %add3A_59, %add3A_225 : i32
      %lt3A = arith.constant 32 : i32
      %lt3A_227 = arith.cmpi slt, %add3A_226, %lt3A : i32
      %convert_element_type3A = arith.extui %lt3A_227 : i1 to i32
      %cond3A = arith.constant 0 : i32
      %cond3A_228 = arith.cmpi ne, %convert_element_type3A, %cond3A : i32
      scf.if %cond3A_228 {
        %add3A_531 = arith.constant 1 : i32
        %add3A_532 = arith.addi %add3A_59, %add3A_531 : i32
        %mul3A_533 = arith.constant 4 : i32
        %mul3A_534 = arith.muli %add3A_532, %mul3A_533 : i32
        %add3A_535 = arith.constant 0 : i32
        %add3A_536 = arith.addi %mul3A_534, %add3A_535 : i32
        %add3A_537 = arith.constant 0 : i32
        %add3A_538 = arith.addi %add3A_536, %add3A_537 : i32
        %mul3A_539 = arith.constant 80 : i32
        %mul3A_540 = arith.muli %add3A_538, %mul3A_539 : i32
        %mul3A_541 = arith.constant 4 : i32
        %mul3A_542 = arith.muli %add3A_532, %mul3A_541 : i32
        %add3A_543 = arith.constant 0 : i32
        %add3A_544 = arith.addi %mul3A_542, %add3A_543 : i32
        %add3A_545 = arith.constant 0 : i32
        %add3A_546 = arith.addi %add3A_544, %add3A_545 : i32
        %mul3A_547 = arith.constant 80 : i32
        %mul3A_548 = arith.muli %add3A_546, %mul3A_547 : i32
        %mul3A_549 = arith.constant 4 : i32
        %mul3A_550 = arith.muli %add3A_532, %mul3A_549 : i32
        %add3A_551 = arith.constant 0 : i32
        %add3A_552 = arith.addi %mul3A_550, %add3A_551 : i32
        %add3A_553 = arith.constant 1 : i32
        %add3A_554 = arith.addi %add3A_552, %add3A_553 : i32
        %mul3A_555 = arith.constant 80 : i32
        %mul3A_556 = arith.muli %add3A_554, %mul3A_555 : i32
        %mul3A_557 = arith.constant 4 : i32
        %mul3A_558 = arith.muli %add3A_532, %mul3A_557 : i32
        %add3A_559 = arith.constant 0 : i32
        %add3A_560 = arith.addi %mul3A_558, %add3A_559 : i32
        %add3A_561 = arith.constant 1 : i32
        %add3A_562 = arith.addi %add3A_560, %add3A_561 : i32
        %mul3A_563 = arith.constant 80 : i32
        %mul3A_564 = arith.muli %add3A_562, %mul3A_563 : i32
        %add3A_565 = arith.constant 1 : i32
        %add3A_566 = arith.addi %add3A_59, %add3A_565 : i32
        %mul3A_567 = arith.constant 32 : i32
        %mul3A_568 = arith.muli %add3A_566, %mul3A_567 : i32
        %dma_start3A_569 = arith.constant 0 : i32
        %dma_start3A_570 = arith.constant 0 : i32
        %dma_start3A_571 = tpu.memref_slice %arg12[%dma_start3A_569, %dma_start3A_570] : memref<160x128xf32, #tpu.memory_space<vmem>> -> memref<80x128xf32, #tpu.memory_space<vmem>>
        %dma_start3A_572 = tpu.memref_slice %arg10[%mul3A_540] : memref<10240xi32, #tpu.memory_space<vmem>> -> memref<80xi32, #tpu.memory_space<vmem>>
        %dma_start3A_573 = arith.constant 0 : i32
        %dma_start3A_574 = arith.constant 0 : i32
        %dma_start3A_575 = tpu.memref_slice %arg2[%dma_start3A_573, %dma_start3A_574] : memref<5000x128xf32, #tpu.memory_space<hbm>> -> memref<5000x128xf32, #tpu.memory_space<hbm>>
        tpu.enqueue_indirect_dma source(%dma_start3A_575 : memref<5000x128xf32, #tpu.memory_space<hbm>>) target(%dma_start3A_571 : memref<80x128xf32, #tpu.memory_space<vmem>>) offsets(%dma_start3A_572 : memref<80xi32, #tpu.memory_space<vmem>>) semaphore(%arg21 : memref<!tpu.dma_semaphore, #tpu.memory_space<semaphore_mem>>)
        %dma_start3A_576 = arith.constant 0 : i32
        %dma_start3A_577 = tpu.memref_slice %arg14[%dma_start3A_576] : memref<160xf32, #tpu.memory_space<vmem>> -> memref<80xf32, #tpu.memory_space<vmem>>
        %dma_start3A_578 = tpu.memref_slice %arg11[%mul3A_548] : memref<10240xi32, #tpu.memory_space<vmem>> -> memref<80xi32, #tpu.memory_space<vmem>>
        %dma_start3A_579 = arith.constant 0 : i32
        %dma_start3A_580 = tpu.memref_slice %arg3[%dma_start3A_579] : memref<24995840xf32, #tpu.memory_space<hbm>> -> memref<24995840xf32, #tpu.memory_space<hbm>>
        tpu.enqueue_indirect_dma source(%dma_start3A_580 : memref<24995840xf32, #tpu.memory_space<hbm>>) target(%dma_start3A_577 : memref<80xf32, #tpu.memory_space<vmem>>) offsets(%dma_start3A_578 : memref<80xi32, #tpu.memory_space<vmem>>) semaphore(%arg21 : memref<!tpu.dma_semaphore, #tpu.memory_space<semaphore_mem>>)
        %dma_start3A_581 = arith.constant 80 : i32
        %dma_start3A_582 = arith.constant 0 : i32
        %dma_start3A_583 = tpu.memref_slice %arg12[%dma_start3A_581, %dma_start3A_582] : memref<160x128xf32, #tpu.memory_space<vmem>> -> memref<80x128xf32, #tpu.memory_space<vmem>>
        %dma_start3A_584 = tpu.memref_slice %arg10[%mul3A_556] : memref<10240xi32, #tpu.memory_space<vmem>> -> memref<80xi32, #tpu.memory_space<vmem>>
        %dma_start3A_585 = arith.constant 0 : i32
        %dma_start3A_586 = arith.constant 0 : i32
        %dma_start3A_587 = tpu.memref_slice %arg2[%dma_start3A_585, %dma_start3A_586] : memref<5000x128xf32, #tpu.memory_space<hbm>> -> memref<5000x128xf32, #tpu.memory_space<hbm>>
        tpu.enqueue_indirect_dma source(%dma_start3A_587 : memref<5000x128xf32, #tpu.memory_space<hbm>>) target(%dma_start3A_583 : memref<80x128xf32, #tpu.memory_space<vmem>>) offsets(%dma_start3A_584 : memref<80xi32, #tpu.memory_space<vmem>>) semaphore(%arg21 : memref<!tpu.dma_semaphore, #tpu.memory_space<semaphore_mem>>)
        %dma_start3A_588 = arith.constant 80 : i32
        %dma_start3A_589 = tpu.memref_slice %arg14[%dma_start3A_588] : memref<160xf32, #tpu.memory_space<vmem>> -> memref<80xf32, #tpu.memory_space<vmem>>
        %dma_start3A_590 = tpu.memref_slice %arg11[%mul3A_564] : memref<10240xi32, #tpu.memory_space<vmem>> -> memref<80xi32, #tpu.memory_space<vmem>>
        %dma_start3A_591 = arith.constant 0 : i32
        %dma_start3A_592 = tpu.memref_slice %arg3[%dma_start3A_591] : memref<24995840xf32, #tpu.memory_space<hbm>> -> memref<24995840xf32, #tpu.memory_space<hbm>>
        tpu.enqueue_indirect_dma source(%dma_start3A_592 : memref<24995840xf32, #tpu.memory_space<hbm>>) target(%dma_start3A_589 : memref<80xf32, #tpu.memory_space<vmem>>) offsets(%dma_start3A_590 : memref<80xi32, #tpu.memory_space<vmem>>) semaphore(%arg21 : memref<!tpu.dma_semaphore, #tpu.memory_space<semaphore_mem>>)
        %dma_start3A_593 = tpu.memref_slice %arg9[%mul3A_568] : memref<1024xi32, #tpu.memory_space<vmem>> -> memref<32xi32, #tpu.memory_space<vmem>>
        %dma_start3A_594 = arith.constant 0 : i32
        %dma_start3A_595 = arith.constant 0 : i32
        %dma_start3A_596 = tpu.memref_slice %arg2[%dma_start3A_594, %dma_start3A_595] : memref<5000x128xf32, #tpu.memory_space<hbm>> -> memref<5000x128xf32, #tpu.memory_space<hbm>>
        tpu.enqueue_indirect_dma source(%dma_start3A_596 : memref<5000x128xf32, #tpu.memory_space<hbm>>) target(%arg17 : memref<32x128xf32, #tpu.memory_space<vmem>>) offsets(%dma_start3A_593 : memref<32xi32, #tpu.memory_space<vmem>>) semaphore(%arg24 : memref<!tpu.dma_semaphore, #tpu.memory_space<semaphore_mem>>)
        %dma_start3A_597 = tpu.memref_slice %arg9[%mul3A_568] : memref<1024xi32, #tpu.memory_space<vmem>> -> memref<32xi32, #tpu.memory_space<vmem>>
        %dma_start3A_598 = arith.constant 0 : i32
        %dma_start3A_599 = tpu.memref_slice %arg4[%dma_start3A_598] : memref<5000xf32, #tpu.memory_space<hbm>> -> memref<5000xf32, #tpu.memory_space<hbm>>
        tpu.enqueue_indirect_dma source(%dma_start3A_599 : memref<5000xf32, #tpu.memory_space<hbm>>) target(%arg19 : memref<32xf32, #tpu.memory_space<vmem>>) offsets(%dma_start3A_597 : memref<32xi32, #tpu.memory_space<vmem>>) semaphore(%arg24 : memref<!tpu.dma_semaphore, #tpu.memory_space<semaphore_mem>>)
      } else {
      }
      %mul3A_229 = arith.constant 4 : i32
      %mul3A_230 = arith.muli %add3A_59, %mul3A_229 : i32
      %add3A_231 = arith.constant 2 : i32
      %add3A_232 = arith.addi %mul3A_230, %add3A_231 : i32
      %add3A_233 = arith.constant 0 : i32
      %add3A_234 = arith.addi %add3A_232, %add3A_233 : i32
      %mul3A_235 = arith.constant 80 : i32
      %mul3A_236 = arith.muli %add3A_234, %mul3A_235 : i32
      %mul3A_237 = arith.constant 4 : i32
      %mul3A_238 = arith.muli %add3A_59, %mul3A_237 : i32
      %add3A_239 = arith.constant 2 : i32
      %add3A_240 = arith.addi %mul3A_238, %add3A_239 : i32
      %add3A_241 = arith.constant 0 : i32
      %add3A_242 = arith.addi %add3A_240, %add3A_241 : i32
      %mul3A_243 = arith.constant 80 : i32
      %mul3A_244 = arith.muli %add3A_242, %mul3A_243 : i32
      %mul3A_245 = arith.constant 4 : i32
      %mul3A_246 = arith.muli %add3A_59, %mul3A_245 : i32
      %add3A_247 = arith.constant 2 : i32
      %add3A_248 = arith.addi %mul3A_246, %add3A_247 : i32
      %add3A_249 = arith.constant 1 : i32
      %add3A_250 = arith.addi %add3A_248, %add3A_249 : i32
      %mul3A_251 = arith.constant 80 : i32
      %mul3A_252 = arith.muli %add3A_250, %mul3A_251 : i32
      %mul3A_253 = arith.constant 4 : i32
      %mul3A_254 = arith.muli %add3A_59, %mul3A_253 : i32
      %add3A_255 = arith.constant 2 : i32
      %add3A_256 = arith.addi %mul3A_254, %add3A_255 : i32
      %add3A_257 = arith.constant 1 : i32
      %add3A_258 = arith.addi %add3A_256, %add3A_257 : i32
      %mul3A_259 = arith.constant 80 : i32
      %mul3A_260 = arith.muli %add3A_258, %mul3A_259 : i32
      %dma_wait3A_261 = arith.constant 0 : i32
      %dma_wait3A_262 = arith.constant 0 : i32
      %dma_wait3A_263 = tpu.memref_slice %arg13[%dma_wait3A_261, %dma_wait3A_262] : memref<160x128xf32, #tpu.memory_space<vmem>> -> memref<80x128xf32, #tpu.memory_space<vmem>>
      %dma_wait3A_264 = tpu.memref_slice %arg10[%mul3A_236] : memref<10240xi32, #tpu.memory_space<vmem>> -> memref<80xi32, #tpu.memory_space<vmem>>
      %dma_wait3A_265 = arith.constant 0 : i32
      %dma_wait3A_266 = arith.constant 0 : i32
      %dma_wait3A_267 = tpu.memref_slice %arg2[%dma_wait3A_265, %dma_wait3A_266] : memref<5000x128xf32, #tpu.memory_space<hbm>> -> memref<5000x128xf32, #tpu.memory_space<hbm>>
      tpu.wait_indirect_dma semaphore(%arg22 : memref<!tpu.dma_semaphore, #tpu.memory_space<semaphore_mem>>) src(%dma_wait3A_267 : memref<5000x128xf32, #tpu.memory_space<hbm>>) dst(%dma_wait3A_263 : memref<80x128xf32, #tpu.memory_space<vmem>>)
      %dma_wait3A_268 = arith.constant 0 : i32
      %dma_wait3A_269 = tpu.memref_slice %arg15[%dma_wait3A_268] : memref<160xf32, #tpu.memory_space<vmem>> -> memref<80xf32, #tpu.memory_space<vmem>>
      %dma_wait3A_270 = tpu.memref_slice %arg11[%mul3A_244] : memref<10240xi32, #tpu.memory_space<vmem>> -> memref<80xi32, #tpu.memory_space<vmem>>
      %dma_wait3A_271 = arith.constant 0 : i32
      %dma_wait3A_272 = tpu.memref_slice %arg3[%dma_wait3A_271] : memref<24995840xf32, #tpu.memory_space<hbm>> -> memref<24995840xf32, #tpu.memory_space<hbm>>
      tpu.wait_indirect_dma semaphore(%arg22 : memref<!tpu.dma_semaphore, #tpu.memory_space<semaphore_mem>>) src(%dma_wait3A_272 : memref<24995840xf32, #tpu.memory_space<hbm>>) dst(%dma_wait3A_269 : memref<80xf32, #tpu.memory_space<vmem>>)
      %dma_wait3A_273 = arith.constant 80 : i32
      %dma_wait3A_274 = arith.constant 0 : i32
      %dma_wait3A_275 = tpu.memref_slice %arg13[%dma_wait3A_273, %dma_wait3A_274] : memref<160x128xf32, #tpu.memory_space<vmem>> -> memref<80x128xf32, #tpu.memory_space<vmem>>
      %dma_wait3A_276 = tpu.memref_slice %arg10[%mul3A_252] : memref<10240xi32, #tpu.memory_space<vmem>> -> memref<80xi32, #tpu.memory_space<vmem>>
      %dma_wait3A_277 = arith.constant 0 : i32
      %dma_wait3A_278 = arith.constant 0 : i32
      %dma_wait3A_279 = tpu.memref_slice %arg2[%dma_wait3A_277, %dma_wait3A_278] : memref<5000x128xf32, #tpu.memory_space<hbm>> -> memref<5000x128xf32, #tpu.memory_space<hbm>>
      tpu.wait_indirect_dma semaphore(%arg22 : memref<!tpu.dma_semaphore, #tpu.memory_space<semaphore_mem>>) src(%dma_wait3A_279 : memref<5000x128xf32, #tpu.memory_space<hbm>>) dst(%dma_wait3A_275 : memref<80x128xf32, #tpu.memory_space<vmem>>)
      %dma_wait3A_280 = arith.constant 80 : i32
      %dma_wait3A_281 = tpu.memref_slice %arg15[%dma_wait3A_280] : memref<160xf32, #tpu.memory_space<vmem>> -> memref<80xf32, #tpu.memory_space<vmem>>
      %dma_wait3A_282 = tpu.memref_slice %arg11[%mul3A_260] : memref<10240xi32, #tpu.memory_space<vmem>> -> memref<80xi32, #tpu.memory_space<vmem>>
      %dma_wait3A_283 = arith.constant 0 : i32
      %dma_wait3A_284 = tpu.memref_slice %arg3[%dma_wait3A_283] : memref<24995840xf32, #tpu.memory_space<hbm>> -> memref<24995840xf32, #tpu.memory_space<hbm>>
      tpu.wait_indirect_dma semaphore(%arg22 : memref<!tpu.dma_semaphore, #tpu.memory_space<semaphore_mem>>) src(%dma_wait3A_284 : memref<24995840xf32, #tpu.memory_space<hbm>>) dst(%dma_wait3A_281 : memref<80xf32, #tpu.memory_space<vmem>>)
      %scan3A_285 = arith.constant 0 : i32
      %scan3A_286 = arith.constant 0 : i32
      %scan3A_287 = arith.constant 10 : i32
      %scan3A_288 = arith.addi %scan3A_286, %scan3A_287 : i32
      %scan3A_289 = arith.constant 1 : i32
      scf.for %scan3A_531 = %scan3A_286 to %scan3A_288 step %scan3A_289  : i32 {
        %add3A_532 = arith.constant 10 : i32
        %add3A_533 = arith.addi %add3A_532, %scan3A_531 : i32
        %mul3A_534 = arith.constant 16 : i32
        %mul3A_535 = arith.muli %scan3A_531, %mul3A_534 : i32
        %add3A_536 = arith.constant 0 : i32
        %add3A_537 = arith.addi %mul3A_535, %add3A_536 : i32
        %broadcast_in_dim3A_538 = vector.broadcast %add3A_537 : i32 to vector<16xi32>
        %gather3A = tpu.vector_load_idx %arg15[%broadcast_in_dim3A_538] : memref<160xf32, #tpu.memory_space<vmem>>[vector<16xi32>], vector<16xf32>,
        %add3A_539 = arith.constant 1 : i32
        %add3A_540 = arith.addi %mul3A_535, %add3A_539 : i32
        %broadcast_in_dim3A_541 = vector.broadcast %add3A_540 : i32 to vector<16xi32>
        %gather3A_542 = tpu.vector_load_idx %arg15[%broadcast_in_dim3A_541] : memref<160xf32, #tpu.memory_space<vmem>>[vector<16xi32>], vector<16xf32>,
        %add3A_543 = arith.constant 2 : i32
        %add3A_544 = arith.addi %mul3A_535, %add3A_543 : i32
        %broadcast_in_dim3A_545 = vector.broadcast %add3A_544 : i32 to vector<16xi32>
        %gather3A_546 = tpu.vector_load_idx %arg15[%broadcast_in_dim3A_545] : memref<160xf32, #tpu.memory_space<vmem>>[vector<16xi32>], vector<16xf32>,
        %add3A_547 = arith.constant 3 : i32
        %add3A_548 = arith.addi %mul3A_535, %add3A_547 : i32
        %broadcast_in_dim3A_549 = vector.broadcast %add3A_548 : i32 to vector<16xi32>
        %gather3A_550 = tpu.vector_load_idx %arg15[%broadcast_in_dim3A_549] : memref<160xf32, #tpu.memory_space<vmem>>[vector<16xi32>], vector<16xf32>,
        %add3A_551 = arith.constant 4 : i32
        %add3A_552 = arith.addi %mul3A_535, %add3A_551 : i32
        %broadcast_in_dim3A_553 = vector.broadcast %add3A_552 : i32 to vector<16xi32>
        %gather3A_554 = tpu.vector_load_idx %arg15[%broadcast_in_dim3A_553] : memref<160xf32, #tpu.memory_space<vmem>>[vector<16xi32>], vector<16xf32>,
        %add3A_555 = arith.constant 5 : i32
        %add3A_556 = arith.addi %mul3A_535, %add3A_555 : i32
        %broadcast_in_dim3A_557 = vector.broadcast %add3A_556 : i32 to vector<16xi32>
        %gather3A_558 = tpu.vector_load_idx %arg15[%broadcast_in_dim3A_557] : memref<160xf32, #tpu.memory_space<vmem>>[vector<16xi32>], vector<16xf32>,
        %add3A_559 = arith.constant 6 : i32
        %add3A_560 = arith.addi %mul3A_535, %add3A_559 : i32
        %broadcast_in_dim3A_561 = vector.broadcast %add3A_560 : i32 to vector<16xi32>
        %gather3A_562 = tpu.vector_load_idx %arg15[%broadcast_in_dim3A_561] : memref<160xf32, #tpu.memory_space<vmem>>[vector<16xi32>], vector<16xf32>,
        %add3A_563 = arith.constant 7 : i32
        %add3A_564 = arith.addi %mul3A_535, %add3A_563 : i32
        %broadcast_in_dim3A_565 = vector.broadcast %add3A_564 : i32 to vector<16xi32>
        %gather3A_566 = tpu.vector_load_idx %arg15[%broadcast_in_dim3A_565] : memref<160xf32, #tpu.memory_space<vmem>>[vector<16xi32>], vector<16xf32>,
        %add3A_567 = arith.constant 8 : i32
        %add3A_568 = arith.addi %mul3A_535, %add3A_567 : i32
        %broadcast_in_dim3A_569 = vector.broadcast %add3A_568 : i32 to vector<16xi32>
        %gather3A_570 = tpu.vector_load_idx %arg15[%broadcast_in_dim3A_569] : memref<160xf32, #tpu.memory_space<vmem>>[vector<16xi32>], vector<16xf32>,
        %add3A_571 = arith.constant 9 : i32
        %add3A_572 = arith.addi %mul3A_535, %add3A_571 : i32
        %broadcast_in_dim3A_573 = vector.broadcast %add3A_572 : i32 to vector<16xi32>
        %gather3A_574 = tpu.vector_load_idx %arg15[%broadcast_in_dim3A_573] : memref<160xf32, #tpu.memory_space<vmem>>[vector<16xi32>], vector<16xf32>,
        %add3A_575 = arith.constant 10 : i32
        %add3A_576 = arith.addi %mul3A_535, %add3A_575 : i32
        %broadcast_in_dim3A_577 = vector.broadcast %add3A_576 : i32 to vector<16xi32>
        %gather3A_578 = tpu.vector_load_idx %arg15[%broadcast_in_dim3A_577] : memref<160xf32, #tpu.memory_space<vmem>>[vector<16xi32>], vector<16xf32>,
        %add3A_579 = arith.constant 11 : i32
        %add3A_580 = arith.addi %mul3A_535, %add3A_579 : i32
        %broadcast_in_dim3A_581 = vector.broadcast %add3A_580 : i32 to vector<16xi32>
        %gather3A_582 = tpu.vector_load_idx %arg15[%broadcast_in_dim3A_581] : memref<160xf32, #tpu.memory_space<vmem>>[vector<16xi32>], vector<16xf32>,
        %add3A_583 = arith.constant 12 : i32
        %add3A_584 = arith.addi %mul3A_535, %add3A_583 : i32
        %broadcast_in_dim3A_585 = vector.broadcast %add3A_584 : i32 to vector<16xi32>
        %gather3A_586 = tpu.vector_load_idx %arg15[%broadcast_in_dim3A_585] : memref<160xf32, #tpu.memory_space<vmem>>[vector<16xi32>], vector<16xf32>,
        %add3A_587 = arith.constant 13 : i32
        %add3A_588 = arith.addi %mul3A_535, %add3A_587 : i32
        %broadcast_in_dim3A_589 = vector.broadcast %add3A_588 : i32 to vector<16xi32>
        %gather3A_590 = tpu.vector_load_idx %arg15[%broadcast_in_dim3A_589] : memref<160xf32, #tpu.memory_space<vmem>>[vector<16xi32>], vector<16xf32>,
        %add3A_591 = arith.constant 14 : i32
        %add3A_592 = arith.addi %mul3A_535, %add3A_591 : i32
        %broadcast_in_dim3A_593 = vector.broadcast %add3A_592 : i32 to vector<16xi32>
        %gather3A_594 = tpu.vector_load_idx %arg15[%broadcast_in_dim3A_593] : memref<160xf32, #tpu.memory_space<vmem>>[vector<16xi32>], vector<16xf32>,
        %add3A_595 = arith.constant 15 : i32
        %add3A_596 = arith.addi %mul3A_535, %add3A_595 : i32
        %broadcast_in_dim3A_597 = vector.broadcast %add3A_596 : i32 to vector<16xi32>
        %gather3A_598 = tpu.vector_load_idx %arg15[%broadcast_in_dim3A_597] : memref<160xf32, #tpu.memory_space<vmem>>[vector<16xi32>], vector<16xf32>,
        %broadcast_in_dim3A_599 = vector.broadcast %add3A_533 : i32 to vector<16xi32>
        %gather3A_600 = tpu.vector_load_idx %arg18[%broadcast_in_dim3A_599] : memref<32xf32, #tpu.memory_space<vmem>>[vector<16xi32>], vector<16xf32>,
        %sub3A = arith.constant 1.000000e+00 : f32
        %sub3A_601 = vector.broadcast %sub3A : f32 to vector<16xf32>
        %sub3A_602 = arith.subf %sub3A_601, %gather3A_600 : vector<16xf32>
        %get3A = arith.index_cast %mul3A_535 : i32 to index
        %get3A_603 = arith.constant 0 : index
        %get3A_604 = tpu.vector_load %arg13[%get3A, %get3A_603] {strides = array<i32>} : memref<160x128xf32, #tpu.memory_space<vmem>>, vector<16xf32>,
        %mul3A_605 = arith.mulf %gather3A, %get3A_604 : vector<16xf32>
        %add3A_606 = arith.constant 1 : i32
        %add3A_607 = arith.addi %mul3A_535, %add3A_606 : i32
        %get3A_608 = arith.index_cast %add3A_607 : i32 to index
        %get3A_609 = arith.constant 0 : index
        %get3A_610 = tpu.vector_load %arg13[%get3A_608, %get3A_609] {strides = array<i32>} : memref<160x128xf32, #tpu.memory_space<vmem>>, vector<16xf32>,
        %mul3A_611 = arith.mulf %gather3A_542, %get3A_610 : vector<16xf32>
        %max3A = arith.maximumf %mul3A_605, %mul3A_611 : vector<16xf32>
        %add3A_612 = arith.constant 2 : i32
        %add3A_613 = arith.addi %mul3A_535, %add3A_612 : i32
        %get3A_614 = arith.index_cast %add3A_613 : i32 to index
        %get3A_615 = arith.constant 0 : index
        %get3A_616 = tpu.vector_load %arg13[%get3A_614, %get3A_615] {strides = array<i32>} : memref<160x128xf32, #tpu.memory_space<vmem>>, vector<16xf32>,
        %mul3A_617 = arith.mulf %gather3A_546, %get3A_616 : vector<16xf32>
        %max3A_618 = arith.maximumf %max3A, %mul3A_617 : vector<16xf32>
        %add3A_619 = arith.constant 3 : i32
        %add3A_620 = arith.addi %mul3A_535, %add3A_619 : i32
        %get3A_621 = arith.index_cast %add3A_620 : i32 to index
        %get3A_622 = arith.constant 0 : index
        %get3A_623 = tpu.vector_load %arg13[%get3A_621, %get3A_622] {strides = array<i32>} : memref<160x128xf32, #tpu.memory_space<vmem>>, vector<16xf32>,
        %mul3A_624 = arith.mulf %gather3A_550, %get3A_623 : vector<16xf32>
        %max3A_625 = arith.maximumf %max3A_618, %mul3A_624 : vector<16xf32>
        %add3A_626 = arith.constant 4 : i32
        %add3A_627 = arith.addi %mul3A_535, %add3A_626 : i32
        %get3A_628 = arith.index_cast %add3A_627 : i32 to index
        %get3A_629 = arith.constant 0 : index
        %get3A_630 = tpu.vector_load %arg13[%get3A_628, %get3A_629] {strides = array<i32>} : memref<160x128xf32, #tpu.memory_space<vmem>>, vector<16xf32>,
        %mul3A_631 = arith.mulf %gather3A_554, %get3A_630 : vector<16xf32>
        %max3A_632 = arith.maximumf %max3A_625, %mul3A_631 : vector<16xf32>
        %add3A_633 = arith.constant 5 : i32
        %add3A_634 = arith.addi %mul3A_535, %add3A_633 : i32
        %get3A_635 = arith.index_cast %add3A_634 : i32 to index
        %get3A_636 = arith.constant 0 : index
        %get3A_637 = tpu.vector_load %arg13[%get3A_635, %get3A_636] {strides = array<i32>} : memref<160x128xf32, #tpu.memory_space<vmem>>, vector<16xf32>,
        %mul3A_638 = arith.mulf %gather3A_558, %get3A_637 : vector<16xf32>
        %max3A_639 = arith.maximumf %max3A_632, %mul3A_638 : vector<16xf32>
        %add3A_640 = arith.constant 6 : i32
        %add3A_641 = arith.addi %mul3A_535, %add3A_640 : i32
        %get3A_642 = arith.index_cast %add3A_641 : i32 to index
        %get3A_643 = arith.constant 0 : index
        %get3A_644 = tpu.vector_load %arg13[%get3A_642, %get3A_643] {strides = array<i32>} : memref<160x128xf32, #tpu.memory_space<vmem>>, vector<16xf32>,
        %mul3A_645 = arith.mulf %gather3A_562, %get3A_644 : vector<16xf32>
        %max3A_646 = arith.maximumf %max3A_639, %mul3A_645 : vector<16xf32>
        %add3A_647 = arith.constant 7 : i32
        %add3A_648 = arith.addi %mul3A_535, %add3A_647 : i32
        %get3A_649 = arith.index_cast %add3A_648 : i32 to index
        %get3A_650 = arith.constant 0 : index
        %get3A_651 = tpu.vector_load %arg13[%get3A_649, %get3A_650] {strides = array<i32>} : memref<160x128xf32, #tpu.memory_space<vmem>>, vector<16xf32>,
        %mul3A_652 = arith.mulf %gather3A_566, %get3A_651 : vector<16xf32>
        %max3A_653 = arith.maximumf %max3A_646, %mul3A_652 : vector<16xf32>
        %add3A_654 = arith.constant 8 : i32
        %add3A_655 = arith.addi %mul3A_535, %add3A_654 : i32
        %get3A_656 = arith.index_cast %add3A_655 : i32 to index
        %get3A_657 = arith.constant 0 : index
        %get3A_658 = tpu.vector_load %arg13[%get3A_656, %get3A_657] {strides = array<i32>} : memref<160x128xf32, #tpu.memory_space<vmem>>, vector<16xf32>,
        %mul3A_659 = arith.mulf %gather3A_570, %get3A_658 : vector<16xf32>
        %max3A_660 = arith.maximumf %max3A_653, %mul3A_659 : vector<16xf32>
        %add3A_661 = arith.constant 9 : i32
        %add3A_662 = arith.addi %mul3A_535, %add3A_661 : i32
        %get3A_663 = arith.index_cast %add3A_662 : i32 to index
        %get3A_664 = arith.constant 0 : index
        %get3A_665 = tpu.vector_load %arg13[%get3A_663, %get3A_664] {strides = array<i32>} : memref<160x128xf32, #tpu.memory_space<vmem>>, vector<16xf32>,
        %mul3A_666 = arith.mulf %gather3A_574, %get3A_665 : vector<16xf32>
        %max3A_667 = arith.maximumf %max3A_660, %mul3A_666 : vector<16xf32>
        %add3A_668 = arith.constant 10 : i32
        %add3A_669 = arith.addi %mul3A_535, %add3A_668 : i32
        %get3A_670 = arith.index_cast %add3A_669 : i32 to index
        %get3A_671 = arith.constant 0 : index
        %get3A_672 = tpu.vector_load %arg13[%get3A_670, %get3A_671] {strides = array<i32>} : memref<160x128xf32, #tpu.memory_space<vmem>>, vector<16xf32>,
        %mul3A_673 = arith.mulf %gather3A_578, %get3A_672 : vector<16xf32>
        %max3A_674 = arith.maximumf %max3A_667, %mul3A_673 : vector<16xf32>
        %add3A_675 = arith.constant 11 : i32
        %add3A_676 = arith.addi %mul3A_535, %add3A_675 : i32
        %get3A_677 = arith.index_cast %add3A_676 : i32 to index
        %get3A_678 = arith.constant 0 : index
        %get3A_679 = tpu.vector_load %arg13[%get3A_677, %get3A_678] {strides = array<i32>} : memref<160x128xf32, #tpu.memory_space<vmem>>, vector<16xf32>,
        %mul3A_680 = arith.mulf %gather3A_582, %get3A_679 : vector<16xf32>
        %max3A_681 = arith.maximumf %max3A_674, %mul3A_680 : vector<16xf32>
        %add3A_682 = arith.constant 12 : i32
        %add3A_683 = arith.addi %mul3A_535, %add3A_682 : i32
        %get3A_684 = arith.index_cast %add3A_683 : i32 to index
        %get3A_685 = arith.constant 0 : index
        %get3A_686 = tpu.vector_load %arg13[%get3A_684, %get3A_685] {strides = array<i32>} : memref<160x128xf32, #tpu.memory_space<vmem>>, vector<16xf32>,
        %mul3A_687 = arith.mulf %gather3A_586, %get3A_686 : vector<16xf32>
        %max3A_688 = arith.maximumf %max3A_681, %mul3A_687 : vector<16xf32>
        %add3A_689 = arith.constant 13 : i32
        %add3A_690 = arith.addi %mul3A_535, %add3A_689 : i32
        %get3A_691 = arith.index_cast %add3A_690 : i32 to index
        %get3A_692 = arith.constant 0 : index
        %get3A_693 = tpu.vector_load %arg13[%get3A_691, %get3A_692] {strides = array<i32>} : memref<160x128xf32, #tpu.memory_space<vmem>>, vector<16xf32>,
        %mul3A_694 = arith.mulf %gather3A_590, %get3A_693 : vector<16xf32>
        %max3A_695 = arith.maximumf %max3A_688, %mul3A_694 : vector<16xf32>
        %add3A_696 = arith.constant 14 : i32
        %add3A_697 = arith.addi %mul3A_535, %add3A_696 : i32
        %get3A_698 = arith.index_cast %add3A_697 : i32 to index
        %get3A_699 = arith.constant 0 : index
        %get3A_700 = tpu.vector_load %arg13[%get3A_698, %get3A_699] {strides = array<i32>} : memref<160x128xf32, #tpu.memory_space<vmem>>, vector<16xf32>,
        %mul3A_701 = arith.mulf %gather3A_594, %get3A_700 : vector<16xf32>
        %max3A_702 = arith.maximumf %max3A_695, %mul3A_701 : vector<16xf32>
        %add3A_703 = arith.constant 15 : i32
        %add3A_704 = arith.addi %mul3A_535, %add3A_703 : i32
        %get3A_705 = arith.index_cast %add3A_704 : i32 to index
        %get3A_706 = arith.constant 0 : index
        %get3A_707 = tpu.vector_load %arg13[%get3A_705, %get3A_706] {strides = array<i32>} : memref<160x128xf32, #tpu.memory_space<vmem>>, vector<16xf32>,
        %mul3A_708 = arith.mulf %gather3A_598, %get3A_707 : vector<16xf32>
        %max3A_709 = arith.maximumf %max3A_702, %mul3A_708 : vector<16xf32>
        %get3A_710 = arith.index_cast %add3A_59 : i32 to index
        %get3A_711 = arith.constant 0 : index
        %get3A_712 = tpu.vector_load %arg20[%get3A_710, %get3A_711] {strides = array<i32>} : memref<32x128xf32, #tpu.memory_space<vmem>>, vector<16xf32>,
        %mul3A_713 = arith.mulf %sub3A_602, %max3A_709 : vector<16xf32>
        %add3A_714 = arith.addf %get3A_712, %mul3A_713 : vector<16xf32>
        %get3A_715 = arith.index_cast %add3A_533 : i32 to index
        %get3A_716 = arith.constant 0 : index
        %get3A_717 = tpu.vector_load %arg16[%get3A_715, %get3A_716] {strides = array<i32>} : memref<32x128xf32, #tpu.memory_space<vmem>>, vector<16xf32>,
        %mul3A_718 = arith.mulf %gather3A_600, %get3A_717 : vector<16xf32>
        %add3A_719 = arith.addf %add3A_714, %mul3A_718 : vector<16xf32>
        %swap3A_720 = arith.index_cast %add3A_59 : i32 to index
        %swap3A_721 = arith.constant 0 : index
        %swap3A_722 = tpu.vector_load %arg20[%swap3A_720, %swap3A_721] {strides = array<i32>} : memref<32x128xf32, #tpu.memory_space<vmem>>, vector<16xf32>,
        tpu.vector_store %arg20[%swap3A_720, %swap3A_721], %add3A_719 {strides = array<i32>} : memref<32x128xf32, #tpu.memory_space<vmem>>, vector<16xf32>,
        %get3A_723 = arith.index_cast %mul3A_535 : i32 to index
        %get3A_724 = arith.constant 16 : index
        %get3A_725 = tpu.vector_load %arg13[%get3A_723, %get3A_724] {strides = array<i32>} : memref<160x128xf32, #tpu.memory_space<vmem>>, vector<16xf32>,
        %mul3A_726 = arith.mulf %gather3A, %get3A_725 : vector<16xf32>
        %add3A_727 = arith.constant 1 : i32
        %add3A_728 = arith.addi %mul3A_535, %add3A_727 : i32
        %get3A_729 = arith.index_cast %add3A_728 : i32 to index
        %get3A_730 = arith.constant 16 : index
        %get3A_731 = tpu.vector_load %arg13[%get3A_729, %get3A_730] {strides = array<i32>} : memref<160x128xf32, #tpu.memory_space<vmem>>, vector<16xf32>,
        %mul3A_732 = arith.mulf %gather3A_542, %get3A_731 : vector<16xf32>
        %max3A_733 = arith.maximumf %mul3A_726, %mul3A_732 : vector<16xf32>
        %add3A_734 = arith.constant 2 : i32
        %add3A_735 = arith.addi %mul3A_535, %add3A_734 : i32
        %get3A_736 = arith.index_cast %add3A_735 : i32 to index
        %get3A_737 = arith.constant 16 : index
        %get3A_738 = tpu.vector_load %arg13[%get3A_736, %get3A_737] {strides = array<i32>} : memref<160x128xf32, #tpu.memory_space<vmem>>, vector<16xf32>,
        %mul3A_739 = arith.mulf %gather3A_546, %get3A_738 : vector<16xf32>
        %max3A_740 = arith.maximumf %max3A_733, %mul3A_739 : vector<16xf32>
        %add3A_741 = arith.constant 3 : i32
        %add3A_742 = arith.addi %mul3A_535, %add3A_741 : i32
        %get3A_743 = arith.index_cast %add3A_742 : i32 to index
        %get3A_744 = arith.constant 16 : index
        %get3A_745 = tpu.vector_load %arg13[%get3A_743, %get3A_744] {strides = array<i32>} : memref<160x128xf32, #tpu.memory_space<vmem>>, vector<16xf32>,
        %mul3A_746 = arith.mulf %gather3A_550, %get3A_745 : vector<16xf32>
        %max3A_747 = arith.maximumf %max3A_740, %mul3A_746 : vector<16xf32>
        %add3A_748 = arith.constant 4 : i32
        %add3A_749 = arith.addi %mul3A_535, %add3A_748 : i32
        %get3A_750 = arith.index_cast %add3A_749 : i32 to index
        %get3A_751 = arith.constant 16 : index
        %get3A_752 = tpu.vector_load %arg13[%get3A_750, %get3A_751] {strides = array<i32>} : memref<160x128xf32, #tpu.memory_space<vmem>>, vector<16xf32>,
        %mul3A_753 = arith.mulf %gather3A_554, %get3A_752 : vector<16xf32>
        %max3A_754 = arith.maximumf %max3A_747, %mul3A_753 : vector<16xf32>
        %add3A_755 = arith.constant 5 : i32
        %add3A_756 = arith.addi %mul3A_535, %add3A_755 : i32
        %get3A_757 = arith.index_cast %add3A_756 : i32 to index
        %get3A_758 = arith.constant 16 : index
        %get3A_759 = tpu.vector_load %arg13[%get3A_757, %get3A_758] {strides = array<i32>} : memref<160x128xf32, #tpu.memory_space<vmem>>, vector<16xf32>,
        %mul3A_760 = arith.mulf %gather3A_558, %get3A_759 : vector<16xf32>
        %max3A_761 = arith.maximumf %max3A_754, %mul3A_760 : vector<16xf32>
        %add3A_762 = arith.constant 6 : i32
        %add3A_763 = arith.addi %mul3A_535, %add3A_762 : i32
        %get3A_764 = arith.index_cast %add3A_763 : i32 to index
        %get3A_765 = arith.constant 16 : index
        %get3A_766 = tpu.vector_load %arg13[%get3A_764, %get3A_765] {strides = array<i32>} : memref<160x128xf32, #tpu.memory_space<vmem>>, vector<16xf32>,
        %mul3A_767 = arith.mulf %gather3A_562, %get3A_766 : vector<16xf32>
        %max3A_768 = arith.maximumf %max3A_761, %mul3A_767 : vector<16xf32>
        %add3A_769 = arith.constant 7 : i32
        %add3A_770 = arith.addi %mul3A_535, %add3A_769 : i32
        %get3A_771 = arith.index_cast %add3A_770 : i32 to index
        %get3A_772 = arith.constant 16 : index
        %get3A_773 = tpu.vector_load %arg13[%get3A_771, %get3A_772] {strides = array<i32>} : memref<160x128xf32, #tpu.memory_space<vmem>>, vector<16xf32>,
        %mul3A_774 = arith.mulf %gather3A_566, %get3A_773 : vector<16xf32>
        %max3A_775 = arith.maximumf %max3A_768, %mul3A_774 : vector<16xf32>
        %add3A_776 = arith.constant 8 : i32
        %add3A_777 = arith.addi %mul3A_535, %add3A_776 : i32
        %get3A_778 = arith.index_cast %add3A_777 : i32 to index
        %get3A_779 = arith.constant 16 : index
        %get3A_780 = tpu.vector_load %arg13[%get3A_778, %get3A_779] {strides = array<i32>} : memref<160x128xf32, #tpu.memory_space<vmem>>, vector<16xf32>,
        %mul3A_781 = arith.mulf %gather3A_570, %get3A_780 : vector<16xf32>
        %max3A_782 = arith.maximumf %max3A_775, %mul3A_781 : vector<16xf32>
        %add3A_783 = arith.constant 9 : i32
        %add3A_784 = arith.addi %mul3A_535, %add3A_783 : i32
        %get3A_785 = arith.index_cast %add3A_784 : i32 to index
        %get3A_786 = arith.constant 16 : index
        %get3A_787 = tpu.vector_load %arg13[%get3A_785, %get3A_786] {strides = array<i32>} : memref<160x128xf32, #tpu.memory_space<vmem>>, vector<16xf32>,
        %mul3A_788 = arith.mulf %gather3A_574, %get3A_787 : vector<16xf32>
        %max3A_789 = arith.maximumf %max3A_782, %mul3A_788 : vector<16xf32>
        %add3A_790 = arith.constant 10 : i32
        %add3A_791 = arith.addi %mul3A_535, %add3A_790 : i32
        %get3A_792 = arith.index_cast %add3A_791 : i32 to index
        %get3A_793 = arith.constant 16 : index
        %get3A_794 = tpu.vector_load %arg13[%get3A_792, %get3A_793] {strides = array<i32>} : memref<160x128xf32, #tpu.memory_space<vmem>>, vector<16xf32>,
        %mul3A_795 = arith.mulf %gather3A_578, %get3A_794 : vector<16xf32>
        %max3A_796 = arith.maximumf %max3A_789, %mul3A_795 : vector<16xf32>
        %add3A_797 = arith.constant 11 : i32
        %add3A_798 = arith.addi %mul3A_535, %add3A_797 : i32
        %get3A_799 = arith.index_cast %add3A_798 : i32 to index
        %get3A_800 = arith.constant 16 : index
        %get3A_801 = tpu.vector_load %arg13[%get3A_799, %get3A_800] {strides = array<i32>} : memref<160x128xf32, #tpu.memory_space<vmem>>, vector<16xf32>,
        %mul3A_802 = arith.mulf %gather3A_582, %get3A_801 : vector<16xf32>
        %max3A_803 = arith.maximumf %max3A_796, %mul3A_802 : vector<16xf32>
        %add3A_804 = arith.constant 12 : i32
        %add3A_805 = arith.addi %mul3A_535, %add3A_804 : i32
        %get3A_806 = arith.index_cast %add3A_805 : i32 to index
        %get3A_807 = arith.constant 16 : index
        %get3A_808 = tpu.vector_load %arg13[%get3A_806, %get3A_807] {strides = array<i32>} : memref<160x128xf32, #tpu.memory_space<vmem>>, vector<16xf32>,
        %mul3A_809 = arith.mulf %gather3A_586, %get3A_808 : vector<16xf32>
        %max3A_810 = arith.maximumf %max3A_803, %mul3A_809 : vector<16xf32>
        %add3A_811 = arith.constant 13 : i32
        %add3A_812 = arith.addi %mul3A_535, %add3A_811 : i32
        %get3A_813 = arith.index_cast %add3A_812 : i32 to index
        %get3A_814 = arith.constant 16 : index
        %get3A_815 = tpu.vector_load %arg13[%get3A_813, %get3A_814] {strides = array<i32>} : memref<160x128xf32, #tpu.memory_space<vmem>>, vector<16xf32>,
        %mul3A_816 = arith.mulf %gather3A_590, %get3A_815 : vector<16xf32>
        %max3A_817 = arith.maximumf %max3A_810, %mul3A_816 : vector<16xf32>
        %add3A_818 = arith.constant 14 : i32
        %add3A_819 = arith.addi %mul3A_535, %add3A_818 : i32
        %get3A_820 = arith.index_cast %add3A_819 : i32 to index
        %get3A_821 = arith.constant 16 : index
        %get3A_822 = tpu.vector_load %arg13[%get3A_820, %get3A_821] {strides = array<i32>} : memref<160x128xf32, #tpu.memory_space<vmem>>, vector<16xf32>,
        %mul3A_823 = arith.mulf %gather3A_594, %get3A_822 : vector<16xf32>
        %max3A_824 = arith.maximumf %max3A_817, %mul3A_823 : vector<16xf32>
        %add3A_825 = arith.constant 15 : i32
        %add3A_826 = arith.addi %mul3A_535, %add3A_825 : i32
        %get3A_827 = arith.index_cast %add3A_826 : i32 to index
        %get3A_828 = arith.constant 16 : index
        %get3A_829 = tpu.vector_load %arg13[%get3A_827, %get3A_828] {strides = array<i32>} : memref<160x128xf32, #tpu.memory_space<vmem>>, vector<16xf32>,
        %mul3A_830 = arith.mulf %gather3A_598, %get3A_829 : vector<16xf32>
        %max3A_831 = arith.maximumf %max3A_824, %mul3A_830 : vector<16xf32>
        %get3A_832 = arith.index_cast %add3A_59 : i32 to index
        %get3A_833 = arith.constant 16 : index
        %get3A_834 = tpu.vector_load %arg20[%get3A_832, %get3A_833] {strides = array<i32>} : memref<32x128xf32, #tpu.memory_space<vmem>>, vector<16xf32>,
        %mul3A_835 = arith.mulf %sub3A_602, %max3A_831 : vector<16xf32>
        %add3A_836 = arith.addf %get3A_834, %mul3A_835 : vector<16xf32>
        %get3A_837 = arith.index_cast %add3A_533 : i32 to index
        %get3A_838 = arith.constant 16 : index
        %get3A_839 = tpu.vector_load %arg16[%get3A_837, %get3A_838] {strides = array<i32>} : memref<32x128xf32, #tpu.memory_space<vmem>>, vector<16xf32>,
        %mul3A_840 = arith.mulf %gather3A_600, %get3A_839 : vector<16xf32>
        %add3A_841 = arith.addf %add3A_836, %mul3A_840 : vector<16xf32>
        %swap3A_842 = arith.index_cast %add3A_59 : i32 to index
        %swap3A_843 = arith.constant 16 : index
        %swap3A_844 = tpu.vector_load %arg20[%swap3A_842, %swap3A_843] {strides = array<i32>} : memref<32x128xf32, #tpu.memory_space<vmem>>, vector<16xf32>,
        tpu.vector_store %arg20[%swap3A_842, %swap3A_843], %add3A_841 {strides = array<i32>} : memref<32x128xf32, #tpu.memory_space<vmem>>, vector<16xf32>,
        %get3A_845 = arith.index_cast %mul3A_535 : i32 to index
        %get3A_846 = arith.constant 32 : index
        %get3A_847 = tpu.vector_load %arg13[%get3A_845, %get3A_846] {strides = array<i32>} : memref<160x128xf32, #tpu.memory_space<vmem>>, vector<16xf32>,
        %mul3A_848 = arith.mulf %gather3A, %get3A_847 : vector<16xf32>
        %add3A_849 = arith.constant 1 : i32
        %add3A_850 = arith.addi %mul3A_535, %add3A_849 : i32
        %get3A_851 = arith.index_cast %add3A_850 : i32 to index
        %get3A_852 = arith.constant 32 : index
        %get3A_853 = tpu.vector_load %arg13[%get3A_851, %get3A_852] {strides = array<i32>} : memref<160x128xf32, #tpu.memory_space<vmem>>, vector<16xf32>,
        %mul3A_854 = arith.mulf %gather3A_542, %get3A_853 : vector<16xf32>
        %max3A_855 = arith.maximumf %mul3A_848, %mul3A_854 : vector<16xf32>
        %add3A_856 = arith.constant 2 : i32
        %add3A_857 = arith.addi %mul3A_535, %add3A_856 : i32
        %get3A_858 = arith.index_cast %add3A_857 : i32 to index
        %get3A_859 = arith.constant 32 : index
        %get3A_860 = tpu.vector_load %arg13[%get3A_858, %get3A_859] {strides = array<i32>} : memref<160x128xf32, #tpu.memory_space<vmem>>, vector<16xf32>,
        %mul3A_861 = arith.mulf %gather3A_546, %get3A_860 : vector<16xf32>
        %max3A_862 = arith.maximumf %max3A_855, %mul3A_861 : vector<16xf32>
        %add3A_863 = arith.constant 3 : i32
        %add3A_864 = arith.addi %mul3A_535, %add3A_863 : i32
        %get3A_865 = arith.index_cast %add3A_864 : i32 to index
        %get3A_866 = arith.constant 32 : index
        %get3A_867 = tpu.vector_load %arg13[%get3A_865, %get3A_866] {strides = array<i32>} : memref<160x128xf32, #tpu.memory_space<vmem>>, vector<16xf32>,
        %mul3A_868 = arith.mulf %gather3A_550, %get3A_867 : vector<16xf32>
        %max3A_869 = arith.maximumf %max3A_862, %mul3A_868 : vector<16xf32>
        %add3A_870 = arith.constant 4 : i32
        %add3A_871 = arith.addi %mul3A_535, %add3A_870 : i32
        %get3A_872 = arith.index_cast %add3A_871 : i32 to index
        %get3A_873 = arith.constant 32 : index
        %get3A_874 = tpu.vector_load %arg13[%get3A_872, %get3A_873] {strides = array<i32>} : memref<160x128xf32, #tpu.memory_space<vmem>>, vector<16xf32>,
        %mul3A_875 = arith.mulf %gather3A_554, %get3A_874 : vector<16xf32>
        %max3A_876 = arith.maximumf %max3A_869, %mul3A_875 : vector<16xf32>
        %add3A_877 = arith.constant 5 : i32
        %add3A_878 = arith.addi %mul3A_535, %add3A_877 : i32
        %get3A_879 = arith.index_cast %add3A_878 : i32 to index
        %get3A_880 = arith.constant 32 : index
        %get3A_881 = tpu.vector_load %arg13[%get3A_879, %get3A_880] {strides = array<i32>} : memref<160x128xf32, #tpu.memory_space<vmem>>, vector<16xf32>,
        %mul3A_882 = arith.mulf %gather3A_558, %get3A_881 : vector<16xf32>
        %max3A_883 = arith.maximumf %max3A_876, %mul3A_882 : vector<16xf32>
        %add3A_884 = arith.constant 6 : i32
        %add3A_885 = arith.addi %mul3A_535, %add3A_884 : i32
        %get3A_886 = arith.index_cast %add3A_885 : i32 to index
        %get3A_887 = arith.constant 32 : index
        %get3A_888 = tpu.vector_load %arg13[%get3A_886, %get3A_887] {strides = array<i32>} : memref<160x128xf32, #tpu.memory_space<vmem>>, vector<16xf32>,
        %mul3A_889 = arith.mulf %gather3A_562, %get3A_888 : vector<16xf32>
        %max3A_890 = arith.maximumf %max3A_883, %mul3A_889 : vector<16xf32>
        %add3A_891 = arith.constant 7 : i32
        %add3A_892 = arith.addi %mul3A_535, %add3A_891 : i32
        %get3A_893 = arith.index_cast %add3A_892 : i32 to index
        %get3A_894 = arith.constant 32 : index
        %get3A_895 = tpu.vector_load %arg13[%get3A_893, %get3A_894] {strides = array<i32>} : memref<160x128xf32, #tpu.memory_space<vmem>>, vector<16xf32>,
        %mul3A_896 = arith.mulf %gather3A_566, %get3A_895 : vector<16xf32>
        %max3A_897 = arith.maximumf %max3A_890, %mul3A_896 : vector<16xf32>
        %add3A_898 = arith.constant 8 : i32
        %add3A_899 = arith.addi %mul3A_535, %add3A_898 : i32
        %get3A_900 = arith.index_cast %add3A_899 : i32 to index
        %get3A_901 = arith.constant 32 : index
        %get3A_902 = tpu.vector_load %arg13[%get3A_900, %get3A_901] {strides = array<i32>} : memref<160x128xf32, #tpu.memory_space<vmem>>, vector<16xf32>,
        %mul3A_903 = arith.mulf %gather3A_570, %get3A_902 : vector<16xf32>
        %max3A_904 = arith.maximumf %max3A_897, %mul3A_903 : vector<16xf32>
        %add3A_905 = arith.constant 9 : i32
        %add3A_906 = arith.addi %mul3A_535, %add3A_905 : i32
        %get3A_907 = arith.index_cast %add3A_906 : i32 to index
        %get3A_908 = arith.constant 32 : index
        %get3A_909 = tpu.vector_load %arg13[%get3A_907, %get3A_908] {strides = array<i32>} : memref<160x128xf32, #tpu.memory_space<vmem>>, vector<16xf32>,
        %mul3A_910 = arith.mulf %gather3A_574, %get3A_909 : vector<16xf32>
        %max3A_911 = arith.maximumf %max3A_904, %mul3A_910 : vector<16xf32>
        %add3A_912 = arith.constant 10 : i32
        %add3A_913 = arith.addi %mul3A_535, %add3A_912 : i32
        %get3A_914 = arith.index_cast %add3A_913 : i32 to index
        %get3A_915 = arith.constant 32 : index
        %get3A_916 = tpu.vector_load %arg13[%get3A_914, %get3A_915] {strides = array<i32>} : memref<160x128xf32, #tpu.memory_space<vmem>>, vector<16xf32>,
        %mul3A_917 = arith.mulf %gather3A_578, %get3A_916 : vector<16xf32>
        %max3A_918 = arith.maximumf %max3A_911, %mul3A_917 : vector<16xf32>
        %add3A_919 = arith.constant 11 : i32
        %add3A_920 = arith.addi %mul3A_535, %add3A_919 : i32
        %get3A_921 = arith.index_cast %add3A_920 : i32 to index
        %get3A_922 = arith.constant 32 : index
        %get3A_923 = tpu.vector_load %arg13[%get3A_921, %get3A_922] {strides = array<i32>} : memref<160x128xf32, #tpu.memory_space<vmem>>, vector<16xf32>,
        %mul3A_924 = arith.mulf %gather3A_582, %get3A_923 : vector<16xf32>
        %max3A_925 = arith.maximumf %max3A_918, %mul3A_924 : vector<16xf32>
        %add3A_926 = arith.constant 12 : i32
        %add3A_927 = arith.addi %mul3A_535, %add3A_926 : i32
        %get3A_928 = arith.index_cast %add3A_927 : i32 to index
        %get3A_929 = arith.constant 32 : index
        %get3A_930 = tpu.vector_load %arg13[%get3A_928, %get3A_929] {strides = array<i32>} : memref<160x128xf32, #tpu.memory_space<vmem>>, vector<16xf32>,
        %mul3A_931 = arith.mulf %gather3A_586, %get3A_930 : vector<16xf32>
        %max3A_932 = arith.maximumf %max3A_925, %mul3A_931 : vector<16xf32>
        %add3A_933 = arith.constant 13 : i32
        %add3A_934 = arith.addi %mul3A_535, %add3A_933 : i32
        %get3A_935 = arith.index_cast %add3A_934 : i32 to index
        %get3A_936 = arith.constant 32 : index
        %get3A_937 = tpu.vector_load %arg13[%get3A_935, %get3A_936] {strides = array<i32>} : memref<160x128xf32, #tpu.memory_space<vmem>>, vector<16xf32>,
        %mul3A_938 = arith.mulf %gather3A_590, %get3A_937 : vector<16xf32>
        %max3A_939 = arith.maximumf %max3A_932, %mul3A_938 : vector<16xf32>
        %add3A_940 = arith.constant 14 : i32
        %add3A_941 = arith.addi %mul3A_535, %add3A_940 : i32
        %get3A_942 = arith.index_cast %add3A_941 : i32 to index
        %get3A_943 = arith.constant 32 : index
        %get3A_944 = tpu.vector_load %arg13[%get3A_942, %get3A_943] {strides = array<i32>} : memref<160x128xf32, #tpu.memory_space<vmem>>, vector<16xf32>,
        %mul3A_945 = arith.mulf %gather3A_594, %get3A_944 : vector<16xf32>
        %max3A_946 = arith.maximumf %max3A_939, %mul3A_945 : vector<16xf32>
        %add3A_947 = arith.constant 15 : i32
        %add3A_948 = arith.addi %mul3A_535, %add3A_947 : i32
        %get3A_949 = arith.index_cast %add3A_948 : i32 to index
        %get3A_950 = arith.constant 32 : index
        %get3A_951 = tpu.vector_load %arg13[%get3A_949, %get3A_950] {strides = array<i32>} : memref<160x128xf32, #tpu.memory_space<vmem>>, vector<16xf32>,
        %mul3A_952 = arith.mulf %gather3A_598, %get3A_951 : vector<16xf32>
        %max3A_953 = arith.maximumf %max3A_946, %mul3A_952 : vector<16xf32>
        %get3A_954 = arith.index_cast %add3A_59 : i32 to index
        %get3A_955 = arith.constant 32 : index
        %get3A_956 = tpu.vector_load %arg20[%get3A_954, %get3A_955] {strides = array<i32>} : memref<32x128xf32, #tpu.memory_space<vmem>>, vector<16xf32>,
        %mul3A_957 = arith.mulf %sub3A_602, %max3A_953 : vector<16xf32>
        %add3A_958 = arith.addf %get3A_956, %mul3A_957 : vector<16xf32>
        %get3A_959 = arith.index_cast %add3A_533 : i32 to index
        %get3A_960 = arith.constant 32 : index
        %get3A_961 = tpu.vector_load %arg16[%get3A_959, %get3A_960] {strides = array<i32>} : memref<32x128xf32, #tpu.memory_space<vmem>>, vector<16xf32>,
        %mul3A_962 = arith.mulf %gather3A_600, %get3A_961 : vector<16xf32>
        %add3A_963 = arith.addf %add3A_958, %mul3A_962 : vector<16xf32>
        %swap3A_964 = arith.index_cast %add3A_59 : i32 to index
        %swap3A_965 = arith.constant 32 : index
        %swap3A_966 = tpu.vector_load %arg20[%swap3A_964, %swap3A_965] {strides = array<i32>} : memref<32x128xf32, #tpu.memory_space<vmem>>, vector<16xf32>,
        tpu.vector_store %arg20[%swap3A_964, %swap3A_965], %add3A_963 {strides = array<i32>} : memref<32x128xf32, #tpu.memory_space<vmem>>, vector<16xf32>,
        %get3A_967 = arith.index_cast %mul3A_535 : i32 to index
        %get3A_968 = arith.constant 48 : index
        %get3A_969 = tpu.vector_load %arg13[%get3A_967, %get3A_968] {strides = array<i32>} : memref<160x128xf32, #tpu.memory_space<vmem>>, vector<16xf32>,
        %mul3A_970 = arith.mulf %gather3A, %get3A_969 : vector<16xf32>
        %add3A_971 = arith.constant 1 : i32
        %add3A_972 = arith.addi %mul3A_535, %add3A_971 : i32
        %get3A_973 = arith.index_cast %add3A_972 : i32 to index
        %get3A_974 = arith.constant 48 : index
        %get3A_975 = tpu.vector_load %arg13[%get3A_973, %get3A_974] {strides = array<i32>} : memref<160x128xf32, #tpu.memory_space<vmem>>, vector<16xf32>,
        %mul3A_976 = arith.mulf %gather3A_542, %get3A_975 : vector<16xf32>
        %max3A_977 = arith.maximumf %mul3A_970, %mul3A_976 : vector<16xf32>
        %add3A_978 = arith.constant 2 : i32
        %add3A_979 = arith.addi %mul3A_535, %add3A_978 : i32
        %get3A_980 = arith.index_cast %add3A_979 : i32 to index
        %get3A_981 = arith.constant 48 : index
        %get3A_982 = tpu.vector_load %arg13[%get3A_980, %get3A_981] {strides = array<i32>} : memref<160x128xf32, #tpu.memory_space<vmem>>, vector<16xf32>,
        %mul3A_983 = arith.mulf %gather3A_546, %get3A_982 : vector<16xf32>
        %max3A_984 = arith.maximumf %max3A_977, %mul3A_983 : vector<16xf32>
        %add3A_985 = arith.constant 3 : i32
        %add3A_986 = arith.addi %mul3A_535, %add3A_985 : i32
        %get3A_987 = arith.index_cast %add3A_986 : i32 to index
        %get3A_988 = arith.constant 48 : index
        %get3A_989 = tpu.vector_load %arg13[%get3A_987, %get3A_988] {strides = array<i32>} : memref<160x128xf32, #tpu.memory_space<vmem>>, vector<16xf32>,
        %mul3A_990 = arith.mulf %gather3A_550, %get3A_989 : vector<16xf32>
        %max3A_991 = arith.maximumf %max3A_984, %mul3A_990 : vector<16xf32>
        %add3A_992 = arith.constant 4 : i32
        %add3A_993 = arith.addi %mul3A_535, %add3A_992 : i32
        %get3A_994 = arith.index_cast %add3A_993 : i32 to index
        %get3A_995 = arith.constant 48 : index
        %get3A_996 = tpu.vector_load %arg13[%get3A_994, %get3A_995] {strides = array<i32>} : memref<160x128xf32, #tpu.memory_space<vmem>>, vector<16xf32>,
        %mul3A_997 = arith.mulf %gather3A_554, %get3A_996 : vector<16xf32>
        %max3A_998 = arith.maximumf %max3A_991, %mul3A_997 : vector<16xf32>
        %add3A_999 = arith.constant 5 : i32
        %add3A_1000 = arith.addi %mul3A_535, %add3A_999 : i32
        %get3A_1001 = arith.index_cast %add3A_1000 : i32 to index
        %get3A_1002 = arith.constant 48 : index
        %get3A_1003 = tpu.vector_load %arg13[%get3A_1001, %get3A_1002] {strides = array<i32>} : memref<160x128xf32, #tpu.memory_space<vmem>>, vector<16xf32>,
        %mul3A_1004 = arith.mulf %gather3A_558, %get3A_1003 : vector<16xf32>
        %max3A_1005 = arith.maximumf %max3A_998, %mul3A_1004 : vector<16xf32>
        %add3A_1006 = arith.constant 6 : i32
        %add3A_1007 = arith.addi %mul3A_535, %add3A_1006 : i32
        %get3A_1008 = arith.index_cast %add3A_1007 : i32 to index
        %get3A_1009 = arith.constant 48 : index
        %get3A_1010 = tpu.vector_load %arg13[%get3A_1008, %get3A_1009] {strides = array<i32>} : memref<160x128xf32, #tpu.memory_space<vmem>>, vector<16xf32>,
        %mul3A_1011 = arith.mulf %gather3A_562, %get3A_1010 : vector<16xf32>
        %max3A_1012 = arith.maximumf %max3A_1005, %mul3A_1011 : vector<16xf32>
        %add3A_1013 = arith.constant 7 : i32
        %add3A_1014 = arith.addi %mul3A_535, %add3A_1013 : i32
        %get3A_1015 = arith.index_cast %add3A_1014 : i32 to index
        %get3A_1016 = arith.constant 48 : index
        %get3A_1017 = tpu.vector_load %arg13[%get3A_1015, %get3A_1016] {strides = array<i32>} : memref<160x128xf32, #tpu.memory_space<vmem>>, vector<16xf32>,
        %mul3A_1018 = arith.mulf %gather3A_566, %get3A_1017 : vector<16xf32>
        %max3A_1019 = arith.maximumf %max3A_1012, %mul3A_1018 : vector<16xf32>
        %add3A_1020 = arith.constant 8 : i32
        %add3A_1021 = arith.addi %mul3A_535, %add3A_1020 : i32
        %get3A_1022 = arith.index_cast %add3A_1021 : i32 to index
        %get3A_1023 = arith.constant 48 : index
        %get3A_1024 = tpu.vector_load %arg13[%get3A_1022, %get3A_1023] {strides = array<i32>} : memref<160x128xf32, #tpu.memory_space<vmem>>, vector<16xf32>,
        %mul3A_1025 = arith.mulf %gather3A_570, %get3A_1024 : vector<16xf32>
        %max3A_1026 = arith.maximumf %max3A_1019, %mul3A_1025 : vector<16xf32>
        %add3A_1027 = arith.constant 9 : i32
        %add3A_1028 = arith.addi %mul3A_535, %add3A_1027 : i32
        %get3A_1029 = arith.index_cast %add3A_1028 : i32 to index
        %get3A_1030 = arith.constant 48 : index
        %get3A_1031 = tpu.vector_load %arg13[%get3A_1029, %get3A_1030] {strides = array<i32>} : memref<160x128xf32, #tpu.memory_space<vmem>>, vector<16xf32>,
        %mul3A_1032 = arith.mulf %gather3A_574, %get3A_1031 : vector<16xf32>
        %max3A_1033 = arith.maximumf %max3A_1026, %mul3A_1032 : vector<16xf32>
        %add3A_1034 = arith.constant 10 : i32
        %add3A_1035 = arith.addi %mul3A_535, %add3A_1034 : i32
        %get3A_1036 = arith.index_cast %add3A_1035 : i32 to index
        %get3A_1037 = arith.constant 48 : index
        %get3A_1038 = tpu.vector_load %arg13[%get3A_1036, %get3A_1037] {strides = array<i32>} : memref<160x128xf32, #tpu.memory_space<vmem>>, vector<16xf32>,
        %mul3A_1039 = arith.mulf %gather3A_578, %get3A_1038 : vector<16xf32>
        %max3A_1040 = arith.maximumf %max3A_1033, %mul3A_1039 : vector<16xf32>
        %add3A_1041 = arith.constant 11 : i32
        %add3A_1042 = arith.addi %mul3A_535, %add3A_1041 : i32
        %get3A_1043 = arith.index_cast %add3A_1042 : i32 to index
        %get3A_1044 = arith.constant 48 : index
        %get3A_1045 = tpu.vector_load %arg13[%get3A_1043, %get3A_1044] {strides = array<i32>} : memref<160x128xf32, #tpu.memory_space<vmem>>, vector<16xf32>,
        %mul3A_1046 = arith.mulf %gather3A_582, %get3A_1045 : vector<16xf32>
        %max3A_1047 = arith.maximumf %max3A_1040, %mul3A_1046 : vector<16xf32>
        %add3A_1048 = arith.constant 12 : i32
        %add3A_1049 = arith.addi %mul3A_535, %add3A_1048 : i32
        %get3A_1050 = arith.index_cast %add3A_1049 : i32 to index
        %get3A_1051 = arith.constant 48 : index
        %get3A_1052 = tpu.vector_load %arg13[%get3A_1050, %get3A_1051] {strides = array<i32>} : memref<160x128xf32, #tpu.memory_space<vmem>>, vector<16xf32>,
        %mul3A_1053 = arith.mulf %gather3A_586, %get3A_1052 : vector<16xf32>
        %max3A_1054 = arith.maximumf %max3A_1047, %mul3A_1053 : vector<16xf32>
        %add3A_1055 = arith.constant 13 : i32
        %add3A_1056 = arith.addi %mul3A_535, %add3A_1055 : i32
        %get3A_1057 = arith.index_cast %add3A_1056 : i32 to index
        %get3A_1058 = arith.constant 48 : index
        %get3A_1059 = tpu.vector_load %arg13[%get3A_1057, %get3A_1058] {strides = array<i32>} : memref<160x128xf32, #tpu.memory_space<vmem>>, vector<16xf32>,
        %mul3A_1060 = arith.mulf %gather3A_590, %get3A_1059 : vector<16xf32>
        %max3A_1061 = arith.maximumf %max3A_1054, %mul3A_1060 : vector<16xf32>
        %add3A_1062 = arith.constant 14 : i32
        %add3A_1063 = arith.addi %mul3A_535, %add3A_1062 : i32
        %get3A_1064 = arith.index_cast %add3A_1063 : i32 to index
        %get3A_1065 = arith.constant 48 : index
        %get3A_1066 = tpu.vector_load %arg13[%get3A_1064, %get3A_1065] {strides = array<i32>} : memref<160x128xf32, #tpu.memory_space<vmem>>, vector<16xf32>,
        %mul3A_1067 = arith.mulf %gather3A_594, %get3A_1066 : vector<16xf32>
        %max3A_1068 = arith.maximumf %max3A_1061, %mul3A_1067 : vector<16xf32>
        %add3A_1069 = arith.constant 15 : i32
        %add3A_1070 = arith.addi %mul3A_535, %add3A_1069 : i32
        %get3A_1071 = arith.index_cast %add3A_1070 : i32 to index
        %get3A_1072 = arith.constant 48 : index
        %get3A_1073 = tpu.vector_load %arg13[%get3A_1071, %get3A_1072] {strides = array<i32>} : memref<160x128xf32, #tpu.memory_space<vmem>>, vector<16xf32>,
        %mul3A_1074 = arith.mulf %gather3A_598, %get3A_1073 : vector<16xf32>
        %max3A_1075 = arith.maximumf %max3A_1068, %mul3A_1074 : vector<16xf32>
        %get3A_1076 = arith.index_cast %add3A_59 : i32 to index
        %get3A_1077 = arith.constant 48 : index
        %get3A_1078 = tpu.vector_load %arg20[%get3A_1076, %get3A_1077] {strides = array<i32>} : memref<32x128xf32, #tpu.memory_space<vmem>>, vector<16xf32>,
        %mul3A_1079 = arith.mulf %sub3A_602, %max3A_1075 : vector<16xf32>
        %add3A_1080 = arith.addf %get3A_1078, %mul3A_1079 : vector<16xf32>
        %get3A_1081 = arith.index_cast %add3A_533 : i32 to index
        %get3A_1082 = arith.constant 48 : index
        %get3A_1083 = tpu.vector_load %arg16[%get3A_1081, %get3A_1082] {strides = array<i32>} : memref<32x128xf32, #tpu.memory_space<vmem>>, vector<16xf32>,
        %mul3A_1084 = arith.mulf %gather3A_600, %get3A_1083 : vector<16xf32>
        %add3A_1085 = arith.addf %add3A_1080, %mul3A_1084 : vector<16xf32>
        %swap3A_1086 = arith.index_cast %add3A_59 : i32 to index
        %swap3A_1087 = arith.constant 48 : index
        %swap3A_1088 = tpu.vector_load %arg20[%swap3A_1086, %swap3A_1087] {strides = array<i32>} : memref<32x128xf32, #tpu.memory_space<vmem>>, vector<16xf32>,
        tpu.vector_store %arg20[%swap3A_1086, %swap3A_1087], %add3A_1085 {strides = array<i32>} : memref<32x128xf32, #tpu.memory_space<vmem>>, vector<16xf32>,
        %get3A_1089 = arith.index_cast %mul3A_535 : i32 to index
        %get3A_1090 = arith.constant 64 : index
        %get3A_1091 = tpu.vector_load %arg13[%get3A_1089, %get3A_1090] {strides = array<i32>} : memref<160x128xf32, #tpu.memory_space<vmem>>, vector<16xf32>,
        %mul3A_1092 = arith.mulf %gather3A, %get3A_1091 : vector<16xf32>
        %add3A_1093 = arith.constant 1 : i32
        %add3A_1094 = arith.addi %mul3A_535, %add3A_1093 : i32
        %get3A_1095 = arith.index_cast %add3A_1094 : i32 to index
        %get3A_1096 = arith.constant 64 : index
        %get3A_1097 = tpu.vector_load %arg13[%get3A_1095, %get3A_1096] {strides = array<i32>} : memref<160x128xf32, #tpu.memory_space<vmem>>, vector<16xf32>,
        %mul3A_1098 = arith.mulf %gather3A_542, %get3A_1097 : vector<16xf32>
        %max3A_1099 = arith.maximumf %mul3A_1092, %mul3A_1098 : vector<16xf32>
        %add3A_1100 = arith.constant 2 : i32
        %add3A_1101 = arith.addi %mul3A_535, %add3A_1100 : i32
        %get3A_1102 = arith.index_cast %add3A_1101 : i32 to index
        %get3A_1103 = arith.constant 64 : index
        %get3A_1104 = tpu.vector_load %arg13[%get3A_1102, %get3A_1103] {strides = array<i32>} : memref<160x128xf32, #tpu.memory_space<vmem>>, vector<16xf32>,
        %mul3A_1105 = arith.mulf %gather3A_546, %get3A_1104 : vector<16xf32>
        %max3A_1106 = arith.maximumf %max3A_1099, %mul3A_1105 : vector<16xf32>
        %add3A_1107 = arith.constant 3 : i32
        %add3A_1108 = arith.addi %mul3A_535, %add3A_1107 : i32
        %get3A_1109 = arith.index_cast %add3A_1108 : i32 to index
        %get3A_1110 = arith.constant 64 : index
        %get3A_1111 = tpu.vector_load %arg13[%get3A_1109, %get3A_1110] {strides = array<i32>} : memref<160x128xf32, #tpu.memory_space<vmem>>, vector<16xf32>,
        %mul3A_1112 = arith.mulf %gather3A_550, %get3A_1111 : vector<16xf32>
        %max3A_1113 = arith.maximumf %max3A_1106, %mul3A_1112 : vector<16xf32>
        %add3A_1114 = arith.constant 4 : i32
        %add3A_1115 = arith.addi %mul3A_535, %add3A_1114 : i32
        %get3A_1116 = arith.index_cast %add3A_1115 : i32 to index
        %get3A_1117 = arith.constant 64 : index
        %get3A_1118 = tpu.vector_load %arg13[%get3A_1116, %get3A_1117] {strides = array<i32>} : memref<160x128xf32, #tpu.memory_space<vmem>>, vector<16xf32>,
        %mul3A_1119 = arith.mulf %gather3A_554, %get3A_1118 : vector<16xf32>
        %max3A_1120 = arith.maximumf %max3A_1113, %mul3A_1119 : vector<16xf32>
        %add3A_1121 = arith.constant 5 : i32
        %add3A_1122 = arith.addi %mul3A_535, %add3A_1121 : i32
        %get3A_1123 = arith.index_cast %add3A_1122 : i32 to index
        %get3A_1124 = arith.constant 64 : index
        %get3A_1125 = tpu.vector_load %arg13[%get3A_1123, %get3A_1124] {strides = array<i32>} : memref<160x128xf32, #tpu.memory_space<vmem>>, vector<16xf32>,
        %mul3A_1126 = arith.mulf %gather3A_558, %get3A_1125 : vector<16xf32>
        %max3A_1127 = arith.maximumf %max3A_1120, %mul3A_1126 : vector<16xf32>
        %add3A_1128 = arith.constant 6 : i32
        %add3A_1129 = arith.addi %mul3A_535, %add3A_1128 : i32
        %get3A_1130 = arith.index_cast %add3A_1129 : i32 to index
        %get3A_1131 = arith.constant 64 : index
        %get3A_1132 = tpu.vector_load %arg13[%get3A_1130, %get3A_1131] {strides = array<i32>} : memref<160x128xf32, #tpu.memory_space<vmem>>, vector<16xf32>,
        %mul3A_1133 = arith.mulf %gather3A_562, %get3A_1132 : vector<16xf32>
        %max3A_1134 = arith.maximumf %max3A_1127, %mul3A_1133 : vector<16xf32>
        %add3A_1135 = arith.constant 7 : i32
        %add3A_1136 = arith.addi %mul3A_535, %add3A_1135 : i32
        %get3A_1137 = arith.index_cast %add3A_1136 : i32 to index
        %get3A_1138 = arith.constant 64 : index
        %get3A_1139 = tpu.vector_load %arg13[%get3A_1137, %get3A_1138] {strides = array<i32>} : memref<160x128xf32, #tpu.memory_space<vmem>>, vector<16xf32>,
        %mul3A_1140 = arith.mulf %gather3A_566, %get3A_1139 : vector<16xf32>
        %max3A_1141 = arith.maximumf %max3A_1134, %mul3A_1140 : vector<16xf32>
        %add3A_1142 = arith.constant 8 : i32
        %add3A_1143 = arith.addi %mul3A_535, %add3A_1142 : i32
        %get3A_1144 = arith.index_cast %add3A_1143 : i32 to index
        %get3A_1145 = arith.constant 64 : index
        %get3A_1146 = tpu.vector_load %arg13[%get3A_1144, %get3A_1145] {strides = array<i32>} : memref<160x128xf32, #tpu.memory_space<vmem>>, vector<16xf32>,
        %mul3A_1147 = arith.mulf %gather3A_570, %get3A_1146 : vector<16xf32>
        %max3A_1148 = arith.maximumf %max3A_1141, %mul3A_1147 : vector<16xf32>
        %add3A_1149 = arith.constant 9 : i32
        %add3A_1150 = arith.addi %mul3A_535, %add3A_1149 : i32
        %get3A_1151 = arith.index_cast %add3A_1150 : i32 to index
        %get3A_1152 = arith.constant 64 : index
        %get3A_1153 = tpu.vector_load %arg13[%get3A_1151, %get3A_1152] {strides = array<i32>} : memref<160x128xf32, #tpu.memory_space<vmem>>, vector<16xf32>,
        %mul3A_1154 = arith.mulf %gather3A_574, %get3A_1153 : vector<16xf32>
        %max3A_1155 = arith.maximumf %max3A_1148, %mul3A_1154 : vector<16xf32>
        %add3A_1156 = arith.constant 10 : i32
        %add3A_1157 = arith.addi %mul3A_535, %add3A_1156 : i32
        %get3A_1158 = arith.index_cast %add3A_1157 : i32 to index
        %get3A_1159 = arith.constant 64 : index
        %get3A_1160 = tpu.vector_load %arg13[%get3A_1158, %get3A_1159] {strides = array<i32>} : memref<160x128xf32, #tpu.memory_space<vmem>>, vector<16xf32>,
        %mul3A_1161 = arith.mulf %gather3A_578, %get3A_1160 : vector<16xf32>
        %max3A_1162 = arith.maximumf %max3A_1155, %mul3A_1161 : vector<16xf32>
        %add3A_1163 = arith.constant 11 : i32
        %add3A_1164 = arith.addi %mul3A_535, %add3A_1163 : i32
        %get3A_1165 = arith.index_cast %add3A_1164 : i32 to index
        %get3A_1166 = arith.constant 64 : index
        %get3A_1167 = tpu.vector_load %arg13[%get3A_1165, %get3A_1166] {strides = array<i32>} : memref<160x128xf32, #tpu.memory_space<vmem>>, vector<16xf32>,
        %mul3A_1168 = arith.mulf %gather3A_582, %get3A_1167 : vector<16xf32>
        %max3A_1169 = arith.maximumf %max3A_1162, %mul3A_1168 : vector<16xf32>
        %add3A_1170 = arith.constant 12 : i32
        %add3A_1171 = arith.addi %mul3A_535, %add3A_1170 : i32
        %get3A_1172 = arith.index_cast %add3A_1171 : i32 to index
        %get3A_1173 = arith.constant 64 : index
        %get3A_1174 = tpu.vector_load %arg13[%get3A_1172, %get3A_1173] {strides = array<i32>} : memref<160x128xf32, #tpu.memory_space<vmem>>, vector<16xf32>,
        %mul3A_1175 = arith.mulf %gather3A_586, %get3A_1174 : vector<16xf32>
        %max3A_1176 = arith.maximumf %max3A_1169, %mul3A_1175 : vector<16xf32>
        %add3A_1177 = arith.constant 13 : i32
        %add3A_1178 = arith.addi %mul3A_535, %add3A_1177 : i32
        %get3A_1179 = arith.index_cast %add3A_1178 : i32 to index
        %get3A_1180 = arith.constant 64 : index
        %get3A_1181 = tpu.vector_load %arg13[%get3A_1179, %get3A_1180] {strides = array<i32>} : memref<160x128xf32, #tpu.memory_space<vmem>>, vector<16xf32>,
        %mul3A_1182 = arith.mulf %gather3A_590, %get3A_1181 : vector<16xf32>
        %max3A_1183 = arith.maximumf %max3A_1176, %mul3A_1182 : vector<16xf32>
        %add3A_1184 = arith.constant 14 : i32
        %add3A_1185 = arith.addi %mul3A_535, %add3A_1184 : i32
        %get3A_1186 = arith.index_cast %add3A_1185 : i32 to index
        %get3A_1187 = arith.constant 64 : index
        %get3A_1188 = tpu.vector_load %arg13[%get3A_1186, %get3A_1187] {strides = array<i32>} : memref<160x128xf32, #tpu.memory_space<vmem>>, vector<16xf32>,
        %mul3A_1189 = arith.mulf %gather3A_594, %get3A_1188 : vector<16xf32>
        %max3A_1190 = arith.maximumf %max3A_1183, %mul3A_1189 : vector<16xf32>
        %add3A_1191 = arith.constant 15 : i32
        %add3A_1192 = arith.addi %mul3A_535, %add3A_1191 : i32
        %get3A_1193 = arith.index_cast %add3A_1192 : i32 to index
        %get3A_1194 = arith.constant 64 : index
        %get3A_1195 = tpu.vector_load %arg13[%get3A_1193, %get3A_1194] {strides = array<i32>} : memref<160x128xf32, #tpu.memory_space<vmem>>, vector<16xf32>,
        %mul3A_1196 = arith.mulf %gather3A_598, %get3A_1195 : vector<16xf32>
        %max3A_1197 = arith.maximumf %max3A_1190, %mul3A_1196 : vector<16xf32>
        %get3A_1198 = arith.index_cast %add3A_59 : i32 to index
        %get3A_1199 = arith.constant 64 : index
        %get3A_1200 = tpu.vector_load %arg20[%get3A_1198, %get3A_1199] {strides = array<i32>} : memref<32x128xf32, #tpu.memory_space<vmem>>, vector<16xf32>,
        %mul3A_1201 = arith.mulf %sub3A_602, %max3A_1197 : vector<16xf32>
        %add3A_1202 = arith.addf %get3A_1200, %mul3A_1201 : vector<16xf32>
        %get3A_1203 = arith.index_cast %add3A_533 : i32 to index
        %get3A_1204 = arith.constant 64 : index
        %get3A_1205 = tpu.vector_load %arg16[%get3A_1203, %get3A_1204] {strides = array<i32>} : memref<32x128xf32, #tpu.memory_space<vmem>>, vector<16xf32>,
        %mul3A_1206 = arith.mulf %gather3A_600, %get3A_1205 : vector<16xf32>
        %add3A_1207 = arith.addf %add3A_1202, %mul3A_1206 : vector<16xf32>
        %swap3A_1208 = arith.index_cast %add3A_59 : i32 to index
        %swap3A_1209 = arith.constant 64 : index
        %swap3A_1210 = tpu.vector_load %arg20[%swap3A_1208, %swap3A_1209] {strides = array<i32>} : memref<32x128xf32, #tpu.memory_space<vmem>>, vector<16xf32>,
        tpu.vector_store %arg20[%swap3A_1208, %swap3A_1209], %add3A_1207 {strides = array<i32>} : memref<32x128xf32, #tpu.memory_space<vmem>>, vector<16xf32>,
        %get3A_1211 = arith.index_cast %mul3A_535 : i32 to index
        %get3A_1212 = arith.constant 80 : index
        %get3A_1213 = tpu.vector_load %arg13[%get3A_1211, %get3A_1212] {strides = array<i32>} : memref<160x128xf32, #tpu.memory_space<vmem>>, vector<16xf32>,
        %mul3A_1214 = arith.mulf %gather3A, %get3A_1213 : vector<16xf32>
        %add3A_1215 = arith.constant 1 : i32
        %add3A_1216 = arith.addi %mul3A_535, %add3A_1215 : i32
        %get3A_1217 = arith.index_cast %add3A_1216 : i32 to index
        %get3A_1218 = arith.constant 80 : index
        %get3A_1219 = tpu.vector_load %arg13[%get3A_1217, %get3A_1218] {strides = array<i32>} : memref<160x128xf32, #tpu.memory_space<vmem>>, vector<16xf32>,
        %mul3A_1220 = arith.mulf %gather3A_542, %get3A_1219 : vector<16xf32>
        %max3A_1221 = arith.maximumf %mul3A_1214, %mul3A_1220 : vector<16xf32>
        %add3A_1222 = arith.constant 2 : i32
        %add3A_1223 = arith.addi %mul3A_535, %add3A_1222 : i32
        %get3A_1224 = arith.index_cast %add3A_1223 : i32 to index
        %get3A_1225 = arith.constant 80 : index
        %get3A_1226 = tpu.vector_load %arg13[%get3A_1224, %get3A_1225] {strides = array<i32>} : memref<160x128xf32, #tpu.memory_space<vmem>>, vector<16xf32>,
        %mul3A_1227 = arith.mulf %gather3A_546, %get3A_1226 : vector<16xf32>
        %max3A_1228 = arith.maximumf %max3A_1221, %mul3A_1227 : vector<16xf32>
        %add3A_1229 = arith.constant 3 : i32
        %add3A_1230 = arith.addi %mul3A_535, %add3A_1229 : i32
        %get3A_1231 = arith.index_cast %add3A_1230 : i32 to index
        %get3A_1232 = arith.constant 80 : index
        %get3A_1233 = tpu.vector_load %arg13[%get3A_1231, %get3A_1232] {strides = array<i32>} : memref<160x128xf32, #tpu.memory_space<vmem>>, vector<16xf32>,
        %mul3A_1234 = arith.mulf %gather3A_550, %get3A_1233 : vector<16xf32>
        %max3A_1235 = arith.maximumf %max3A_1228, %mul3A_1234 : vector<16xf32>
        %add3A_1236 = arith.constant 4 : i32
        %add3A_1237 = arith.addi %mul3A_535, %add3A_1236 : i32
        %get3A_1238 = arith.index_cast %add3A_1237 : i32 to index
        %get3A_1239 = arith.constant 80 : index
        %get3A_1240 = tpu.vector_load %arg13[%get3A_1238, %get3A_1239] {strides = array<i32>} : memref<160x128xf32, #tpu.memory_space<vmem>>, vector<16xf32>,
        %mul3A_1241 = arith.mulf %gather3A_554, %get3A_1240 : vector<16xf32>
        %max3A_1242 = arith.maximumf %max3A_1235, %mul3A_1241 : vector<16xf32>
        %add3A_1243 = arith.constant 5 : i32
        %add3A_1244 = arith.addi %mul3A_535, %add3A_1243 : i32
        %get3A_1245 = arith.index_cast %add3A_1244 : i32 to index
        %get3A_1246 = arith.constant 80 : index
        %get3A_1247 = tpu.vector_load %arg13[%get3A_1245, %get3A_1246] {strides = array<i32>} : memref<160x128xf32, #tpu.memory_space<vmem>>, vector<16xf32>,
        %mul3A_1248 = arith.mulf %gather3A_558, %get3A_1247 : vector<16xf32>
        %max3A_1249 = arith.maximumf %max3A_1242, %mul3A_1248 : vector<16xf32>
        %add3A_1250 = arith.constant 6 : i32
        %add3A_1251 = arith.addi %mul3A_535, %add3A_1250 : i32
        %get3A_1252 = arith.index_cast %add3A_1251 : i32 to index
        %get3A_1253 = arith.constant 80 : index
        %get3A_1254 = tpu.vector_load %arg13[%get3A_1252, %get3A_1253] {strides = array<i32>} : memref<160x128xf32, #tpu.memory_space<vmem>>, vector<16xf32>,
        %mul3A_1255 = arith.mulf %gather3A_562, %get3A_1254 : vector<16xf32>
        %max3A_1256 = arith.maximumf %max3A_1249, %mul3A_1255 : vector<16xf32>
        %add3A_1257 = arith.constant 7 : i32
        %add3A_1258 = arith.addi %mul3A_535, %add3A_1257 : i32
        %get3A_1259 = arith.index_cast %add3A_1258 : i32 to index
        %get3A_1260 = arith.constant 80 : index
        %get3A_1261 = tpu.vector_load %arg13[%get3A_1259, %get3A_1260] {strides = array<i32>} : memref<160x128xf32, #tpu.memory_space<vmem>>, vector<16xf32>,
        %mul3A_1262 = arith.mulf %gather3A_566, %get3A_1261 : vector<16xf32>
        %max3A_1263 = arith.maximumf %max3A_1256, %mul3A_1262 : vector<16xf32>
        %add3A_1264 = arith.constant 8 : i32
        %add3A_1265 = arith.addi %mul3A_535, %add3A_1264 : i32
        %get3A_1266 = arith.index_cast %add3A_1265 : i32 to index
        %get3A_1267 = arith.constant 80 : index
        %get3A_1268 = tpu.vector_load %arg13[%get3A_1266, %get3A_1267] {strides = array<i32>} : memref<160x128xf32, #tpu.memory_space<vmem>>, vector<16xf32>,
        %mul3A_1269 = arith.mulf %gather3A_570, %get3A_1268 : vector<16xf32>
        %max3A_1270 = arith.maximumf %max3A_1263, %mul3A_1269 : vector<16xf32>
        %add3A_1271 = arith.constant 9 : i32
        %add3A_1272 = arith.addi %mul3A_535, %add3A_1271 : i32
        %get3A_1273 = arith.index_cast %add3A_1272 : i32 to index
        %get3A_1274 = arith.constant 80 : index
        %get3A_1275 = tpu.vector_load %arg13[%get3A_1273, %get3A_1274] {strides = array<i32>} : memref<160x128xf32, #tpu.memory_space<vmem>>, vector<16xf32>,
        %mul3A_1276 = arith.mulf %gather3A_574, %get3A_1275 : vector<16xf32>
        %max3A_1277 = arith.maximumf %max3A_1270, %mul3A_1276 : vector<16xf32>
        %add3A_1278 = arith.constant 10 : i32
        %add3A_1279 = arith.addi %mul3A_535, %add3A_1278 : i32
        %get3A_1280 = arith.index_cast %add3A_1279 : i32 to index
        %get3A_1281 = arith.constant 80 : index
        %get3A_1282 = tpu.vector_load %arg13[%get3A_1280, %get3A_1281] {strides = array<i32>} : memref<160x128xf32, #tpu.memory_space<vmem>>, vector<16xf32>,
        %mul3A_1283 = arith.mulf %gather3A_578, %get3A_1282 : vector<16xf32>
        %max3A_1284 = arith.maximumf %max3A_1277, %mul3A_1283 : vector<16xf32>
        %add3A_1285 = arith.constant 11 : i32
        %add3A_1286 = arith.addi %mul3A_535, %add3A_1285 : i32
        %get3A_1287 = arith.index_cast %add3A_1286 : i32 to index
        %get3A_1288 = arith.constant 80 : index
        %get3A_1289 = tpu.vector_load %arg13[%get3A_1287, %get3A_1288] {strides = array<i32>} : memref<160x128xf32, #tpu.memory_space<vmem>>, vector<16xf32>,
        %mul3A_1290 = arith.mulf %gather3A_582, %get3A_1289 : vector<16xf32>
        %max3A_1291 = arith.maximumf %max3A_1284, %mul3A_1290 : vector<16xf32>
        %add3A_1292 = arith.constant 12 : i32
        %add3A_1293 = arith.addi %mul3A_535, %add3A_1292 : i32
        %get3A_1294 = arith.index_cast %add3A_1293 : i32 to index
        %get3A_1295 = arith.constant 80 : index
        %get3A_1296 = tpu.vector_load %arg13[%get3A_1294, %get3A_1295] {strides = array<i32>} : memref<160x128xf32, #tpu.memory_space<vmem>>, vector<16xf32>,
        %mul3A_1297 = arith.mulf %gather3A_586, %get3A_1296 : vector<16xf32>
        %max3A_1298 = arith.maximumf %max3A_1291, %mul3A_1297 : vector<16xf32>
        %add3A_1299 = arith.constant 13 : i32
        %add3A_1300 = arith.addi %mul3A_535, %add3A_1299 : i32
        %get3A_1301 = arith.index_cast %add3A_1300 : i32 to index
        %get3A_1302 = arith.constant 80 : index
        %get3A_1303 = tpu.vector_load %arg13[%get3A_1301, %get3A_1302] {strides = array<i32>} : memref<160x128xf32, #tpu.memory_space<vmem>>, vector<16xf32>,
        %mul3A_1304 = arith.mulf %gather3A_590, %get3A_1303 : vector<16xf32>
        %max3A_1305 = arith.maximumf %max3A_1298, %mul3A_1304 : vector<16xf32>
        %add3A_1306 = arith.constant 14 : i32
        %add3A_1307 = arith.addi %mul3A_535, %add3A_1306 : i32
        %get3A_1308 = arith.index_cast %add3A_1307 : i32 to index
        %get3A_1309 = arith.constant 80 : index
        %get3A_1310 = tpu.vector_load %arg13[%get3A_1308, %get3A_1309] {strides = array<i32>} : memref<160x128xf32, #tpu.memory_space<vmem>>, vector<16xf32>,
        %mul3A_1311 = arith.mulf %gather3A_594, %get3A_1310 : vector<16xf32>
        %max3A_1312 = arith.maximumf %max3A_1305, %mul3A_1311 : vector<16xf32>
        %add3A_1313 = arith.constant 15 : i32
        %add3A_1314 = arith.addi %mul3A_535, %add3A_1313 : i32
        %get3A_1315 = arith.index_cast %add3A_1314 : i32 to index
        %get3A_1316 = arith.constant 80 : index
        %get3A_1317 = tpu.vector_load %arg13[%get3A_1315, %get3A_1316] {strides = array<i32>} : memref<160x128xf32, #tpu.memory_space<vmem>>, vector<16xf32>,
        %mul3A_1318 = arith.mulf %gather3A_598, %get3A_1317 : vector<16xf32>
        %max3A_1319 = arith.maximumf %max3A_1312, %mul3A_1318 : vector<16xf32>
        %get3A_1320 = arith.index_cast %add3A_59 : i32 to index
        %get3A_1321 = arith.constant 80 : index
        %get3A_1322 = tpu.vector_load %arg20[%get3A_1320, %get3A_1321] {strides = array<i32>} : memref<32x128xf32, #tpu.memory_space<vmem>>, vector<16xf32>,
        %mul3A_1323 = arith.mulf %sub3A_602, %max3A_1319 : vector<16xf32>
        %add3A_1324 = arith.addf %get3A_1322, %mul3A_1323 : vector<16xf32>
        %get3A_1325 = arith.index_cast %add3A_533 : i32 to index
        %get3A_1326 = arith.constant 80 : index
        %get3A_1327 = tpu.vector_load %arg16[%get3A_1325, %get3A_1326] {strides = array<i32>} : memref<32x128xf32, #tpu.memory_space<vmem>>, vector<16xf32>,
        %mul3A_1328 = arith.mulf %gather3A_600, %get3A_1327 : vector<16xf32>
        %add3A_1329 = arith.addf %add3A_1324, %mul3A_1328 : vector<16xf32>
        %swap3A_1330 = arith.index_cast %add3A_59 : i32 to index
        %swap3A_1331 = arith.constant 80 : index
        %swap3A_1332 = tpu.vector_load %arg20[%swap3A_1330, %swap3A_1331] {strides = array<i32>} : memref<32x128xf32, #tpu.memory_space<vmem>>, vector<16xf32>,
        tpu.vector_store %arg20[%swap3A_1330, %swap3A_1331], %add3A_1329 {strides = array<i32>} : memref<32x128xf32, #tpu.memory_space<vmem>>, vector<16xf32>,
        %get3A_1333 = arith.index_cast %mul3A_535 : i32 to index
        %get3A_1334 = arith.constant 96 : index
        %get3A_1335 = tpu.vector_load %arg13[%get3A_1333, %get3A_1334] {strides = array<i32>} : memref<160x128xf32, #tpu.memory_space<vmem>>, vector<16xf32>,
        %mul3A_1336 = arith.mulf %gather3A, %get3A_1335 : vector<16xf32>
        %add3A_1337 = arith.constant 1 : i32
        %add3A_1338 = arith.addi %mul3A_535, %add3A_1337 : i32
        %get3A_1339 = arith.index_cast %add3A_1338 : i32 to index
        %get3A_1340 = arith.constant 96 : index
        %get3A_1341 = tpu.vector_load %arg13[%get3A_1339, %get3A_1340] {strides = array<i32>} : memref<160x128xf32, #tpu.memory_space<vmem>>, vector<16xf32>,
        %mul3A_1342 = arith.mulf %gather3A_542, %get3A_1341 : vector<16xf32>
        %max3A_1343 = arith.maximumf %mul3A_1336, %mul3A_1342 : vector<16xf32>
        %add3A_1344 = arith.constant 2 : i32
        %add3A_1345 = arith.addi %mul3A_535, %add3A_1344 : i32
        %get3A_1346 = arith.index_cast %add3A_1345 : i32 to index
        %get3A_1347 = arith.constant 96 : index
        %get3A_1348 = tpu.vector_load %arg13[%get3A_1346, %get3A_1347] {strides = array<i32>} : memref<160x128xf32, #tpu.memory_space<vmem>>, vector<16xf32>,
        %mul3A_1349 = arith.mulf %gather3A_546, %get3A_1348 : vector<16xf32>
        %max3A_1350 = arith.maximumf %max3A_1343, %mul3A_1349 : vector<16xf32>
        %add3A_1351 = arith.constant 3 : i32
        %add3A_1352 = arith.addi %mul3A_535, %add3A_1351 : i32
        %get3A_1353 = arith.index_cast %add3A_1352 : i32 to index
        %get3A_1354 = arith.constant 96 : index
        %get3A_1355 = tpu.vector_load %arg13[%get3A_1353, %get3A_1354] {strides = array<i32>} : memref<160x128xf32, #tpu.memory_space<vmem>>, vector<16xf32>,
        %mul3A_1356 = arith.mulf %gather3A_550, %get3A_1355 : vector<16xf32>
        %max3A_1357 = arith.maximumf %max3A_1350, %mul3A_1356 : vector<16xf32>
        %add3A_1358 = arith.constant 4 : i32
        %add3A_1359 = arith.addi %mul3A_535, %add3A_1358 : i32
        %get3A_1360 = arith.index_cast %add3A_1359 : i32 to index
        %get3A_1361 = arith.constant 96 : index
        %get3A_1362 = tpu.vector_load %arg13[%get3A_1360, %get3A_1361] {strides = array<i32>} : memref<160x128xf32, #tpu.memory_space<vmem>>, vector<16xf32>,
        %mul3A_1363 = arith.mulf %gather3A_554, %get3A_1362 : vector<16xf32>
        %max3A_1364 = arith.maximumf %max3A_1357, %mul3A_1363 : vector<16xf32>
        %add3A_1365 = arith.constant 5 : i32
        %add3A_1366 = arith.addi %mul3A_535, %add3A_1365 : i32
        %get3A_1367 = arith.index_cast %add3A_1366 : i32 to index
        %get3A_1368 = arith.constant 96 : index
        %get3A_1369 = tpu.vector_load %arg13[%get3A_1367, %get3A_1368] {strides = array<i32>} : memref<160x128xf32, #tpu.memory_space<vmem>>, vector<16xf32>,
        %mul3A_1370 = arith.mulf %gather3A_558, %get3A_1369 : vector<16xf32>
        %max3A_1371 = arith.maximumf %max3A_1364, %mul3A_1370 : vector<16xf32>
        %add3A_1372 = arith.constant 6 : i32
        %add3A_1373 = arith.addi %mul3A_535, %add3A_1372 : i32
        %get3A_1374 = arith.index_cast %add3A_1373 : i32 to index
        %get3A_1375 = arith.constant 96 : index
        %get3A_1376 = tpu.vector_load %arg13[%get3A_1374, %get3A_1375] {strides = array<i32>} : memref<160x128xf32, #tpu.memory_space<vmem>>, vector<16xf32>,
        %mul3A_1377 = arith.mulf %gather3A_562, %get3A_1376 : vector<16xf32>
        %max3A_1378 = arith.maximumf %max3A_1371, %mul3A_1377 : vector<16xf32>
        %add3A_1379 = arith.constant 7 : i32
        %add3A_1380 = arith.addi %mul3A_535, %add3A_1379 : i32
        %get3A_1381 = arith.index_cast %add3A_1380 : i32 to index
        %get3A_1382 = arith.constant 96 : index
        %get3A_1383 = tpu.vector_load %arg13[%get3A_1381, %get3A_1382] {strides = array<i32>} : memref<160x128xf32, #tpu.memory_space<vmem>>, vector<16xf32>,
        %mul3A_1384 = arith.mulf %gather3A_566, %get3A_1383 : vector<16xf32>
        %max3A_1385 = arith.maximumf %max3A_1378, %mul3A_1384 : vector<16xf32>
        %add3A_1386 = arith.constant 8 : i32
        %add3A_1387 = arith.addi %mul3A_535, %add3A_1386 : i32
        %get3A_1388 = arith.index_cast %add3A_1387 : i32 to index
        %get3A_1389 = arith.constant 96 : index
        %get3A_1390 = tpu.vector_load %arg13[%get3A_1388, %get3A_1389] {strides = array<i32>} : memref<160x128xf32, #tpu.memory_space<vmem>>, vector<16xf32>,
        %mul3A_1391 = arith.mulf %gather3A_570, %get3A_1390 : vector<16xf32>
        %max3A_1392 = arith.maximumf %max3A_1385, %mul3A_1391 : vector<16xf32>
        %add3A_1393 = arith.constant 9 : i32
        %add3A_1394 = arith.addi %mul3A_535, %add3A_1393 : i32
        %get3A_1395 = arith.index_cast %add3A_1394 : i32 to index
        %get3A_1396 = arith.constant 96 : index
        %get3A_1397 = tpu.vector_load %arg13[%get3A_1395, %get3A_1396] {strides = array<i32>} : memref<160x128xf32, #tpu.memory_space<vmem>>, vector<16xf32>,
        %mul3A_1398 = arith.mulf %gather3A_574, %get3A_1397 : vector<16xf32>
        %max3A_1399 = arith.maximumf %max3A_1392, %mul3A_1398 : vector<16xf32>
        %add3A_1400 = arith.constant 10 : i32
        %add3A_1401 = arith.addi %mul3A_535, %add3A_1400 : i32
        %get3A_1402 = arith.index_cast %add3A_1401 : i32 to index
        %get3A_1403 = arith.constant 96 : index
        %get3A_1404 = tpu.vector_load %arg13[%get3A_1402, %get3A_1403] {strides = array<i32>} : memref<160x128xf32, #tpu.memory_space<vmem>>, vector<16xf32>,
        %mul3A_1405 = arith.mulf %gather3A_578, %get3A_1404 : vector<16xf32>
        %max3A_1406 = arith.maximumf %max3A_1399, %mul3A_1405 : vector<16xf32>
        %add3A_1407 = arith.constant 11 : i32
        %add3A_1408 = arith.addi %mul3A_535, %add3A_1407 : i32
        %get3A_1409 = arith.index_cast %add3A_1408 : i32 to index
        %get3A_1410 = arith.constant 96 : index
        %get3A_1411 = tpu.vector_load %arg13[%get3A_1409, %get3A_1410] {strides = array<i32>} : memref<160x128xf32, #tpu.memory_space<vmem>>, vector<16xf32>,
        %mul3A_1412 = arith.mulf %gather3A_582, %get3A_1411 : vector<16xf32>
        %max3A_1413 = arith.maximumf %max3A_1406, %mul3A_1412 : vector<16xf32>
        %add3A_1414 = arith.constant 12 : i32
        %add3A_1415 = arith.addi %mul3A_535, %add3A_1414 : i32
        %get3A_1416 = arith.index_cast %add3A_1415 : i32 to index
        %get3A_1417 = arith.constant 96 : index
        %get3A_1418 = tpu.vector_load %arg13[%get3A_1416, %get3A_1417] {strides = array<i32>} : memref<160x128xf32, #tpu.memory_space<vmem>>, vector<16xf32>,
        %mul3A_1419 = arith.mulf %gather3A_586, %get3A_1418 : vector<16xf32>
        %max3A_1420 = arith.maximumf %max3A_1413, %mul3A_1419 : vector<16xf32>
        %add3A_1421 = arith.constant 13 : i32
        %add3A_1422 = arith.addi %mul3A_535, %add3A_1421 : i32
        %get3A_1423 = arith.index_cast %add3A_1422 : i32 to index
        %get3A_1424 = arith.constant 96 : index
        %get3A_1425 = tpu.vector_load %arg13[%get3A_1423, %get3A_1424] {strides = array<i32>} : memref<160x128xf32, #tpu.memory_space<vmem>>, vector<16xf32>,
        %mul3A_1426 = arith.mulf %gather3A_590, %get3A_1425 : vector<16xf32>
        %max3A_1427 = arith.maximumf %max3A_1420, %mul3A_1426 : vector<16xf32>
        %add3A_1428 = arith.constant 14 : i32
        %add3A_1429 = arith.addi %mul3A_535, %add3A_1428 : i32
        %get3A_1430 = arith.index_cast %add3A_1429 : i32 to index
        %get3A_1431 = arith.constant 96 : index
        %get3A_1432 = tpu.vector_load %arg13[%get3A_1430, %get3A_1431] {strides = array<i32>} : memref<160x128xf32, #tpu.memory_space<vmem>>, vector<16xf32>,
        %mul3A_1433 = arith.mulf %gather3A_594, %get3A_1432 : vector<16xf32>
        %max3A_1434 = arith.maximumf %max3A_1427, %mul3A_1433 : vector<16xf32>
        %add3A_1435 = arith.constant 15 : i32
        %add3A_1436 = arith.addi %mul3A_535, %add3A_1435 : i32
        %get3A_1437 = arith.index_cast %add3A_1436 : i32 to index
        %get3A_1438 = arith.constant 96 : index
        %get3A_1439 = tpu.vector_load %arg13[%get3A_1437, %get3A_1438] {strides = array<i32>} : memref<160x128xf32, #tpu.memory_space<vmem>>, vector<16xf32>,
        %mul3A_1440 = arith.mulf %gather3A_598, %get3A_1439 : vector<16xf32>
        %max3A_1441 = arith.maximumf %max3A_1434, %mul3A_1440 : vector<16xf32>
        %get3A_1442 = arith.index_cast %add3A_59 : i32 to index
        %get3A_1443 = arith.constant 96 : index
        %get3A_1444 = tpu.vector_load %arg20[%get3A_1442, %get3A_1443] {strides = array<i32>} : memref<32x128xf32, #tpu.memory_space<vmem>>, vector<16xf32>,
        %mul3A_1445 = arith.mulf %sub3A_602, %max3A_1441 : vector<16xf32>
        %add3A_1446 = arith.addf %get3A_1444, %mul3A_1445 : vector<16xf32>
        %get3A_1447 = arith.index_cast %add3A_533 : i32 to index
        %get3A_1448 = arith.constant 96 : index
        %get3A_1449 = tpu.vector_load %arg16[%get3A_1447, %get3A_1448] {strides = array<i32>} : memref<32x128xf32, #tpu.memory_space<vmem>>, vector<16xf32>,
        %mul3A_1450 = arith.mulf %gather3A_600, %get3A_1449 : vector<16xf32>
        %add3A_1451 = arith.addf %add3A_1446, %mul3A_1450 : vector<16xf32>
        %swap3A_1452 = arith.index_cast %add3A_59 : i32 to index
        %swap3A_1453 = arith.constant 96 : index
        %swap3A_1454 = tpu.vector_load %arg20[%swap3A_1452, %swap3A_1453] {strides = array<i32>} : memref<32x128xf32, #tpu.memory_space<vmem>>, vector<16xf32>,
        tpu.vector_store %arg20[%swap3A_1452, %swap3A_1453], %add3A_1451 {strides = array<i32>} : memref<32x128xf32, #tpu.memory_space<vmem>>, vector<16xf32>,
        %get3A_1455 = arith.index_cast %mul3A_535 : i32 to index
        %get3A_1456 = arith.constant 112 : index
        %get3A_1457 = tpu.vector_load %arg13[%get3A_1455, %get3A_1456] {strides = array<i32>} : memref<160x128xf32, #tpu.memory_space<vmem>>, vector<16xf32>,
        %mul3A_1458 = arith.mulf %gather3A, %get3A_1457 : vector<16xf32>
        %add3A_1459 = arith.constant 1 : i32
        %add3A_1460 = arith.addi %mul3A_535, %add3A_1459 : i32
        %get3A_1461 = arith.index_cast %add3A_1460 : i32 to index
        %get3A_1462 = arith.constant 112 : index
        %get3A_1463 = tpu.vector_load %arg13[%get3A_1461, %get3A_1462] {strides = array<i32>} : memref<160x128xf32, #tpu.memory_space<vmem>>, vector<16xf32>,
        %mul3A_1464 = arith.mulf %gather3A_542, %get3A_1463 : vector<16xf32>
        %max3A_1465 = arith.maximumf %mul3A_1458, %mul3A_1464 : vector<16xf32>
        %add3A_1466 = arith.constant 2 : i32
        %add3A_1467 = arith.addi %mul3A_535, %add3A_1466 : i32
        %get3A_1468 = arith.index_cast %add3A_1467 : i32 to index
        %get3A_1469 = arith.constant 112 : index
        %get3A_1470 = tpu.vector_load %arg13[%get3A_1468, %get3A_1469] {strides = array<i32>} : memref<160x128xf32, #tpu.memory_space<vmem>>, vector<16xf32>,
        %mul3A_1471 = arith.mulf %gather3A_546, %get3A_1470 : vector<16xf32>
        %max3A_1472 = arith.maximumf %max3A_1465, %mul3A_1471 : vector<16xf32>
        %add3A_1473 = arith.constant 3 : i32
        %add3A_1474 = arith.addi %mul3A_535, %add3A_1473 : i32
        %get3A_1475 = arith.index_cast %add3A_1474 : i32 to index
        %get3A_1476 = arith.constant 112 : index
        %get3A_1477 = tpu.vector_load %arg13[%get3A_1475, %get3A_1476] {strides = array<i32>} : memref<160x128xf32, #tpu.memory_space<vmem>>, vector<16xf32>,
        %mul3A_1478 = arith.mulf %gather3A_550, %get3A_1477 : vector<16xf32>
        %max3A_1479 = arith.maximumf %max3A_1472, %mul3A_1478 : vector<16xf32>
        %add3A_1480 = arith.constant 4 : i32
        %add3A_1481 = arith.addi %mul3A_535, %add3A_1480 : i32
        %get3A_1482 = arith.index_cast %add3A_1481 : i32 to index
        %get3A_1483 = arith.constant 112 : index
        %get3A_1484 = tpu.vector_load %arg13[%get3A_1482, %get3A_1483] {strides = array<i32>} : memref<160x128xf32, #tpu.memory_space<vmem>>, vector<16xf32>,
        %mul3A_1485 = arith.mulf %gather3A_554, %get3A_1484 : vector<16xf32>
        %max3A_1486 = arith.maximumf %max3A_1479, %mul3A_1485 : vector<16xf32>
        %add3A_1487 = arith.constant 5 : i32
        %add3A_1488 = arith.addi %mul3A_535, %add3A_1487 : i32
        %get3A_1489 = arith.index_cast %add3A_1488 : i32 to index
        %get3A_1490 = arith.constant 112 : index
        %get3A_1491 = tpu.vector_load %arg13[%get3A_1489, %get3A_1490] {strides = array<i32>} : memref<160x128xf32, #tpu.memory_space<vmem>>, vector<16xf32>,
        %mul3A_1492 = arith.mulf %gather3A_558, %get3A_1491 : vector<16xf32>
        %max3A_1493 = arith.maximumf %max3A_1486, %mul3A_1492 : vector<16xf32>
        %add3A_1494 = arith.constant 6 : i32
        %add3A_1495 = arith.addi %mul3A_535, %add3A_1494 : i32
        %get3A_1496 = arith.index_cast %add3A_1495 : i32 to index
        %get3A_1497 = arith.constant 112 : index
        %get3A_1498 = tpu.vector_load %arg13[%get3A_1496, %get3A_1497] {strides = array<i32>} : memref<160x128xf32, #tpu.memory_space<vmem>>, vector<16xf32>,
        %mul3A_1499 = arith.mulf %gather3A_562, %get3A_1498 : vector<16xf32>
        %max3A_1500 = arith.maximumf %max3A_1493, %mul3A_1499 : vector<16xf32>
        %add3A_1501 = arith.constant 7 : i32
        %add3A_1502 = arith.addi %mul3A_535, %add3A_1501 : i32
        %get3A_1503 = arith.index_cast %add3A_1502 : i32 to index
        %get3A_1504 = arith.constant 112 : index
        %get3A_1505 = tpu.vector_load %arg13[%get3A_1503, %get3A_1504] {strides = array<i32>} : memref<160x128xf32, #tpu.memory_space<vmem>>, vector<16xf32>,
        %mul3A_1506 = arith.mulf %gather3A_566, %get3A_1505 : vector<16xf32>
        %max3A_1507 = arith.maximumf %max3A_1500, %mul3A_1506 : vector<16xf32>
        %add3A_1508 = arith.constant 8 : i32
        %add3A_1509 = arith.addi %mul3A_535, %add3A_1508 : i32
        %get3A_1510 = arith.index_cast %add3A_1509 : i32 to index
        %get3A_1511 = arith.constant 112 : index
        %get3A_1512 = tpu.vector_load %arg13[%get3A_1510, %get3A_1511] {strides = array<i32>} : memref<160x128xf32, #tpu.memory_space<vmem>>, vector<16xf32>,
        %mul3A_1513 = arith.mulf %gather3A_570, %get3A_1512 : vector<16xf32>
        %max3A_1514 = arith.maximumf %max3A_1507, %mul3A_1513 : vector<16xf32>
        %add3A_1515 = arith.constant 9 : i32
        %add3A_1516 = arith.addi %mul3A_535, %add3A_1515 : i32
        %get3A_1517 = arith.index_cast %add3A_1516 : i32 to index
        %get3A_1518 = arith.constant 112 : index
        %get3A_1519 = tpu.vector_load %arg13[%get3A_1517, %get3A_1518] {strides = array<i32>} : memref<160x128xf32, #tpu.memory_space<vmem>>, vector<16xf32>,
        %mul3A_1520 = arith.mulf %gather3A_574, %get3A_1519 : vector<16xf32>
        %max3A_1521 = arith.maximumf %max3A_1514, %mul3A_1520 : vector<16xf32>
        %add3A_1522 = arith.constant 10 : i32
        %add3A_1523 = arith.addi %mul3A_535, %add3A_1522 : i32
        %get3A_1524 = arith.index_cast %add3A_1523 : i32 to index
        %get3A_1525 = arith.constant 112 : index
        %get3A_1526 = tpu.vector_load %arg13[%get3A_1524, %get3A_1525] {strides = array<i32>} : memref<160x128xf32, #tpu.memory_space<vmem>>, vector<16xf32>,
        %mul3A_1527 = arith.mulf %gather3A_578, %get3A_1526 : vector<16xf32>
        %max3A_1528 = arith.maximumf %max3A_1521, %mul3A_1527 : vector<16xf32>
        %add3A_1529 = arith.constant 11 : i32
        %add3A_1530 = arith.addi %mul3A_535, %add3A_1529 : i32
        %get3A_1531 = arith.index_cast %add3A_1530 : i32 to index
        %get3A_1532 = arith.constant 112 : index
        %get3A_1533 = tpu.vector_load %arg13[%get3A_1531, %get3A_1532] {strides = array<i32>} : memref<160x128xf32, #tpu.memory_space<vmem>>, vector<16xf32>,
        %mul3A_1534 = arith.mulf %gather3A_582, %get3A_1533 : vector<16xf32>
        %max3A_1535 = arith.maximumf %max3A_1528, %mul3A_1534 : vector<16xf32>
        %add3A_1536 = arith.constant 12 : i32
        %add3A_1537 = arith.addi %mul3A_535, %add3A_1536 : i32
        %get3A_1538 = arith.index_cast %add3A_1537 : i32 to index
        %get3A_1539 = arith.constant 112 : index
        %get3A_1540 = tpu.vector_load %arg13[%get3A_1538, %get3A_1539] {strides = array<i32>} : memref<160x128xf32, #tpu.memory_space<vmem>>, vector<16xf32>,
        %mul3A_1541 = arith.mulf %gather3A_586, %get3A_1540 : vector<16xf32>
        %max3A_1542 = arith.maximumf %max3A_1535, %mul3A_1541 : vector<16xf32>
        %add3A_1543 = arith.constant 13 : i32
        %add3A_1544 = arith.addi %mul3A_535, %add3A_1543 : i32
        %get3A_1545 = arith.index_cast %add3A_1544 : i32 to index
        %get3A_1546 = arith.constant 112 : index
        %get3A_1547 = tpu.vector_load %arg13[%get3A_1545, %get3A_1546] {strides = array<i32>} : memref<160x128xf32, #tpu.memory_space<vmem>>, vector<16xf32>,
        %mul3A_1548 = arith.mulf %gather3A_590, %get3A_1547 : vector<16xf32>
        %max3A_1549 = arith.maximumf %max3A_1542, %mul3A_1548 : vector<16xf32>
        %add3A_1550 = arith.constant 14 : i32
        %add3A_1551 = arith.addi %mul3A_535, %add3A_1550 : i32
        %get3A_1552 = arith.index_cast %add3A_1551 : i32 to index
        %get3A_1553 = arith.constant 112 : index
        %get3A_1554 = tpu.vector_load %arg13[%get3A_1552, %get3A_1553] {strides = array<i32>} : memref<160x128xf32, #tpu.memory_space<vmem>>, vector<16xf32>,
        %mul3A_1555 = arith.mulf %gather3A_594, %get3A_1554 : vector<16xf32>
        %max3A_1556 = arith.maximumf %max3A_1549, %mul3A_1555 : vector<16xf32>
        %add3A_1557 = arith.constant 15 : i32
        %add3A_1558 = arith.addi %mul3A_535, %add3A_1557 : i32
        %get3A_1559 = arith.index_cast %add3A_1558 : i32 to index
        %get3A_1560 = arith.constant 112 : index
        %get3A_1561 = tpu.vector_load %arg13[%get3A_1559, %get3A_1560] {strides = array<i32>} : memref<160x128xf32, #tpu.memory_space<vmem>>, vector<16xf32>,
        %mul3A_1562 = arith.mulf %gather3A_598, %get3A_1561 : vector<16xf32>
        %max3A_1563 = arith.maximumf %max3A_1556, %mul3A_1562 : vector<16xf32>
        %get3A_1564 = arith.index_cast %add3A_59 : i32 to index
        %get3A_1565 = arith.constant 112 : index
        %get3A_1566 = tpu.vector_load %arg20[%get3A_1564, %get3A_1565] {strides = array<i32>} : memref<32x128xf32, #tpu.memory_space<vmem>>, vector<16xf32>,
        %mul3A_1567 = arith.mulf %sub3A_602, %max3A_1563 : vector<16xf32>
        %add3A_1568 = arith.addf %get3A_1566, %mul3A_1567 : vector<16xf32>
        %get3A_1569 = arith.index_cast %add3A_533 : i32 to index
        %get3A_1570 = arith.constant 112 : index
        %get3A_1571 = tpu.vector_load %arg16[%get3A_1569, %get3A_1570] {strides = array<i32>} : memref<32x128xf32, #tpu.memory_space<vmem>>, vector<16xf32>,
        %mul3A_1572 = arith.mulf %gather3A_600, %get3A_1571 : vector<16xf32>
        %add3A_1573 = arith.addf %add3A_1568, %mul3A_1572 : vector<16xf32>
        %swap3A_1574 = arith.index_cast %add3A_59 : i32 to index
        %swap3A_1575 = arith.constant 112 : index
        %swap3A_1576 = tpu.vector_load %arg20[%swap3A_1574, %swap3A_1575] {strides = array<i32>} : memref<32x128xf32, #tpu.memory_space<vmem>>, vector<16xf32>,
        tpu.vector_store %arg20[%swap3A_1574, %swap3A_1575], %add3A_1573 {strides = array<i32>} : memref<32x128xf32, #tpu.memory_space<vmem>>, vector<16xf32>,
      }
      %scan3A_290 = arith.constant 10 : i32
      %mul3A_291 = arith.constant 2 : i32
      %mul3A_292 = arith.muli %mul3A_291, %scan3A_55 : i32
      %add3A_293 = arith.constant 1 : i32
      %add3A_294 = arith.addi %mul3A_292, %add3A_293 : i32
      %mul3A_295 = arith.constant 4 : i32
      %mul3A_296 = arith.muli %add3A_294, %mul3A_295 : i32
      %add3A_297 = arith.constant 2 : i32
      %add3A_298 = arith.addi %mul3A_296, %add3A_297 : i32
      %add3A_299 = arith.constant 0 : i32
      %add3A_300 = arith.addi %add3A_298, %add3A_299 : i32
      %mul3A_301 = arith.constant 80 : i32
      %mul3A_302 = arith.muli %add3A_300, %mul3A_301 : i32
      %mul3A_303 = arith.constant 4 : i32
      %mul3A_304 = arith.muli %add3A_294, %mul3A_303 : i32
      %add3A_305 = arith.constant 2 : i32
      %add3A_306 = arith.addi %mul3A_304, %add3A_305 : i32
      %add3A_307 = arith.constant 0 : i32
      %add3A_308 = arith.addi %add3A_306, %add3A_307 : i32
      %mul3A_309 = arith.constant 80 : i32
      %mul3A_310 = arith.muli %add3A_308, %mul3A_309 : i32
      %mul3A_311 = arith.constant 4 : i32
      %mul3A_312 = arith.muli %add3A_294, %mul3A_311 : i32
      %add3A_313 = arith.constant 2 : i32
      %add3A_314 = arith.addi %mul3A_312, %add3A_313 : i32
      %add3A_315 = arith.constant 1 : i32
      %add3A_316 = arith.addi %add3A_314, %add3A_315 : i32
      %mul3A_317 = arith.constant 80 : i32
      %mul3A_318 = arith.muli %add3A_316, %mul3A_317 : i32
      %mul3A_319 = arith.constant 4 : i32
      %mul3A_320 = arith.muli %add3A_294, %mul3A_319 : i32
      %add3A_321 = arith.constant 2 : i32
      %add3A_322 = arith.addi %mul3A_320, %add3A_321 : i32
      %add3A_323 = arith.constant 1 : i32
      %add3A_324 = arith.addi %add3A_322, %add3A_323 : i32
      %mul3A_325 = arith.constant 80 : i32
      %mul3A_326 = arith.muli %add3A_324, %mul3A_325 : i32
      %dma_start3A_327 = arith.constant 0 : i32
      %dma_start3A_328 = arith.constant 0 : i32
      %dma_start3A_329 = tpu.memref_slice %arg13[%dma_start3A_327, %dma_start3A_328] : memref<160x128xf32, #tpu.memory_space<vmem>> -> memref<80x128xf32, #tpu.memory_space<vmem>>
      %dma_start3A_330 = tpu.memref_slice %arg10[%mul3A_302] : memref<10240xi32, #tpu.memory_space<vmem>> -> memref<80xi32, #tpu.memory_space<vmem>>
      %dma_start3A_331 = arith.constant 0 : i32
      %dma_start3A_332 = arith.constant 0 : i32
      %dma_start3A_333 = tpu.memref_slice %arg2[%dma_start3A_331, %dma_start3A_332] : memref<5000x128xf32, #tpu.memory_space<hbm>> -> memref<5000x128xf32, #tpu.memory_space<hbm>>
      tpu.enqueue_indirect_dma source(%dma_start3A_333 : memref<5000x128xf32, #tpu.memory_space<hbm>>) target(%dma_start3A_329 : memref<80x128xf32, #tpu.memory_space<vmem>>) offsets(%dma_start3A_330 : memref<80xi32, #tpu.memory_space<vmem>>) semaphore(%arg22 : memref<!tpu.dma_semaphore, #tpu.memory_space<semaphore_mem>>)
      %dma_start3A_334 = arith.constant 0 : i32
      %dma_start3A_335 = tpu.memref_slice %arg15[%dma_start3A_334] : memref<160xf32, #tpu.memory_space<vmem>> -> memref<80xf32, #tpu.memory_space<vmem>>
      %dma_start3A_336 = tpu.memref_slice %arg11[%mul3A_310] : memref<10240xi32, #tpu.memory_space<vmem>> -> memref<80xi32, #tpu.memory_space<vmem>>
      %dma_start3A_337 = arith.constant 0 : i32
      %dma_start3A_338 = tpu.memref_slice %arg3[%dma_start3A_337] : memref<24995840xf32, #tpu.memory_space<hbm>> -> memref<24995840xf32, #tpu.memory_space<hbm>>
      tpu.enqueue_indirect_dma source(%dma_start3A_338 : memref<24995840xf32, #tpu.memory_space<hbm>>) target(%dma_start3A_335 : memref<80xf32, #tpu.memory_space<vmem>>) offsets(%dma_start3A_336 : memref<80xi32, #tpu.memory_space<vmem>>) semaphore(%arg22 : memref<!tpu.dma_semaphore, #tpu.memory_space<semaphore_mem>>)
      %dma_start3A_339 = arith.constant 80 : i32
      %dma_start3A_340 = arith.constant 0 : i32
      %dma_start3A_341 = tpu.memref_slice %arg13[%dma_start3A_339, %dma_start3A_340] : memref<160x128xf32, #tpu.memory_space<vmem>> -> memref<80x128xf32, #tpu.memory_space<vmem>>
      %dma_start3A_342 = tpu.memref_slice %arg10[%mul3A_318] : memref<10240xi32, #tpu.memory_space<vmem>> -> memref<80xi32, #tpu.memory_space<vmem>>
      %dma_start3A_343 = arith.constant 0 : i32
      %dma_start3A_344 = arith.constant 0 : i32
      %dma_start3A_345 = tpu.memref_slice %arg2[%dma_start3A_343, %dma_start3A_344] : memref<5000x128xf32, #tpu.memory_space<hbm>> -> memref<5000x128xf32, #tpu.memory_space<hbm>>
      tpu.enqueue_indirect_dma source(%dma_start3A_345 : memref<5000x128xf32, #tpu.memory_space<hbm>>) target(%dma_start3A_341 : memref<80x128xf32, #tpu.memory_space<vmem>>) offsets(%dma_start3A_342 : memref<80xi32, #tpu.memory_space<vmem>>) semaphore(%arg22 : memref<!tpu.dma_semaphore, #tpu.memory_space<semaphore_mem>>)
      %dma_start3A_346 = arith.constant 80 : i32
      %dma_start3A_347 = tpu.memref_slice %arg15[%dma_start3A_346] : memref<160xf32, #tpu.memory_space<vmem>> -> memref<80xf32, #tpu.memory_space<vmem>>
      %dma_start3A_348 = tpu.memref_slice %arg11[%mul3A_326] : memref<10240xi32, #tpu.memory_space<vmem>> -> memref<80xi32, #tpu.memory_space<vmem>>
      %dma_start3A_349 = arith.constant 0 : i32
      %dma_start3A_350 = tpu.memref_slice %arg3[%dma_start3A_349] : memref<24995840xf32, #tpu.memory_space<hbm>> -> memref<24995840xf32, #tpu.memory_space<hbm>>
      tpu.enqueue_indirect_dma source(%dma_start3A_350 : memref<24995840xf32, #tpu.memory_space<hbm>>) target(%dma_start3A_347 : memref<80xf32, #tpu.memory_space<vmem>>) offsets(%dma_start3A_348 : memref<80xi32, #tpu.memory_space<vmem>>) semaphore(%arg22 : memref<!tpu.dma_semaphore, #tpu.memory_space<semaphore_mem>>)
      %mul3A_351 = arith.constant 4 : i32
      %mul3A_352 = arith.muli %add3A_294, %mul3A_351 : i32
      %add3A_353 = arith.constant 0 : i32
      %add3A_354 = arith.addi %mul3A_352, %add3A_353 : i32
      %add3A_355 = arith.constant 0 : i32
      %add3A_356 = arith.addi %add3A_354, %add3A_355 : i32
      %mul3A_357 = arith.constant 80 : i32
      %mul3A_358 = arith.muli %add3A_356, %mul3A_357 : i32
      %mul3A_359 = arith.constant 4 : i32
      %mul3A_360 = arith.muli %add3A_294, %mul3A_359 : i32
      %add3A_361 = arith.constant 0 : i32
      %add3A_362 = arith.addi %mul3A_360, %add3A_361 : i32
      %add3A_363 = arith.constant 0 : i32
      %add3A_364 = arith.addi %add3A_362, %add3A_363 : i32
      %mul3A_365 = arith.constant 80 : i32
      %mul3A_366 = arith.muli %add3A_364, %mul3A_365 : i32
      %mul3A_367 = arith.constant 4 : i32
      %mul3A_368 = arith.muli %add3A_294, %mul3A_367 : i32
      %add3A_369 = arith.constant 0 : i32
      %add3A_370 = arith.addi %mul3A_368, %add3A_369 : i32
      %add3A_371 = arith.constant 1 : i32
      %add3A_372 = arith.addi %add3A_370, %add3A_371 : i32
      %mul3A_373 = arith.constant 80 : i32
      %mul3A_374 = arith.muli %add3A_372, %mul3A_373 : i32
      %mul3A_375 = arith.constant 4 : i32
      %mul3A_376 = arith.muli %add3A_294, %mul3A_375 : i32
      %add3A_377 = arith.constant 0 : i32
      %add3A_378 = arith.addi %mul3A_376, %add3A_377 : i32
      %add3A_379 = arith.constant 1 : i32
      %add3A_380 = arith.addi %add3A_378, %add3A_379 : i32
      %mul3A_381 = arith.constant 80 : i32
      %mul3A_382 = arith.muli %add3A_380, %mul3A_381 : i32
      %mul3A_383 = arith.constant 32 : i32
      %mul3A_384 = arith.muli %add3A_294, %mul3A_383 : i32
      %dma_wait3A_385 = arith.constant 0 : i32
      %dma_wait3A_386 = arith.constant 0 : i32
      %dma_wait3A_387 = tpu.memref_slice %arg12[%dma_wait3A_385, %dma_wait3A_386] : memref<160x128xf32, #tpu.memory_space<vmem>> -> memref<80x128xf32, #tpu.memory_space<vmem>>
      %dma_wait3A_388 = tpu.memref_slice %arg10[%mul3A_358] : memref<10240xi32, #tpu.memory_space<vmem>> -> memref<80xi32, #tpu.memory_space<vmem>>
      %dma_wait3A_389 = arith.constant 0 : i32
      %dma_wait3A_390 = arith.constant 0 : i32
      %dma_wait3A_391 = tpu.memref_slice %arg2[%dma_wait3A_389, %dma_wait3A_390] : memref<5000x128xf32, #tpu.memory_space<hbm>> -> memref<5000x128xf32, #tpu.memory_space<hbm>>
      tpu.wait_indirect_dma semaphore(%arg21 : memref<!tpu.dma_semaphore, #tpu.memory_space<semaphore_mem>>) src(%dma_wait3A_391 : memref<5000x128xf32, #tpu.memory_space<hbm>>) dst(%dma_wait3A_387 : memref<80x128xf32, #tpu.memory_space<vmem>>)
      %dma_wait3A_392 = arith.constant 0 : i32
      %dma_wait3A_393 = tpu.memref_slice %arg14[%dma_wait3A_392] : memref<160xf32, #tpu.memory_space<vmem>> -> memref<80xf32, #tpu.memory_space<vmem>>
      %dma_wait3A_394 = tpu.memref_slice %arg11[%mul3A_366] : memref<10240xi32, #tpu.memory_space<vmem>> -> memref<80xi32, #tpu.memory_space<vmem>>
      %dma_wait3A_395 = arith.constant 0 : i32
      %dma_wait3A_396 = tpu.memref_slice %arg3[%dma_wait3A_395] : memref<24995840xf32, #tpu.memory_space<hbm>> -> memref<24995840xf32, #tpu.memory_space<hbm>>
      tpu.wait_indirect_dma semaphore(%arg21 : memref<!tpu.dma_semaphore, #tpu.memory_space<semaphore_mem>>) src(%dma_wait3A_396 : memref<24995840xf32, #tpu.memory_space<hbm>>) dst(%dma_wait3A_393 : memref<80xf32, #tpu.memory_space<vmem>>)
      %dma_wait3A_397 = arith.constant 80 : i32
      %dma_wait3A_398 = arith.constant 0 : i32
      %dma_wait3A_399 = tpu.memref_slice %arg12[%dma_wait3A_397, %dma_wait3A_398] : memref<160x128xf32, #tpu.memory_space<vmem>> -> memref<80x128xf32, #tpu.memory_space<vmem>>
      %dma_wait3A_400 = tpu.memref_slice %arg10[%mul3A_374] : memref<10240xi32, #tpu.memory_space<vmem>> -> memref<80xi32, #tpu.memory_space<vmem>>
      %dma_wait3A_401 = arith.constant 0 : i32
      %dma_wait3A_402 = arith.constant 0 : i32
      %dma_wait3A_403 = tpu.memref_slice %arg2[%dma_wait3A_401, %dma_wait3A_402] : memref<5000x128xf32, #tpu.memory_space<hbm>> -> memref<5000x128xf32, #tpu.memory_space<hbm>>
      tpu.wait_indirect_dma semaphore(%arg21 : memref<!tpu.dma_semaphore, #tpu.memory_space<semaphore_mem>>) src(%dma_wait3A_403 : memref<5000x128xf32, #tpu.memory_space<hbm>>) dst(%dma_wait3A_399 : memref<80x128xf32, #tpu.memory_space<vmem>>)
      %dma_wait3A_404 = arith.constant 80 : i32
      %dma_wait3A_405 = tpu.memref_slice %arg14[%dma_wait3A_404] : memref<160xf32, #tpu.memory_space<vmem>> -> memref<80xf32, #tpu.memory_space<vmem>>
      %dma_wait3A_406 = tpu.memref_slice %arg11[%mul3A_382] : memref<10240xi32, #tpu.memory_space<vmem>> -> memref<80xi32, #tpu.memory_space<vmem>>
      %dma_wait3A_407 = arith.constant 0 : i32
      %dma_wait3A_408 = tpu.memref_slice %arg3[%dma_wait3A_407] : memref<24995840xf32, #tpu.memory_space<hbm>> -> memref<24995840xf32, #tpu.memory_space<hbm>>
      tpu.wait_indirect_dma semaphore(%arg21 : memref<!tpu.dma_semaphore, #tpu.memory_space<semaphore_mem>>) src(%dma_wait3A_408 : memref<24995840xf32, #tpu.memory_space<hbm>>) dst(%dma_wait3A_405 : memref<80xf32, #tpu.memory_space<vmem>>)
      %dma_wait3A_409 = tpu.memref_slice %arg9[%mul3A_384] : memref<1024xi32, #tpu.memory_space<vmem>> -> memref<32xi32, #tpu.memory_space<vmem>>
      %dma_wait3A_410 = arith.constant 0 : i32
      %dma_wait3A_411 = arith.constant 0 : i32
      %dma_wait3A_412 = tpu.memref_slice %arg2[%dma_wait3A_410, %dma_wait3A_411] : memref<5000x128xf32, #tpu.memory_space<hbm>> -> memref<5000x128xf32, #tpu.memory_space<hbm>>
      tpu.wait_indirect_dma semaphore(%arg24 : memref<!tpu.dma_semaphore, #tpu.memory_space<semaphore_mem>>) src(%dma_wait3A_412 : memref<5000x128xf32, #tpu.memory_space<hbm>>) dst(%arg17 : memref<32x128xf32, #tpu.memory_space<vmem>>)
      %dma_wait3A_413 = tpu.memref_slice %arg9[%mul3A_384] : memref<1024xi32, #tpu.memory_space<vmem>> -> memref<32xi32, #tpu.memory_space<vmem>>
      %dma_wait3A_414 = arith.constant 0 : i32
      %dma_wait3A_415 = tpu.memref_slice %arg4[%dma_wait3A_414] : memref<5000xf32, #tpu.memory_space<hbm>> -> memref<5000xf32, #tpu.memory_space<hbm>>
      tpu.wait_indirect_dma semaphore(%arg24 : memref<!tpu.dma_semaphore, #tpu.memory_space<semaphore_mem>>) src(%dma_wait3A_415 : memref<5000xf32, #tpu.memory_space<hbm>>) dst(%arg19 : memref<32xf32, #tpu.memory_space<vmem>>)
      %broadcast_in_dim3A_416 = arith.constant 0.000000e+00 : f32
      %broadcast_in_dim3A_417 = vector.broadcast %broadcast_in_dim3A_416 : f32 to vector<16xf32>
      %swap3A_418 = arith.index_cast %add3A_294 : i32 to index
      %swap3A_419 = arith.constant 0 : index
      %swap3A_420 = tpu.vector_load %arg20[%swap3A_418, %swap3A_419] {strides = array<i32>} : memref<32x128xf32, #tpu.memory_space<vmem>>, vector<16xf32>,
      tpu.vector_store %arg20[%swap3A_418, %swap3A_419], %broadcast_in_dim3A_417 {strides = array<i32>} : memref<32x128xf32, #tpu.memory_space<vmem>>, vector<16xf32>,
      %broadcast_in_dim3A_421 = arith.constant 0.000000e+00 : f32
      %broadcast_in_dim3A_422 = vector.broadcast %broadcast_in_dim3A_421 : f32 to vector<16xf32>
      %swap3A_423 = arith.index_cast %add3A_294 : i32 to index
      %swap3A_424 = arith.constant 16 : index
      %swap3A_425 = tpu.vector_load %arg20[%swap3A_423, %swap3A_424] {strides = array<i32>} : memref<32x128xf32, #tpu.memory_space<vmem>>, vector<16xf32>,
      tpu.vector_store %arg20[%swap3A_423, %swap3A_424], %broadcast_in_dim3A_422 {strides = array<i32>} : memref<32x128xf32, #tpu.memory_space<vmem>>, vector<16xf32>,
      %broadcast_in_dim3A_426 = arith.constant 0.000000e+00 : f32
      %broadcast_in_dim3A_427 = vector.broadcast %broadcast_in_dim3A_426 : f32 to vector<16xf32>
      %swap3A_428 = arith.index_cast %add3A_294 : i32 to index
      %swap3A_429 = arith.constant 32 : index
      %swap3A_430 = tpu.vector_load %arg20[%swap3A_428, %swap3A_429] {strides = array<i32>} : memref<32x128xf32, #tpu.memory_space<vmem>>, vector<16xf32>,
      tpu.vector_store %arg20[%swap3A_428, %swap3A_429], %broadcast_in_dim3A_427 {strides = array<i32>} : memref<32x128xf32, #tpu.memory_space<vmem>>, vector<16xf32>,
      %broadcast_in_dim3A_431 = arith.constant 0.000000e+00 : f32
      %broadcast_in_dim3A_432 = vector.broadcast %broadcast_in_dim3A_431 : f32 to vector<16xf32>
      %swap3A_433 = arith.index_cast %add3A_294 : i32 to index
      %swap3A_434 = arith.constant 48 : index
      %swap3A_435 = tpu.vector_load %arg20[%swap3A_433, %swap3A_434] {strides = array<i32>} : memref<32x128xf32, #tpu.memory_space<vmem>>, vector<16xf32>,
      tpu.vector_store %arg20[%swap3A_433, %swap3A_434], %broadcast_in_dim3A_432 {strides = array<i32>} : memref<32x128xf32, #tpu.memory_space<vmem>>, vector<16xf32>,
      %broadcast_in_dim3A_436 = arith.constant 0.000000e+00 : f32
      %broadcast_in_dim3A_437 = vector.broadcast %broadcast_in_dim3A_436 : f32 to vector<16xf32>
      %swap3A_438 = arith.index_cast %add3A_294 : i32 to index
      %swap3A_439 = arith.constant 64 : index
      %swap3A_440 = tpu.vector_load %arg20[%swap3A_438, %swap3A_439] {strides = array<i32>} : memref<32x128xf32, #tpu.memory_space<vmem>>, vector<16xf32>,
      tpu.vector_store %arg20[%swap3A_438, %swap3A_439], %broadcast_in_dim3A_437 {strides = array<i32>} : memref<32x128xf32, #tpu.memory_space<vmem>>, vector<16xf32>,
      %broadcast_in_dim3A_441 = arith.constant 0.000000e+00 : f32
      %broadcast_in_dim3A_442 = vector.broadcast %broadcast_in_dim3A_441 : f32 to vector<16xf32>
      %swap3A_443 = arith.index_cast %add3A_294 : i32 to index
      %swap3A_444 = arith.constant 80 : index
      %swap3A_445 = tpu.vector_load %arg20[%swap3A_443, %swap3A_444] {strides = array<i32>} : memref<32x128xf32, #tpu.memory_space<vmem>>, vector<16xf32>,
      tpu.vector_store %arg20[%swap3A_443, %swap3A_444], %broadcast_in_dim3A_442 {strides = array<i32>} : memref<32x128xf32, #tpu.memory_space<vmem>>, vector<16xf32>,
      %broadcast_in_dim3A_446 = arith.constant 0.000000e+00 : f32
      %broadcast_in_dim3A_447 = vector.broadcast %broadcast_in_dim3A_446 : f32 to vector<16xf32>
      %swap3A_448 = arith.index_cast %add3A_294 : i32 to index
      %swap3A_449 = arith.constant 96 : index
      %swap3A_450 = tpu.vector_load %arg20[%swap3A_448, %swap3A_449] {strides = array<i32>} : memref<32x128xf32, #tpu.memory_space<vmem>>, vector<16xf32>,
      tpu.vector_store %arg20[%swap3A_448, %swap3A_449], %broadcast_in_dim3A_447 {strides = array<i32>} : memref<32x128xf32, #tpu.memory_space<vmem>>, vector<16xf32>,
      %broadcast_in_dim3A_451 = arith.constant 0.000000e+00 : f32
      %broadcast_in_dim3A_452 = vector.broadcast %broadcast_in_dim3A_451 : f32 to vector<16xf32>
      %swap3A_453 = arith.index_cast %add3A_294 : i32 to index
      %swap3A_454 = arith.constant 112 : index
      %swap3A_455 = tpu.vector_load %arg20[%swap3A_453, %swap3A_454] {strides = array<i32>} : memref<32x128xf32, #tpu.memory_space<vmem>>, vector<16xf32>,
      tpu.vector_store %arg20[%swap3A_453, %swap3A_454], %broadcast_in_dim3A_452 {strides = array<i32>} : memref<32x128xf32, #tpu.memory_space<vmem>>, vector<16xf32>,
      %scan3A_456 = arith.constant 0 : i32
      %scan3A_457 = arith.constant 0 : i32
      %scan3A_458 = arith.constant 10 : i32
      %scan3A_459 = arith.addi %scan3A_457, %scan3A_458 : i32
      %scan3A_460 = arith.constant 1 : i32
      scf.for %scan3A_531 = %scan3A_457 to %scan3A_459 step %scan3A_460  : i32 {
        %add3A_532 = arith.constant 0 : i32
        %add3A_533 = arith.addi %add3A_532, %scan3A_531 : i32
        %mul3A_534 = arith.constant 16 : i32
        %mul3A_535 = arith.muli %scan3A_531, %mul3A_534 : i32
        %add3A_536 = arith.constant 0 : i32
        %add3A_537 = arith.addi %mul3A_535, %add3A_536 : i32
        %broadcast_in_dim3A_538 = vector.broadcast %add3A_537 : i32 to vector<16xi32>
        %gather3A = tpu.vector_load_idx %arg14[%broadcast_in_dim3A_538] : memref<160xf32, #tpu.memory_space<vmem>>[vector<16xi32>], vector<16xf32>,
        %add3A_539 = arith.constant 1 : i32
        %add3A_540 = arith.addi %mul3A_535, %add3A_539 : i32
        %broadcast_in_dim3A_541 = vector.broadcast %add3A_540 : i32 to vector<16xi32>
        %gather3A_542 = tpu.vector_load_idx %arg14[%broadcast_in_dim3A_541] : memref<160xf32, #tpu.memory_space<vmem>>[vector<16xi32>], vector<16xf32>,
        %add3A_543 = arith.constant 2 : i32
        %add3A_544 = arith.addi %mul3A_535, %add3A_543 : i32
        %broadcast_in_dim3A_545 = vector.broadcast %add3A_544 : i32 to vector<16xi32>
        %gather3A_546 = tpu.vector_load_idx %arg14[%broadcast_in_dim3A_545] : memref<160xf32, #tpu.memory_space<vmem>>[vector<16xi32>], vector<16xf32>,
        %add3A_547 = arith.constant 3 : i32
        %add3A_548 = arith.addi %mul3A_535, %add3A_547 : i32
        %broadcast_in_dim3A_549 = vector.broadcast %add3A_548 : i32 to vector<16xi32>
        %gather3A_550 = tpu.vector_load_idx %arg14[%broadcast_in_dim3A_549] : memref<160xf32, #tpu.memory_space<vmem>>[vector<16xi32>], vector<16xf32>,
        %add3A_551 = arith.constant 4 : i32
        %add3A_552 = arith.addi %mul3A_535, %add3A_551 : i32
        %broadcast_in_dim3A_553 = vector.broadcast %add3A_552 : i32 to vector<16xi32>
        %gather3A_554 = tpu.vector_load_idx %arg14[%broadcast_in_dim3A_553] : memref<160xf32, #tpu.memory_space<vmem>>[vector<16xi32>], vector<16xf32>,
        %add3A_555 = arith.constant 5 : i32
        %add3A_556 = arith.addi %mul3A_535, %add3A_555 : i32
        %broadcast_in_dim3A_557 = vector.broadcast %add3A_556 : i32 to vector<16xi32>
        %gather3A_558 = tpu.vector_load_idx %arg14[%broadcast_in_dim3A_557] : memref<160xf32, #tpu.memory_space<vmem>>[vector<16xi32>], vector<16xf32>,
        %add3A_559 = arith.constant 6 : i32
        %add3A_560 = arith.addi %mul3A_535, %add3A_559 : i32
        %broadcast_in_dim3A_561 = vector.broadcast %add3A_560 : i32 to vector<16xi32>
        %gather3A_562 = tpu.vector_load_idx %arg14[%broadcast_in_dim3A_561] : memref<160xf32, #tpu.memory_space<vmem>>[vector<16xi32>], vector<16xf32>,
        %add3A_563 = arith.constant 7 : i32
        %add3A_564 = arith.addi %mul3A_535, %add3A_563 : i32
        %broadcast_in_dim3A_565 = vector.broadcast %add3A_564 : i32 to vector<16xi32>
        %gather3A_566 = tpu.vector_load_idx %arg14[%broadcast_in_dim3A_565] : memref<160xf32, #tpu.memory_space<vmem>>[vector<16xi32>], vector<16xf32>,
        %add3A_567 = arith.constant 8 : i32
        %add3A_568 = arith.addi %mul3A_535, %add3A_567 : i32
        %broadcast_in_dim3A_569 = vector.broadcast %add3A_568 : i32 to vector<16xi32>
        %gather3A_570 = tpu.vector_load_idx %arg14[%broadcast_in_dim3A_569] : memref<160xf32, #tpu.memory_space<vmem>>[vector<16xi32>], vector<16xf32>,
        %add3A_571 = arith.constant 9 : i32
        %add3A_572 = arith.addi %mul3A_535, %add3A_571 : i32
        %broadcast_in_dim3A_573 = vector.broadcast %add3A_572 : i32 to vector<16xi32>
        %gather3A_574 = tpu.vector_load_idx %arg14[%broadcast_in_dim3A_573] : memref<160xf32, #tpu.memory_space<vmem>>[vector<16xi32>], vector<16xf32>,
        %add3A_575 = arith.constant 10 : i32
        %add3A_576 = arith.addi %mul3A_535, %add3A_575 : i32
        %broadcast_in_dim3A_577 = vector.broadcast %add3A_576 : i32 to vector<16xi32>
        %gather3A_578 = tpu.vector_load_idx %arg14[%broadcast_in_dim3A_577] : memref<160xf32, #tpu.memory_space<vmem>>[vector<16xi32>], vector<16xf32>,
        %add3A_579 = arith.constant 11 : i32
        %add3A_580 = arith.addi %mul3A_535, %add3A_579 : i32
        %broadcast_in_dim3A_581 = vector.broadcast %add3A_580 : i32 to vector<16xi32>
        %gather3A_582 = tpu.vector_load_idx %arg14[%broadcast_in_dim3A_581] : memref<160xf32, #tpu.memory_space<vmem>>[vector<16xi32>], vector<16xf32>,
        %add3A_583 = arith.constant 12 : i32
        %add3A_584 = arith.addi %mul3A_535, %add3A_583 : i32
        %broadcast_in_dim3A_585 = vector.broadcast %add3A_584 : i32 to vector<16xi32>
        %gather3A_586 = tpu.vector_load_idx %arg14[%broadcast_in_dim3A_585] : memref<160xf32, #tpu.memory_space<vmem>>[vector<16xi32>], vector<16xf32>,
        %add3A_587 = arith.constant 13 : i32
        %add3A_588 = arith.addi %mul3A_535, %add3A_587 : i32
        %broadcast_in_dim3A_589 = vector.broadcast %add3A_588 : i32 to vector<16xi32>
        %gather3A_590 = tpu.vector_load_idx %arg14[%broadcast_in_dim3A_589] : memref<160xf32, #tpu.memory_space<vmem>>[vector<16xi32>], vector<16xf32>,
        %add3A_591 = arith.constant 14 : i32
        %add3A_592 = arith.addi %mul3A_535, %add3A_591 : i32
        %broadcast_in_dim3A_593 = vector.broadcast %add3A_592 : i32 to vector<16xi32>
        %gather3A_594 = tpu.vector_load_idx %arg14[%broadcast_in_dim3A_593] : memref<160xf32, #tpu.memory_space<vmem>>[vector<16xi32>], vector<16xf32>,
        %add3A_595 = arith.constant 15 : i32
        %add3A_596 = arith.addi %mul3A_535, %add3A_595 : i32
        %broadcast_in_dim3A_597 = vector.broadcast %add3A_596 : i32 to vector<16xi32>
        %gather3A_598 = tpu.vector_load_idx %arg14[%broadcast_in_dim3A_597] : memref<160xf32, #tpu.memory_space<vmem>>[vector<16xi32>], vector<16xf32>,
        %broadcast_in_dim3A_599 = vector.broadcast %add3A_533 : i32 to vector<16xi32>
        %gather3A_600 = tpu.vector_load_idx %arg19[%broadcast_in_dim3A_599] : memref<32xf32, #tpu.memory_space<vmem>>[vector<16xi32>], vector<16xf32>,
        %sub3A = arith.constant 1.000000e+00 : f32
        %sub3A_601 = vector.broadcast %sub3A : f32 to vector<16xf32>
        %sub3A_602 = arith.subf %sub3A_601, %gather3A_600 : vector<16xf32>
        %get3A = arith.index_cast %mul3A_535 : i32 to index
        %get3A_603 = arith.constant 0 : index
        %get3A_604 = tpu.vector_load %arg12[%get3A, %get3A_603] {strides = array<i32>} : memref<160x128xf32, #tpu.memory_space<vmem>>, vector<16xf32>,
        %mul3A_605 = arith.mulf %gather3A, %get3A_604 : vector<16xf32>
        %add3A_606 = arith.constant 1 : i32
        %add3A_607 = arith.addi %mul3A_535, %add3A_606 : i32
        %get3A_608 = arith.index_cast %add3A_607 : i32 to index
        %get3A_609 = arith.constant 0 : index
        %get3A_610 = tpu.vector_load %arg12[%get3A_608, %get3A_609] {strides = array<i32>} : memref<160x128xf32, #tpu.memory_space<vmem>>, vector<16xf32>,
        %mul3A_611 = arith.mulf %gather3A_542, %get3A_610 : vector<16xf32>
        %max3A = arith.maximumf %mul3A_605, %mul3A_611 : vector<16xf32>
        %add3A_612 = arith.constant 2 : i32
        %add3A_613 = arith.addi %mul3A_535, %add3A_612 : i32
        %get3A_614 = arith.index_cast %add3A_613 : i32 to index
        %get3A_615 = arith.constant 0 : index
        %get3A_616 = tpu.vector_load %arg12[%get3A_614, %get3A_615] {strides = array<i32>} : memref<160x128xf32, #tpu.memory_space<vmem>>, vector<16xf32>,
        %mul3A_617 = arith.mulf %gather3A_546, %get3A_616 : vector<16xf32>
        %max3A_618 = arith.maximumf %max3A, %mul3A_617 : vector<16xf32>
        %add3A_619 = arith.constant 3 : i32
        %add3A_620 = arith.addi %mul3A_535, %add3A_619 : i32
        %get3A_621 = arith.index_cast %add3A_620 : i32 to index
        %get3A_622 = arith.constant 0 : index
        %get3A_623 = tpu.vector_load %arg12[%get3A_621, %get3A_622] {strides = array<i32>} : memref<160x128xf32, #tpu.memory_space<vmem>>, vector<16xf32>,
        %mul3A_624 = arith.mulf %gather3A_550, %get3A_623 : vector<16xf32>
        %max3A_625 = arith.maximumf %max3A_618, %mul3A_624 : vector<16xf32>
        %add3A_626 = arith.constant 4 : i32
        %add3A_627 = arith.addi %mul3A_535, %add3A_626 : i32
        %get3A_628 = arith.index_cast %add3A_627 : i32 to index
        %get3A_629 = arith.constant 0 : index
        %get3A_630 = tpu.vector_load %arg12[%get3A_628, %get3A_629] {strides = array<i32>} : memref<160x128xf32, #tpu.memory_space<vmem>>, vector<16xf32>,
        %mul3A_631 = arith.mulf %gather3A_554, %get3A_630 : vector<16xf32>
        %max3A_632 = arith.maximumf %max3A_625, %mul3A_631 : vector<16xf32>
        %add3A_633 = arith.constant 5 : i32
        %add3A_634 = arith.addi %mul3A_535, %add3A_633 : i32
        %get3A_635 = arith.index_cast %add3A_634 : i32 to index
        %get3A_636 = arith.constant 0 : index
        %get3A_637 = tpu.vector_load %arg12[%get3A_635, %get3A_636] {strides = array<i32>} : memref<160x128xf32, #tpu.memory_space<vmem>>, vector<16xf32>,
        %mul3A_638 = arith.mulf %gather3A_558, %get3A_637 : vector<16xf32>
        %max3A_639 = arith.maximumf %max3A_632, %mul3A_638 : vector<16xf32>
        %add3A_640 = arith.constant 6 : i32
        %add3A_641 = arith.addi %mul3A_535, %add3A_640 : i32
        %get3A_642 = arith.index_cast %add3A_641 : i32 to index
        %get3A_643 = arith.constant 0 : index
        %get3A_644 = tpu.vector_load %arg12[%get3A_642, %get3A_643] {strides = array<i32>} : memref<160x128xf32, #tpu.memory_space<vmem>>, vector<16xf32>,
        %mul3A_645 = arith.mulf %gather3A_562, %get3A_644 : vector<16xf32>
        %max3A_646 = arith.maximumf %max3A_639, %mul3A_645 : vector<16xf32>
        %add3A_647 = arith.constant 7 : i32
        %add3A_648 = arith.addi %mul3A_535, %add3A_647 : i32
        %get3A_649 = arith.index_cast %add3A_648 : i32 to index
        %get3A_650 = arith.constant 0 : index
        %get3A_651 = tpu.vector_load %arg12[%get3A_649, %get3A_650] {strides = array<i32>} : memref<160x128xf32, #tpu.memory_space<vmem>>, vector<16xf32>,
        %mul3A_652 = arith.mulf %gather3A_566, %get3A_651 : vector<16xf32>
        %max3A_653 = arith.maximumf %max3A_646, %mul3A_652 : vector<16xf32>
        %add3A_654 = arith.constant 8 : i32
        %add3A_655 = arith.addi %mul3A_535, %add3A_654 : i32
        %get3A_656 = arith.index_cast %add3A_655 : i32 to index
        %get3A_657 = arith.constant 0 : index
        %get3A_658 = tpu.vector_load %arg12[%get3A_656, %get3A_657] {strides = array<i32>} : memref<160x128xf32, #tpu.memory_space<vmem>>, vector<16xf32>,
        %mul3A_659 = arith.mulf %gather3A_570, %get3A_658 : vector<16xf32>
        %max3A_660 = arith.maximumf %max3A_653, %mul3A_659 : vector<16xf32>
        %add3A_661 = arith.constant 9 : i32
        %add3A_662 = arith.addi %mul3A_535, %add3A_661 : i32
        %get3A_663 = arith.index_cast %add3A_662 : i32 to index
        %get3A_664 = arith.constant 0 : index
        %get3A_665 = tpu.vector_load %arg12[%get3A_663, %get3A_664] {strides = array<i32>} : memref<160x128xf32, #tpu.memory_space<vmem>>, vector<16xf32>,
        %mul3A_666 = arith.mulf %gather3A_574, %get3A_665 : vector<16xf32>
        %max3A_667 = arith.maximumf %max3A_660, %mul3A_666 : vector<16xf32>
        %add3A_668 = arith.constant 10 : i32
        %add3A_669 = arith.addi %mul3A_535, %add3A_668 : i32
        %get3A_670 = arith.index_cast %add3A_669 : i32 to index
        %get3A_671 = arith.constant 0 : index
        %get3A_672 = tpu.vector_load %arg12[%get3A_670, %get3A_671] {strides = array<i32>} : memref<160x128xf32, #tpu.memory_space<vmem>>, vector<16xf32>,
        %mul3A_673 = arith.mulf %gather3A_578, %get3A_672 : vector<16xf32>
        %max3A_674 = arith.maximumf %max3A_667, %mul3A_673 : vector<16xf32>
        %add3A_675 = arith.constant 11 : i32
        %add3A_676 = arith.addi %mul3A_535, %add3A_675 : i32
        %get3A_677 = arith.index_cast %add3A_676 : i32 to index
        %get3A_678 = arith.constant 0 : index
        %get3A_679 = tpu.vector_load %arg12[%get3A_677, %get3A_678] {strides = array<i32>} : memref<160x128xf32, #tpu.memory_space<vmem>>, vector<16xf32>,
        %mul3A_680 = arith.mulf %gather3A_582, %get3A_679 : vector<16xf32>
        %max3A_681 = arith.maximumf %max3A_674, %mul3A_680 : vector<16xf32>
        %add3A_682 = arith.constant 12 : i32
        %add3A_683 = arith.addi %mul3A_535, %add3A_682 : i32
        %get3A_684 = arith.index_cast %add3A_683 : i32 to index
        %get3A_685 = arith.constant 0 : index
        %get3A_686 = tpu.vector_load %arg12[%get3A_684, %get3A_685] {strides = array<i32>} : memref<160x128xf32, #tpu.memory_space<vmem>>, vector<16xf32>,
        %mul3A_687 = arith.mulf %gather3A_586, %get3A_686 : vector<16xf32>
        %max3A_688 = arith.maximumf %max3A_681, %mul3A_687 : vector<16xf32>
        %add3A_689 = arith.constant 13 : i32
        %add3A_690 = arith.addi %mul3A_535, %add3A_689 : i32
        %get3A_691 = arith.index_cast %add3A_690 : i32 to index
        %get3A_692 = arith.constant 0 : index
        %get3A_693 = tpu.vector_load %arg12[%get3A_691, %get3A_692] {strides = array<i32>} : memref<160x128xf32, #tpu.memory_space<vmem>>, vector<16xf32>,
        %mul3A_694 = arith.mulf %gather3A_590, %get3A_693 : vector<16xf32>
        %max3A_695 = arith.maximumf %max3A_688, %mul3A_694 : vector<16xf32>
        %add3A_696 = arith.constant 14 : i32
        %add3A_697 = arith.addi %mul3A_535, %add3A_696 : i32
        %get3A_698 = arith.index_cast %add3A_697 : i32 to index
        %get3A_699 = arith.constant 0 : index
        %get3A_700 = tpu.vector_load %arg12[%get3A_698, %get3A_699] {strides = array<i32>} : memref<160x128xf32, #tpu.memory_space<vmem>>, vector<16xf32>,
        %mul3A_701 = arith.mulf %gather3A_594, %get3A_700 : vector<16xf32>
        %max3A_702 = arith.maximumf %max3A_695, %mul3A_701 : vector<16xf32>
        %add3A_703 = arith.constant 15 : i32
        %add3A_704 = arith.addi %mul3A_535, %add3A_703 : i32
        %get3A_705 = arith.index_cast %add3A_704 : i32 to index
        %get3A_706 = arith.constant 0 : index
        %get3A_707 = tpu.vector_load %arg12[%get3A_705, %get3A_706] {strides = array<i32>} : memref<160x128xf32, #tpu.memory_space<vmem>>, vector<16xf32>,
        %mul3A_708 = arith.mulf %gather3A_598, %get3A_707 : vector<16xf32>
        %max3A_709 = arith.maximumf %max3A_702, %mul3A_708 : vector<16xf32>
        %get3A_710 = arith.index_cast %add3A_294 : i32 to index
        %get3A_711 = arith.constant 0 : index
        %get3A_712 = tpu.vector_load %arg20[%get3A_710, %get3A_711] {strides = array<i32>} : memref<32x128xf32, #tpu.memory_space<vmem>>, vector<16xf32>,
        %mul3A_713 = arith.mulf %sub3A_602, %max3A_709 : vector<16xf32>
        %add3A_714 = arith.addf %get3A_712, %mul3A_713 : vector<16xf32>
        %get3A_715 = arith.index_cast %add3A_533 : i32 to index
        %get3A_716 = arith.constant 0 : index
        %get3A_717 = tpu.vector_load %arg17[%get3A_715, %get3A_716] {strides = array<i32>} : memref<32x128xf32, #tpu.memory_space<vmem>>, vector<16xf32>,
        %mul3A_718 = arith.mulf %gather3A_600, %get3A_717 : vector<16xf32>
        %add3A_719 = arith.addf %add3A_714, %mul3A_718 : vector<16xf32>
        %swap3A_720 = arith.index_cast %add3A_294 : i32 to index
        %swap3A_721 = arith.constant 0 : index
        %swap3A_722 = tpu.vector_load %arg20[%swap3A_720, %swap3A_721] {strides = array<i32>} : memref<32x128xf32, #tpu.memory_space<vmem>>, vector<16xf32>,
        tpu.vector_store %arg20[%swap3A_720, %swap3A_721], %add3A_719 {strides = array<i32>} : memref<32x128xf32, #tpu.memory_space<vmem>>, vector<16xf32>,
        %get3A_723 = arith.index_cast %mul3A_535 : i32 to index
        %get3A_724 = arith.constant 16 : index
        %get3A_725 = tpu.vector_load %arg12[%get3A_723, %get3A_724] {strides = array<i32>} : memref<160x128xf32, #tpu.memory_space<vmem>>, vector<16xf32>,
        %mul3A_726 = arith.mulf %gather3A, %get3A_725 : vector<16xf32>
        %add3A_727 = arith.constant 1 : i32
        %add3A_728 = arith.addi %mul3A_535, %add3A_727 : i32
        %get3A_729 = arith.index_cast %add3A_728 : i32 to index
        %get3A_730 = arith.constant 16 : index
        %get3A_731 = tpu.vector_load %arg12[%get3A_729, %get3A_730] {strides = array<i32>} : memref<160x128xf32, #tpu.memory_space<vmem>>, vector<16xf32>,
        %mul3A_732 = arith.mulf %gather3A_542, %get3A_731 : vector<16xf32>
        %max3A_733 = arith.maximumf %mul3A_726, %mul3A_732 : vector<16xf32>
        %add3A_734 = arith.constant 2 : i32
        %add3A_735 = arith.addi %mul3A_535, %add3A_734 : i32
        %get3A_736 = arith.index_cast %add3A_735 : i32 to index
        %get3A_737 = arith.constant 16 : index
        %get3A_738 = tpu.vector_load %arg12[%get3A_736, %get3A_737] {strides = array<i32>} : memref<160x128xf32, #tpu.memory_space<vmem>>, vector<16xf32>,
        %mul3A_739 = arith.mulf %gather3A_546, %get3A_738 : vector<16xf32>
        %max3A_740 = arith.maximumf %max3A_733, %mul3A_739 : vector<16xf32>
        %add3A_741 = arith.constant 3 : i32
        %add3A_742 = arith.addi %mul3A_535, %add3A_741 : i32
        %get3A_743 = arith.index_cast %add3A_742 : i32 to index
        %get3A_744 = arith.constant 16 : index
        %get3A_745 = tpu.vector_load %arg12[%get3A_743, %get3A_744] {strides = array<i32>} : memref<160x128xf32, #tpu.memory_space<vmem>>, vector<16xf32>,
        %mul3A_746 = arith.mulf %gather3A_550, %get3A_745 : vector<16xf32>
        %max3A_747 = arith.maximumf %max3A_740, %mul3A_746 : vector<16xf32>
        %add3A_748 = arith.constant 4 : i32
        %add3A_749 = arith.addi %mul3A_535, %add3A_748 : i32
        %get3A_750 = arith.index_cast %add3A_749 : i32 to index
        %get3A_751 = arith.constant 16 : index
        %get3A_752 = tpu.vector_load %arg12[%get3A_750, %get3A_751] {strides = array<i32>} : memref<160x128xf32, #tpu.memory_space<vmem>>, vector<16xf32>,
        %mul3A_753 = arith.mulf %gather3A_554, %get3A_752 : vector<16xf32>
        %max3A_754 = arith.maximumf %max3A_747, %mul3A_753 : vector<16xf32>
        %add3A_755 = arith.constant 5 : i32
        %add3A_756 = arith.addi %mul3A_535, %add3A_755 : i32
        %get3A_757 = arith.index_cast %add3A_756 : i32 to index
        %get3A_758 = arith.constant 16 : index
        %get3A_759 = tpu.vector_load %arg12[%get3A_757, %get3A_758] {strides = array<i32>} : memref<160x128xf32, #tpu.memory_space<vmem>>, vector<16xf32>,
        %mul3A_760 = arith.mulf %gather3A_558, %get3A_759 : vector<16xf32>
        %max3A_761 = arith.maximumf %max3A_754, %mul3A_760 : vector<16xf32>
        %add3A_762 = arith.constant 6 : i32
        %add3A_763 = arith.addi %mul3A_535, %add3A_762 : i32
        %get3A_764 = arith.index_cast %add3A_763 : i32 to index
        %get3A_765 = arith.constant 16 : index
        %get3A_766 = tpu.vector_load %arg12[%get3A_764, %get3A_765] {strides = array<i32>} : memref<160x128xf32, #tpu.memory_space<vmem>>, vector<16xf32>,
        %mul3A_767 = arith.mulf %gather3A_562, %get3A_766 : vector<16xf32>
        %max3A_768 = arith.maximumf %max3A_761, %mul3A_767 : vector<16xf32>
        %add3A_769 = arith.constant 7 : i32
        %add3A_770 = arith.addi %mul3A_535, %add3A_769 : i32
        %get3A_771 = arith.index_cast %add3A_770 : i32 to index
        %get3A_772 = arith.constant 16 : index
        %get3A_773 = tpu.vector_load %arg12[%get3A_771, %get3A_772] {strides = array<i32>} : memref<160x128xf32, #tpu.memory_space<vmem>>, vector<16xf32>,
        %mul3A_774 = arith.mulf %gather3A_566, %get3A_773 : vector<16xf32>
        %max3A_775 = arith.maximumf %max3A_768, %mul3A_774 : vector<16xf32>
        %add3A_776 = arith.constant 8 : i32
        %add3A_777 = arith.addi %mul3A_535, %add3A_776 : i32
        %get3A_778 = arith.index_cast %add3A_777 : i32 to index
        %get3A_779 = arith.constant 16 : index
        %get3A_780 = tpu.vector_load %arg12[%get3A_778, %get3A_779] {strides = array<i32>} : memref<160x128xf32, #tpu.memory_space<vmem>>, vector<16xf32>,
        %mul3A_781 = arith.mulf %gather3A_570, %get3A_780 : vector<16xf32>
        %max3A_782 = arith.maximumf %max3A_775, %mul3A_781 : vector<16xf32>
        %add3A_783 = arith.constant 9 : i32
        %add3A_784 = arith.addi %mul3A_535, %add3A_783 : i32
        %get3A_785 = arith.index_cast %add3A_784 : i32 to index
        %get3A_786 = arith.constant 16 : index
        %get3A_787 = tpu.vector_load %arg12[%get3A_785, %get3A_786] {strides = array<i32>} : memref<160x128xf32, #tpu.memory_space<vmem>>, vector<16xf32>,
        %mul3A_788 = arith.mulf %gather3A_574, %get3A_787 : vector<16xf32>
        %max3A_789 = arith.maximumf %max3A_782, %mul3A_788 : vector<16xf32>
        %add3A_790 = arith.constant 10 : i32
        %add3A_791 = arith.addi %mul3A_535, %add3A_790 : i32
        %get3A_792 = arith.index_cast %add3A_791 : i32 to index
        %get3A_793 = arith.constant 16 : index
        %get3A_794 = tpu.vector_load %arg12[%get3A_792, %get3A_793] {strides = array<i32>} : memref<160x128xf32, #tpu.memory_space<vmem>>, vector<16xf32>,
        %mul3A_795 = arith.mulf %gather3A_578, %get3A_794 : vector<16xf32>
        %max3A_796 = arith.maximumf %max3A_789, %mul3A_795 : vector<16xf32>
        %add3A_797 = arith.constant 11 : i32
        %add3A_798 = arith.addi %mul3A_535, %add3A_797 : i32
        %get3A_799 = arith.index_cast %add3A_798 : i32 to index
        %get3A_800 = arith.constant 16 : index
        %get3A_801 = tpu.vector_load %arg12[%get3A_799, %get3A_800] {strides = array<i32>} : memref<160x128xf32, #tpu.memory_space<vmem>>, vector<16xf32>,
        %mul3A_802 = arith.mulf %gather3A_582, %get3A_801 : vector<16xf32>
        %max3A_803 = arith.maximumf %max3A_796, %mul3A_802 : vector<16xf32>
        %add3A_804 = arith.constant 12 : i32
        %add3A_805 = arith.addi %mul3A_535, %add3A_804 : i32
        %get3A_806 = arith.index_cast %add3A_805 : i32 to index
        %get3A_807 = arith.constant 16 : index
        %get3A_808 = tpu.vector_load %arg12[%get3A_806, %get3A_807] {strides = array<i32>} : memref<160x128xf32, #tpu.memory_space<vmem>>, vector<16xf32>,
        %mul3A_809 = arith.mulf %gather3A_586, %get3A_808 : vector<16xf32>
        %max3A_810 = arith.maximumf %max3A_803, %mul3A_809 : vector<16xf32>
        %add3A_811 = arith.constant 13 : i32
        %add3A_812 = arith.addi %mul3A_535, %add3A_811 : i32
        %get3A_813 = arith.index_cast %add3A_812 : i32 to index
        %get3A_814 = arith.constant 16 : index
        %get3A_815 = tpu.vector_load %arg12[%get3A_813, %get3A_814] {strides = array<i32>} : memref<160x128xf32, #tpu.memory_space<vmem>>, vector<16xf32>,
        %mul3A_816 = arith.mulf %gather3A_590, %get3A_815 : vector<16xf32>
        %max3A_817 = arith.maximumf %max3A_810, %mul3A_816 : vector<16xf32>
        %add3A_818 = arith.constant 14 : i32
        %add3A_819 = arith.addi %mul3A_535, %add3A_818 : i32
        %get3A_820 = arith.index_cast %add3A_819 : i32 to index
        %get3A_821 = arith.constant 16 : index
        %get3A_822 = tpu.vector_load %arg12[%get3A_820, %get3A_821] {strides = array<i32>} : memref<160x128xf32, #tpu.memory_space<vmem>>, vector<16xf32>,
        %mul3A_823 = arith.mulf %gather3A_594, %get3A_822 : vector<16xf32>
        %max3A_824 = arith.maximumf %max3A_817, %mul3A_823 : vector<16xf32>
        %add3A_825 = arith.constant 15 : i32
        %add3A_826 = arith.addi %mul3A_535, %add3A_825 : i32
        %get3A_827 = arith.index_cast %add3A_826 : i32 to index
        %get3A_828 = arith.constant 16 : index
        %get3A_829 = tpu.vector_load %arg12[%get3A_827, %get3A_828] {strides = array<i32>} : memref<160x128xf32, #tpu.memory_space<vmem>>, vector<16xf32>,
        %mul3A_830 = arith.mulf %gather3A_598, %get3A_829 : vector<16xf32>
        %max3A_831 = arith.maximumf %max3A_824, %mul3A_830 : vector<16xf32>
        %get3A_832 = arith.index_cast %add3A_294 : i32 to index
        %get3A_833 = arith.constant 16 : index
        %get3A_834 = tpu.vector_load %arg20[%get3A_832, %get3A_833] {strides = array<i32>} : memref<32x128xf32, #tpu.memory_space<vmem>>, vector<16xf32>,
        %mul3A_835 = arith.mulf %sub3A_602, %max3A_831 : vector<16xf32>
        %add3A_836 = arith.addf %get3A_834, %mul3A_835 : vector<16xf32>
        %get3A_837 = arith.index_cast %add3A_533 : i32 to index
        %get3A_838 = arith.constant 16 : index
        %get3A_839 = tpu.vector_load %arg17[%get3A_837, %get3A_838] {strides = array<i32>} : memref<32x128xf32, #tpu.memory_space<vmem>>, vector<16xf32>,
        %mul3A_840 = arith.mulf %gather3A_600, %get3A_839 : vector<16xf32>
        %add3A_841 = arith.addf %add3A_836, %mul3A_840 : vector<16xf32>
        %swap3A_842 = arith.index_cast %add3A_294 : i32 to index
        %swap3A_843 = arith.constant 16 : index
        %swap3A_844 = tpu.vector_load %arg20[%swap3A_842, %swap3A_843] {strides = array<i32>} : memref<32x128xf32, #tpu.memory_space<vmem>>, vector<16xf32>,
        tpu.vector_store %arg20[%swap3A_842, %swap3A_843], %add3A_841 {strides = array<i32>} : memref<32x128xf32, #tpu.memory_space<vmem>>, vector<16xf32>,
        %get3A_845 = arith.index_cast %mul3A_535 : i32 to index
        %get3A_846 = arith.constant 32 : index
        %get3A_847 = tpu.vector_load %arg12[%get3A_845, %get3A_846] {strides = array<i32>} : memref<160x128xf32, #tpu.memory_space<vmem>>, vector<16xf32>,
        %mul3A_848 = arith.mulf %gather3A, %get3A_847 : vector<16xf32>
        %add3A_849 = arith.constant 1 : i32
        %add3A_850 = arith.addi %mul3A_535, %add3A_849 : i32
        %get3A_851 = arith.index_cast %add3A_850 : i32 to index
        %get3A_852 = arith.constant 32 : index
        %get3A_853 = tpu.vector_load %arg12[%get3A_851, %get3A_852] {strides = array<i32>} : memref<160x128xf32, #tpu.memory_space<vmem>>, vector<16xf32>,
        %mul3A_854 = arith.mulf %gather3A_542, %get3A_853 : vector<16xf32>
        %max3A_855 = arith.maximumf %mul3A_848, %mul3A_854 : vector<16xf32>
        %add3A_856 = arith.constant 2 : i32
        %add3A_857 = arith.addi %mul3A_535, %add3A_856 : i32
        %get3A_858 = arith.index_cast %add3A_857 : i32 to index
        %get3A_859 = arith.constant 32 : index
        %get3A_860 = tpu.vector_load %arg12[%get3A_858, %get3A_859] {strides = array<i32>} : memref<160x128xf32, #tpu.memory_space<vmem>>, vector<16xf32>,
        %mul3A_861 = arith.mulf %gather3A_546, %get3A_860 : vector<16xf32>
        %max3A_862 = arith.maximumf %max3A_855, %mul3A_861 : vector<16xf32>
        %add3A_863 = arith.constant 3 : i32
        %add3A_864 = arith.addi %mul3A_535, %add3A_863 : i32
        %get3A_865 = arith.index_cast %add3A_864 : i32 to index
        %get3A_866 = arith.constant 32 : index
        %get3A_867 = tpu.vector_load %arg12[%get3A_865, %get3A_866] {strides = array<i32>} : memref<160x128xf32, #tpu.memory_space<vmem>>, vector<16xf32>,
        %mul3A_868 = arith.mulf %gather3A_550, %get3A_867 : vector<16xf32>
        %max3A_869 = arith.maximumf %max3A_862, %mul3A_868 : vector<16xf32>
        %add3A_870 = arith.constant 4 : i32
        %add3A_871 = arith.addi %mul3A_535, %add3A_870 : i32
        %get3A_872 = arith.index_cast %add3A_871 : i32 to index
        %get3A_873 = arith.constant 32 : index
        %get3A_874 = tpu.vector_load %arg12[%get3A_872, %get3A_873] {strides = array<i32>} : memref<160x128xf32, #tpu.memory_space<vmem>>, vector<16xf32>,
        %mul3A_875 = arith.mulf %gather3A_554, %get3A_874 : vector<16xf32>
        %max3A_876 = arith.maximumf %max3A_869, %mul3A_875 : vector<16xf32>
        %add3A_877 = arith.constant 5 : i32
        %add3A_878 = arith.addi %mul3A_535, %add3A_877 : i32
        %get3A_879 = arith.index_cast %add3A_878 : i32 to index
        %get3A_880 = arith.constant 32 : index
        %get3A_881 = tpu.vector_load %arg12[%get3A_879, %get3A_880] {strides = array<i32>} : memref<160x128xf32, #tpu.memory_space<vmem>>, vector<16xf32>,
        %mul3A_882 = arith.mulf %gather3A_558, %get3A_881 : vector<16xf32>
        %max3A_883 = arith.maximumf %max3A_876, %mul3A_882 : vector<16xf32>
        %add3A_884 = arith.constant 6 : i32
        %add3A_885 = arith.addi %mul3A_535, %add3A_884 : i32
        %get3A_886 = arith.index_cast %add3A_885 : i32 to index
        %get3A_887 = arith.constant 32 : index
        %get3A_888 = tpu.vector_load %arg12[%get3A_886, %get3A_887] {strides = array<i32>} : memref<160x128xf32, #tpu.memory_space<vmem>>, vector<16xf32>,
        %mul3A_889 = arith.mulf %gather3A_562, %get3A_888 : vector<16xf32>
        %max3A_890 = arith.maximumf %max3A_883, %mul3A_889 : vector<16xf32>
        %add3A_891 = arith.constant 7 : i32
        %add3A_892 = arith.addi %mul3A_535, %add3A_891 : i32
        %get3A_893 = arith.index_cast %add3A_892 : i32 to index
        %get3A_894 = arith.constant 32 : index
        %get3A_895 = tpu.vector_load %arg12[%get3A_893, %get3A_894] {strides = array<i32>} : memref<160x128xf32, #tpu.memory_space<vmem>>, vector<16xf32>,
        %mul3A_896 = arith.mulf %gather3A_566, %get3A_895 : vector<16xf32>
        %max3A_897 = arith.maximumf %max3A_890, %mul3A_896 : vector<16xf32>
        %add3A_898 = arith.constant 8 : i32
        %add3A_899 = arith.addi %mul3A_535, %add3A_898 : i32
        %get3A_900 = arith.index_cast %add3A_899 : i32 to index
        %get3A_901 = arith.constant 32 : index
        %get3A_902 = tpu.vector_load %arg12[%get3A_900, %get3A_901] {strides = array<i32>} : memref<160x128xf32, #tpu.memory_space<vmem>>, vector<16xf32>,
        %mul3A_903 = arith.mulf %gather3A_570, %get3A_902 : vector<16xf32>
        %max3A_904 = arith.maximumf %max3A_897, %mul3A_903 : vector<16xf32>
        %add3A_905 = arith.constant 9 : i32
        %add3A_906 = arith.addi %mul3A_535, %add3A_905 : i32
        %get3A_907 = arith.index_cast %add3A_906 : i32 to index
        %get3A_908 = arith.constant 32 : index
        %get3A_909 = tpu.vector_load %arg12[%get3A_907, %get3A_908] {strides = array<i32>} : memref<160x128xf32, #tpu.memory_space<vmem>>, vector<16xf32>,
        %mul3A_910 = arith.mulf %gather3A_574, %get3A_909 : vector<16xf32>
        %max3A_911 = arith.maximumf %max3A_904, %mul3A_910 : vector<16xf32>
        %add3A_912 = arith.constant 10 : i32
        %add3A_913 = arith.addi %mul3A_535, %add3A_912 : i32
        %get3A_914 = arith.index_cast %add3A_913 : i32 to index
        %get3A_915 = arith.constant 32 : index
        %get3A_916 = tpu.vector_load %arg12[%get3A_914, %get3A_915] {strides = array<i32>} : memref<160x128xf32, #tpu.memory_space<vmem>>, vector<16xf32>,
        %mul3A_917 = arith.mulf %gather3A_578, %get3A_916 : vector<16xf32>
        %max3A_918 = arith.maximumf %max3A_911, %mul3A_917 : vector<16xf32>
        %add3A_919 = arith.constant 11 : i32
        %add3A_920 = arith.addi %mul3A_535, %add3A_919 : i32
        %get3A_921 = arith.index_cast %add3A_920 : i32 to index
        %get3A_922 = arith.constant 32 : index
        %get3A_923 = tpu.vector_load %arg12[%get3A_921, %get3A_922] {strides = array<i32>} : memref<160x128xf32, #tpu.memory_space<vmem>>, vector<16xf32>,
        %mul3A_924 = arith.mulf %gather3A_582, %get3A_923 : vector<16xf32>
        %max3A_925 = arith.maximumf %max3A_918, %mul3A_924 : vector<16xf32>
        %add3A_926 = arith.constant 12 : i32
        %add3A_927 = arith.addi %mul3A_535, %add3A_926 : i32
        %get3A_928 = arith.index_cast %add3A_927 : i32 to index
        %get3A_929 = arith.constant 32 : index
        %get3A_930 = tpu.vector_load %arg12[%get3A_928, %get3A_929] {strides = array<i32>} : memref<160x128xf32, #tpu.memory_space<vmem>>, vector<16xf32>,
        %mul3A_931 = arith.mulf %gather3A_586, %get3A_930 : vector<16xf32>
        %max3A_932 = arith.maximumf %max3A_925, %mul3A_931 : vector<16xf32>
        %add3A_933 = arith.constant 13 : i32
        %add3A_934 = arith.addi %mul3A_535, %add3A_933 : i32
        %get3A_935 = arith.index_cast %add3A_934 : i32 to index
        %get3A_936 = arith.constant 32 : index
        %get3A_937 = tpu.vector_load %arg12[%get3A_935, %get3A_936] {strides = array<i32>} : memref<160x128xf32, #tpu.memory_space<vmem>>, vector<16xf32>,
        %mul3A_938 = arith.mulf %gather3A_590, %get3A_937 : vector<16xf32>
        %max3A_939 = arith.maximumf %max3A_932, %mul3A_938 : vector<16xf32>
        %add3A_940 = arith.constant 14 : i32
        %add3A_941 = arith.addi %mul3A_535, %add3A_940 : i32
        %get3A_942 = arith.index_cast %add3A_941 : i32 to index
        %get3A_943 = arith.constant 32 : index
        %get3A_944 = tpu.vector_load %arg12[%get3A_942, %get3A_943] {strides = array<i32>} : memref<160x128xf32, #tpu.memory_space<vmem>>, vector<16xf32>,
        %mul3A_945 = arith.mulf %gather3A_594, %get3A_944 : vector<16xf32>
        %max3A_946 = arith.maximumf %max3A_939, %mul3A_945 : vector<16xf32>
        %add3A_947 = arith.constant 15 : i32
        %add3A_948 = arith.addi %mul3A_535, %add3A_947 : i32
        %get3A_949 = arith.index_cast %add3A_948 : i32 to index
        %get3A_950 = arith.constant 32 : index
        %get3A_951 = tpu.vector_load %arg12[%get3A_949, %get3A_950] {strides = array<i32>} : memref<160x128xf32, #tpu.memory_space<vmem>>, vector<16xf32>,
        %mul3A_952 = arith.mulf %gather3A_598, %get3A_951 : vector<16xf32>
        %max3A_953 = arith.maximumf %max3A_946, %mul3A_952 : vector<16xf32>
        %get3A_954 = arith.index_cast %add3A_294 : i32 to index
        %get3A_955 = arith.constant 32 : index
        %get3A_956 = tpu.vector_load %arg20[%get3A_954, %get3A_955] {strides = array<i32>} : memref<32x128xf32, #tpu.memory_space<vmem>>, vector<16xf32>,
        %mul3A_957 = arith.mulf %sub3A_602, %max3A_953 : vector<16xf32>
        %add3A_958 = arith.addf %get3A_956, %mul3A_957 : vector<16xf32>
        %get3A_959 = arith.index_cast %add3A_533 : i32 to index
        %get3A_960 = arith.constant 32 : index
        %get3A_961 = tpu.vector_load %arg17[%get3A_959, %get3A_960] {strides = array<i32>} : memref<32x128xf32, #tpu.memory_space<vmem>>, vector<16xf32>,
        %mul3A_962 = arith.mulf %gather3A_600, %get3A_961 : vector<16xf32>
        %add3A_963 = arith.addf %add3A_958, %mul3A_962 : vector<16xf32>
        %swap3A_964 = arith.index_cast %add3A_294 : i32 to index
        %swap3A_965 = arith.constant 32 : index
        %swap3A_966 = tpu.vector_load %arg20[%swap3A_964, %swap3A_965] {strides = array<i32>} : memref<32x128xf32, #tpu.memory_space<vmem>>, vector<16xf32>,
        tpu.vector_store %arg20[%swap3A_964, %swap3A_965], %add3A_963 {strides = array<i32>} : memref<32x128xf32, #tpu.memory_space<vmem>>, vector<16xf32>,
        %get3A_967 = arith.index_cast %mul3A_535 : i32 to index
        %get3A_968 = arith.constant 48 : index
        %get3A_969 = tpu.vector_load %arg12[%get3A_967, %get3A_968] {strides = array<i32>} : memref<160x128xf32, #tpu.memory_space<vmem>>, vector<16xf32>,
        %mul3A_970 = arith.mulf %gather3A, %get3A_969 : vector<16xf32>
        %add3A_971 = arith.constant 1 : i32
        %add3A_972 = arith.addi %mul3A_535, %add3A_971 : i32
        %get3A_973 = arith.index_cast %add3A_972 : i32 to index
        %get3A_974 = arith.constant 48 : index
        %get3A_975 = tpu.vector_load %arg12[%get3A_973, %get3A_974] {strides = array<i32>} : memref<160x128xf32, #tpu.memory_space<vmem>>, vector<16xf32>,
        %mul3A_976 = arith.mulf %gather3A_542, %get3A_975 : vector<16xf32>
        %max3A_977 = arith.maximumf %mul3A_970, %mul3A_976 : vector<16xf32>
        %add3A_978 = arith.constant 2 : i32
        %add3A_979 = arith.addi %mul3A_535, %add3A_978 : i32
        %get3A_980 = arith.index_cast %add3A_979 : i32 to index
        %get3A_981 = arith.constant 48 : index
        %get3A_982 = tpu.vector_load %arg12[%get3A_980, %get3A_981] {strides = array<i32>} : memref<160x128xf32, #tpu.memory_space<vmem>>, vector<16xf32>,
        %mul3A_983 = arith.mulf %gather3A_546, %get3A_982 : vector<16xf32>
        %max3A_984 = arith.maximumf %max3A_977, %mul3A_983 : vector<16xf32>
        %add3A_985 = arith.constant 3 : i32
        %add3A_986 = arith.addi %mul3A_535, %add3A_985 : i32
        %get3A_987 = arith.index_cast %add3A_986 : i32 to index
        %get3A_988 = arith.constant 48 : index
        %get3A_989 = tpu.vector_load %arg12[%get3A_987, %get3A_988] {strides = array<i32>} : memref<160x128xf32, #tpu.memory_space<vmem>>, vector<16xf32>,
        %mul3A_990 = arith.mulf %gather3A_550, %get3A_989 : vector<16xf32>
        %max3A_991 = arith.maximumf %max3A_984, %mul3A_990 : vector<16xf32>
        %add3A_992 = arith.constant 4 : i32
        %add3A_993 = arith.addi %mul3A_535, %add3A_992 : i32
        %get3A_994 = arith.index_cast %add3A_993 : i32 to index
        %get3A_995 = arith.constant 48 : index
        %get3A_996 = tpu.vector_load %arg12[%get3A_994, %get3A_995] {strides = array<i32>} : memref<160x128xf32, #tpu.memory_space<vmem>>, vector<16xf32>,
        %mul3A_997 = arith.mulf %gather3A_554, %get3A_996 : vector<16xf32>
        %max3A_998 = arith.maximumf %max3A_991, %mul3A_997 : vector<16xf32>
        %add3A_999 = arith.constant 5 : i32
        %add3A_1000 = arith.addi %mul3A_535, %add3A_999 : i32
        %get3A_1001 = arith.index_cast %add3A_1000 : i32 to index
        %get3A_1002 = arith.constant 48 : index
        %get3A_1003 = tpu.vector_load %arg12[%get3A_1001, %get3A_1002] {strides = array<i32>} : memref<160x128xf32, #tpu.memory_space<vmem>>, vector<16xf32>,
        %mul3A_1004 = arith.mulf %gather3A_558, %get3A_1003 : vector<16xf32>
        %max3A_1005 = arith.maximumf %max3A_998, %mul3A_1004 : vector<16xf32>
        %add3A_1006 = arith.constant 6 : i32
        %add3A_1007 = arith.addi %mul3A_535, %add3A_1006 : i32
        %get3A_1008 = arith.index_cast %add3A_1007 : i32 to index
        %get3A_1009 = arith.constant 48 : index
        %get3A_1010 = tpu.vector_load %arg12[%get3A_1008, %get3A_1009] {strides = array<i32>} : memref<160x128xf32, #tpu.memory_space<vmem>>, vector<16xf32>,
        %mul3A_1011 = arith.mulf %gather3A_562, %get3A_1010 : vector<16xf32>
        %max3A_1012 = arith.maximumf %max3A_1005, %mul3A_1011 : vector<16xf32>
        %add3A_1013 = arith.constant 7 : i32
        %add3A_1014 = arith.addi %mul3A_535, %add3A_1013 : i32
        %get3A_1015 = arith.index_cast %add3A_1014 : i32 to index
        %get3A_1016 = arith.constant 48 : index
        %get3A_1017 = tpu.vector_load %arg12[%get3A_1015, %get3A_1016] {strides = array<i32>} : memref<160x128xf32, #tpu.memory_space<vmem>>, vector<16xf32>,
        %mul3A_1018 = arith.mulf %gather3A_566, %get3A_1017 : vector<16xf32>
        %max3A_1019 = arith.maximumf %max3A_1012, %mul3A_1018 : vector<16xf32>
        %add3A_1020 = arith.constant 8 : i32
        %add3A_1021 = arith.addi %mul3A_535, %add3A_1020 : i32
        %get3A_1022 = arith.index_cast %add3A_1021 : i32 to index
        %get3A_1023 = arith.constant 48 : index
        %get3A_1024 = tpu.vector_load %arg12[%get3A_1022, %get3A_1023] {strides = array<i32>} : memref<160x128xf32, #tpu.memory_space<vmem>>, vector<16xf32>,
        %mul3A_1025 = arith.mulf %gather3A_570, %get3A_1024 : vector<16xf32>
        %max3A_1026 = arith.maximumf %max3A_1019, %mul3A_1025 : vector<16xf32>
        %add3A_1027 = arith.constant 9 : i32
        %add3A_1028 = arith.addi %mul3A_535, %add3A_1027 : i32
        %get3A_1029 = arith.index_cast %add3A_1028 : i32 to index
        %get3A_1030 = arith.constant 48 : index
        %get3A_1031 = tpu.vector_load %arg12[%get3A_1029, %get3A_1030] {strides = array<i32>} : memref<160x128xf32, #tpu.memory_space<vmem>>, vector<16xf32>,
        %mul3A_1032 = arith.mulf %gather3A_574, %get3A_1031 : vector<16xf32>
        %max3A_1033 = arith.maximumf %max3A_1026, %mul3A_1032 : vector<16xf32>
        %add3A_1034 = arith.constant 10 : i32
        %add3A_1035 = arith.addi %mul3A_535, %add3A_1034 : i32
        %get3A_1036 = arith.index_cast %add3A_1035 : i32 to index
        %get3A_1037 = arith.constant 48 : index
        %get3A_1038 = tpu.vector_load %arg12[%get3A_1036, %get3A_1037] {strides = array<i32>} : memref<160x128xf32, #tpu.memory_space<vmem>>, vector<16xf32>,
        %mul3A_1039 = arith.mulf %gather3A_578, %get3A_1038 : vector<16xf32>
        %max3A_1040 = arith.maximumf %max3A_1033, %mul3A_1039 : vector<16xf32>
        %add3A_1041 = arith.constant 11 : i32
        %add3A_1042 = arith.addi %mul3A_535, %add3A_1041 : i32
        %get3A_1043 = arith.index_cast %add3A_1042 : i32 to index
        %get3A_1044 = arith.constant 48 : index
        %get3A_1045 = tpu.vector_load %arg12[%get3A_1043, %get3A_1044] {strides = array<i32>} : memref<160x128xf32, #tpu.memory_space<vmem>>, vector<16xf32>,
        %mul3A_1046 = arith.mulf %gather3A_582, %get3A_1045 : vector<16xf32>
        %max3A_1047 = arith.maximumf %max3A_1040, %mul3A_1046 : vector<16xf32>
        %add3A_1048 = arith.constant 12 : i32
        %add3A_1049 = arith.addi %mul3A_535, %add3A_1048 : i32
        %get3A_1050 = arith.index_cast %add3A_1049 : i32 to index
        %get3A_1051 = arith.constant 48 : index
        %get3A_1052 = tpu.vector_load %arg12[%get3A_1050, %get3A_1051] {strides = array<i32>} : memref<160x128xf32, #tpu.memory_space<vmem>>, vector<16xf32>,
        %mul3A_1053 = arith.mulf %gather3A_586, %get3A_1052 : vector<16xf32>
        %max3A_1054 = arith.maximumf %max3A_1047, %mul3A_1053 : vector<16xf32>
        %add3A_1055 = arith.constant 13 : i32
        %add3A_1056 = arith.addi %mul3A_535, %add3A_1055 : i32
        %get3A_1057 = arith.index_cast %add3A_1056 : i32 to index
        %get3A_1058 = arith.constant 48 : index
        %get3A_1059 = tpu.vector_load %arg12[%get3A_1057, %get3A_1058] {strides = array<i32>} : memref<160x128xf32, #tpu.memory_space<vmem>>, vector<16xf32>,
        %mul3A_1060 = arith.mulf %gather3A_590, %get3A_1059 : vector<16xf32>
        %max3A_1061 = arith.maximumf %max3A_1054, %mul3A_1060 : vector<16xf32>
        %add3A_1062 = arith.constant 14 : i32
        %add3A_1063 = arith.addi %mul3A_535, %add3A_1062 : i32
        %get3A_1064 = arith.index_cast %add3A_1063 : i32 to index
        %get3A_1065 = arith.constant 48 : index
        %get3A_1066 = tpu.vector_load %arg12[%get3A_1064, %get3A_1065] {strides = array<i32>} : memref<160x128xf32, #tpu.memory_space<vmem>>, vector<16xf32>,
        %mul3A_1067 = arith.mulf %gather3A_594, %get3A_1066 : vector<16xf32>
        %max3A_1068 = arith.maximumf %max3A_1061, %mul3A_1067 : vector<16xf32>
        %add3A_1069 = arith.constant 15 : i32
        %add3A_1070 = arith.addi %mul3A_535, %add3A_1069 : i32
        %get3A_1071 = arith.index_cast %add3A_1070 : i32 to index
        %get3A_1072 = arith.constant 48 : index
        %get3A_1073 = tpu.vector_load %arg12[%get3A_1071, %get3A_1072] {strides = array<i32>} : memref<160x128xf32, #tpu.memory_space<vmem>>, vector<16xf32>,
        %mul3A_1074 = arith.mulf %gather3A_598, %get3A_1073 : vector<16xf32>
        %max3A_1075 = arith.maximumf %max3A_1068, %mul3A_1074 : vector<16xf32>
        %get3A_1076 = arith.index_cast %add3A_294 : i32 to index
        %get3A_1077 = arith.constant 48 : index
        %get3A_1078 = tpu.vector_load %arg20[%get3A_1076, %get3A_1077] {strides = array<i32>} : memref<32x128xf32, #tpu.memory_space<vmem>>, vector<16xf32>,
        %mul3A_1079 = arith.mulf %sub3A_602, %max3A_1075 : vector<16xf32>
        %add3A_1080 = arith.addf %get3A_1078, %mul3A_1079 : vector<16xf32>
        %get3A_1081 = arith.index_cast %add3A_533 : i32 to index
        %get3A_1082 = arith.constant 48 : index
        %get3A_1083 = tpu.vector_load %arg17[%get3A_1081, %get3A_1082] {strides = array<i32>} : memref<32x128xf32, #tpu.memory_space<vmem>>, vector<16xf32>,
        %mul3A_1084 = arith.mulf %gather3A_600, %get3A_1083 : vector<16xf32>
        %add3A_1085 = arith.addf %add3A_1080, %mul3A_1084 : vector<16xf32>
        %swap3A_1086 = arith.index_cast %add3A_294 : i32 to index
        %swap3A_1087 = arith.constant 48 : index
        %swap3A_1088 = tpu.vector_load %arg20[%swap3A_1086, %swap3A_1087] {strides = array<i32>} : memref<32x128xf32, #tpu.memory_space<vmem>>, vector<16xf32>,
        tpu.vector_store %arg20[%swap3A_1086, %swap3A_1087], %add3A_1085 {strides = array<i32>} : memref<32x128xf32, #tpu.memory_space<vmem>>, vector<16xf32>,
        %get3A_1089 = arith.index_cast %mul3A_535 : i32 to index
        %get3A_1090 = arith.constant 64 : index
        %get3A_1091 = tpu.vector_load %arg12[%get3A_1089, %get3A_1090] {strides = array<i32>} : memref<160x128xf32, #tpu.memory_space<vmem>>, vector<16xf32>,
        %mul3A_1092 = arith.mulf %gather3A, %get3A_1091 : vector<16xf32>
        %add3A_1093 = arith.constant 1 : i32
        %add3A_1094 = arith.addi %mul3A_535, %add3A_1093 : i32
        %get3A_1095 = arith.index_cast %add3A_1094 : i32 to index
        %get3A_1096 = arith.constant 64 : index
        %get3A_1097 = tpu.vector_load %arg12[%get3A_1095, %get3A_1096] {strides = array<i32>} : memref<160x128xf32, #tpu.memory_space<vmem>>, vector<16xf32>,
        %mul3A_1098 = arith.mulf %gather3A_542, %get3A_1097 : vector<16xf32>
        %max3A_1099 = arith.maximumf %mul3A_1092, %mul3A_1098 : vector<16xf32>
        %add3A_1100 = arith.constant 2 : i32
        %add3A_1101 = arith.addi %mul3A_535, %add3A_1100 : i32
        %get3A_1102 = arith.index_cast %add3A_1101 : i32 to index
        %get3A_1103 = arith.constant 64 : index
        %get3A_1104 = tpu.vector_load %arg12[%get3A_1102, %get3A_1103] {strides = array<i32>} : memref<160x128xf32, #tpu.memory_space<vmem>>, vector<16xf32>,
        %mul3A_1105 = arith.mulf %gather3A_546, %get3A_1104 : vector<16xf32>
        %max3A_1106 = arith.maximumf %max3A_1099, %mul3A_1105 : vector<16xf32>
        %add3A_1107 = arith.constant 3 : i32
        %add3A_1108 = arith.addi %mul3A_535, %add3A_1107 : i32
        %get3A_1109 = arith.index_cast %add3A_1108 : i32 to index
        %get3A_1110 = arith.constant 64 : index
        %get3A_1111 = tpu.vector_load %arg12[%get3A_1109, %get3A_1110] {strides = array<i32>} : memref<160x128xf32, #tpu.memory_space<vmem>>, vector<16xf32>,
        %mul3A_1112 = arith.mulf %gather3A_550, %get3A_1111 : vector<16xf32>
        %max3A_1113 = arith.maximumf %max3A_1106, %mul3A_1112 : vector<16xf32>
        %add3A_1114 = arith.constant 4 : i32
        %add3A_1115 = arith.addi %mul3A_535, %add3A_1114 : i32
        %get3A_1116 = arith.index_cast %add3A_1115 : i32 to index
        %get3A_1117 = arith.constant 64 : index
        %get3A_1118 = tpu.vector_load %arg12[%get3A_1116, %get3A_1117] {strides = array<i32>} : memref<160x128xf32, #tpu.memory_space<vmem>>, vector<16xf32>,
        %mul3A_1119 = arith.mulf %gather3A_554, %get3A_1118 : vector<16xf32>
        %max3A_1120 = arith.maximumf %max3A_1113, %mul3A_1119 : vector<16xf32>
        %add3A_1121 = arith.constant 5 : i32
        %add3A_1122 = arith.addi %mul3A_535, %add3A_1121 : i32
        %get3A_1123 = arith.index_cast %add3A_1122 : i32 to index
        %get3A_1124 = arith.constant 64 : index
        %get3A_1125 = tpu.vector_load %arg12[%get3A_1123, %get3A_1124] {strides = array<i32>} : memref<160x128xf32, #tpu.memory_space<vmem>>, vector<16xf32>,
        %mul3A_1126 = arith.mulf %gather3A_558, %get3A_1125 : vector<16xf32>
        %max3A_1127 = arith.maximumf %max3A_1120, %mul3A_1126 : vector<16xf32>
        %add3A_1128 = arith.constant 6 : i32
        %add3A_1129 = arith.addi %mul3A_535, %add3A_1128 : i32
        %get3A_1130 = arith.index_cast %add3A_1129 : i32 to index
        %get3A_1131 = arith.constant 64 : index
        %get3A_1132 = tpu.vector_load %arg12[%get3A_1130, %get3A_1131] {strides = array<i32>} : memref<160x128xf32, #tpu.memory_space<vmem>>, vector<16xf32>,
        %mul3A_1133 = arith.mulf %gather3A_562, %get3A_1132 : vector<16xf32>
        %max3A_1134 = arith.maximumf %max3A_1127, %mul3A_1133 : vector<16xf32>
        %add3A_1135 = arith.constant 7 : i32
        %add3A_1136 = arith.addi %mul3A_535, %add3A_1135 : i32
        %get3A_1137 = arith.index_cast %add3A_1136 : i32 to index
        %get3A_1138 = arith.constant 64 : index
        %get3A_1139 = tpu.vector_load %arg12[%get3A_1137, %get3A_1138] {strides = array<i32>} : memref<160x128xf32, #tpu.memory_space<vmem>>, vector<16xf32>,
        %mul3A_1140 = arith.mulf %gather3A_566, %get3A_1139 : vector<16xf32>
        %max3A_1141 = arith.maximumf %max3A_1134, %mul3A_1140 : vector<16xf32>
        %add3A_1142 = arith.constant 8 : i32
        %add3A_1143 = arith.addi %mul3A_535, %add3A_1142 : i32
        %get3A_1144 = arith.index_cast %add3A_1143 : i32 to index
        %get3A_1145 = arith.constant 64 : index
        %get3A_1146 = tpu.vector_load %arg12[%get3A_1144, %get3A_1145] {strides = array<i32>} : memref<160x128xf32, #tpu.memory_space<vmem>>, vector<16xf32>,
        %mul3A_1147 = arith.mulf %gather3A_570, %get3A_1146 : vector<16xf32>
        %max3A_1148 = arith.maximumf %max3A_1141, %mul3A_1147 : vector<16xf32>
        %add3A_1149 = arith.constant 9 : i32
        %add3A_1150 = arith.addi %mul3A_535, %add3A_1149 : i32
        %get3A_1151 = arith.index_cast %add3A_1150 : i32 to index
        %get3A_1152 = arith.constant 64 : index
        %get3A_1153 = tpu.vector_load %arg12[%get3A_1151, %get3A_1152] {strides = array<i32>} : memref<160x128xf32, #tpu.memory_space<vmem>>, vector<16xf32>,
        %mul3A_1154 = arith.mulf %gather3A_574, %get3A_1153 : vector<16xf32>
        %max3A_1155 = arith.maximumf %max3A_1148, %mul3A_1154 : vector<16xf32>
        %add3A_1156 = arith.constant 10 : i32
        %add3A_1157 = arith.addi %mul3A_535, %add3A_1156 : i32
        %get3A_1158 = arith.index_cast %add3A_1157 : i32 to index
        %get3A_1159 = arith.constant 64 : index
        %get3A_1160 = tpu.vector_load %arg12[%get3A_1158, %get3A_1159] {strides = array<i32>} : memref<160x128xf32, #tpu.memory_space<vmem>>, vector<16xf32>,
        %mul3A_1161 = arith.mulf %gather3A_578, %get3A_1160 : vector<16xf32>
        %max3A_1162 = arith.maximumf %max3A_1155, %mul3A_1161 : vector<16xf32>
        %add3A_1163 = arith.constant 11 : i32
        %add3A_1164 = arith.addi %mul3A_535, %add3A_1163 : i32
        %get3A_1165 = arith.index_cast %add3A_1164 : i32 to index
        %get3A_1166 = arith.constant 64 : index
        %get3A_1167 = tpu.vector_load %arg12[%get3A_1165, %get3A_1166] {strides = array<i32>} : memref<160x128xf32, #tpu.memory_space<vmem>>, vector<16xf32>,
        %mul3A_1168 = arith.mulf %gather3A_582, %get3A_1167 : vector<16xf32>
        %max3A_1169 = arith.maximumf %max3A_1162, %mul3A_1168 : vector<16xf32>
        %add3A_1170 = arith.constant 12 : i32
        %add3A_1171 = arith.addi %mul3A_535, %add3A_1170 : i32
        %get3A_1172 = arith.index_cast %add3A_1171 : i32 to index
        %get3A_1173 = arith.constant 64 : index
        %get3A_1174 = tpu.vector_load %arg12[%get3A_1172, %get3A_1173] {strides = array<i32>} : memref<160x128xf32, #tpu.memory_space<vmem>>, vector<16xf32>,
        %mul3A_1175 = arith.mulf %gather3A_586, %get3A_1174 : vector<16xf32>
        %max3A_1176 = arith.maximumf %max3A_1169, %mul3A_1175 : vector<16xf32>
        %add3A_1177 = arith.constant 13 : i32
        %add3A_1178 = arith.addi %mul3A_535, %add3A_1177 : i32
        %get3A_1179 = arith.index_cast %add3A_1178 : i32 to index
        %get3A_1180 = arith.constant 64 : index
        %get3A_1181 = tpu.vector_load %arg12[%get3A_1179, %get3A_1180] {strides = array<i32>} : memref<160x128xf32, #tpu.memory_space<vmem>>, vector<16xf32>,
        %mul3A_1182 = arith.mulf %gather3A_590, %get3A_1181 : vector<16xf32>
        %max3A_1183 = arith.maximumf %max3A_1176, %mul3A_1182 : vector<16xf32>
        %add3A_1184 = arith.constant 14 : i32
        %add3A_1185 = arith.addi %mul3A_535, %add3A_1184 : i32
        %get3A_1186 = arith.index_cast %add3A_1185 : i32 to index
        %get3A_1187 = arith.constant 64 : index
        %get3A_1188 = tpu.vector_load %arg12[%get3A_1186, %get3A_1187] {strides = array<i32>} : memref<160x128xf32, #tpu.memory_space<vmem>>, vector<16xf32>,
        %mul3A_1189 = arith.mulf %gather3A_594, %get3A_1188 : vector<16xf32>
        %max3A_1190 = arith.maximumf %max3A_1183, %mul3A_1189 : vector<16xf32>
        %add3A_1191 = arith.constant 15 : i32
        %add3A_1192 = arith.addi %mul3A_535, %add3A_1191 : i32
        %get3A_1193 = arith.index_cast %add3A_1192 : i32 to index
        %get3A_1194 = arith.constant 64 : index
        %get3A_1195 = tpu.vector_load %arg12[%get3A_1193, %get3A_1194] {strides = array<i32>} : memref<160x128xf32, #tpu.memory_space<vmem>>, vector<16xf32>,
        %mul3A_1196 = arith.mulf %gather3A_598, %get3A_1195 : vector<16xf32>
        %max3A_1197 = arith.maximumf %max3A_1190, %mul3A_1196 : vector<16xf32>
        %get3A_1198 = arith.index_cast %add3A_294 : i32 to index
        %get3A_1199 = arith.constant 64 : index
        %get3A_1200 = tpu.vector_load %arg20[%get3A_1198, %get3A_1199] {strides = array<i32>} : memref<32x128xf32, #tpu.memory_space<vmem>>, vector<16xf32>,
        %mul3A_1201 = arith.mulf %sub3A_602, %max3A_1197 : vector<16xf32>
        %add3A_1202 = arith.addf %get3A_1200, %mul3A_1201 : vector<16xf32>
        %get3A_1203 = arith.index_cast %add3A_533 : i32 to index
        %get3A_1204 = arith.constant 64 : index
        %get3A_1205 = tpu.vector_load %arg17[%get3A_1203, %get3A_1204] {strides = array<i32>} : memref<32x128xf32, #tpu.memory_space<vmem>>, vector<16xf32>,
        %mul3A_1206 = arith.mulf %gather3A_600, %get3A_1205 : vector<16xf32>
        %add3A_1207 = arith.addf %add3A_1202, %mul3A_1206 : vector<16xf32>
        %swap3A_1208 = arith.index_cast %add3A_294 : i32 to index
        %swap3A_1209 = arith.constant 64 : index
        %swap3A_1210 = tpu.vector_load %arg20[%swap3A_1208, %swap3A_1209] {strides = array<i32>} : memref<32x128xf32, #tpu.memory_space<vmem>>, vector<16xf32>,
        tpu.vector_store %arg20[%swap3A_1208, %swap3A_1209], %add3A_1207 {strides = array<i32>} : memref<32x128xf32, #tpu.memory_space<vmem>>, vector<16xf32>,
        %get3A_1211 = arith.index_cast %mul3A_535 : i32 to index
        %get3A_1212 = arith.constant 80 : index
        %get3A_1213 = tpu.vector_load %arg12[%get3A_1211, %get3A_1212] {strides = array<i32>} : memref<160x128xf32, #tpu.memory_space<vmem>>, vector<16xf32>,
        %mul3A_1214 = arith.mulf %gather3A, %get3A_1213 : vector<16xf32>
        %add3A_1215 = arith.constant 1 : i32
        %add3A_1216 = arith.addi %mul3A_535, %add3A_1215 : i32
        %get3A_1217 = arith.index_cast %add3A_1216 : i32 to index
        %get3A_1218 = arith.constant 80 : index
        %get3A_1219 = tpu.vector_load %arg12[%get3A_1217, %get3A_1218] {strides = array<i32>} : memref<160x128xf32, #tpu.memory_space<vmem>>, vector<16xf32>,
        %mul3A_1220 = arith.mulf %gather3A_542, %get3A_1219 : vector<16xf32>
        %max3A_1221 = arith.maximumf %mul3A_1214, %mul3A_1220 : vector<16xf32>
        %add3A_1222 = arith.constant 2 : i32
        %add3A_1223 = arith.addi %mul3A_535, %add3A_1222 : i32
        %get3A_1224 = arith.index_cast %add3A_1223 : i32 to index
        %get3A_1225 = arith.constant 80 : index
        %get3A_1226 = tpu.vector_load %arg12[%get3A_1224, %get3A_1225] {strides = array<i32>} : memref<160x128xf32, #tpu.memory_space<vmem>>, vector<16xf32>,
        %mul3A_1227 = arith.mulf %gather3A_546, %get3A_1226 : vector<16xf32>
        %max3A_1228 = arith.maximumf %max3A_1221, %mul3A_1227 : vector<16xf32>
        %add3A_1229 = arith.constant 3 : i32
        %add3A_1230 = arith.addi %mul3A_535, %add3A_1229 : i32
        %get3A_1231 = arith.index_cast %add3A_1230 : i32 to index
        %get3A_1232 = arith.constant 80 : index
        %get3A_1233 = tpu.vector_load %arg12[%get3A_1231, %get3A_1232] {strides = array<i32>} : memref<160x128xf32, #tpu.memory_space<vmem>>, vector<16xf32>,
        %mul3A_1234 = arith.mulf %gather3A_550, %get3A_1233 : vector<16xf32>
        %max3A_1235 = arith.maximumf %max3A_1228, %mul3A_1234 : vector<16xf32>
        %add3A_1236 = arith.constant 4 : i32
        %add3A_1237 = arith.addi %mul3A_535, %add3A_1236 : i32
        %get3A_1238 = arith.index_cast %add3A_1237 : i32 to index
        %get3A_1239 = arith.constant 80 : index
        %get3A_1240 = tpu.vector_load %arg12[%get3A_1238, %get3A_1239] {strides = array<i32>} : memref<160x128xf32, #tpu.memory_space<vmem>>, vector<16xf32>,
        %mul3A_1241 = arith.mulf %gather3A_554, %get3A_1240 : vector<16xf32>
        %max3A_1242 = arith.maximumf %max3A_1235, %mul3A_1241 : vector<16xf32>
        %add3A_1243 = arith.constant 5 : i32
        %add3A_1244 = arith.addi %mul3A_535, %add3A_1243 : i32
        %get3A_1245 = arith.index_cast %add3A_1244 : i32 to index
        %get3A_1246 = arith.constant 80 : index
        %get3A_1247 = tpu.vector_load %arg12[%get3A_1245, %get3A_1246] {strides = array<i32>} : memref<160x128xf32, #tpu.memory_space<vmem>>, vector<16xf32>,
        %mul3A_1248 = arith.mulf %gather3A_558, %get3A_1247 : vector<16xf32>
        %max3A_1249 = arith.maximumf %max3A_1242, %mul3A_1248 : vector<16xf32>
        %add3A_1250 = arith.constant 6 : i32
        %add3A_1251 = arith.addi %mul3A_535, %add3A_1250 : i32
        %get3A_1252 = arith.index_cast %add3A_1251 : i32 to index
        %get3A_1253 = arith.constant 80 : index
        %get3A_1254 = tpu.vector_load %arg12[%get3A_1252, %get3A_1253] {strides = array<i32>} : memref<160x128xf32, #tpu.memory_space<vmem>>, vector<16xf32>,
        %mul3A_1255 = arith.mulf %gather3A_562, %get3A_1254 : vector<16xf32>
        %max3A_1256 = arith.maximumf %max3A_1249, %mul3A_1255 : vector<16xf32>
        %add3A_1257 = arith.constant 7 : i32
        %add3A_1258 = arith.addi %mul3A_535, %add3A_1257 : i32
        %get3A_1259 = arith.index_cast %add3A_1258 : i32 to index
        %get3A_1260 = arith.constant 80 : index
        %get3A_1261 = tpu.vector_load %arg12[%get3A_1259, %get3A_1260] {strides = array<i32>} : memref<160x128xf32, #tpu.memory_space<vmem>>, vector<16xf32>,
        %mul3A_1262 = arith.mulf %gather3A_566, %get3A_1261 : vector<16xf32>
        %max3A_1263 = arith.maximumf %max3A_1256, %mul3A_1262 : vector<16xf32>
        %add3A_1264 = arith.constant 8 : i32
        %add3A_1265 = arith.addi %mul3A_535, %add3A_1264 : i32
        %get3A_1266 = arith.index_cast %add3A_1265 : i32 to index
        %get3A_1267 = arith.constant 80 : index
        %get3A_1268 = tpu.vector_load %arg12[%get3A_1266, %get3A_1267] {strides = array<i32>} : memref<160x128xf32, #tpu.memory_space<vmem>>, vector<16xf32>,
        %mul3A_1269 = arith.mulf %gather3A_570, %get3A_1268 : vector<16xf32>
        %max3A_1270 = arith.maximumf %max3A_1263, %mul3A_1269 : vector<16xf32>
        %add3A_1271 = arith.constant 9 : i32
        %add3A_1272 = arith.addi %mul3A_535, %add3A_1271 : i32
        %get3A_1273 = arith.index_cast %add3A_1272 : i32 to index
        %get3A_1274 = arith.constant 80 : index
        %get3A_1275 = tpu.vector_load %arg12[%get3A_1273, %get3A_1274] {strides = array<i32>} : memref<160x128xf32, #tpu.memory_space<vmem>>, vector<16xf32>,
        %mul3A_1276 = arith.mulf %gather3A_574, %get3A_1275 : vector<16xf32>
        %max3A_1277 = arith.maximumf %max3A_1270, %mul3A_1276 : vector<16xf32>
        %add3A_1278 = arith.constant 10 : i32
        %add3A_1279 = arith.addi %mul3A_535, %add3A_1278 : i32
        %get3A_1280 = arith.index_cast %add3A_1279 : i32 to index
        %get3A_1281 = arith.constant 80 : index
        %get3A_1282 = tpu.vector_load %arg12[%get3A_1280, %get3A_1281] {strides = array<i32>} : memref<160x128xf32, #tpu.memory_space<vmem>>, vector<16xf32>,
        %mul3A_1283 = arith.mulf %gather3A_578, %get3A_1282 : vector<16xf32>
        %max3A_1284 = arith.maximumf %max3A_1277, %mul3A_1283 : vector<16xf32>
        %add3A_1285 = arith.constant 11 : i32
        %add3A_1286 = arith.addi %mul3A_535, %add3A_1285 : i32
        %get3A_1287 = arith.index_cast %add3A_1286 : i32 to index
        %get3A_1288 = arith.constant 80 : index
        %get3A_1289 = tpu.vector_load %arg12[%get3A_1287, %get3A_1288] {strides = array<i32>} : memref<160x128xf32, #tpu.memory_space<vmem>>, vector<16xf32>,
        %mul3A_1290 = arith.mulf %gather3A_582, %get3A_1289 : vector<16xf32>
        %max3A_1291 = arith.maximumf %max3A_1284, %mul3A_1290 : vector<16xf32>
        %add3A_1292 = arith.constant 12 : i32
        %add3A_1293 = arith.addi %mul3A_535, %add3A_1292 : i32
        %get3A_1294 = arith.index_cast %add3A_1293 : i32 to index
        %get3A_1295 = arith.constant 80 : index
        %get3A_1296 = tpu.vector_load %arg12[%get3A_1294, %get3A_1295] {strides = array<i32>} : memref<160x128xf32, #tpu.memory_space<vmem>>, vector<16xf32>,
        %mul3A_1297 = arith.mulf %gather3A_586, %get3A_1296 : vector<16xf32>
        %max3A_1298 = arith.maximumf %max3A_1291, %mul3A_1297 : vector<16xf32>
        %add3A_1299 = arith.constant 13 : i32
        %add3A_1300 = arith.addi %mul3A_535, %add3A_1299 : i32
        %get3A_1301 = arith.index_cast %add3A_1300 : i32 to index
        %get3A_1302 = arith.constant 80 : index
        %get3A_1303 = tpu.vector_load %arg12[%get3A_1301, %get3A_1302] {strides = array<i32>} : memref<160x128xf32, #tpu.memory_space<vmem>>, vector<16xf32>,
        %mul3A_1304 = arith.mulf %gather3A_590, %get3A_1303 : vector<16xf32>
        %max3A_1305 = arith.maximumf %max3A_1298, %mul3A_1304 : vector<16xf32>
        %add3A_1306 = arith.constant 14 : i32
        %add3A_1307 = arith.addi %mul3A_535, %add3A_1306 : i32
        %get3A_1308 = arith.index_cast %add3A_1307 : i32 to index
        %get3A_1309 = arith.constant 80 : index
        %get3A_1310 = tpu.vector_load %arg12[%get3A_1308, %get3A_1309] {strides = array<i32>} : memref<160x128xf32, #tpu.memory_space<vmem>>, vector<16xf32>,
        %mul3A_1311 = arith.mulf %gather3A_594, %get3A_1310 : vector<16xf32>
        %max3A_1312 = arith.maximumf %max3A_1305, %mul3A_1311 : vector<16xf32>
        %add3A_1313 = arith.constant 15 : i32
        %add3A_1314 = arith.addi %mul3A_535, %add3A_1313 : i32
        %get3A_1315 = arith.index_cast %add3A_1314 : i32 to index
        %get3A_1316 = arith.constant 80 : index
        %get3A_1317 = tpu.vector_load %arg12[%get3A_1315, %get3A_1316] {strides = array<i32>} : memref<160x128xf32, #tpu.memory_space<vmem>>, vector<16xf32>,
        %mul3A_1318 = arith.mulf %gather3A_598, %get3A_1317 : vector<16xf32>
        %max3A_1319 = arith.maximumf %max3A_1312, %mul3A_1318 : vector<16xf32>
        %get3A_1320 = arith.index_cast %add3A_294 : i32 to index
        %get3A_1321 = arith.constant 80 : index
        %get3A_1322 = tpu.vector_load %arg20[%get3A_1320, %get3A_1321] {strides = array<i32>} : memref<32x128xf32, #tpu.memory_space<vmem>>, vector<16xf32>,
        %mul3A_1323 = arith.mulf %sub3A_602, %max3A_1319 : vector<16xf32>
        %add3A_1324 = arith.addf %get3A_1322, %mul3A_1323 : vector<16xf32>
        %get3A_1325 = arith.index_cast %add3A_533 : i32 to index
        %get3A_1326 = arith.constant 80 : index
        %get3A_1327 = tpu.vector_load %arg17[%get3A_1325, %get3A_1326] {strides = array<i32>} : memref<32x128xf32, #tpu.memory_space<vmem>>, vector<16xf32>,
        %mul3A_1328 = arith.mulf %gather3A_600, %get3A_1327 : vector<16xf32>
        %add3A_1329 = arith.addf %add3A_1324, %mul3A_1328 : vector<16xf32>
        %swap3A_1330 = arith.index_cast %add3A_294 : i32 to index
        %swap3A_1331 = arith.constant 80 : index
        %swap3A_1332 = tpu.vector_load %arg20[%swap3A_1330, %swap3A_1331] {strides = array<i32>} : memref<32x128xf32, #tpu.memory_space<vmem>>, vector<16xf32>,
        tpu.vector_store %arg20[%swap3A_1330, %swap3A_1331], %add3A_1329 {strides = array<i32>} : memref<32x128xf32, #tpu.memory_space<vmem>>, vector<16xf32>,
        %get3A_1333 = arith.index_cast %mul3A_535 : i32 to index
        %get3A_1334 = arith.constant 96 : index
        %get3A_1335 = tpu.vector_load %arg12[%get3A_1333, %get3A_1334] {strides = array<i32>} : memref<160x128xf32, #tpu.memory_space<vmem>>, vector<16xf32>,
        %mul3A_1336 = arith.mulf %gather3A, %get3A_1335 : vector<16xf32>
        %add3A_1337 = arith.constant 1 : i32
        %add3A_1338 = arith.addi %mul3A_535, %add3A_1337 : i32
        %get3A_1339 = arith.index_cast %add3A_1338 : i32 to index
        %get3A_1340 = arith.constant 96 : index
        %get3A_1341 = tpu.vector_load %arg12[%get3A_1339, %get3A_1340] {strides = array<i32>} : memref<160x128xf32, #tpu.memory_space<vmem>>, vector<16xf32>,
        %mul3A_1342 = arith.mulf %gather3A_542, %get3A_1341 : vector<16xf32>
        %max3A_1343 = arith.maximumf %mul3A_1336, %mul3A_1342 : vector<16xf32>
        %add3A_1344 = arith.constant 2 : i32
        %add3A_1345 = arith.addi %mul3A_535, %add3A_1344 : i32
        %get3A_1346 = arith.index_cast %add3A_1345 : i32 to index
        %get3A_1347 = arith.constant 96 : index
        %get3A_1348 = tpu.vector_load %arg12[%get3A_1346, %get3A_1347] {strides = array<i32>} : memref<160x128xf32, #tpu.memory_space<vmem>>, vector<16xf32>,
        %mul3A_1349 = arith.mulf %gather3A_546, %get3A_1348 : vector<16xf32>
        %max3A_1350 = arith.maximumf %max3A_1343, %mul3A_1349 : vector<16xf32>
        %add3A_1351 = arith.constant 3 : i32
        %add3A_1352 = arith.addi %mul3A_535, %add3A_1351 : i32
        %get3A_1353 = arith.index_cast %add3A_1352 : i32 to index
        %get3A_1354 = arith.constant 96 : index
        %get3A_1355 = tpu.vector_load %arg12[%get3A_1353, %get3A_1354] {strides = array<i32>} : memref<160x128xf32, #tpu.memory_space<vmem>>, vector<16xf32>,
        %mul3A_1356 = arith.mulf %gather3A_550, %get3A_1355 : vector<16xf32>
        %max3A_1357 = arith.maximumf %max3A_1350, %mul3A_1356 : vector<16xf32>
        %add3A_1358 = arith.constant 4 : i32
        %add3A_1359 = arith.addi %mul3A_535, %add3A_1358 : i32
        %get3A_1360 = arith.index_cast %add3A_1359 : i32 to index
        %get3A_1361 = arith.constant 96 : index
        %get3A_1362 = tpu.vector_load %arg12[%get3A_1360, %get3A_1361] {strides = array<i32>} : memref<160x128xf32, #tpu.memory_space<vmem>>, vector<16xf32>,
        %mul3A_1363 = arith.mulf %gather3A_554, %get3A_1362 : vector<16xf32>
        %max3A_1364 = arith.maximumf %max3A_1357, %mul3A_1363 : vector<16xf32>
        %add3A_1365 = arith.constant 5 : i32
        %add3A_1366 = arith.addi %mul3A_535, %add3A_1365 : i32
        %get3A_1367 = arith.index_cast %add3A_1366 : i32 to index
        %get3A_1368 = arith.constant 96 : index
        %get3A_1369 = tpu.vector_load %arg12[%get3A_1367, %get3A_1368] {strides = array<i32>} : memref<160x128xf32, #tpu.memory_space<vmem>>, vector<16xf32>,
        %mul3A_1370 = arith.mulf %gather3A_558, %get3A_1369 : vector<16xf32>
        %max3A_1371 = arith.maximumf %max3A_1364, %mul3A_1370 : vector<16xf32>
        %add3A_1372 = arith.constant 6 : i32
        %add3A_1373 = arith.addi %mul3A_535, %add3A_1372 : i32
        %get3A_1374 = arith.index_cast %add3A_1373 : i32 to index
        %get3A_1375 = arith.constant 96 : index
        %get3A_1376 = tpu.vector_load %arg12[%get3A_1374, %get3A_1375] {strides = array<i32>} : memref<160x128xf32, #tpu.memory_space<vmem>>, vector<16xf32>,
        %mul3A_1377 = arith.mulf %gather3A_562, %get3A_1376 : vector<16xf32>
        %max3A_1378 = arith.maximumf %max3A_1371, %mul3A_1377 : vector<16xf32>
        %add3A_1379 = arith.constant 7 : i32
        %add3A_1380 = arith.addi %mul3A_535, %add3A_1379 : i32
        %get3A_1381 = arith.index_cast %add3A_1380 : i32 to index
        %get3A_1382 = arith.constant 96 : index
        %get3A_1383 = tpu.vector_load %arg12[%get3A_1381, %get3A_1382] {strides = array<i32>} : memref<160x128xf32, #tpu.memory_space<vmem>>, vector<16xf32>,
        %mul3A_1384 = arith.mulf %gather3A_566, %get3A_1383 : vector<16xf32>
        %max3A_1385 = arith.maximumf %max3A_1378, %mul3A_1384 : vector<16xf32>
        %add3A_1386 = arith.constant 8 : i32
        %add3A_1387 = arith.addi %mul3A_535, %add3A_1386 : i32
        %get3A_1388 = arith.index_cast %add3A_1387 : i32 to index
        %get3A_1389 = arith.constant 96 : index
        %get3A_1390 = tpu.vector_load %arg12[%get3A_1388, %get3A_1389] {strides = array<i32>} : memref<160x128xf32, #tpu.memory_space<vmem>>, vector<16xf32>,
        %mul3A_1391 = arith.mulf %gather3A_570, %get3A_1390 : vector<16xf32>
        %max3A_1392 = arith.maximumf %max3A_1385, %mul3A_1391 : vector<16xf32>
        %add3A_1393 = arith.constant 9 : i32
        %add3A_1394 = arith.addi %mul3A_535, %add3A_1393 : i32
        %get3A_1395 = arith.index_cast %add3A_1394 : i32 to index
        %get3A_1396 = arith.constant 96 : index
        %get3A_1397 = tpu.vector_load %arg12[%get3A_1395, %get3A_1396] {strides = array<i32>} : memref<160x128xf32, #tpu.memory_space<vmem>>, vector<16xf32>,
        %mul3A_1398 = arith.mulf %gather3A_574, %get3A_1397 : vector<16xf32>
        %max3A_1399 = arith.maximumf %max3A_1392, %mul3A_1398 : vector<16xf32>
        %add3A_1400 = arith.constant 10 : i32
        %add3A_1401 = arith.addi %mul3A_535, %add3A_1400 : i32
        %get3A_1402 = arith.index_cast %add3A_1401 : i32 to index
        %get3A_1403 = arith.constant 96 : index
        %get3A_1404 = tpu.vector_load %arg12[%get3A_1402, %get3A_1403] {strides = array<i32>} : memref<160x128xf32, #tpu.memory_space<vmem>>, vector<16xf32>,
        %mul3A_1405 = arith.mulf %gather3A_578, %get3A_1404 : vector<16xf32>
        %max3A_1406 = arith.maximumf %max3A_1399, %mul3A_1405 : vector<16xf32>
        %add3A_1407 = arith.constant 11 : i32
        %add3A_1408 = arith.addi %mul3A_535, %add3A_1407 : i32
        %get3A_1409 = arith.index_cast %add3A_1408 : i32 to index
        %get3A_1410 = arith.constant 96 : index
        %get3A_1411 = tpu.vector_load %arg12[%get3A_1409, %get3A_1410] {strides = array<i32>} : memref<160x128xf32, #tpu.memory_space<vmem>>, vector<16xf32>,
        %mul3A_1412 = arith.mulf %gather3A_582, %get3A_1411 : vector<16xf32>
        %max3A_1413 = arith.maximumf %max3A_1406, %mul3A_1412 : vector<16xf32>
        %add3A_1414 = arith.constant 12 : i32
        %add3A_1415 = arith.addi %mul3A_535, %add3A_1414 : i32
        %get3A_1416 = arith.index_cast %add3A_1415 : i32 to index
        %get3A_1417 = arith.constant 96 : index
        %get3A_1418 = tpu.vector_load %arg12[%get3A_1416, %get3A_1417] {strides = array<i32>} : memref<160x128xf32, #tpu.memory_space<vmem>>, vector<16xf32>,
        %mul3A_1419 = arith.mulf %gather3A_586, %get3A_1418 : vector<16xf32>
        %max3A_1420 = arith.maximumf %max3A_1413, %mul3A_1419 : vector<16xf32>
        %add3A_1421 = arith.constant 13 : i32
        %add3A_1422 = arith.addi %mul3A_535, %add3A_1421 : i32
        %get3A_1423 = arith.index_cast %add3A_1422 : i32 to index
        %get3A_1424 = arith.constant 96 : index
        %get3A_1425 = tpu.vector_load %arg12[%get3A_1423, %get3A_1424] {strides = array<i32>} : memref<160x128xf32, #tpu.memory_space<vmem>>, vector<16xf32>,
        %mul3A_1426 = arith.mulf %gather3A_590, %get3A_1425 : vector<16xf32>
        %max3A_1427 = arith.maximumf %max3A_1420, %mul3A_1426 : vector<16xf32>
        %add3A_1428 = arith.constant 14 : i32
        %add3A_1429 = arith.addi %mul3A_535, %add3A_1428 : i32
        %get3A_1430 = arith.index_cast %add3A_1429 : i32 to index
        %get3A_1431 = arith.constant 96 : index
        %get3A_1432 = tpu.vector_load %arg12[%get3A_1430, %get3A_1431] {strides = array<i32>} : memref<160x128xf32, #tpu.memory_space<vmem>>, vector<16xf32>,
        %mul3A_1433 = arith.mulf %gather3A_594, %get3A_1432 : vector<16xf32>
        %max3A_1434 = arith.maximumf %max3A_1427, %mul3A_1433 : vector<16xf32>
        %add3A_1435 = arith.constant 15 : i32
        %add3A_1436 = arith.addi %mul3A_535, %add3A_1435 : i32
        %get3A_1437 = arith.index_cast %add3A_1436 : i32 to index
        %get3A_1438 = arith.constant 96 : index
        %get3A_1439 = tpu.vector_load %arg12[%get3A_1437, %get3A_1438] {strides = array<i32>} : memref<160x128xf32, #tpu.memory_space<vmem>>, vector<16xf32>,
        %mul3A_1440 = arith.mulf %gather3A_598, %get3A_1439 : vector<16xf32>
        %max3A_1441 = arith.maximumf %max3A_1434, %mul3A_1440 : vector<16xf32>
        %get3A_1442 = arith.index_cast %add3A_294 : i32 to index
        %get3A_1443 = arith.constant 96 : index
        %get3A_1444 = tpu.vector_load %arg20[%get3A_1442, %get3A_1443] {strides = array<i32>} : memref<32x128xf32, #tpu.memory_space<vmem>>, vector<16xf32>,
        %mul3A_1445 = arith.mulf %sub3A_602, %max3A_1441 : vector<16xf32>
        %add3A_1446 = arith.addf %get3A_1444, %mul3A_1445 : vector<16xf32>
        %get3A_1447 = arith.index_cast %add3A_533 : i32 to index
        %get3A_1448 = arith.constant 96 : index
        %get3A_1449 = tpu.vector_load %arg17[%get3A_1447, %get3A_1448] {strides = array<i32>} : memref<32x128xf32, #tpu.memory_space<vmem>>, vector<16xf32>,
        %mul3A_1450 = arith.mulf %gather3A_600, %get3A_1449 : vector<16xf32>
        %add3A_1451 = arith.addf %add3A_1446, %mul3A_1450 : vector<16xf32>
        %swap3A_1452 = arith.index_cast %add3A_294 : i32 to index
        %swap3A_1453 = arith.constant 96 : index
        %swap3A_1454 = tpu.vector_load %arg20[%swap3A_1452, %swap3A_1453] {strides = array<i32>} : memref<32x128xf32, #tpu.memory_space<vmem>>, vector<16xf32>,
        tpu.vector_store %arg20[%swap3A_1452, %swap3A_1453], %add3A_1451 {strides = array<i32>} : memref<32x128xf32, #tpu.memory_space<vmem>>, vector<16xf32>,
        %get3A_1455 = arith.index_cast %mul3A_535 : i32 to index
        %get3A_1456 = arith.constant 112 : index
        %get3A_1457 = tpu.vector_load %arg12[%get3A_1455, %get3A_1456] {strides = array<i32>} : memref<160x128xf32, #tpu.memory_space<vmem>>, vector<16xf32>,
        %mul3A_1458 = arith.mulf %gather3A, %get3A_1457 : vector<16xf32>
        %add3A_1459 = arith.constant 1 : i32
        %add3A_1460 = arith.addi %mul3A_535, %add3A_1459 : i32
        %get3A_1461 = arith.index_cast %add3A_1460 : i32 to index
        %get3A_1462 = arith.constant 112 : index
        %get3A_1463 = tpu.vector_load %arg12[%get3A_1461, %get3A_1462] {strides = array<i32>} : memref<160x128xf32, #tpu.memory_space<vmem>>, vector<16xf32>,
        %mul3A_1464 = arith.mulf %gather3A_542, %get3A_1463 : vector<16xf32>
        %max3A_1465 = arith.maximumf %mul3A_1458, %mul3A_1464 : vector<16xf32>
        %add3A_1466 = arith.constant 2 : i32
        %add3A_1467 = arith.addi %mul3A_535, %add3A_1466 : i32
        %get3A_1468 = arith.index_cast %add3A_1467 : i32 to index
        %get3A_1469 = arith.constant 112 : index
        %get3A_1470 = tpu.vector_load %arg12[%get3A_1468, %get3A_1469] {strides = array<i32>} : memref<160x128xf32, #tpu.memory_space<vmem>>, vector<16xf32>,
        %mul3A_1471 = arith.mulf %gather3A_546, %get3A_1470 : vector<16xf32>
        %max3A_1472 = arith.maximumf %max3A_1465, %mul3A_1471 : vector<16xf32>
        %add3A_1473 = arith.constant 3 : i32
        %add3A_1474 = arith.addi %mul3A_535, %add3A_1473 : i32
        %get3A_1475 = arith.index_cast %add3A_1474 : i32 to index
        %get3A_1476 = arith.constant 112 : index
        %get3A_1477 = tpu.vector_load %arg12[%get3A_1475, %get3A_1476] {strides = array<i32>} : memref<160x128xf32, #tpu.memory_space<vmem>>, vector<16xf32>,
        %mul3A_1478 = arith.mulf %gather3A_550, %get3A_1477 : vector<16xf32>
        %max3A_1479 = arith.maximumf %max3A_1472, %mul3A_1478 : vector<16xf32>
        %add3A_1480 = arith.constant 4 : i32
        %add3A_1481 = arith.addi %mul3A_535, %add3A_1480 : i32
        %get3A_1482 = arith.index_cast %add3A_1481 : i32 to index
        %get3A_1483 = arith.constant 112 : index
        %get3A_1484 = tpu.vector_load %arg12[%get3A_1482, %get3A_1483] {strides = array<i32>} : memref<160x128xf32, #tpu.memory_space<vmem>>, vector<16xf32>,
        %mul3A_1485 = arith.mulf %gather3A_554, %get3A_1484 : vector<16xf32>
        %max3A_1486 = arith.maximumf %max3A_1479, %mul3A_1485 : vector<16xf32>
        %add3A_1487 = arith.constant 5 : i32
        %add3A_1488 = arith.addi %mul3A_535, %add3A_1487 : i32
        %get3A_1489 = arith.index_cast %add3A_1488 : i32 to index
        %get3A_1490 = arith.constant 112 : index
        %get3A_1491 = tpu.vector_load %arg12[%get3A_1489, %get3A_1490] {strides = array<i32>} : memref<160x128xf32, #tpu.memory_space<vmem>>, vector<16xf32>,
        %mul3A_1492 = arith.mulf %gather3A_558, %get3A_1491 : vector<16xf32>
        %max3A_1493 = arith.maximumf %max3A_1486, %mul3A_1492 : vector<16xf32>
        %add3A_1494 = arith.constant 6 : i32
        %add3A_1495 = arith.addi %mul3A_535, %add3A_1494 : i32
        %get3A_1496 = arith.index_cast %add3A_1495 : i32 to index
        %get3A_1497 = arith.constant 112 : index
        %get3A_1498 = tpu.vector_load %arg12[%get3A_1496, %get3A_1497] {strides = array<i32>} : memref<160x128xf32, #tpu.memory_space<vmem>>, vector<16xf32>,
        %mul3A_1499 = arith.mulf %gather3A_562, %get3A_1498 : vector<16xf32>
        %max3A_1500 = arith.maximumf %max3A_1493, %mul3A_1499 : vector<16xf32>
        %add3A_1501 = arith.constant 7 : i32
        %add3A_1502 = arith.addi %mul3A_535, %add3A_1501 : i32
        %get3A_1503 = arith.index_cast %add3A_1502 : i32 to index
        %get3A_1504 = arith.constant 112 : index
        %get3A_1505 = tpu.vector_load %arg12[%get3A_1503, %get3A_1504] {strides = array<i32>} : memref<160x128xf32, #tpu.memory_space<vmem>>, vector<16xf32>,
        %mul3A_1506 = arith.mulf %gather3A_566, %get3A_1505 : vector<16xf32>
        %max3A_1507 = arith.maximumf %max3A_1500, %mul3A_1506 : vector<16xf32>
        %add3A_1508 = arith.constant 8 : i32
        %add3A_1509 = arith.addi %mul3A_535, %add3A_1508 : i32
        %get3A_1510 = arith.index_cast %add3A_1509 : i32 to index
        %get3A_1511 = arith.constant 112 : index
        %get3A_1512 = tpu.vector_load %arg12[%get3A_1510, %get3A_1511] {strides = array<i32>} : memref<160x128xf32, #tpu.memory_space<vmem>>, vector<16xf32>,
        %mul3A_1513 = arith.mulf %gather3A_570, %get3A_1512 : vector<16xf32>
        %max3A_1514 = arith.maximumf %max3A_1507, %mul3A_1513 : vector<16xf32>
        %add3A_1515 = arith.constant 9 : i32
        %add3A_1516 = arith.addi %mul3A_535, %add3A_1515 : i32
        %get3A_1517 = arith.index_cast %add3A_1516 : i32 to index
        %get3A_1518 = arith.constant 112 : index
        %get3A_1519 = tpu.vector_load %arg12[%get3A_1517, %get3A_1518] {strides = array<i32>} : memref<160x128xf32, #tpu.memory_space<vmem>>, vector<16xf32>,
        %mul3A_1520 = arith.mulf %gather3A_574, %get3A_1519 : vector<16xf32>
        %max3A_1521 = arith.maximumf %max3A_1514, %mul3A_1520 : vector<16xf32>
        %add3A_1522 = arith.constant 10 : i32
        %add3A_1523 = arith.addi %mul3A_535, %add3A_1522 : i32
        %get3A_1524 = arith.index_cast %add3A_1523 : i32 to index
        %get3A_1525 = arith.constant 112 : index
        %get3A_1526 = tpu.vector_load %arg12[%get3A_1524, %get3A_1525] {strides = array<i32>} : memref<160x128xf32, #tpu.memory_space<vmem>>, vector<16xf32>,
        %mul3A_1527 = arith.mulf %gather3A_578, %get3A_1526 : vector<16xf32>
        %max3A_1528 = arith.maximumf %max3A_1521, %mul3A_1527 : vector<16xf32>
        %add3A_1529 = arith.constant 11 : i32
        %add3A_1530 = arith.addi %mul3A_535, %add3A_1529 : i32
        %get3A_1531 = arith.index_cast %add3A_1530 : i32 to index
        %get3A_1532 = arith.constant 112 : index
        %get3A_1533 = tpu.vector_load %arg12[%get3A_1531, %get3A_1532] {strides = array<i32>} : memref<160x128xf32, #tpu.memory_space<vmem>>, vector<16xf32>,
        %mul3A_1534 = arith.mulf %gather3A_582, %get3A_1533 : vector<16xf32>
        %max3A_1535 = arith.maximumf %max3A_1528, %mul3A_1534 : vector<16xf32>
        %add3A_1536 = arith.constant 12 : i32
        %add3A_1537 = arith.addi %mul3A_535, %add3A_1536 : i32
        %get3A_1538 = arith.index_cast %add3A_1537 : i32 to index
        %get3A_1539 = arith.constant 112 : index
        %get3A_1540 = tpu.vector_load %arg12[%get3A_1538, %get3A_1539] {strides = array<i32>} : memref<160x128xf32, #tpu.memory_space<vmem>>, vector<16xf32>,
        %mul3A_1541 = arith.mulf %gather3A_586, %get3A_1540 : vector<16xf32>
        %max3A_1542 = arith.maximumf %max3A_1535, %mul3A_1541 : vector<16xf32>
        %add3A_1543 = arith.constant 13 : i32
        %add3A_1544 = arith.addi %mul3A_535, %add3A_1543 : i32
        %get3A_1545 = arith.index_cast %add3A_1544 : i32 to index
        %get3A_1546 = arith.constant 112 : index
        %get3A_1547 = tpu.vector_load %arg12[%get3A_1545, %get3A_1546] {strides = array<i32>} : memref<160x128xf32, #tpu.memory_space<vmem>>, vector<16xf32>,
        %mul3A_1548 = arith.mulf %gather3A_590, %get3A_1547 : vector<16xf32>
        %max3A_1549 = arith.maximumf %max3A_1542, %mul3A_1548 : vector<16xf32>
        %add3A_1550 = arith.constant 14 : i32
        %add3A_1551 = arith.addi %mul3A_535, %add3A_1550 : i32
        %get3A_1552 = arith.index_cast %add3A_1551 : i32 to index
        %get3A_1553 = arith.constant 112 : index
        %get3A_1554 = tpu.vector_load %arg12[%get3A_1552, %get3A_1553] {strides = array<i32>} : memref<160x128xf32, #tpu.memory_space<vmem>>, vector<16xf32>,
        %mul3A_1555 = arith.mulf %gather3A_594, %get3A_1554 : vector<16xf32>
        %max3A_1556 = arith.maximumf %max3A_1549, %mul3A_1555 : vector<16xf32>
        %add3A_1557 = arith.constant 15 : i32
        %add3A_1558 = arith.addi %mul3A_535, %add3A_1557 : i32
        %get3A_1559 = arith.index_cast %add3A_1558 : i32 to index
        %get3A_1560 = arith.constant 112 : index
        %get3A_1561 = tpu.vector_load %arg12[%get3A_1559, %get3A_1560] {strides = array<i32>} : memref<160x128xf32, #tpu.memory_space<vmem>>, vector<16xf32>,
        %mul3A_1562 = arith.mulf %gather3A_598, %get3A_1561 : vector<16xf32>
        %max3A_1563 = arith.maximumf %max3A_1556, %mul3A_1562 : vector<16xf32>
        %get3A_1564 = arith.index_cast %add3A_294 : i32 to index
        %get3A_1565 = arith.constant 112 : index
        %get3A_1566 = tpu.vector_load %arg20[%get3A_1564, %get3A_1565] {strides = array<i32>} : memref<32x128xf32, #tpu.memory_space<vmem>>, vector<16xf32>,
        %mul3A_1567 = arith.mulf %sub3A_602, %max3A_1563 : vector<16xf32>
        %add3A_1568 = arith.addf %get3A_1566, %mul3A_1567 : vector<16xf32>
        %get3A_1569 = arith.index_cast %add3A_533 : i32 to index
        %get3A_1570 = arith.constant 112 : index
        %get3A_1571 = tpu.vector_load %arg17[%get3A_1569, %get3A_1570] {strides = array<i32>} : memref<32x128xf32, #tpu.memory_space<vmem>>, vector<16xf32>,
        %mul3A_1572 = arith.mulf %gather3A_600, %get3A_1571 : vector<16xf32>
        %add3A_1573 = arith.addf %add3A_1568, %mul3A_1572 : vector<16xf32>
        %swap3A_1574 = arith.index_cast %add3A_294 : i32 to index
        %swap3A_1575 = arith.constant 112 : index
        %swap3A_1576 = tpu.vector_load %arg20[%swap3A_1574, %swap3A_1575] {strides = array<i32>} : memref<32x128xf32, #tpu.memory_space<vmem>>, vector<16xf32>,
        tpu.vector_store %arg20[%swap3A_1574, %swap3A_1575], %add3A_1573 {strides = array<i32>} : memref<32x128xf32, #tpu.memory_space<vmem>>, vector<16xf32>,
      }
      %scan3A_461 = arith.constant 10 : i32
      %add3A_462 = arith.constant 1 : i32
      %add3A_463 = arith.addi %add3A_294, %add3A_462 : i32
      %lt3A_464 = arith.constant 32 : i32
      %lt3A_465 = arith.cmpi slt, %add3A_463, %lt3A_464 : i32
      %convert_element_type3A_466 = arith.extui %lt3A_465 : i1 to i32
      %cond3A_467 = arith.constant 0 : i32
      %cond3A_468 = arith.cmpi ne, %convert_element_type3A_466, %cond3A_467 : i32
      scf.if %cond3A_468 {
        %add3A_531 = arith.constant 1 : i32
        %add3A_532 = arith.addi %add3A_294, %add3A_531 : i32
        %mul3A_533 = arith.constant 4 : i32
        %mul3A_534 = arith.muli %add3A_532, %mul3A_533 : i32
        %add3A_535 = arith.constant 0 : i32
        %add3A_536 = arith.addi %mul3A_534, %add3A_535 : i32
        %add3A_537 = arith.constant 0 : i32
        %add3A_538 = arith.addi %add3A_536, %add3A_537 : i32
        %mul3A_539 = arith.constant 80 : i32
        %mul3A_540 = arith.muli %add3A_538, %mul3A_539 : i32
        %mul3A_541 = arith.constant 4 : i32
        %mul3A_542 = arith.muli %add3A_532, %mul3A_541 : i32
        %add3A_543 = arith.constant 0 : i32
        %add3A_544 = arith.addi %mul3A_542, %add3A_543 : i32
        %add3A_545 = arith.constant 0 : i32
        %add3A_546 = arith.addi %add3A_544, %add3A_545 : i32
        %mul3A_547 = arith.constant 80 : i32
        %mul3A_548 = arith.muli %add3A_546, %mul3A_547 : i32
        %mul3A_549 = arith.constant 4 : i32
        %mul3A_550 = arith.muli %add3A_532, %mul3A_549 : i32
        %add3A_551 = arith.constant 0 : i32
        %add3A_552 = arith.addi %mul3A_550, %add3A_551 : i32
        %add3A_553 = arith.constant 1 : i32
        %add3A_554 = arith.addi %add3A_552, %add3A_553 : i32
        %mul3A_555 = arith.constant 80 : i32
        %mul3A_556 = arith.muli %add3A_554, %mul3A_555 : i32
        %mul3A_557 = arith.constant 4 : i32
        %mul3A_558 = arith.muli %add3A_532, %mul3A_557 : i32
        %add3A_559 = arith.constant 0 : i32
        %add3A_560 = arith.addi %mul3A_558, %add3A_559 : i32
        %add3A_561 = arith.constant 1 : i32
        %add3A_562 = arith.addi %add3A_560, %add3A_561 : i32
        %mul3A_563 = arith.constant 80 : i32
        %mul3A_564 = arith.muli %add3A_562, %mul3A_563 : i32
        %add3A_565 = arith.constant 1 : i32
        %add3A_566 = arith.addi %add3A_294, %add3A_565 : i32
        %mul3A_567 = arith.constant 32 : i32
        %mul3A_568 = arith.muli %add3A_566, %mul3A_567 : i32
        %dma_start3A_569 = arith.constant 0 : i32
        %dma_start3A_570 = arith.constant 0 : i32
        %dma_start3A_571 = tpu.memref_slice %arg12[%dma_start3A_569, %dma_start3A_570] : memref<160x128xf32, #tpu.memory_space<vmem>> -> memref<80x128xf32, #tpu.memory_space<vmem>>
        %dma_start3A_572 = tpu.memref_slice %arg10[%mul3A_540] : memref<10240xi32, #tpu.memory_space<vmem>> -> memref<80xi32, #tpu.memory_space<vmem>>
        %dma_start3A_573 = arith.constant 0 : i32
        %dma_start3A_574 = arith.constant 0 : i32
        %dma_start3A_575 = tpu.memref_slice %arg2[%dma_start3A_573, %dma_start3A_574] : memref<5000x128xf32, #tpu.memory_space<hbm>> -> memref<5000x128xf32, #tpu.memory_space<hbm>>
        tpu.enqueue_indirect_dma source(%dma_start3A_575 : memref<5000x128xf32, #tpu.memory_space<hbm>>) target(%dma_start3A_571 : memref<80x128xf32, #tpu.memory_space<vmem>>) offsets(%dma_start3A_572 : memref<80xi32, #tpu.memory_space<vmem>>) semaphore(%arg21 : memref<!tpu.dma_semaphore, #tpu.memory_space<semaphore_mem>>)
        %dma_start3A_576 = arith.constant 0 : i32
        %dma_start3A_577 = tpu.memref_slice %arg14[%dma_start3A_576] : memref<160xf32, #tpu.memory_space<vmem>> -> memref<80xf32, #tpu.memory_space<vmem>>
        %dma_start3A_578 = tpu.memref_slice %arg11[%mul3A_548] : memref<10240xi32, #tpu.memory_space<vmem>> -> memref<80xi32, #tpu.memory_space<vmem>>
        %dma_start3A_579 = arith.constant 0 : i32
        %dma_start3A_580 = tpu.memref_slice %arg3[%dma_start3A_579] : memref<24995840xf32, #tpu.memory_space<hbm>> -> memref<24995840xf32, #tpu.memory_space<hbm>>
        tpu.enqueue_indirect_dma source(%dma_start3A_580 : memref<24995840xf32, #tpu.memory_space<hbm>>) target(%dma_start3A_577 : memref<80xf32, #tpu.memory_space<vmem>>) offsets(%dma_start3A_578 : memref<80xi32, #tpu.memory_space<vmem>>) semaphore(%arg21 : memref<!tpu.dma_semaphore, #tpu.memory_space<semaphore_mem>>)
        %dma_start3A_581 = arith.constant 80 : i32
        %dma_start3A_582 = arith.constant 0 : i32
        %dma_start3A_583 = tpu.memref_slice %arg12[%dma_start3A_581, %dma_start3A_582] : memref<160x128xf32, #tpu.memory_space<vmem>> -> memref<80x128xf32, #tpu.memory_space<vmem>>
        %dma_start3A_584 = tpu.memref_slice %arg10[%mul3A_556] : memref<10240xi32, #tpu.memory_space<vmem>> -> memref<80xi32, #tpu.memory_space<vmem>>
        %dma_start3A_585 = arith.constant 0 : i32
        %dma_start3A_586 = arith.constant 0 : i32
        %dma_start3A_587 = tpu.memref_slice %arg2[%dma_start3A_585, %dma_start3A_586] : memref<5000x128xf32, #tpu.memory_space<hbm>> -> memref<5000x128xf32, #tpu.memory_space<hbm>>
        tpu.enqueue_indirect_dma source(%dma_start3A_587 : memref<5000x128xf32, #tpu.memory_space<hbm>>) target(%dma_start3A_583 : memref<80x128xf32, #tpu.memory_space<vmem>>) offsets(%dma_start3A_584 : memref<80xi32, #tpu.memory_space<vmem>>) semaphore(%arg21 : memref<!tpu.dma_semaphore, #tpu.memory_space<semaphore_mem>>)
        %dma_start3A_588 = arith.constant 80 : i32
        %dma_start3A_589 = tpu.memref_slice %arg14[%dma_start3A_588] : memref<160xf32, #tpu.memory_space<vmem>> -> memref<80xf32, #tpu.memory_space<vmem>>
        %dma_start3A_590 = tpu.memref_slice %arg11[%mul3A_564] : memref<10240xi32, #tpu.memory_space<vmem>> -> memref<80xi32, #tpu.memory_space<vmem>>
        %dma_start3A_591 = arith.constant 0 : i32
        %dma_start3A_592 = tpu.memref_slice %arg3[%dma_start3A_591] : memref<24995840xf32, #tpu.memory_space<hbm>> -> memref<24995840xf32, #tpu.memory_space<hbm>>
        tpu.enqueue_indirect_dma source(%dma_start3A_592 : memref<24995840xf32, #tpu.memory_space<hbm>>) target(%dma_start3A_589 : memref<80xf32, #tpu.memory_space<vmem>>) offsets(%dma_start3A_590 : memref<80xi32, #tpu.memory_space<vmem>>) semaphore(%arg21 : memref<!tpu.dma_semaphore, #tpu.memory_space<semaphore_mem>>)
        %dma_start3A_593 = tpu.memref_slice %arg9[%mul3A_568] : memref<1024xi32, #tpu.memory_space<vmem>> -> memref<32xi32, #tpu.memory_space<vmem>>
        %dma_start3A_594 = arith.constant 0 : i32
        %dma_start3A_595 = arith.constant 0 : i32
        %dma_start3A_596 = tpu.memref_slice %arg2[%dma_start3A_594, %dma_start3A_595] : memref<5000x128xf32, #tpu.memory_space<hbm>> -> memref<5000x128xf32, #tpu.memory_space<hbm>>
        tpu.enqueue_indirect_dma source(%dma_start3A_596 : memref<5000x128xf32, #tpu.memory_space<hbm>>) target(%arg16 : memref<32x128xf32, #tpu.memory_space<vmem>>) offsets(%dma_start3A_593 : memref<32xi32, #tpu.memory_space<vmem>>) semaphore(%arg23 : memref<!tpu.dma_semaphore, #tpu.memory_space<semaphore_mem>>)
        %dma_start3A_597 = tpu.memref_slice %arg9[%mul3A_568] : memref<1024xi32, #tpu.memory_space<vmem>> -> memref<32xi32, #tpu.memory_space<vmem>>
        %dma_start3A_598 = arith.constant 0 : i32
        %dma_start3A_599 = tpu.memref_slice %arg4[%dma_start3A_598] : memref<5000xf32, #tpu.memory_space<hbm>> -> memref<5000xf32, #tpu.memory_space<hbm>>
        tpu.enqueue_indirect_dma source(%dma_start3A_599 : memref<5000xf32, #tpu.memory_space<hbm>>) target(%arg18 : memref<32xf32, #tpu.memory_space<vmem>>) offsets(%dma_start3A_597 : memref<32xi32, #tpu.memory_space<vmem>>) semaphore(%arg23 : memref<!tpu.dma_semaphore, #tpu.memory_space<semaphore_mem>>)
      } else {
      }
      %mul3A_469 = arith.constant 4 : i32
      %mul3A_470 = arith.muli %add3A_294, %mul3A_469 : i32
      %add3A_471 = arith.constant 2 : i32
      %add3A_472 = arith.addi %mul3A_470, %add3A_471 : i32
      %add3A_473 = arith.constant 0 : i32
      %add3A_474 = arith.addi %add3A_472, %add3A_473 : i32
      %mul3A_475 = arith.constant 80 : i32
      %mul3A_476 = arith.muli %add3A_474, %mul3A_475 : i32
      %mul3A_477 = arith.constant 4 : i32
      %mul3A_478 = arith.muli %add3A_294, %mul3A_477 : i32
      %add3A_479 = arith.constant 2 : i32
      %add3A_480 = arith.addi %mul3A_478, %add3A_479 : i32
      %add3A_481 = arith.constant 0 : i32
      %add3A_482 = arith.addi %add3A_480, %add3A_481 : i32
      %mul3A_483 = arith.constant 80 : i32
      %mul3A_484 = arith.muli %add3A_482, %mul3A_483 : i32
      %mul3A_485 = arith.constant 4 : i32
      %mul3A_486 = arith.muli %add3A_294, %mul3A_485 : i32
      %add3A_487 = arith.constant 2 : i32
      %add3A_488 = arith.addi %mul3A_486, %add3A_487 : i32
      %add3A_489 = arith.constant 1 : i32
      %add3A_490 = arith.addi %add3A_488, %add3A_489 : i32
      %mul3A_491 = arith.constant 80 : i32
      %mul3A_492 = arith.muli %add3A_490, %mul3A_491 : i32
      %mul3A_493 = arith.constant 4 : i32
      %mul3A_494 = arith.muli %add3A_294, %mul3A_493 : i32
      %add3A_495 = arith.constant 2 : i32
      %add3A_496 = arith.addi %mul3A_494, %add3A_495 : i32
      %add3A_497 = arith.constant 1 : i32
      %add3A_498 = arith.addi %add3A_496, %add3A_497 : i32
      %mul3A_499 = arith.constant 80 : i32
      %mul3A_500 = arith.muli %add3A_498, %mul3A_499 : i32
      %dma_wait3A_501 = arith.constant 0 : i32
      %dma_wait3A_502 = arith.constant 0 : i32
      %dma_wait3A_503 = tpu.memref_slice %arg13[%dma_wait3A_501, %dma_wait3A_502] : memref<160x128xf32, #tpu.memory_space<vmem>> -> memref<80x128xf32, #tpu.memory_space<vmem>>
      %dma_wait3A_504 = tpu.memref_slice %arg10[%mul3A_476] : memref<10240xi32, #tpu.memory_space<vmem>> -> memref<80xi32, #tpu.memory_space<vmem>>
      %dma_wait3A_505 = arith.constant 0 : i32
      %dma_wait3A_506 = arith.constant 0 : i32
      %dma_wait3A_507 = tpu.memref_slice %arg2[%dma_wait3A_505, %dma_wait3A_506] : memref<5000x128xf32, #tpu.memory_space<hbm>> -> memref<5000x128xf32, #tpu.memory_space<hbm>>
      tpu.wait_indirect_dma semaphore(%arg22 : memref<!tpu.dma_semaphore, #tpu.memory_space<semaphore_mem>>) src(%dma_wait3A_507 : memref<5000x128xf32, #tpu.memory_space<hbm>>) dst(%dma_wait3A_503 : memref<80x128xf32, #tpu.memory_space<vmem>>)
      %dma_wait3A_508 = arith.constant 0 : i32
      %dma_wait3A_509 = tpu.memref_slice %arg15[%dma_wait3A_508] : memref<160xf32, #tpu.memory_space<vmem>> -> memref<80xf32, #tpu.memory_space<vmem>>
      %dma_wait3A_510 = tpu.memref_slice %arg11[%mul3A_484] : memref<10240xi32, #tpu.memory_space<vmem>> -> memref<80xi32, #tpu.memory_space<vmem>>
      %dma_wait3A_511 = arith.constant 0 : i32
      %dma_wait3A_512 = tpu.memref_slice %arg3[%dma_wait3A_511] : memref<24995840xf32, #tpu.memory_space<hbm>> -> memref<24995840xf32, #tpu.memory_space<hbm>>
      tpu.wait_indirect_dma semaphore(%arg22 : memref<!tpu.dma_semaphore, #tpu.memory_space<semaphore_mem>>) src(%dma_wait3A_512 : memref<24995840xf32, #tpu.memory_space<hbm>>) dst(%dma_wait3A_509 : memref<80xf32, #tpu.memory_space<vmem>>)
      %dma_wait3A_513 = arith.constant 80 : i32
      %dma_wait3A_514 = arith.constant 0 : i32
      %dma_wait3A_515 = tpu.memref_slice %arg13[%dma_wait3A_513, %dma_wait3A_514] : memref<160x128xf32, #tpu.memory_space<vmem>> -> memref<80x128xf32, #tpu.memory_space<vmem>>
      %dma_wait3A_516 = tpu.memref_slice %arg10[%mul3A_492] : memref<10240xi32, #tpu.memory_space<vmem>> -> memref<80xi32, #tpu.memory_space<vmem>>
      %dma_wait3A_517 = arith.constant 0 : i32
      %dma_wait3A_518 = arith.constant 0 : i32
      %dma_wait3A_519 = tpu.memref_slice %arg2[%dma_wait3A_517, %dma_wait3A_518] : memref<5000x128xf32, #tpu.memory_space<hbm>> -> memref<5000x128xf32, #tpu.memory_space<hbm>>
      tpu.wait_indirect_dma semaphore(%arg22 : memref<!tpu.dma_semaphore, #tpu.memory_space<semaphore_mem>>) src(%dma_wait3A_519 : memref<5000x128xf32, #tpu.memory_space<hbm>>) dst(%dma_wait3A_515 : memref<80x128xf32, #tpu.memory_space<vmem>>)
      %dma_wait3A_520 = arith.constant 80 : i32
      %dma_wait3A_521 = tpu.memref_slice %arg15[%dma_wait3A_520] : memref<160xf32, #tpu.memory_space<vmem>> -> memref<80xf32, #tpu.memory_space<vmem>>
      %dma_wait3A_522 = tpu.memref_slice %arg11[%mul3A_500] : memref<10240xi32, #tpu.memory_space<vmem>> -> memref<80xi32, #tpu.memory_space<vmem>>
      %dma_wait3A_523 = arith.constant 0 : i32
      %dma_wait3A_524 = tpu.memref_slice %arg3[%dma_wait3A_523] : memref<24995840xf32, #tpu.memory_space<hbm>> -> memref<24995840xf32, #tpu.memory_space<hbm>>
      tpu.wait_indirect_dma semaphore(%arg22 : memref<!tpu.dma_semaphore, #tpu.memory_space<semaphore_mem>>) src(%dma_wait3A_524 : memref<24995840xf32, #tpu.memory_space<hbm>>) dst(%dma_wait3A_521 : memref<80xf32, #tpu.memory_space<vmem>>)
      %scan3A_525 = arith.constant 0 : i32
      %scan3A_526 = arith.constant 0 : i32
      %scan3A_527 = arith.constant 10 : i32
      %scan3A_528 = arith.addi %scan3A_526, %scan3A_527 : i32
      %scan3A_529 = arith.constant 1 : i32
      scf.for %scan3A_531 = %scan3A_526 to %scan3A_528 step %scan3A_529  : i32 {
        %add3A_532 = arith.constant 10 : i32
        %add3A_533 = arith.addi %add3A_532, %scan3A_531 : i32
        %mul3A_534 = arith.constant 16 : i32
        %mul3A_535 = arith.muli %scan3A_531, %mul3A_534 : i32
        %add3A_536 = arith.constant 0 : i32
        %add3A_537 = arith.addi %mul3A_535, %add3A_536 : i32
        %broadcast_in_dim3A_538 = vector.broadcast %add3A_537 : i32 to vector<16xi32>
        %gather3A = tpu.vector_load_idx %arg15[%broadcast_in_dim3A_538] : memref<160xf32, #tpu.memory_space<vmem>>[vector<16xi32>], vector<16xf32>,
        %add3A_539 = arith.constant 1 : i32
        %add3A_540 = arith.addi %mul3A_535, %add3A_539 : i32
        %broadcast_in_dim3A_541 = vector.broadcast %add3A_540 : i32 to vector<16xi32>
        %gather3A_542 = tpu.vector_load_idx %arg15[%broadcast_in_dim3A_541] : memref<160xf32, #tpu.memory_space<vmem>>[vector<16xi32>], vector<16xf32>,
        %add3A_543 = arith.constant 2 : i32
        %add3A_544 = arith.addi %mul3A_535, %add3A_543 : i32
        %broadcast_in_dim3A_545 = vector.broadcast %add3A_544 : i32 to vector<16xi32>
        %gather3A_546 = tpu.vector_load_idx %arg15[%broadcast_in_dim3A_545] : memref<160xf32, #tpu.memory_space<vmem>>[vector<16xi32>], vector<16xf32>,
        %add3A_547 = arith.constant 3 : i32
        %add3A_548 = arith.addi %mul3A_535, %add3A_547 : i32
        %broadcast_in_dim3A_549 = vector.broadcast %add3A_548 : i32 to vector<16xi32>
        %gather3A_550 = tpu.vector_load_idx %arg15[%broadcast_in_dim3A_549] : memref<160xf32, #tpu.memory_space<vmem>>[vector<16xi32>], vector<16xf32>,
        %add3A_551 = arith.constant 4 : i32
        %add3A_552 = arith.addi %mul3A_535, %add3A_551 : i32
        %broadcast_in_dim3A_553 = vector.broadcast %add3A_552 : i32 to vector<16xi32>
        %gather3A_554 = tpu.vector_load_idx %arg15[%broadcast_in_dim3A_553] : memref<160xf32, #tpu.memory_space<vmem>>[vector<16xi32>], vector<16xf32>,
        %add3A_555 = arith.constant 5 : i32
        %add3A_556 = arith.addi %mul3A_535, %add3A_555 : i32
        %broadcast_in_dim3A_557 = vector.broadcast %add3A_556 : i32 to vector<16xi32>
        %gather3A_558 = tpu.vector_load_idx %arg15[%broadcast_in_dim3A_557] : memref<160xf32, #tpu.memory_space<vmem>>[vector<16xi32>], vector<16xf32>,
        %add3A_559 = arith.constant 6 : i32
        %add3A_560 = arith.addi %mul3A_535, %add3A_559 : i32
        %broadcast_in_dim3A_561 = vector.broadcast %add3A_560 : i32 to vector<16xi32>
        %gather3A_562 = tpu.vector_load_idx %arg15[%broadcast_in_dim3A_561] : memref<160xf32, #tpu.memory_space<vmem>>[vector<16xi32>], vector<16xf32>,
        %add3A_563 = arith.constant 7 : i32
        %add3A_564 = arith.addi %mul3A_535, %add3A_563 : i32
        %broadcast_in_dim3A_565 = vector.broadcast %add3A_564 : i32 to vector<16xi32>
        %gather3A_566 = tpu.vector_load_idx %arg15[%broadcast_in_dim3A_565] : memref<160xf32, #tpu.memory_space<vmem>>[vector<16xi32>], vector<16xf32>,
        %add3A_567 = arith.constant 8 : i32
        %add3A_568 = arith.addi %mul3A_535, %add3A_567 : i32
        %broadcast_in_dim3A_569 = vector.broadcast %add3A_568 : i32 to vector<16xi32>
        %gather3A_570 = tpu.vector_load_idx %arg15[%broadcast_in_dim3A_569] : memref<160xf32, #tpu.memory_space<vmem>>[vector<16xi32>], vector<16xf32>,
        %add3A_571 = arith.constant 9 : i32
        %add3A_572 = arith.addi %mul3A_535, %add3A_571 : i32
        %broadcast_in_dim3A_573 = vector.broadcast %add3A_572 : i32 to vector<16xi32>
        %gather3A_574 = tpu.vector_load_idx %arg15[%broadcast_in_dim3A_573] : memref<160xf32, #tpu.memory_space<vmem>>[vector<16xi32>], vector<16xf32>,
        %add3A_575 = arith.constant 10 : i32
        %add3A_576 = arith.addi %mul3A_535, %add3A_575 : i32
        %broadcast_in_dim3A_577 = vector.broadcast %add3A_576 : i32 to vector<16xi32>
        %gather3A_578 = tpu.vector_load_idx %arg15[%broadcast_in_dim3A_577] : memref<160xf32, #tpu.memory_space<vmem>>[vector<16xi32>], vector<16xf32>,
        %add3A_579 = arith.constant 11 : i32
        %add3A_580 = arith.addi %mul3A_535, %add3A_579 : i32
        %broadcast_in_dim3A_581 = vector.broadcast %add3A_580 : i32 to vector<16xi32>
        %gather3A_582 = tpu.vector_load_idx %arg15[%broadcast_in_dim3A_581] : memref<160xf32, #tpu.memory_space<vmem>>[vector<16xi32>], vector<16xf32>,
        %add3A_583 = arith.constant 12 : i32
        %add3A_584 = arith.addi %mul3A_535, %add3A_583 : i32
        %broadcast_in_dim3A_585 = vector.broadcast %add3A_584 : i32 to vector<16xi32>
        %gather3A_586 = tpu.vector_load_idx %arg15[%broadcast_in_dim3A_585] : memref<160xf32, #tpu.memory_space<vmem>>[vector<16xi32>], vector<16xf32>,
        %add3A_587 = arith.constant 13 : i32
        %add3A_588 = arith.addi %mul3A_535, %add3A_587 : i32
        %broadcast_in_dim3A_589 = vector.broadcast %add3A_588 : i32 to vector<16xi32>
        %gather3A_590 = tpu.vector_load_idx %arg15[%broadcast_in_dim3A_589] : memref<160xf32, #tpu.memory_space<vmem>>[vector<16xi32>], vector<16xf32>,
        %add3A_591 = arith.constant 14 : i32
        %add3A_592 = arith.addi %mul3A_535, %add3A_591 : i32
        %broadcast_in_dim3A_593 = vector.broadcast %add3A_592 : i32 to vector<16xi32>
        %gather3A_594 = tpu.vector_load_idx %arg15[%broadcast_in_dim3A_593] : memref<160xf32, #tpu.memory_space<vmem>>[vector<16xi32>], vector<16xf32>,
        %add3A_595 = arith.constant 15 : i32
        %add3A_596 = arith.addi %mul3A_535, %add3A_595 : i32
        %broadcast_in_dim3A_597 = vector.broadcast %add3A_596 : i32 to vector<16xi32>
        %gather3A_598 = tpu.vector_load_idx %arg15[%broadcast_in_dim3A_597] : memref<160xf32, #tpu.memory_space<vmem>>[vector<16xi32>], vector<16xf32>,
        %broadcast_in_dim3A_599 = vector.broadcast %add3A_533 : i32 to vector<16xi32>
        %gather3A_600 = tpu.vector_load_idx %arg19[%broadcast_in_dim3A_599] : memref<32xf32, #tpu.memory_space<vmem>>[vector<16xi32>], vector<16xf32>,
        %sub3A = arith.constant 1.000000e+00 : f32
        %sub3A_601 = vector.broadcast %sub3A : f32 to vector<16xf32>
        %sub3A_602 = arith.subf %sub3A_601, %gather3A_600 : vector<16xf32>
        %get3A = arith.index_cast %mul3A_535 : i32 to index
        %get3A_603 = arith.constant 0 : index
        %get3A_604 = tpu.vector_load %arg13[%get3A, %get3A_603] {strides = array<i32>} : memref<160x128xf32, #tpu.memory_space<vmem>>, vector<16xf32>,
        %mul3A_605 = arith.mulf %gather3A, %get3A_604 : vector<16xf32>
        %add3A_606 = arith.constant 1 : i32
        %add3A_607 = arith.addi %mul3A_535, %add3A_606 : i32
        %get3A_608 = arith.index_cast %add3A_607 : i32 to index
        %get3A_609 = arith.constant 0 : index
        %get3A_610 = tpu.vector_load %arg13[%get3A_608, %get3A_609] {strides = array<i32>} : memref<160x128xf32, #tpu.memory_space<vmem>>, vector<16xf32>,
        %mul3A_611 = arith.mulf %gather3A_542, %get3A_610 : vector<16xf32>
        %max3A = arith.maximumf %mul3A_605, %mul3A_611 : vector<16xf32>
        %add3A_612 = arith.constant 2 : i32
        %add3A_613 = arith.addi %mul3A_535, %add3A_612 : i32
        %get3A_614 = arith.index_cast %add3A_613 : i32 to index
        %get3A_615 = arith.constant 0 : index
        %get3A_616 = tpu.vector_load %arg13[%get3A_614, %get3A_615] {strides = array<i32>} : memref<160x128xf32, #tpu.memory_space<vmem>>, vector<16xf32>,
        %mul3A_617 = arith.mulf %gather3A_546, %get3A_616 : vector<16xf32>
        %max3A_618 = arith.maximumf %max3A, %mul3A_617 : vector<16xf32>
        %add3A_619 = arith.constant 3 : i32
        %add3A_620 = arith.addi %mul3A_535, %add3A_619 : i32
        %get3A_621 = arith.index_cast %add3A_620 : i32 to index
        %get3A_622 = arith.constant 0 : index
        %get3A_623 = tpu.vector_load %arg13[%get3A_621, %get3A_622] {strides = array<i32>} : memref<160x128xf32, #tpu.memory_space<vmem>>, vector<16xf32>,
        %mul3A_624 = arith.mulf %gather3A_550, %get3A_623 : vector<16xf32>
        %max3A_625 = arith.maximumf %max3A_618, %mul3A_624 : vector<16xf32>
        %add3A_626 = arith.constant 4 : i32
        %add3A_627 = arith.addi %mul3A_535, %add3A_626 : i32
        %get3A_628 = arith.index_cast %add3A_627 : i32 to index
        %get3A_629 = arith.constant 0 : index
        %get3A_630 = tpu.vector_load %arg13[%get3A_628, %get3A_629] {strides = array<i32>} : memref<160x128xf32, #tpu.memory_space<vmem>>, vector<16xf32>,
        %mul3A_631 = arith.mulf %gather3A_554, %get3A_630 : vector<16xf32>
        %max3A_632 = arith.maximumf %max3A_625, %mul3A_631 : vector<16xf32>
        %add3A_633 = arith.constant 5 : i32
        %add3A_634 = arith.addi %mul3A_535, %add3A_633 : i32
        %get3A_635 = arith.index_cast %add3A_634 : i32 to index
        %get3A_636 = arith.constant 0 : index
        %get3A_637 = tpu.vector_load %arg13[%get3A_635, %get3A_636] {strides = array<i32>} : memref<160x128xf32, #tpu.memory_space<vmem>>, vector<16xf32>,
        %mul3A_638 = arith.mulf %gather3A_558, %get3A_637 : vector<16xf32>
        %max3A_639 = arith.maximumf %max3A_632, %mul3A_638 : vector<16xf32>
        %add3A_640 = arith.constant 6 : i32
        %add3A_641 = arith.addi %mul3A_535, %add3A_640 : i32
        %get3A_642 = arith.index_cast %add3A_641 : i32 to index
        %get3A_643 = arith.constant 0 : index
        %get3A_644 = tpu.vector_load %arg13[%get3A_642, %get3A_643] {strides = array<i32>} : memref<160x128xf32, #tpu.memory_space<vmem>>, vector<16xf32>,
        %mul3A_645 = arith.mulf %gather3A_562, %get3A_644 : vector<16xf32>
        %max3A_646 = arith.maximumf %max3A_639, %mul3A_645 : vector<16xf32>
        %add3A_647 = arith.constant 7 : i32
        %add3A_648 = arith.addi %mul3A_535, %add3A_647 : i32
        %get3A_649 = arith.index_cast %add3A_648 : i32 to index
        %get3A_650 = arith.constant 0 : index
        %get3A_651 = tpu.vector_load %arg13[%get3A_649, %get3A_650] {strides = array<i32>} : memref<160x128xf32, #tpu.memory_space<vmem>>, vector<16xf32>,
        %mul3A_652 = arith.mulf %gather3A_566, %get3A_651 : vector<16xf32>
        %max3A_653 = arith.maximumf %max3A_646, %mul3A_652 : vector<16xf32>
        %add3A_654 = arith.constant 8 : i32
        %add3A_655 = arith.addi %mul3A_535, %add3A_654 : i32
        %get3A_656 = arith.index_cast %add3A_655 : i32 to index
        %get3A_657 = arith.constant 0 : index
        %get3A_658 = tpu.vector_load %arg13[%get3A_656, %get3A_657] {strides = array<i32>} : memref<160x128xf32, #tpu.memory_space<vmem>>, vector<16xf32>,
        %mul3A_659 = arith.mulf %gather3A_570, %get3A_658 : vector<16xf32>
        %max3A_660 = arith.maximumf %max3A_653, %mul3A_659 : vector<16xf32>
        %add3A_661 = arith.constant 9 : i32
        %add3A_662 = arith.addi %mul3A_535, %add3A_661 : i32
        %get3A_663 = arith.index_cast %add3A_662 : i32 to index
        %get3A_664 = arith.constant 0 : index
        %get3A_665 = tpu.vector_load %arg13[%get3A_663, %get3A_664] {strides = array<i32>} : memref<160x128xf32, #tpu.memory_space<vmem>>, vector<16xf32>,
        %mul3A_666 = arith.mulf %gather3A_574, %get3A_665 : vector<16xf32>
        %max3A_667 = arith.maximumf %max3A_660, %mul3A_666 : vector<16xf32>
        %add3A_668 = arith.constant 10 : i32
        %add3A_669 = arith.addi %mul3A_535, %add3A_668 : i32
        %get3A_670 = arith.index_cast %add3A_669 : i32 to index
        %get3A_671 = arith.constant 0 : index
        %get3A_672 = tpu.vector_load %arg13[%get3A_670, %get3A_671] {strides = array<i32>} : memref<160x128xf32, #tpu.memory_space<vmem>>, vector<16xf32>,
        %mul3A_673 = arith.mulf %gather3A_578, %get3A_672 : vector<16xf32>
        %max3A_674 = arith.maximumf %max3A_667, %mul3A_673 : vector<16xf32>
        %add3A_675 = arith.constant 11 : i32
        %add3A_676 = arith.addi %mul3A_535, %add3A_675 : i32
        %get3A_677 = arith.index_cast %add3A_676 : i32 to index
        %get3A_678 = arith.constant 0 : index
        %get3A_679 = tpu.vector_load %arg13[%get3A_677, %get3A_678] {strides = array<i32>} : memref<160x128xf32, #tpu.memory_space<vmem>>, vector<16xf32>,
        %mul3A_680 = arith.mulf %gather3A_582, %get3A_679 : vector<16xf32>
        %max3A_681 = arith.maximumf %max3A_674, %mul3A_680 : vector<16xf32>
        %add3A_682 = arith.constant 12 : i32
        %add3A_683 = arith.addi %mul3A_535, %add3A_682 : i32
        %get3A_684 = arith.index_cast %add3A_683 : i32 to index
        %get3A_685 = arith.constant 0 : index
        %get3A_686 = tpu.vector_load %arg13[%get3A_684, %get3A_685] {strides = array<i32>} : memref<160x128xf32, #tpu.memory_space<vmem>>, vector<16xf32>,
        %mul3A_687 = arith.mulf %gather3A_586, %get3A_686 : vector<16xf32>
        %max3A_688 = arith.maximumf %max3A_681, %mul3A_687 : vector<16xf32>
        %add3A_689 = arith.constant 13 : i32
        %add3A_690 = arith.addi %mul3A_535, %add3A_689 : i32
        %get3A_691 = arith.index_cast %add3A_690 : i32 to index
        %get3A_692 = arith.constant 0 : index
        %get3A_693 = tpu.vector_load %arg13[%get3A_691, %get3A_692] {strides = array<i32>} : memref<160x128xf32, #tpu.memory_space<vmem>>, vector<16xf32>,
        %mul3A_694 = arith.mulf %gather3A_590, %get3A_693 : vector<16xf32>
        %max3A_695 = arith.maximumf %max3A_688, %mul3A_694 : vector<16xf32>
        %add3A_696 = arith.constant 14 : i32
        %add3A_697 = arith.addi %mul3A_535, %add3A_696 : i32
        %get3A_698 = arith.index_cast %add3A_697 : i32 to index
        %get3A_699 = arith.constant 0 : index
        %get3A_700 = tpu.vector_load %arg13[%get3A_698, %get3A_699] {strides = array<i32>} : memref<160x128xf32, #tpu.memory_space<vmem>>, vector<16xf32>,
        %mul3A_701 = arith.mulf %gather3A_594, %get3A_700 : vector<16xf32>
        %max3A_702 = arith.maximumf %max3A_695, %mul3A_701 : vector<16xf32>
        %add3A_703 = arith.constant 15 : i32
        %add3A_704 = arith.addi %mul3A_535, %add3A_703 : i32
        %get3A_705 = arith.index_cast %add3A_704 : i32 to index
        %get3A_706 = arith.constant 0 : index
        %get3A_707 = tpu.vector_load %arg13[%get3A_705, %get3A_706] {strides = array<i32>} : memref<160x128xf32, #tpu.memory_space<vmem>>, vector<16xf32>,
        %mul3A_708 = arith.mulf %gather3A_598, %get3A_707 : vector<16xf32>
        %max3A_709 = arith.maximumf %max3A_702, %mul3A_708 : vector<16xf32>
        %get3A_710 = arith.index_cast %add3A_294 : i32 to index
        %get3A_711 = arith.constant 0 : index
        %get3A_712 = tpu.vector_load %arg20[%get3A_710, %get3A_711] {strides = array<i32>} : memref<32x128xf32, #tpu.memory_space<vmem>>, vector<16xf32>,
        %mul3A_713 = arith.mulf %sub3A_602, %max3A_709 : vector<16xf32>
        %add3A_714 = arith.addf %get3A_712, %mul3A_713 : vector<16xf32>
        %get3A_715 = arith.index_cast %add3A_533 : i32 to index
        %get3A_716 = arith.constant 0 : index
        %get3A_717 = tpu.vector_load %arg17[%get3A_715, %get3A_716] {strides = array<i32>} : memref<32x128xf32, #tpu.memory_space<vmem>>, vector<16xf32>,
        %mul3A_718 = arith.mulf %gather3A_600, %get3A_717 : vector<16xf32>
        %add3A_719 = arith.addf %add3A_714, %mul3A_718 : vector<16xf32>
        %swap3A_720 = arith.index_cast %add3A_294 : i32 to index
        %swap3A_721 = arith.constant 0 : index
        %swap3A_722 = tpu.vector_load %arg20[%swap3A_720, %swap3A_721] {strides = array<i32>} : memref<32x128xf32, #tpu.memory_space<vmem>>, vector<16xf32>,
        tpu.vector_store %arg20[%swap3A_720, %swap3A_721], %add3A_719 {strides = array<i32>} : memref<32x128xf32, #tpu.memory_space<vmem>>, vector<16xf32>,
        %get3A_723 = arith.index_cast %mul3A_535 : i32 to index
        %get3A_724 = arith.constant 16 : index
        %get3A_725 = tpu.vector_load %arg13[%get3A_723, %get3A_724] {strides = array<i32>} : memref<160x128xf32, #tpu.memory_space<vmem>>, vector<16xf32>,
        %mul3A_726 = arith.mulf %gather3A, %get3A_725 : vector<16xf32>
        %add3A_727 = arith.constant 1 : i32
        %add3A_728 = arith.addi %mul3A_535, %add3A_727 : i32
        %get3A_729 = arith.index_cast %add3A_728 : i32 to index
        %get3A_730 = arith.constant 16 : index
        %get3A_731 = tpu.vector_load %arg13[%get3A_729, %get3A_730] {strides = array<i32>} : memref<160x128xf32, #tpu.memory_space<vmem>>, vector<16xf32>,
        %mul3A_732 = arith.mulf %gather3A_542, %get3A_731 : vector<16xf32>
        %max3A_733 = arith.maximumf %mul3A_726, %mul3A_732 : vector<16xf32>
        %add3A_734 = arith.constant 2 : i32
        %add3A_735 = arith.addi %mul3A_535, %add3A_734 : i32
        %get3A_736 = arith.index_cast %add3A_735 : i32 to index
        %get3A_737 = arith.constant 16 : index
        %get3A_738 = tpu.vector_load %arg13[%get3A_736, %get3A_737] {strides = array<i32>} : memref<160x128xf32, #tpu.memory_space<vmem>>, vector<16xf32>,
        %mul3A_739 = arith.mulf %gather3A_546, %get3A_738 : vector<16xf32>
        %max3A_740 = arith.maximumf %max3A_733, %mul3A_739 : vector<16xf32>
        %add3A_741 = arith.constant 3 : i32
        %add3A_742 = arith.addi %mul3A_535, %add3A_741 : i32
        %get3A_743 = arith.index_cast %add3A_742 : i32 to index
        %get3A_744 = arith.constant 16 : index
        %get3A_745 = tpu.vector_load %arg13[%get3A_743, %get3A_744] {strides = array<i32>} : memref<160x128xf32, #tpu.memory_space<vmem>>, vector<16xf32>,
        %mul3A_746 = arith.mulf %gather3A_550, %get3A_745 : vector<16xf32>
        %max3A_747 = arith.maximumf %max3A_740, %mul3A_746 : vector<16xf32>
        %add3A_748 = arith.constant 4 : i32
        %add3A_749 = arith.addi %mul3A_535, %add3A_748 : i32
        %get3A_750 = arith.index_cast %add3A_749 : i32 to index
        %get3A_751 = arith.constant 16 : index
        %get3A_752 = tpu.vector_load %arg13[%get3A_750, %get3A_751] {strides = array<i32>} : memref<160x128xf32, #tpu.memory_space<vmem>>, vector<16xf32>,
        %mul3A_753 = arith.mulf %gather3A_554, %get3A_752 : vector<16xf32>
        %max3A_754 = arith.maximumf %max3A_747, %mul3A_753 : vector<16xf32>
        %add3A_755 = arith.constant 5 : i32
        %add3A_756 = arith.addi %mul3A_535, %add3A_755 : i32
        %get3A_757 = arith.index_cast %add3A_756 : i32 to index
        %get3A_758 = arith.constant 16 : index
        %get3A_759 = tpu.vector_load %arg13[%get3A_757, %get3A_758] {strides = array<i32>} : memref<160x128xf32, #tpu.memory_space<vmem>>, vector<16xf32>,
        %mul3A_760 = arith.mulf %gather3A_558, %get3A_759 : vector<16xf32>
        %max3A_761 = arith.maximumf %max3A_754, %mul3A_760 : vector<16xf32>
        %add3A_762 = arith.constant 6 : i32
        %add3A_763 = arith.addi %mul3A_535, %add3A_762 : i32
        %get3A_764 = arith.index_cast %add3A_763 : i32 to index
        %get3A_765 = arith.constant 16 : index
        %get3A_766 = tpu.vector_load %arg13[%get3A_764, %get3A_765] {strides = array<i32>} : memref<160x128xf32, #tpu.memory_space<vmem>>, vector<16xf32>,
        %mul3A_767 = arith.mulf %gather3A_562, %get3A_766 : vector<16xf32>
        %max3A_768 = arith.maximumf %max3A_761, %mul3A_767 : vector<16xf32>
        %add3A_769 = arith.constant 7 : i32
        %add3A_770 = arith.addi %mul3A_535, %add3A_769 : i32
        %get3A_771 = arith.index_cast %add3A_770 : i32 to index
        %get3A_772 = arith.constant 16 : index
        %get3A_773 = tpu.vector_load %arg13[%get3A_771, %get3A_772] {strides = array<i32>} : memref<160x128xf32, #tpu.memory_space<vmem>>, vector<16xf32>,
        %mul3A_774 = arith.mulf %gather3A_566, %get3A_773 : vector<16xf32>
        %max3A_775 = arith.maximumf %max3A_768, %mul3A_774 : vector<16xf32>
        %add3A_776 = arith.constant 8 : i32
        %add3A_777 = arith.addi %mul3A_535, %add3A_776 : i32
        %get3A_778 = arith.index_cast %add3A_777 : i32 to index
        %get3A_779 = arith.constant 16 : index
        %get3A_780 = tpu.vector_load %arg13[%get3A_778, %get3A_779] {strides = array<i32>} : memref<160x128xf32, #tpu.memory_space<vmem>>, vector<16xf32>,
        %mul3A_781 = arith.mulf %gather3A_570, %get3A_780 : vector<16xf32>
        %max3A_782 = arith.maximumf %max3A_775, %mul3A_781 : vector<16xf32>
        %add3A_783 = arith.constant 9 : i32
        %add3A_784 = arith.addi %mul3A_535, %add3A_783 : i32
        %get3A_785 = arith.index_cast %add3A_784 : i32 to index
        %get3A_786 = arith.constant 16 : index
        %get3A_787 = tpu.vector_load %arg13[%get3A_785, %get3A_786] {strides = array<i32>} : memref<160x128xf32, #tpu.memory_space<vmem>>, vector<16xf32>,
        %mul3A_788 = arith.mulf %gather3A_574, %get3A_787 : vector<16xf32>
        %max3A_789 = arith.maximumf %max3A_782, %mul3A_788 : vector<16xf32>
        %add3A_790 = arith.constant 10 : i32
        %add3A_791 = arith.addi %mul3A_535, %add3A_790 : i32
        %get3A_792 = arith.index_cast %add3A_791 : i32 to index
        %get3A_793 = arith.constant 16 : index
        %get3A_794 = tpu.vector_load %arg13[%get3A_792, %get3A_793] {strides = array<i32>} : memref<160x128xf32, #tpu.memory_space<vmem>>, vector<16xf32>,
        %mul3A_795 = arith.mulf %gather3A_578, %get3A_794 : vector<16xf32>
        %max3A_796 = arith.maximumf %max3A_789, %mul3A_795 : vector<16xf32>
        %add3A_797 = arith.constant 11 : i32
        %add3A_798 = arith.addi %mul3A_535, %add3A_797 : i32
        %get3A_799 = arith.index_cast %add3A_798 : i32 to index
        %get3A_800 = arith.constant 16 : index
        %get3A_801 = tpu.vector_load %arg13[%get3A_799, %get3A_800] {strides = array<i32>} : memref<160x128xf32, #tpu.memory_space<vmem>>, vector<16xf32>,
        %mul3A_802 = arith.mulf %gather3A_582, %get3A_801 : vector<16xf32>
        %max3A_803 = arith.maximumf %max3A_796, %mul3A_802 : vector<16xf32>
        %add3A_804 = arith.constant 12 : i32
        %add3A_805 = arith.addi %mul3A_535, %add3A_804 : i32
        %get3A_806 = arith.index_cast %add3A_805 : i32 to index
        %get3A_807 = arith.constant 16 : index
        %get3A_808 = tpu.vector_load %arg13[%get3A_806, %get3A_807] {strides = array<i32>} : memref<160x128xf32, #tpu.memory_space<vmem>>, vector<16xf32>,
        %mul3A_809 = arith.mulf %gather3A_586, %get3A_808 : vector<16xf32>
        %max3A_810 = arith.maximumf %max3A_803, %mul3A_809 : vector<16xf32>
        %add3A_811 = arith.constant 13 : i32
        %add3A_812 = arith.addi %mul3A_535, %add3A_811 : i32
        %get3A_813 = arith.index_cast %add3A_812 : i32 to index
        %get3A_814 = arith.constant 16 : index
        %get3A_815 = tpu.vector_load %arg13[%get3A_813, %get3A_814] {strides = array<i32>} : memref<160x128xf32, #tpu.memory_space<vmem>>, vector<16xf32>,
        %mul3A_816 = arith.mulf %gather3A_590, %get3A_815 : vector<16xf32>
        %max3A_817 = arith.maximumf %max3A_810, %mul3A_816 : vector<16xf32>
        %add3A_818 = arith.constant 14 : i32
        %add3A_819 = arith.addi %mul3A_535, %add3A_818 : i32
        %get3A_820 = arith.index_cast %add3A_819 : i32 to index
        %get3A_821 = arith.constant 16 : index
        %get3A_822 = tpu.vector_load %arg13[%get3A_820, %get3A_821] {strides = array<i32>} : memref<160x128xf32, #tpu.memory_space<vmem>>, vector<16xf32>,
        %mul3A_823 = arith.mulf %gather3A_594, %get3A_822 : vector<16xf32>
        %max3A_824 = arith.maximumf %max3A_817, %mul3A_823 : vector<16xf32>
        %add3A_825 = arith.constant 15 : i32
        %add3A_826 = arith.addi %mul3A_535, %add3A_825 : i32
        %get3A_827 = arith.index_cast %add3A_826 : i32 to index
        %get3A_828 = arith.constant 16 : index
        %get3A_829 = tpu.vector_load %arg13[%get3A_827, %get3A_828] {strides = array<i32>} : memref<160x128xf32, #tpu.memory_space<vmem>>, vector<16xf32>,
        %mul3A_830 = arith.mulf %gather3A_598, %get3A_829 : vector<16xf32>
        %max3A_831 = arith.maximumf %max3A_824, %mul3A_830 : vector<16xf32>
        %get3A_832 = arith.index_cast %add3A_294 : i32 to index
        %get3A_833 = arith.constant 16 : index
        %get3A_834 = tpu.vector_load %arg20[%get3A_832, %get3A_833] {strides = array<i32>} : memref<32x128xf32, #tpu.memory_space<vmem>>, vector<16xf32>,
        %mul3A_835 = arith.mulf %sub3A_602, %max3A_831 : vector<16xf32>
        %add3A_836 = arith.addf %get3A_834, %mul3A_835 : vector<16xf32>
        %get3A_837 = arith.index_cast %add3A_533 : i32 to index
        %get3A_838 = arith.constant 16 : index
        %get3A_839 = tpu.vector_load %arg17[%get3A_837, %get3A_838] {strides = array<i32>} : memref<32x128xf32, #tpu.memory_space<vmem>>, vector<16xf32>,
        %mul3A_840 = arith.mulf %gather3A_600, %get3A_839 : vector<16xf32>
        %add3A_841 = arith.addf %add3A_836, %mul3A_840 : vector<16xf32>
        %swap3A_842 = arith.index_cast %add3A_294 : i32 to index
        %swap3A_843 = arith.constant 16 : index
        %swap3A_844 = tpu.vector_load %arg20[%swap3A_842, %swap3A_843] {strides = array<i32>} : memref<32x128xf32, #tpu.memory_space<vmem>>, vector<16xf32>,
        tpu.vector_store %arg20[%swap3A_842, %swap3A_843], %add3A_841 {strides = array<i32>} : memref<32x128xf32, #tpu.memory_space<vmem>>, vector<16xf32>,
        %get3A_845 = arith.index_cast %mul3A_535 : i32 to index
        %get3A_846 = arith.constant 32 : index
        %get3A_847 = tpu.vector_load %arg13[%get3A_845, %get3A_846] {strides = array<i32>} : memref<160x128xf32, #tpu.memory_space<vmem>>, vector<16xf32>,
        %mul3A_848 = arith.mulf %gather3A, %get3A_847 : vector<16xf32>
        %add3A_849 = arith.constant 1 : i32
        %add3A_850 = arith.addi %mul3A_535, %add3A_849 : i32
        %get3A_851 = arith.index_cast %add3A_850 : i32 to index
        %get3A_852 = arith.constant 32 : index
        %get3A_853 = tpu.vector_load %arg13[%get3A_851, %get3A_852] {strides = array<i32>} : memref<160x128xf32, #tpu.memory_space<vmem>>, vector<16xf32>,
        %mul3A_854 = arith.mulf %gather3A_542, %get3A_853 : vector<16xf32>
        %max3A_855 = arith.maximumf %mul3A_848, %mul3A_854 : vector<16xf32>
        %add3A_856 = arith.constant 2 : i32
        %add3A_857 = arith.addi %mul3A_535, %add3A_856 : i32
        %get3A_858 = arith.index_cast %add3A_857 : i32 to index
        %get3A_859 = arith.constant 32 : index
        %get3A_860 = tpu.vector_load %arg13[%get3A_858, %get3A_859] {strides = array<i32>} : memref<160x128xf32, #tpu.memory_space<vmem>>, vector<16xf32>,
        %mul3A_861 = arith.mulf %gather3A_546, %get3A_860 : vector<16xf32>
        %max3A_862 = arith.maximumf %max3A_855, %mul3A_861 : vector<16xf32>
        %add3A_863 = arith.constant 3 : i32
        %add3A_864 = arith.addi %mul3A_535, %add3A_863 : i32
        %get3A_865 = arith.index_cast %add3A_864 : i32 to index
        %get3A_866 = arith.constant 32 : index
        %get3A_867 = tpu.vector_load %arg13[%get3A_865, %get3A_866] {strides = array<i32>} : memref<160x128xf32, #tpu.memory_space<vmem>>, vector<16xf32>,
        %mul3A_868 = arith.mulf %gather3A_550, %get3A_867 : vector<16xf32>
        %max3A_869 = arith.maximumf %max3A_862, %mul3A_868 : vector<16xf32>
        %add3A_870 = arith.constant 4 : i32
        %add3A_871 = arith.addi %mul3A_535, %add3A_870 : i32
        %get3A_872 = arith.index_cast %add3A_871 : i32 to index
        %get3A_873 = arith.constant 32 : index
        %get3A_874 = tpu.vector_load %arg13[%get3A_872, %get3A_873] {strides = array<i32>} : memref<160x128xf32, #tpu.memory_space<vmem>>, vector<16xf32>,
        %mul3A_875 = arith.mulf %gather3A_554, %get3A_874 : vector<16xf32>
        %max3A_876 = arith.maximumf %max3A_869, %mul3A_875 : vector<16xf32>
        %add3A_877 = arith.constant 5 : i32
        %add3A_878 = arith.addi %mul3A_535, %add3A_877 : i32
        %get3A_879 = arith.index_cast %add3A_878 : i32 to index
        %get3A_880 = arith.constant 32 : index
        %get3A_881 = tpu.vector_load %arg13[%get3A_879, %get3A_880] {strides = array<i32>} : memref<160x128xf32, #tpu.memory_space<vmem>>, vector<16xf32>,
        %mul3A_882 = arith.mulf %gather3A_558, %get3A_881 : vector<16xf32>
        %max3A_883 = arith.maximumf %max3A_876, %mul3A_882 : vector<16xf32>
        %add3A_884 = arith.constant 6 : i32
        %add3A_885 = arith.addi %mul3A_535, %add3A_884 : i32
        %get3A_886 = arith.index_cast %add3A_885 : i32 to index
        %get3A_887 = arith.constant 32 : index
        %get3A_888 = tpu.vector_load %arg13[%get3A_886, %get3A_887] {strides = array<i32>} : memref<160x128xf32, #tpu.memory_space<vmem>>, vector<16xf32>,
        %mul3A_889 = arith.mulf %gather3A_562, %get3A_888 : vector<16xf32>
        %max3A_890 = arith.maximumf %max3A_883, %mul3A_889 : vector<16xf32>
        %add3A_891 = arith.constant 7 : i32
        %add3A_892 = arith.addi %mul3A_535, %add3A_891 : i32
        %get3A_893 = arith.index_cast %add3A_892 : i32 to index
        %get3A_894 = arith.constant 32 : index
        %get3A_895 = tpu.vector_load %arg13[%get3A_893, %get3A_894] {strides = array<i32>} : memref<160x128xf32, #tpu.memory_space<vmem>>, vector<16xf32>,
        %mul3A_896 = arith.mulf %gather3A_566, %get3A_895 : vector<16xf32>
        %max3A_897 = arith.maximumf %max3A_890, %mul3A_896 : vector<16xf32>
        %add3A_898 = arith.constant 8 : i32
        %add3A_899 = arith.addi %mul3A_535, %add3A_898 : i32
        %get3A_900 = arith.index_cast %add3A_899 : i32 to index
        %get3A_901 = arith.constant 32 : index
        %get3A_902 = tpu.vector_load %arg13[%get3A_900, %get3A_901] {strides = array<i32>} : memref<160x128xf32, #tpu.memory_space<vmem>>, vector<16xf32>,
        %mul3A_903 = arith.mulf %gather3A_570, %get3A_902 : vector<16xf32>
        %max3A_904 = arith.maximumf %max3A_897, %mul3A_903 : vector<16xf32>
        %add3A_905 = arith.constant 9 : i32
        %add3A_906 = arith.addi %mul3A_535, %add3A_905 : i32
        %get3A_907 = arith.index_cast %add3A_906 : i32 to index
        %get3A_908 = arith.constant 32 : index
        %get3A_909 = tpu.vector_load %arg13[%get3A_907, %get3A_908] {strides = array<i32>} : memref<160x128xf32, #tpu.memory_space<vmem>>, vector<16xf32>,
        %mul3A_910 = arith.mulf %gather3A_574, %get3A_909 : vector<16xf32>
        %max3A_911 = arith.maximumf %max3A_904, %mul3A_910 : vector<16xf32>
        %add3A_912 = arith.constant 10 : i32
        %add3A_913 = arith.addi %mul3A_535, %add3A_912 : i32
        %get3A_914 = arith.index_cast %add3A_913 : i32 to index
        %get3A_915 = arith.constant 32 : index
        %get3A_916 = tpu.vector_load %arg13[%get3A_914, %get3A_915] {strides = array<i32>} : memref<160x128xf32, #tpu.memory_space<vmem>>, vector<16xf32>,
        %mul3A_917 = arith.mulf %gather3A_578, %get3A_916 : vector<16xf32>
        %max3A_918 = arith.maximumf %max3A_911, %mul3A_917 : vector<16xf32>
        %add3A_919 = arith.constant 11 : i32
        %add3A_920 = arith.addi %mul3A_535, %add3A_919 : i32
        %get3A_921 = arith.index_cast %add3A_920 : i32 to index
        %get3A_922 = arith.constant 32 : index
        %get3A_923 = tpu.vector_load %arg13[%get3A_921, %get3A_922] {strides = array<i32>} : memref<160x128xf32, #tpu.memory_space<vmem>>, vector<16xf32>,
        %mul3A_924 = arith.mulf %gather3A_582, %get3A_923 : vector<16xf32>
        %max3A_925 = arith.maximumf %max3A_918, %mul3A_924 : vector<16xf32>
        %add3A_926 = arith.constant 12 : i32
        %add3A_927 = arith.addi %mul3A_535, %add3A_926 : i32
        %get3A_928 = arith.index_cast %add3A_927 : i32 to index
        %get3A_929 = arith.constant 32 : index
        %get3A_930 = tpu.vector_load %arg13[%get3A_928, %get3A_929] {strides = array<i32>} : memref<160x128xf32, #tpu.memory_space<vmem>>, vector<16xf32>,
        %mul3A_931 = arith.mulf %gather3A_586, %get3A_930 : vector<16xf32>
        %max3A_932 = arith.maximumf %max3A_925, %mul3A_931 : vector<16xf32>
        %add3A_933 = arith.constant 13 : i32
        %add3A_934 = arith.addi %mul3A_535, %add3A_933 : i32
        %get3A_935 = arith.index_cast %add3A_934 : i32 to index
        %get3A_936 = arith.constant 32 : index
        %get3A_937 = tpu.vector_load %arg13[%get3A_935, %get3A_936] {strides = array<i32>} : memref<160x128xf32, #tpu.memory_space<vmem>>, vector<16xf32>,
        %mul3A_938 = arith.mulf %gather3A_590, %get3A_937 : vector<16xf32>
        %max3A_939 = arith.maximumf %max3A_932, %mul3A_938 : vector<16xf32>
        %add3A_940 = arith.constant 14 : i32
        %add3A_941 = arith.addi %mul3A_535, %add3A_940 : i32
        %get3A_942 = arith.index_cast %add3A_941 : i32 to index
        %get3A_943 = arith.constant 32 : index
        %get3A_944 = tpu.vector_load %arg13[%get3A_942, %get3A_943] {strides = array<i32>} : memref<160x128xf32, #tpu.memory_space<vmem>>, vector<16xf32>,
        %mul3A_945 = arith.mulf %gather3A_594, %get3A_944 : vector<16xf32>
        %max3A_946 = arith.maximumf %max3A_939, %mul3A_945 : vector<16xf32>
        %add3A_947 = arith.constant 15 : i32
        %add3A_948 = arith.addi %mul3A_535, %add3A_947 : i32
        %get3A_949 = arith.index_cast %add3A_948 : i32 to index
        %get3A_950 = arith.constant 32 : index
        %get3A_951 = tpu.vector_load %arg13[%get3A_949, %get3A_950] {strides = array<i32>} : memref<160x128xf32, #tpu.memory_space<vmem>>, vector<16xf32>,
        %mul3A_952 = arith.mulf %gather3A_598, %get3A_951 : vector<16xf32>
        %max3A_953 = arith.maximumf %max3A_946, %mul3A_952 : vector<16xf32>
        %get3A_954 = arith.index_cast %add3A_294 : i32 to index
        %get3A_955 = arith.constant 32 : index
        %get3A_956 = tpu.vector_load %arg20[%get3A_954, %get3A_955] {strides = array<i32>} : memref<32x128xf32, #tpu.memory_space<vmem>>, vector<16xf32>,
        %mul3A_957 = arith.mulf %sub3A_602, %max3A_953 : vector<16xf32>
        %add3A_958 = arith.addf %get3A_956, %mul3A_957 : vector<16xf32>
        %get3A_959 = arith.index_cast %add3A_533 : i32 to index
        %get3A_960 = arith.constant 32 : index
        %get3A_961 = tpu.vector_load %arg17[%get3A_959, %get3A_960] {strides = array<i32>} : memref<32x128xf32, #tpu.memory_space<vmem>>, vector<16xf32>,
        %mul3A_962 = arith.mulf %gather3A_600, %get3A_961 : vector<16xf32>
        %add3A_963 = arith.addf %add3A_958, %mul3A_962 : vector<16xf32>
        %swap3A_964 = arith.index_cast %add3A_294 : i32 to index
        %swap3A_965 = arith.constant 32 : index
        %swap3A_966 = tpu.vector_load %arg20[%swap3A_964, %swap3A_965] {strides = array<i32>} : memref<32x128xf32, #tpu.memory_space<vmem>>, vector<16xf32>,
        tpu.vector_store %arg20[%swap3A_964, %swap3A_965], %add3A_963 {strides = array<i32>} : memref<32x128xf32, #tpu.memory_space<vmem>>, vector<16xf32>,
        %get3A_967 = arith.index_cast %mul3A_535 : i32 to index
        %get3A_968 = arith.constant 48 : index
        %get3A_969 = tpu.vector_load %arg13[%get3A_967, %get3A_968] {strides = array<i32>} : memref<160x128xf32, #tpu.memory_space<vmem>>, vector<16xf32>,
        %mul3A_970 = arith.mulf %gather3A, %get3A_969 : vector<16xf32>
        %add3A_971 = arith.constant 1 : i32
        %add3A_972 = arith.addi %mul3A_535, %add3A_971 : i32
        %get3A_973 = arith.index_cast %add3A_972 : i32 to index
        %get3A_974 = arith.constant 48 : index
        %get3A_975 = tpu.vector_load %arg13[%get3A_973, %get3A_974] {strides = array<i32>} : memref<160x128xf32, #tpu.memory_space<vmem>>, vector<16xf32>,
        %mul3A_976 = arith.mulf %gather3A_542, %get3A_975 : vector<16xf32>
        %max3A_977 = arith.maximumf %mul3A_970, %mul3A_976 : vector<16xf32>
        %add3A_978 = arith.constant 2 : i32
        %add3A_979 = arith.addi %mul3A_535, %add3A_978 : i32
        %get3A_980 = arith.index_cast %add3A_979 : i32 to index
        %get3A_981 = arith.constant 48 : index
        %get3A_982 = tpu.vector_load %arg13[%get3A_980, %get3A_981] {strides = array<i32>} : memref<160x128xf32, #tpu.memory_space<vmem>>, vector<16xf32>,
        %mul3A_983 = arith.mulf %gather3A_546, %get3A_982 : vector<16xf32>
        %max3A_984 = arith.maximumf %max3A_977, %mul3A_983 : vector<16xf32>
        %add3A_985 = arith.constant 3 : i32
        %add3A_986 = arith.addi %mul3A_535, %add3A_985 : i32
        %get3A_987 = arith.index_cast %add3A_986 : i32 to index
        %get3A_988 = arith.constant 48 : index
        %get3A_989 = tpu.vector_load %arg13[%get3A_987, %get3A_988] {strides = array<i32>} : memref<160x128xf32, #tpu.memory_space<vmem>>, vector<16xf32>,
        %mul3A_990 = arith.mulf %gather3A_550, %get3A_989 : vector<16xf32>
        %max3A_991 = arith.maximumf %max3A_984, %mul3A_990 : vector<16xf32>
        %add3A_992 = arith.constant 4 : i32
        %add3A_993 = arith.addi %mul3A_535, %add3A_992 : i32
        %get3A_994 = arith.index_cast %add3A_993 : i32 to index
        %get3A_995 = arith.constant 48 : index
        %get3A_996 = tpu.vector_load %arg13[%get3A_994, %get3A_995] {strides = array<i32>} : memref<160x128xf32, #tpu.memory_space<vmem>>, vector<16xf32>,
        %mul3A_997 = arith.mulf %gather3A_554, %get3A_996 : vector<16xf32>
        %max3A_998 = arith.maximumf %max3A_991, %mul3A_997 : vector<16xf32>
        %add3A_999 = arith.constant 5 : i32
        %add3A_1000 = arith.addi %mul3A_535, %add3A_999 : i32
        %get3A_1001 = arith.index_cast %add3A_1000 : i32 to index
        %get3A_1002 = arith.constant 48 : index
        %get3A_1003 = tpu.vector_load %arg13[%get3A_1001, %get3A_1002] {strides = array<i32>} : memref<160x128xf32, #tpu.memory_space<vmem>>, vector<16xf32>,
        %mul3A_1004 = arith.mulf %gather3A_558, %get3A_1003 : vector<16xf32>
        %max3A_1005 = arith.maximumf %max3A_998, %mul3A_1004 : vector<16xf32>
        %add3A_1006 = arith.constant 6 : i32
        %add3A_1007 = arith.addi %mul3A_535, %add3A_1006 : i32
        %get3A_1008 = arith.index_cast %add3A_1007 : i32 to index
        %get3A_1009 = arith.constant 48 : index
        %get3A_1010 = tpu.vector_load %arg13[%get3A_1008, %get3A_1009] {strides = array<i32>} : memref<160x128xf32, #tpu.memory_space<vmem>>, vector<16xf32>,
        %mul3A_1011 = arith.mulf %gather3A_562, %get3A_1010 : vector<16xf32>
        %max3A_1012 = arith.maximumf %max3A_1005, %mul3A_1011 : vector<16xf32>
        %add3A_1013 = arith.constant 7 : i32
        %add3A_1014 = arith.addi %mul3A_535, %add3A_1013 : i32
        %get3A_1015 = arith.index_cast %add3A_1014 : i32 to index
        %get3A_1016 = arith.constant 48 : index
        %get3A_1017 = tpu.vector_load %arg13[%get3A_1015, %get3A_1016] {strides = array<i32>} : memref<160x128xf32, #tpu.memory_space<vmem>>, vector<16xf32>,
        %mul3A_1018 = arith.mulf %gather3A_566, %get3A_1017 : vector<16xf32>
        %max3A_1019 = arith.maximumf %max3A_1012, %mul3A_1018 : vector<16xf32>
        %add3A_1020 = arith.constant 8 : i32
        %add3A_1021 = arith.addi %mul3A_535, %add3A_1020 : i32
        %get3A_1022 = arith.index_cast %add3A_1021 : i32 to index
        %get3A_1023 = arith.constant 48 : index
        %get3A_1024 = tpu.vector_load %arg13[%get3A_1022, %get3A_1023] {strides = array<i32>} : memref<160x128xf32, #tpu.memory_space<vmem>>, vector<16xf32>,
        %mul3A_1025 = arith.mulf %gather3A_570, %get3A_1024 : vector<16xf32>
        %max3A_1026 = arith.maximumf %max3A_1019, %mul3A_1025 : vector<16xf32>
        %add3A_1027 = arith.constant 9 : i32
        %add3A_1028 = arith.addi %mul3A_535, %add3A_1027 : i32
        %get3A_1029 = arith.index_cast %add3A_1028 : i32 to index
        %get3A_1030 = arith.constant 48 : index
        %get3A_1031 = tpu.vector_load %arg13[%get3A_1029, %get3A_1030] {strides = array<i32>} : memref<160x128xf32, #tpu.memory_space<vmem>>, vector<16xf32>,
        %mul3A_1032 = arith.mulf %gather3A_574, %get3A_1031 : vector<16xf32>
        %max3A_1033 = arith.maximumf %max3A_1026, %mul3A_1032 : vector<16xf32>
        %add3A_1034 = arith.constant 10 : i32
        %add3A_1035 = arith.addi %mul3A_535, %add3A_1034 : i32
        %get3A_1036 = arith.index_cast %add3A_1035 : i32 to index
        %get3A_1037 = arith.constant 48 : index
        %get3A_1038 = tpu.vector_load %arg13[%get3A_1036, %get3A_1037] {strides = array<i32>} : memref<160x128xf32, #tpu.memory_space<vmem>>, vector<16xf32>,
        %mul3A_1039 = arith.mulf %gather3A_578, %get3A_1038 : vector<16xf32>
        %max3A_1040 = arith.maximumf %max3A_1033, %mul3A_1039 : vector<16xf32>
        %add3A_1041 = arith.constant 11 : i32
        %add3A_1042 = arith.addi %mul3A_535, %add3A_1041 : i32
        %get3A_1043 = arith.index_cast %add3A_1042 : i32 to index
        %get3A_1044 = arith.constant 48 : index
        %get3A_1045 = tpu.vector_load %arg13[%get3A_1043, %get3A_1044] {strides = array<i32>} : memref<160x128xf32, #tpu.memory_space<vmem>>, vector<16xf32>,
        %mul3A_1046 = arith.mulf %gather3A_582, %get3A_1045 : vector<16xf32>
        %max3A_1047 = arith.maximumf %max3A_1040, %mul3A_1046 : vector<16xf32>
        %add3A_1048 = arith.constant 12 : i32
        %add3A_1049 = arith.addi %mul3A_535, %add3A_1048 : i32
        %get3A_1050 = arith.index_cast %add3A_1049 : i32 to index
        %get3A_1051 = arith.constant 48 : index
        %get3A_1052 = tpu.vector_load %arg13[%get3A_1050, %get3A_1051] {strides = array<i32>} : memref<160x128xf32, #tpu.memory_space<vmem>>, vector<16xf32>,
        %mul3A_1053 = arith.mulf %gather3A_586, %get3A_1052 : vector<16xf32>
        %max3A_1054 = arith.maximumf %max3A_1047, %mul3A_1053 : vector<16xf32>
        %add3A_1055 = arith.constant 13 : i32
        %add3A_1056 = arith.addi %mul3A_535, %add3A_1055 : i32
        %get3A_1057 = arith.index_cast %add3A_1056 : i32 to index
        %get3A_1058 = arith.constant 48 : index
        %get3A_1059 = tpu.vector_load %arg13[%get3A_1057, %get3A_1058] {strides = array<i32>} : memref<160x128xf32, #tpu.memory_space<vmem>>, vector<16xf32>,
        %mul3A_1060 = arith.mulf %gather3A_590, %get3A_1059 : vector<16xf32>
        %max3A_1061 = arith.maximumf %max3A_1054, %mul3A_1060 : vector<16xf32>
        %add3A_1062 = arith.constant 14 : i32
        %add3A_1063 = arith.addi %mul3A_535, %add3A_1062 : i32
        %get3A_1064 = arith.index_cast %add3A_1063 : i32 to index
        %get3A_1065 = arith.constant 48 : index
        %get3A_1066 = tpu.vector_load %arg13[%get3A_1064, %get3A_1065] {strides = array<i32>} : memref<160x128xf32, #tpu.memory_space<vmem>>, vector<16xf32>,
        %mul3A_1067 = arith.mulf %gather3A_594, %get3A_1066 : vector<16xf32>
        %max3A_1068 = arith.maximumf %max3A_1061, %mul3A_1067 : vector<16xf32>
        %add3A_1069 = arith.constant 15 : i32
        %add3A_1070 = arith.addi %mul3A_535, %add3A_1069 : i32
        %get3A_1071 = arith.index_cast %add3A_1070 : i32 to index
        %get3A_1072 = arith.constant 48 : index
        %get3A_1073 = tpu.vector_load %arg13[%get3A_1071, %get3A_1072] {strides = array<i32>} : memref<160x128xf32, #tpu.memory_space<vmem>>, vector<16xf32>,
        %mul3A_1074 = arith.mulf %gather3A_598, %get3A_1073 : vector<16xf32>
        %max3A_1075 = arith.maximumf %max3A_1068, %mul3A_1074 : vector<16xf32>
        %get3A_1076 = arith.index_cast %add3A_294 : i32 to index
        %get3A_1077 = arith.constant 48 : index
        %get3A_1078 = tpu.vector_load %arg20[%get3A_1076, %get3A_1077] {strides = array<i32>} : memref<32x128xf32, #tpu.memory_space<vmem>>, vector<16xf32>,
        %mul3A_1079 = arith.mulf %sub3A_602, %max3A_1075 : vector<16xf32>
        %add3A_1080 = arith.addf %get3A_1078, %mul3A_1079 : vector<16xf32>
        %get3A_1081 = arith.index_cast %add3A_533 : i32 to index
        %get3A_1082 = arith.constant 48 : index
        %get3A_1083 = tpu.vector_load %arg17[%get3A_1081, %get3A_1082] {strides = array<i32>} : memref<32x128xf32, #tpu.memory_space<vmem>>, vector<16xf32>,
        %mul3A_1084 = arith.mulf %gather3A_600, %get3A_1083 : vector<16xf32>
        %add3A_1085 = arith.addf %add3A_1080, %mul3A_1084 : vector<16xf32>
        %swap3A_1086 = arith.index_cast %add3A_294 : i32 to index
        %swap3A_1087 = arith.constant 48 : index
        %swap3A_1088 = tpu.vector_load %arg20[%swap3A_1086, %swap3A_1087] {strides = array<i32>} : memref<32x128xf32, #tpu.memory_space<vmem>>, vector<16xf32>,
        tpu.vector_store %arg20[%swap3A_1086, %swap3A_1087], %add3A_1085 {strides = array<i32>} : memref<32x128xf32, #tpu.memory_space<vmem>>, vector<16xf32>,
        %get3A_1089 = arith.index_cast %mul3A_535 : i32 to index
        %get3A_1090 = arith.constant 64 : index
        %get3A_1091 = tpu.vector_load %arg13[%get3A_1089, %get3A_1090] {strides = array<i32>} : memref<160x128xf32, #tpu.memory_space<vmem>>, vector<16xf32>,
        %mul3A_1092 = arith.mulf %gather3A, %get3A_1091 : vector<16xf32>
        %add3A_1093 = arith.constant 1 : i32
        %add3A_1094 = arith.addi %mul3A_535, %add3A_1093 : i32
        %get3A_1095 = arith.index_cast %add3A_1094 : i32 to index
        %get3A_1096 = arith.constant 64 : index
        %get3A_1097 = tpu.vector_load %arg13[%get3A_1095, %get3A_1096] {strides = array<i32>} : memref<160x128xf32, #tpu.memory_space<vmem>>, vector<16xf32>,
        %mul3A_1098 = arith.mulf %gather3A_542, %get3A_1097 : vector<16xf32>
        %max3A_1099 = arith.maximumf %mul3A_1092, %mul3A_1098 : vector<16xf32>
        %add3A_1100 = arith.constant 2 : i32
        %add3A_1101 = arith.addi %mul3A_535, %add3A_1100 : i32
        %get3A_1102 = arith.index_cast %add3A_1101 : i32 to index
        %get3A_1103 = arith.constant 64 : index
        %get3A_1104 = tpu.vector_load %arg13[%get3A_1102, %get3A_1103] {strides = array<i32>} : memref<160x128xf32, #tpu.memory_space<vmem>>, vector<16xf32>,
        %mul3A_1105 = arith.mulf %gather3A_546, %get3A_1104 : vector<16xf32>
        %max3A_1106 = arith.maximumf %max3A_1099, %mul3A_1105 : vector<16xf32>
        %add3A_1107 = arith.constant 3 : i32
        %add3A_1108 = arith.addi %mul3A_535, %add3A_1107 : i32
        %get3A_1109 = arith.index_cast %add3A_1108 : i32 to index
        %get3A_1110 = arith.constant 64 : index
        %get3A_1111 = tpu.vector_load %arg13[%get3A_1109, %get3A_1110] {strides = array<i32>} : memref<160x128xf32, #tpu.memory_space<vmem>>, vector<16xf32>,
        %mul3A_1112 = arith.mulf %gather3A_550, %get3A_1111 : vector<16xf32>
        %max3A_1113 = arith.maximumf %max3A_1106, %mul3A_1112 : vector<16xf32>
        %add3A_1114 = arith.constant 4 : i32
        %add3A_1115 = arith.addi %mul3A_535, %add3A_1114 : i32
        %get3A_1116 = arith.index_cast %add3A_1115 : i32 to index
        %get3A_1117 = arith.constant 64 : index
        %get3A_1118 = tpu.vector_load %arg13[%get3A_1116, %get3A_1117] {strides = array<i32>} : memref<160x128xf32, #tpu.memory_space<vmem>>, vector<16xf32>,
        %mul3A_1119 = arith.mulf %gather3A_554, %get3A_1118 : vector<16xf32>
        %max3A_1120 = arith.maximumf %max3A_1113, %mul3A_1119 : vector<16xf32>
        %add3A_1121 = arith.constant 5 : i32
        %add3A_1122 = arith.addi %mul3A_535, %add3A_1121 : i32
        %get3A_1123 = arith.index_cast %add3A_1122 : i32 to index
        %get3A_1124 = arith.constant 64 : index
        %get3A_1125 = tpu.vector_load %arg13[%get3A_1123, %get3A_1124] {strides = array<i32>} : memref<160x128xf32, #tpu.memory_space<vmem>>, vector<16xf32>,
        %mul3A_1126 = arith.mulf %gather3A_558, %get3A_1125 : vector<16xf32>
        %max3A_1127 = arith.maximumf %max3A_1120, %mul3A_1126 : vector<16xf32>
        %add3A_1128 = arith.constant 6 : i32
        %add3A_1129 = arith.addi %mul3A_535, %add3A_1128 : i32
        %get3A_1130 = arith.index_cast %add3A_1129 : i32 to index
        %get3A_1131 = arith.constant 64 : index
        %get3A_1132 = tpu.vector_load %arg13[%get3A_1130, %get3A_1131] {strides = array<i32>} : memref<160x128xf32, #tpu.memory_space<vmem>>, vector<16xf32>,
        %mul3A_1133 = arith.mulf %gather3A_562, %get3A_1132 : vector<16xf32>
        %max3A_1134 = arith.maximumf %max3A_1127, %mul3A_1133 : vector<16xf32>
        %add3A_1135 = arith.constant 7 : i32
        %add3A_1136 = arith.addi %mul3A_535, %add3A_1135 : i32
        %get3A_1137 = arith.index_cast %add3A_1136 : i32 to index
        %get3A_1138 = arith.constant 64 : index
        %get3A_1139 = tpu.vector_load %arg13[%get3A_1137, %get3A_1138] {strides = array<i32>} : memref<160x128xf32, #tpu.memory_space<vmem>>, vector<16xf32>,
        %mul3A_1140 = arith.mulf %gather3A_566, %get3A_1139 : vector<16xf32>
        %max3A_1141 = arith.maximumf %max3A_1134, %mul3A_1140 : vector<16xf32>
        %add3A_1142 = arith.constant 8 : i32
        %add3A_1143 = arith.addi %mul3A_535, %add3A_1142 : i32
        %get3A_1144 = arith.index_cast %add3A_1143 : i32 to index
        %get3A_1145 = arith.constant 64 : index
        %get3A_1146 = tpu.vector_load %arg13[%get3A_1144, %get3A_1145] {strides = array<i32>} : memref<160x128xf32, #tpu.memory_space<vmem>>, vector<16xf32>,
        %mul3A_1147 = arith.mulf %gather3A_570, %get3A_1146 : vector<16xf32>
        %max3A_1148 = arith.maximumf %max3A_1141, %mul3A_1147 : vector<16xf32>
        %add3A_1149 = arith.constant 9 : i32
        %add3A_1150 = arith.addi %mul3A_535, %add3A_1149 : i32
        %get3A_1151 = arith.index_cast %add3A_1150 : i32 to index
        %get3A_1152 = arith.constant 64 : index
        %get3A_1153 = tpu.vector_load %arg13[%get3A_1151, %get3A_1152] {strides = array<i32>} : memref<160x128xf32, #tpu.memory_space<vmem>>, vector<16xf32>,
        %mul3A_1154 = arith.mulf %gather3A_574, %get3A_1153 : vector<16xf32>
        %max3A_1155 = arith.maximumf %max3A_1148, %mul3A_1154 : vector<16xf32>
        %add3A_1156 = arith.constant 10 : i32
        %add3A_1157 = arith.addi %mul3A_535, %add3A_1156 : i32
        %get3A_1158 = arith.index_cast %add3A_1157 : i32 to index
        %get3A_1159 = arith.constant 64 : index
        %get3A_1160 = tpu.vector_load %arg13[%get3A_1158, %get3A_1159] {strides = array<i32>} : memref<160x128xf32, #tpu.memory_space<vmem>>, vector<16xf32>,
        %mul3A_1161 = arith.mulf %gather3A_578, %get3A_1160 : vector<16xf32>
        %max3A_1162 = arith.maximumf %max3A_1155, %mul3A_1161 : vector<16xf32>
        %add3A_1163 = arith.constant 11 : i32
        %add3A_1164 = arith.addi %mul3A_535, %add3A_1163 : i32
        %get3A_1165 = arith.index_cast %add3A_1164 : i32 to index
        %get3A_1166 = arith.constant 64 : index
        %get3A_1167 = tpu.vector_load %arg13[%get3A_1165, %get3A_1166] {strides = array<i32>} : memref<160x128xf32, #tpu.memory_space<vmem>>, vector<16xf32>,
        %mul3A_1168 = arith.mulf %gather3A_582, %get3A_1167 : vector<16xf32>
        %max3A_1169 = arith.maximumf %max3A_1162, %mul3A_1168 : vector<16xf32>
        %add3A_1170 = arith.constant 12 : i32
        %add3A_1171 = arith.addi %mul3A_535, %add3A_1170 : i32
        %get3A_1172 = arith.index_cast %add3A_1171 : i32 to index
        %get3A_1173 = arith.constant 64 : index
        %get3A_1174 = tpu.vector_load %arg13[%get3A_1172, %get3A_1173] {strides = array<i32>} : memref<160x128xf32, #tpu.memory_space<vmem>>, vector<16xf32>,
        %mul3A_1175 = arith.mulf %gather3A_586, %get3A_1174 : vector<16xf32>
        %max3A_1176 = arith.maximumf %max3A_1169, %mul3A_1175 : vector<16xf32>
        %add3A_1177 = arith.constant 13 : i32
        %add3A_1178 = arith.addi %mul3A_535, %add3A_1177 : i32
        %get3A_1179 = arith.index_cast %add3A_1178 : i32 to index
        %get3A_1180 = arith.constant 64 : index
        %get3A_1181 = tpu.vector_load %arg13[%get3A_1179, %get3A_1180] {strides = array<i32>} : memref<160x128xf32, #tpu.memory_space<vmem>>, vector<16xf32>,
        %mul3A_1182 = arith.mulf %gather3A_590, %get3A_1181 : vector<16xf32>
        %max3A_1183 = arith.maximumf %max3A_1176, %mul3A_1182 : vector<16xf32>
        %add3A_1184 = arith.constant 14 : i32
        %add3A_1185 = arith.addi %mul3A_535, %add3A_1184 : i32
        %get3A_1186 = arith.index_cast %add3A_1185 : i32 to index
        %get3A_1187 = arith.constant 64 : index
        %get3A_1188 = tpu.vector_load %arg13[%get3A_1186, %get3A_1187] {strides = array<i32>} : memref<160x128xf32, #tpu.memory_space<vmem>>, vector<16xf32>,
        %mul3A_1189 = arith.mulf %gather3A_594, %get3A_1188 : vector<16xf32>
        %max3A_1190 = arith.maximumf %max3A_1183, %mul3A_1189 : vector<16xf32>
        %add3A_1191 = arith.constant 15 : i32
        %add3A_1192 = arith.addi %mul3A_535, %add3A_1191 : i32
        %get3A_1193 = arith.index_cast %add3A_1192 : i32 to index
        %get3A_1194 = arith.constant 64 : index
        %get3A_1195 = tpu.vector_load %arg13[%get3A_1193, %get3A_1194] {strides = array<i32>} : memref<160x128xf32, #tpu.memory_space<vmem>>, vector<16xf32>,
        %mul3A_1196 = arith.mulf %gather3A_598, %get3A_1195 : vector<16xf32>
        %max3A_1197 = arith.maximumf %max3A_1190, %mul3A_1196 : vector<16xf32>
        %get3A_1198 = arith.index_cast %add3A_294 : i32 to index
        %get3A_1199 = arith.constant 64 : index
        %get3A_1200 = tpu.vector_load %arg20[%get3A_1198, %get3A_1199] {strides = array<i32>} : memref<32x128xf32, #tpu.memory_space<vmem>>, vector<16xf32>,
        %mul3A_1201 = arith.mulf %sub3A_602, %max3A_1197 : vector<16xf32>
        %add3A_1202 = arith.addf %get3A_1200, %mul3A_1201 : vector<16xf32>
        %get3A_1203 = arith.index_cast %add3A_533 : i32 to index
        %get3A_1204 = arith.constant 64 : index
        %get3A_1205 = tpu.vector_load %arg17[%get3A_1203, %get3A_1204] {strides = array<i32>} : memref<32x128xf32, #tpu.memory_space<vmem>>, vector<16xf32>,
        %mul3A_1206 = arith.mulf %gather3A_600, %get3A_1205 : vector<16xf32>
        %add3A_1207 = arith.addf %add3A_1202, %mul3A_1206 : vector<16xf32>
        %swap3A_1208 = arith.index_cast %add3A_294 : i32 to index
        %swap3A_1209 = arith.constant 64 : index
        %swap3A_1210 = tpu.vector_load %arg20[%swap3A_1208, %swap3A_1209] {strides = array<i32>} : memref<32x128xf32, #tpu.memory_space<vmem>>, vector<16xf32>,
        tpu.vector_store %arg20[%swap3A_1208, %swap3A_1209], %add3A_1207 {strides = array<i32>} : memref<32x128xf32, #tpu.memory_space<vmem>>, vector<16xf32>,
        %get3A_1211 = arith.index_cast %mul3A_535 : i32 to index
        %get3A_1212 = arith.constant 80 : index
        %get3A_1213 = tpu.vector_load %arg13[%get3A_1211, %get3A_1212] {strides = array<i32>} : memref<160x128xf32, #tpu.memory_space<vmem>>, vector<16xf32>,
        %mul3A_1214 = arith.mulf %gather3A, %get3A_1213 : vector<16xf32>
        %add3A_1215 = arith.constant 1 : i32
        %add3A_1216 = arith.addi %mul3A_535, %add3A_1215 : i32
        %get3A_1217 = arith.index_cast %add3A_1216 : i32 to index
        %get3A_1218 = arith.constant 80 : index
        %get3A_1219 = tpu.vector_load %arg13[%get3A_1217, %get3A_1218] {strides = array<i32>} : memref<160x128xf32, #tpu.memory_space<vmem>>, vector<16xf32>,
        %mul3A_1220 = arith.mulf %gather3A_542, %get3A_1219 : vector<16xf32>
        %max3A_1221 = arith.maximumf %mul3A_1214, %mul3A_1220 : vector<16xf32>
        %add3A_1222 = arith.constant 2 : i32
        %add3A_1223 = arith.addi %mul3A_535, %add3A_1222 : i32
        %get3A_1224 = arith.index_cast %add3A_1223 : i32 to index
        %get3A_1225 = arith.constant 80 : index
        %get3A_1226 = tpu.vector_load %arg13[%get3A_1224, %get3A_1225] {strides = array<i32>} : memref<160x128xf32, #tpu.memory_space<vmem>>, vector<16xf32>,
        %mul3A_1227 = arith.mulf %gather3A_546, %get3A_1226 : vector<16xf32>
        %max3A_1228 = arith.maximumf %max3A_1221, %mul3A_1227 : vector<16xf32>
        %add3A_1229 = arith.constant 3 : i32
        %add3A_1230 = arith.addi %mul3A_535, %add3A_1229 : i32
        %get3A_1231 = arith.index_cast %add3A_1230 : i32 to index
        %get3A_1232 = arith.constant 80 : index
        %get3A_1233 = tpu.vector_load %arg13[%get3A_1231, %get3A_1232] {strides = array<i32>} : memref<160x128xf32, #tpu.memory_space<vmem>>, vector<16xf32>,
        %mul3A_1234 = arith.mulf %gather3A_550, %get3A_1233 : vector<16xf32>
        %max3A_1235 = arith.maximumf %max3A_1228, %mul3A_1234 : vector<16xf32>
        %add3A_1236 = arith.constant 4 : i32
        %add3A_1237 = arith.addi %mul3A_535, %add3A_1236 : i32
        %get3A_1238 = arith.index_cast %add3A_1237 : i32 to index
        %get3A_1239 = arith.constant 80 : index
        %get3A_1240 = tpu.vector_load %arg13[%get3A_1238, %get3A_1239] {strides = array<i32>} : memref<160x128xf32, #tpu.memory_space<vmem>>, vector<16xf32>,
        %mul3A_1241 = arith.mulf %gather3A_554, %get3A_1240 : vector<16xf32>
        %max3A_1242 = arith.maximumf %max3A_1235, %mul3A_1241 : vector<16xf32>
        %add3A_1243 = arith.constant 5 : i32
        %add3A_1244 = arith.addi %mul3A_535, %add3A_1243 : i32
        %get3A_1245 = arith.index_cast %add3A_1244 : i32 to index
        %get3A_1246 = arith.constant 80 : index
        %get3A_1247 = tpu.vector_load %arg13[%get3A_1245, %get3A_1246] {strides = array<i32>} : memref<160x128xf32, #tpu.memory_space<vmem>>, vector<16xf32>,
        %mul3A_1248 = arith.mulf %gather3A_558, %get3A_1247 : vector<16xf32>
        %max3A_1249 = arith.maximumf %max3A_1242, %mul3A_1248 : vector<16xf32>
        %add3A_1250 = arith.constant 6 : i32
        %add3A_1251 = arith.addi %mul3A_535, %add3A_1250 : i32
        %get3A_1252 = arith.index_cast %add3A_1251 : i32 to index
        %get3A_1253 = arith.constant 80 : index
        %get3A_1254 = tpu.vector_load %arg13[%get3A_1252, %get3A_1253] {strides = array<i32>} : memref<160x128xf32, #tpu.memory_space<vmem>>, vector<16xf32>,
        %mul3A_1255 = arith.mulf %gather3A_562, %get3A_1254 : vector<16xf32>
        %max3A_1256 = arith.maximumf %max3A_1249, %mul3A_1255 : vector<16xf32>
        %add3A_1257 = arith.constant 7 : i32
        %add3A_1258 = arith.addi %mul3A_535, %add3A_1257 : i32
        %get3A_1259 = arith.index_cast %add3A_1258 : i32 to index
        %get3A_1260 = arith.constant 80 : index
        %get3A_1261 = tpu.vector_load %arg13[%get3A_1259, %get3A_1260] {strides = array<i32>} : memref<160x128xf32, #tpu.memory_space<vmem>>, vector<16xf32>,
        %mul3A_1262 = arith.mulf %gather3A_566, %get3A_1261 : vector<16xf32>
        %max3A_1263 = arith.maximumf %max3A_1256, %mul3A_1262 : vector<16xf32>
        %add3A_1264 = arith.constant 8 : i32
        %add3A_1265 = arith.addi %mul3A_535, %add3A_1264 : i32
        %get3A_1266 = arith.index_cast %add3A_1265 : i32 to index
        %get3A_1267 = arith.constant 80 : index
        %get3A_1268 = tpu.vector_load %arg13[%get3A_1266, %get3A_1267] {strides = array<i32>} : memref<160x128xf32, #tpu.memory_space<vmem>>, vector<16xf32>,
        %mul3A_1269 = arith.mulf %gather3A_570, %get3A_1268 : vector<16xf32>
        %max3A_1270 = arith.maximumf %max3A_1263, %mul3A_1269 : vector<16xf32>
        %add3A_1271 = arith.constant 9 : i32
        %add3A_1272 = arith.addi %mul3A_535, %add3A_1271 : i32
        %get3A_1273 = arith.index_cast %add3A_1272 : i32 to index
        %get3A_1274 = arith.constant 80 : index
        %get3A_1275 = tpu.vector_load %arg13[%get3A_1273, %get3A_1274] {strides = array<i32>} : memref<160x128xf32, #tpu.memory_space<vmem>>, vector<16xf32>,
        %mul3A_1276 = arith.mulf %gather3A_574, %get3A_1275 : vector<16xf32>
        %max3A_1277 = arith.maximumf %max3A_1270, %mul3A_1276 : vector<16xf32>
        %add3A_1278 = arith.constant 10 : i32
        %add3A_1279 = arith.addi %mul3A_535, %add3A_1278 : i32
        %get3A_1280 = arith.index_cast %add3A_1279 : i32 to index
        %get3A_1281 = arith.constant 80 : index
        %get3A_1282 = tpu.vector_load %arg13[%get3A_1280, %get3A_1281] {strides = array<i32>} : memref<160x128xf32, #tpu.memory_space<vmem>>, vector<16xf32>,
        %mul3A_1283 = arith.mulf %gather3A_578, %get3A_1282 : vector<16xf32>
        %max3A_1284 = arith.maximumf %max3A_1277, %mul3A_1283 : vector<16xf32>
        %add3A_1285 = arith.constant 11 : i32
        %add3A_1286 = arith.addi %mul3A_535, %add3A_1285 : i32
        %get3A_1287 = arith.index_cast %add3A_1286 : i32 to index
        %get3A_1288 = arith.constant 80 : index
        %get3A_1289 = tpu.vector_load %arg13[%get3A_1287, %get3A_1288] {strides = array<i32>} : memref<160x128xf32, #tpu.memory_space<vmem>>, vector<16xf32>,
        %mul3A_1290 = arith.mulf %gather3A_582, %get3A_1289 : vector<16xf32>
        %max3A_1291 = arith.maximumf %max3A_1284, %mul3A_1290 : vector<16xf32>
        %add3A_1292 = arith.constant 12 : i32
        %add3A_1293 = arith.addi %mul3A_535, %add3A_1292 : i32
        %get3A_1294 = arith.index_cast %add3A_1293 : i32 to index
        %get3A_1295 = arith.constant 80 : index
        %get3A_1296 = tpu.vector_load %arg13[%get3A_1294, %get3A_1295] {strides = array<i32>} : memref<160x128xf32, #tpu.memory_space<vmem>>, vector<16xf32>,
        %mul3A_1297 = arith.mulf %gather3A_586, %get3A_1296 : vector<16xf32>
        %max3A_1298 = arith.maximumf %max3A_1291, %mul3A_1297 : vector<16xf32>
        %add3A_1299 = arith.constant 13 : i32
        %add3A_1300 = arith.addi %mul3A_535, %add3A_1299 : i32
        %get3A_1301 = arith.index_cast %add3A_1300 : i32 to index
        %get3A_1302 = arith.constant 80 : index
        %get3A_1303 = tpu.vector_load %arg13[%get3A_1301, %get3A_1302] {strides = array<i32>} : memref<160x128xf32, #tpu.memory_space<vmem>>, vector<16xf32>,
        %mul3A_1304 = arith.mulf %gather3A_590, %get3A_1303 : vector<16xf32>
        %max3A_1305 = arith.maximumf %max3A_1298, %mul3A_1304 : vector<16xf32>
        %add3A_1306 = arith.constant 14 : i32
        %add3A_1307 = arith.addi %mul3A_535, %add3A_1306 : i32
        %get3A_1308 = arith.index_cast %add3A_1307 : i32 to index
        %get3A_1309 = arith.constant 80 : index
        %get3A_1310 = tpu.vector_load %arg13[%get3A_1308, %get3A_1309] {strides = array<i32>} : memref<160x128xf32, #tpu.memory_space<vmem>>, vector<16xf32>,
        %mul3A_1311 = arith.mulf %gather3A_594, %get3A_1310 : vector<16xf32>
        %max3A_1312 = arith.maximumf %max3A_1305, %mul3A_1311 : vector<16xf32>
        %add3A_1313 = arith.constant 15 : i32
        %add3A_1314 = arith.addi %mul3A_535, %add3A_1313 : i32
        %get3A_1315 = arith.index_cast %add3A_1314 : i32 to index
        %get3A_1316 = arith.constant 80 : index
        %get3A_1317 = tpu.vector_load %arg13[%get3A_1315, %get3A_1316] {strides = array<i32>} : memref<160x128xf32, #tpu.memory_space<vmem>>, vector<16xf32>,
        %mul3A_1318 = arith.mulf %gather3A_598, %get3A_1317 : vector<16xf32>
        %max3A_1319 = arith.maximumf %max3A_1312, %mul3A_1318 : vector<16xf32>
        %get3A_1320 = arith.index_cast %add3A_294 : i32 to index
        %get3A_1321 = arith.constant 80 : index
        %get3A_1322 = tpu.vector_load %arg20[%get3A_1320, %get3A_1321] {strides = array<i32>} : memref<32x128xf32, #tpu.memory_space<vmem>>, vector<16xf32>,
        %mul3A_1323 = arith.mulf %sub3A_602, %max3A_1319 : vector<16xf32>
        %add3A_1324 = arith.addf %get3A_1322, %mul3A_1323 : vector<16xf32>
        %get3A_1325 = arith.index_cast %add3A_533 : i32 to index
        %get3A_1326 = arith.constant 80 : index
        %get3A_1327 = tpu.vector_load %arg17[%get3A_1325, %get3A_1326] {strides = array<i32>} : memref<32x128xf32, #tpu.memory_space<vmem>>, vector<16xf32>,
        %mul3A_1328 = arith.mulf %gather3A_600, %get3A_1327 : vector<16xf32>
        %add3A_1329 = arith.addf %add3A_1324, %mul3A_1328 : vector<16xf32>
        %swap3A_1330 = arith.index_cast %add3A_294 : i32 to index
        %swap3A_1331 = arith.constant 80 : index
        %swap3A_1332 = tpu.vector_load %arg20[%swap3A_1330, %swap3A_1331] {strides = array<i32>} : memref<32x128xf32, #tpu.memory_space<vmem>>, vector<16xf32>,
        tpu.vector_store %arg20[%swap3A_1330, %swap3A_1331], %add3A_1329 {strides = array<i32>} : memref<32x128xf32, #tpu.memory_space<vmem>>, vector<16xf32>,
        %get3A_1333 = arith.index_cast %mul3A_535 : i32 to index
        %get3A_1334 = arith.constant 96 : index
        %get3A_1335 = tpu.vector_load %arg13[%get3A_1333, %get3A_1334] {strides = array<i32>} : memref<160x128xf32, #tpu.memory_space<vmem>>, vector<16xf32>,
        %mul3A_1336 = arith.mulf %gather3A, %get3A_1335 : vector<16xf32>
        %add3A_1337 = arith.constant 1 : i32
        %add3A_1338 = arith.addi %mul3A_535, %add3A_1337 : i32
        %get3A_1339 = arith.index_cast %add3A_1338 : i32 to index
        %get3A_1340 = arith.constant 96 : index
        %get3A_1341 = tpu.vector_load %arg13[%get3A_1339, %get3A_1340] {strides = array<i32>} : memref<160x128xf32, #tpu.memory_space<vmem>>, vector<16xf32>,
        %mul3A_1342 = arith.mulf %gather3A_542, %get3A_1341 : vector<16xf32>
        %max3A_1343 = arith.maximumf %mul3A_1336, %mul3A_1342 : vector<16xf32>
        %add3A_1344 = arith.constant 2 : i32
        %add3A_1345 = arith.addi %mul3A_535, %add3A_1344 : i32
        %get3A_1346 = arith.index_cast %add3A_1345 : i32 to index
        %get3A_1347 = arith.constant 96 : index
        %get3A_1348 = tpu.vector_load %arg13[%get3A_1346, %get3A_1347] {strides = array<i32>} : memref<160x128xf32, #tpu.memory_space<vmem>>, vector<16xf32>,
        %mul3A_1349 = arith.mulf %gather3A_546, %get3A_1348 : vector<16xf32>
        %max3A_1350 = arith.maximumf %max3A_1343, %mul3A_1349 : vector<16xf32>
        %add3A_1351 = arith.constant 3 : i32
        %add3A_1352 = arith.addi %mul3A_535, %add3A_1351 : i32
        %get3A_1353 = arith.index_cast %add3A_1352 : i32 to index
        %get3A_1354 = arith.constant 96 : index
        %get3A_1355 = tpu.vector_load %arg13[%get3A_1353, %get3A_1354] {strides = array<i32>} : memref<160x128xf32, #tpu.memory_space<vmem>>, vector<16xf32>,
        %mul3A_1356 = arith.mulf %gather3A_550, %get3A_1355 : vector<16xf32>
        %max3A_1357 = arith.maximumf %max3A_1350, %mul3A_1356 : vector<16xf32>
        %add3A_1358 = arith.constant 4 : i32
        %add3A_1359 = arith.addi %mul3A_535, %add3A_1358 : i32
        %get3A_1360 = arith.index_cast %add3A_1359 : i32 to index
        %get3A_1361 = arith.constant 96 : index
        %get3A_1362 = tpu.vector_load %arg13[%get3A_1360, %get3A_1361] {strides = array<i32>} : memref<160x128xf32, #tpu.memory_space<vmem>>, vector<16xf32>,
        %mul3A_1363 = arith.mulf %gather3A_554, %get3A_1362 : vector<16xf32>
        %max3A_1364 = arith.maximumf %max3A_1357, %mul3A_1363 : vector<16xf32>
        %add3A_1365 = arith.constant 5 : i32
        %add3A_1366 = arith.addi %mul3A_535, %add3A_1365 : i32
        %get3A_1367 = arith.index_cast %add3A_1366 : i32 to index
        %get3A_1368 = arith.constant 96 : index
        %get3A_1369 = tpu.vector_load %arg13[%get3A_1367, %get3A_1368] {strides = array<i32>} : memref<160x128xf32, #tpu.memory_space<vmem>>, vector<16xf32>,
        %mul3A_1370 = arith.mulf %gather3A_558, %get3A_1369 : vector<16xf32>
        %max3A_1371 = arith.maximumf %max3A_1364, %mul3A_1370 : vector<16xf32>
        %add3A_1372 = arith.constant 6 : i32
        %add3A_1373 = arith.addi %mul3A_535, %add3A_1372 : i32
        %get3A_1374 = arith.index_cast %add3A_1373 : i32 to index
        %get3A_1375 = arith.constant 96 : index
        %get3A_1376 = tpu.vector_load %arg13[%get3A_1374, %get3A_1375] {strides = array<i32>} : memref<160x128xf32, #tpu.memory_space<vmem>>, vector<16xf32>,
        %mul3A_1377 = arith.mulf %gather3A_562, %get3A_1376 : vector<16xf32>
        %max3A_1378 = arith.maximumf %max3A_1371, %mul3A_1377 : vector<16xf32>
        %add3A_1379 = arith.constant 7 : i32
        %add3A_1380 = arith.addi %mul3A_535, %add3A_1379 : i32
        %get3A_1381 = arith.index_cast %add3A_1380 : i32 to index
        %get3A_1382 = arith.constant 96 : index
        %get3A_1383 = tpu.vector_load %arg13[%get3A_1381, %get3A_1382] {strides = array<i32>} : memref<160x128xf32, #tpu.memory_space<vmem>>, vector<16xf32>,
        %mul3A_1384 = arith.mulf %gather3A_566, %get3A_1383 : vector<16xf32>
        %max3A_1385 = arith.maximumf %max3A_1378, %mul3A_1384 : vector<16xf32>
        %add3A_1386 = arith.constant 8 : i32
        %add3A_1387 = arith.addi %mul3A_535, %add3A_1386 : i32
        %get3A_1388 = arith.index_cast %add3A_1387 : i32 to index
        %get3A_1389 = arith.constant 96 : index
        %get3A_1390 = tpu.vector_load %arg13[%get3A_1388, %get3A_1389] {strides = array<i32>} : memref<160x128xf32, #tpu.memory_space<vmem>>, vector<16xf32>,
        %mul3A_1391 = arith.mulf %gather3A_570, %get3A_1390 : vector<16xf32>
        %max3A_1392 = arith.maximumf %max3A_1385, %mul3A_1391 : vector<16xf32>
        %add3A_1393 = arith.constant 9 : i32
        %add3A_1394 = arith.addi %mul3A_535, %add3A_1393 : i32
        %get3A_1395 = arith.index_cast %add3A_1394 : i32 to index
        %get3A_1396 = arith.constant 96 : index
        %get3A_1397 = tpu.vector_load %arg13[%get3A_1395, %get3A_1396] {strides = array<i32>} : memref<160x128xf32, #tpu.memory_space<vmem>>, vector<16xf32>,
        %mul3A_1398 = arith.mulf %gather3A_574, %get3A_1397 : vector<16xf32>
        %max3A_1399 = arith.maximumf %max3A_1392, %mul3A_1398 : vector<16xf32>
        %add3A_1400 = arith.constant 10 : i32
        %add3A_1401 = arith.addi %mul3A_535, %add3A_1400 : i32
        %get3A_1402 = arith.index_cast %add3A_1401 : i32 to index
        %get3A_1403 = arith.constant 96 : index
        %get3A_1404 = tpu.vector_load %arg13[%get3A_1402, %get3A_1403] {strides = array<i32>} : memref<160x128xf32, #tpu.memory_space<vmem>>, vector<16xf32>,
        %mul3A_1405 = arith.mulf %gather3A_578, %get3A_1404 : vector<16xf32>
        %max3A_1406 = arith.maximumf %max3A_1399, %mul3A_1405 : vector<16xf32>
        %add3A_1407 = arith.constant 11 : i32
        %add3A_1408 = arith.addi %mul3A_535, %add3A_1407 : i32
        %get3A_1409 = arith.index_cast %add3A_1408 : i32 to index
        %get3A_1410 = arith.constant 96 : index
        %get3A_1411 = tpu.vector_load %arg13[%get3A_1409, %get3A_1410] {strides = array<i32>} : memref<160x128xf32, #tpu.memory_space<vmem>>, vector<16xf32>,
        %mul3A_1412 = arith.mulf %gather3A_582, %get3A_1411 : vector<16xf32>
        %max3A_1413 = arith.maximumf %max3A_1406, %mul3A_1412 : vector<16xf32>
        %add3A_1414 = arith.constant 12 : i32
        %add3A_1415 = arith.addi %mul3A_535, %add3A_1414 : i32
        %get3A_1416 = arith.index_cast %add3A_1415 : i32 to index
        %get3A_1417 = arith.constant 96 : index
        %get3A_1418 = tpu.vector_load %arg13[%get3A_1416, %get3A_1417] {strides = array<i32>} : memref<160x128xf32, #tpu.memory_space<vmem>>, vector<16xf32>,
        %mul3A_1419 = arith.mulf %gather3A_586, %get3A_1418 : vector<16xf32>
        %max3A_1420 = arith.maximumf %max3A_1413, %mul3A_1419 : vector<16xf32>
        %add3A_1421 = arith.constant 13 : i32
        %add3A_1422 = arith.addi %mul3A_535, %add3A_1421 : i32
        %get3A_1423 = arith.index_cast %add3A_1422 : i32 to index
        %get3A_1424 = arith.constant 96 : index
        %get3A_1425 = tpu.vector_load %arg13[%get3A_1423, %get3A_1424] {strides = array<i32>} : memref<160x128xf32, #tpu.memory_space<vmem>>, vector<16xf32>,
        %mul3A_1426 = arith.mulf %gather3A_590, %get3A_1425 : vector<16xf32>
        %max3A_1427 = arith.maximumf %max3A_1420, %mul3A_1426 : vector<16xf32>
        %add3A_1428 = arith.constant 14 : i32
        %add3A_1429 = arith.addi %mul3A_535, %add3A_1428 : i32
        %get3A_1430 = arith.index_cast %add3A_1429 : i32 to index
        %get3A_1431 = arith.constant 96 : index
        %get3A_1432 = tpu.vector_load %arg13[%get3A_1430, %get3A_1431] {strides = array<i32>} : memref<160x128xf32, #tpu.memory_space<vmem>>, vector<16xf32>,
        %mul3A_1433 = arith.mulf %gather3A_594, %get3A_1432 : vector<16xf32>
        %max3A_1434 = arith.maximumf %max3A_1427, %mul3A_1433 : vector<16xf32>
        %add3A_1435 = arith.constant 15 : i32
        %add3A_1436 = arith.addi %mul3A_535, %add3A_1435 : i32
        %get3A_1437 = arith.index_cast %add3A_1436 : i32 to index
        %get3A_1438 = arith.constant 96 : index
        %get3A_1439 = tpu.vector_load %arg13[%get3A_1437, %get3A_1438] {strides = array<i32>} : memref<160x128xf32, #tpu.memory_space<vmem>>, vector<16xf32>,
        %mul3A_1440 = arith.mulf %gather3A_598, %get3A_1439 : vector<16xf32>
        %max3A_1441 = arith.maximumf %max3A_1434, %mul3A_1440 : vector<16xf32>
        %get3A_1442 = arith.index_cast %add3A_294 : i32 to index
        %get3A_1443 = arith.constant 96 : index
        %get3A_1444 = tpu.vector_load %arg20[%get3A_1442, %get3A_1443] {strides = array<i32>} : memref<32x128xf32, #tpu.memory_space<vmem>>, vector<16xf32>,
        %mul3A_1445 = arith.mulf %sub3A_602, %max3A_1441 : vector<16xf32>
        %add3A_1446 = arith.addf %get3A_1444, %mul3A_1445 : vector<16xf32>
        %get3A_1447 = arith.index_cast %add3A_533 : i32 to index
        %get3A_1448 = arith.constant 96 : index
        %get3A_1449 = tpu.vector_load %arg17[%get3A_1447, %get3A_1448] {strides = array<i32>} : memref<32x128xf32, #tpu.memory_space<vmem>>, vector<16xf32>,
        %mul3A_1450 = arith.mulf %gather3A_600, %get3A_1449 : vector<16xf32>
        %add3A_1451 = arith.addf %add3A_1446, %mul3A_1450 : vector<16xf32>
        %swap3A_1452 = arith.index_cast %add3A_294 : i32 to index
        %swap3A_1453 = arith.constant 96 : index
        %swap3A_1454 = tpu.vector_load %arg20[%swap3A_1452, %swap3A_1453] {strides = array<i32>} : memref<32x128xf32, #tpu.memory_space<vmem>>, vector<16xf32>,
        tpu.vector_store %arg20[%swap3A_1452, %swap3A_1453], %add3A_1451 {strides = array<i32>} : memref<32x128xf32, #tpu.memory_space<vmem>>, vector<16xf32>,
        %get3A_1455 = arith.index_cast %mul3A_535 : i32 to index
        %get3A_1456 = arith.constant 112 : index
        %get3A_1457 = tpu.vector_load %arg13[%get3A_1455, %get3A_1456] {strides = array<i32>} : memref<160x128xf32, #tpu.memory_space<vmem>>, vector<16xf32>,
        %mul3A_1458 = arith.mulf %gather3A, %get3A_1457 : vector<16xf32>
        %add3A_1459 = arith.constant 1 : i32
        %add3A_1460 = arith.addi %mul3A_535, %add3A_1459 : i32
        %get3A_1461 = arith.index_cast %add3A_1460 : i32 to index
        %get3A_1462 = arith.constant 112 : index
        %get3A_1463 = tpu.vector_load %arg13[%get3A_1461, %get3A_1462] {strides = array<i32>} : memref<160x128xf32, #tpu.memory_space<vmem>>, vector<16xf32>,
        %mul3A_1464 = arith.mulf %gather3A_542, %get3A_1463 : vector<16xf32>
        %max3A_1465 = arith.maximumf %mul3A_1458, %mul3A_1464 : vector<16xf32>
        %add3A_1466 = arith.constant 2 : i32
        %add3A_1467 = arith.addi %mul3A_535, %add3A_1466 : i32
        %get3A_1468 = arith.index_cast %add3A_1467 : i32 to index
        %get3A_1469 = arith.constant 112 : index
        %get3A_1470 = tpu.vector_load %arg13[%get3A_1468, %get3A_1469] {strides = array<i32>} : memref<160x128xf32, #tpu.memory_space<vmem>>, vector<16xf32>,
        %mul3A_1471 = arith.mulf %gather3A_546, %get3A_1470 : vector<16xf32>
        %max3A_1472 = arith.maximumf %max3A_1465, %mul3A_1471 : vector<16xf32>
        %add3A_1473 = arith.constant 3 : i32
        %add3A_1474 = arith.addi %mul3A_535, %add3A_1473 : i32
        %get3A_1475 = arith.index_cast %add3A_1474 : i32 to index
        %get3A_1476 = arith.constant 112 : index
        %get3A_1477 = tpu.vector_load %arg13[%get3A_1475, %get3A_1476] {strides = array<i32>} : memref<160x128xf32, #tpu.memory_space<vmem>>, vector<16xf32>,
        %mul3A_1478 = arith.mulf %gather3A_550, %get3A_1477 : vector<16xf32>
        %max3A_1479 = arith.maximumf %max3A_1472, %mul3A_1478 : vector<16xf32>
        %add3A_1480 = arith.constant 4 : i32
        %add3A_1481 = arith.addi %mul3A_535, %add3A_1480 : i32
        %get3A_1482 = arith.index_cast %add3A_1481 : i32 to index
        %get3A_1483 = arith.constant 112 : index
        %get3A_1484 = tpu.vector_load %arg13[%get3A_1482, %get3A_1483] {strides = array<i32>} : memref<160x128xf32, #tpu.memory_space<vmem>>, vector<16xf32>,
        %mul3A_1485 = arith.mulf %gather3A_554, %get3A_1484 : vector<16xf32>
        %max3A_1486 = arith.maximumf %max3A_1479, %mul3A_1485 : vector<16xf32>
        %add3A_1487 = arith.constant 5 : i32
        %add3A_1488 = arith.addi %mul3A_535, %add3A_1487 : i32
        %get3A_1489 = arith.index_cast %add3A_1488 : i32 to index
        %get3A_1490 = arith.constant 112 : index
        %get3A_1491 = tpu.vector_load %arg13[%get3A_1489, %get3A_1490] {strides = array<i32>} : memref<160x128xf32, #tpu.memory_space<vmem>>, vector<16xf32>,
        %mul3A_1492 = arith.mulf %gather3A_558, %get3A_1491 : vector<16xf32>
        %max3A_1493 = arith.maximumf %max3A_1486, %mul3A_1492 : vector<16xf32>
        %add3A_1494 = arith.constant 6 : i32
        %add3A_1495 = arith.addi %mul3A_535, %add3A_1494 : i32
        %get3A_1496 = arith.index_cast %add3A_1495 : i32 to index
        %get3A_1497 = arith.constant 112 : index
        %get3A_1498 = tpu.vector_load %arg13[%get3A_1496, %get3A_1497] {strides = array<i32>} : memref<160x128xf32, #tpu.memory_space<vmem>>, vector<16xf32>,
        %mul3A_1499 = arith.mulf %gather3A_562, %get3A_1498 : vector<16xf32>
        %max3A_1500 = arith.maximumf %max3A_1493, %mul3A_1499 : vector<16xf32>
        %add3A_1501 = arith.constant 7 : i32
        %add3A_1502 = arith.addi %mul3A_535, %add3A_1501 : i32
        %get3A_1503 = arith.index_cast %add3A_1502 : i32 to index
        %get3A_1504 = arith.constant 112 : index
        %get3A_1505 = tpu.vector_load %arg13[%get3A_1503, %get3A_1504] {strides = array<i32>} : memref<160x128xf32, #tpu.memory_space<vmem>>, vector<16xf32>,
        %mul3A_1506 = arith.mulf %gather3A_566, %get3A_1505 : vector<16xf32>
        %max3A_1507 = arith.maximumf %max3A_1500, %mul3A_1506 : vector<16xf32>
        %add3A_1508 = arith.constant 8 : i32
        %add3A_1509 = arith.addi %mul3A_535, %add3A_1508 : i32
        %get3A_1510 = arith.index_cast %add3A_1509 : i32 to index
        %get3A_1511 = arith.constant 112 : index
        %get3A_1512 = tpu.vector_load %arg13[%get3A_1510, %get3A_1511] {strides = array<i32>} : memref<160x128xf32, #tpu.memory_space<vmem>>, vector<16xf32>,
        %mul3A_1513 = arith.mulf %gather3A_570, %get3A_1512 : vector<16xf32>
        %max3A_1514 = arith.maximumf %max3A_1507, %mul3A_1513 : vector<16xf32>
        %add3A_1515 = arith.constant 9 : i32
        %add3A_1516 = arith.addi %mul3A_535, %add3A_1515 : i32
        %get3A_1517 = arith.index_cast %add3A_1516 : i32 to index
        %get3A_1518 = arith.constant 112 : index
        %get3A_1519 = tpu.vector_load %arg13[%get3A_1517, %get3A_1518] {strides = array<i32>} : memref<160x128xf32, #tpu.memory_space<vmem>>, vector<16xf32>,
        %mul3A_1520 = arith.mulf %gather3A_574, %get3A_1519 : vector<16xf32>
        %max3A_1521 = arith.maximumf %max3A_1514, %mul3A_1520 : vector<16xf32>
        %add3A_1522 = arith.constant 10 : i32
        %add3A_1523 = arith.addi %mul3A_535, %add3A_1522 : i32
        %get3A_1524 = arith.index_cast %add3A_1523 : i32 to index
        %get3A_1525 = arith.constant 112 : index
        %get3A_1526 = tpu.vector_load %arg13[%get3A_1524, %get3A_1525] {strides = array<i32>} : memref<160x128xf32, #tpu.memory_space<vmem>>, vector<16xf32>,
        %mul3A_1527 = arith.mulf %gather3A_578, %get3A_1526 : vector<16xf32>
        %max3A_1528 = arith.maximumf %max3A_1521, %mul3A_1527 : vector<16xf32>
        %add3A_1529 = arith.constant 11 : i32
        %add3A_1530 = arith.addi %mul3A_535, %add3A_1529 : i32
        %get3A_1531 = arith.index_cast %add3A_1530 : i32 to index
        %get3A_1532 = arith.constant 112 : index
        %get3A_1533 = tpu.vector_load %arg13[%get3A_1531, %get3A_1532] {strides = array<i32>} : memref<160x128xf32, #tpu.memory_space<vmem>>, vector<16xf32>,
        %mul3A_1534 = arith.mulf %gather3A_582, %get3A_1533 : vector<16xf32>
        %max3A_1535 = arith.maximumf %max3A_1528, %mul3A_1534 : vector<16xf32>
        %add3A_1536 = arith.constant 12 : i32
        %add3A_1537 = arith.addi %mul3A_535, %add3A_1536 : i32
        %get3A_1538 = arith.index_cast %add3A_1537 : i32 to index
        %get3A_1539 = arith.constant 112 : index
        %get3A_1540 = tpu.vector_load %arg13[%get3A_1538, %get3A_1539] {strides = array<i32>} : memref<160x128xf32, #tpu.memory_space<vmem>>, vector<16xf32>,
        %mul3A_1541 = arith.mulf %gather3A_586, %get3A_1540 : vector<16xf32>
        %max3A_1542 = arith.maximumf %max3A_1535, %mul3A_1541 : vector<16xf32>
        %add3A_1543 = arith.constant 13 : i32
        %add3A_1544 = arith.addi %mul3A_535, %add3A_1543 : i32
        %get3A_1545 = arith.index_cast %add3A_1544 : i32 to index
        %get3A_1546 = arith.constant 112 : index
        %get3A_1547 = tpu.vector_load %arg13[%get3A_1545, %get3A_1546] {strides = array<i32>} : memref<160x128xf32, #tpu.memory_space<vmem>>, vector<16xf32>,
        %mul3A_1548 = arith.mulf %gather3A_590, %get3A_1547 : vector<16xf32>
        %max3A_1549 = arith.maximumf %max3A_1542, %mul3A_1548 : vector<16xf32>
        %add3A_1550 = arith.constant 14 : i32
        %add3A_1551 = arith.addi %mul3A_535, %add3A_1550 : i32
        %get3A_1552 = arith.index_cast %add3A_1551 : i32 to index
        %get3A_1553 = arith.constant 112 : index
        %get3A_1554 = tpu.vector_load %arg13[%get3A_1552, %get3A_1553] {strides = array<i32>} : memref<160x128xf32, #tpu.memory_space<vmem>>, vector<16xf32>,
        %mul3A_1555 = arith.mulf %gather3A_594, %get3A_1554 : vector<16xf32>
        %max3A_1556 = arith.maximumf %max3A_1549, %mul3A_1555 : vector<16xf32>
        %add3A_1557 = arith.constant 15 : i32
        %add3A_1558 = arith.addi %mul3A_535, %add3A_1557 : i32
        %get3A_1559 = arith.index_cast %add3A_1558 : i32 to index
        %get3A_1560 = arith.constant 112 : index
        %get3A_1561 = tpu.vector_load %arg13[%get3A_1559, %get3A_1560] {strides = array<i32>} : memref<160x128xf32, #tpu.memory_space<vmem>>, vector<16xf32>,
        %mul3A_1562 = arith.mulf %gather3A_598, %get3A_1561 : vector<16xf32>
        %max3A_1563 = arith.maximumf %max3A_1556, %mul3A_1562 : vector<16xf32>
        %get3A_1564 = arith.index_cast %add3A_294 : i32 to index
        %get3A_1565 = arith.constant 112 : index
        %get3A_1566 = tpu.vector_load %arg20[%get3A_1564, %get3A_1565] {strides = array<i32>} : memref<32x128xf32, #tpu.memory_space<vmem>>, vector<16xf32>,
        %mul3A_1567 = arith.mulf %sub3A_602, %max3A_1563 : vector<16xf32>
        %add3A_1568 = arith.addf %get3A_1566, %mul3A_1567 : vector<16xf32>
        %get3A_1569 = arith.index_cast %add3A_533 : i32 to index
        %get3A_1570 = arith.constant 112 : index
        %get3A_1571 = tpu.vector_load %arg17[%get3A_1569, %get3A_1570] {strides = array<i32>} : memref<32x128xf32, #tpu.memory_space<vmem>>, vector<16xf32>,
        %mul3A_1572 = arith.mulf %gather3A_600, %get3A_1571 : vector<16xf32>
        %add3A_1573 = arith.addf %add3A_1568, %mul3A_1572 : vector<16xf32>
        %swap3A_1574 = arith.index_cast %add3A_294 : i32 to index
        %swap3A_1575 = arith.constant 112 : index
        %swap3A_1576 = tpu.vector_load %arg20[%swap3A_1574, %swap3A_1575] {strides = array<i32>} : memref<32x128xf32, #tpu.memory_space<vmem>>, vector<16xf32>,
        tpu.vector_store %arg20[%swap3A_1574, %swap3A_1575], %add3A_1573 {strides = array<i32>} : memref<32x128xf32, #tpu.memory_space<vmem>>, vector<16xf32>,
      }
      %scan3A_530 = arith.constant 10 : i32
    }
    %scan3A_54 = arith.constant 16 : i32
    "tpu.region"() ({
      %run_scoped3A = tpu.sem_alloc : memref<!tpu.dma_semaphore, #tpu.memory_space<semaphore_mem>>
      %dma_start3A_55 = arith.constant 0 : i32
      %dma_start3A_56 = tpu.memref_slice %arg8[%mul3A_2, %dma_start3A_55] : memref<1024x128xf32, #tpu.memory_space<hbm>> -> memref<32x128xf32, #tpu.memory_space<hbm>>
      %dma_start3A_57 = arith.constant 0 : i32
      %dma_start3A_58 = tpu.memref_slice %arg8[%mul3A_2, %dma_start3A_57] : memref<1024x128xf32, #tpu.memory_space<hbm>> -> memref<32x128xf32, #tpu.memory_space<hbm>>
      tpu.enqueue_dma source(%arg20 : memref<32x128xf32, #tpu.memory_space<vmem>>) target(%dma_start3A_58 : memref<32x128xf32, #tpu.memory_space<hbm>>) target_semaphore(%run_scoped3A : memref<!tpu.dma_semaphore, #tpu.memory_space<semaphore_mem>>)
      %dma_wait3A = arith.constant 0 : i32
      %dma_wait3A_59 = tpu.memref_slice %arg8[%mul3A_2, %dma_wait3A] : memref<1024x128xf32, #tpu.memory_space<hbm>> -> memref<32x128xf32, #tpu.memory_space<hbm>>
      %dma_wait3A_60 = arith.constant 0 : i32
      %dma_wait3A_61 = tpu.memref_slice %arg8[%mul3A_2, %dma_wait3A_60] : memref<1024x128xf32, #tpu.memory_space<hbm>> -> memref<32x128xf32, #tpu.memory_space<hbm>>
      tpu.wait_dma2 semaphore(%run_scoped3A : memref<!tpu.dma_semaphore, #tpu.memory_space<semaphore_mem>>) src(%arg20 : memref<32x128xf32, #tpu.memory_space<vmem>>) dst(%dma_wait3A_61 : memref<32x128xf32, #tpu.memory_space<hbm>>)
      tpu.yield
    }) : () -> ()
    return
  }
}

module attributes {stable_mosaic.version = 14 : i64} {
  func.func @_ln_body(%arg0: memref<5000x128xf32, #tpu.memory_space<vmem>>, %arg1: memref<1x128xf32, #tpu.memory_space<vmem>>, %arg2: memref<1x128xf32, #tpu.memory_space<vmem>>, %arg3: memref<5000x128xf32, #tpu.memory_space<vmem>>) attributes {dimension_semantics = [], scalar_prefetch = 0 : i64, scratch_operands = 0 : i64, tpu.core_type = #tpu.core_type<tc>} {
    %get3A = arith.constant 0 : index
    %get3A_0 = arith.constant 0 : index
    %get3A_1 = vector.load %arg0[%get3A, %get3A_0] : memref<5000x128xf32, #tpu.memory_space<vmem>>, vector<5000x128xf32>
    %reduce_sum3A = arith.constant dense<0.000000e+00> : vector<5000xf32>
    %reduce_sum3A_2 = vector.multi_reduction <add>, %get3A_1, %reduce_sum3A [1] : vector<5000x128xf32> to vector<5000xf32>
    %broadcast_in_dim3A = vector.shape_cast %reduce_sum3A_2 : vector<5000xf32> to vector<5000x1xf32>
    %div3A = arith.constant 1.280000e+02 : f32
    %div3A_3 = vector.broadcast %div3A : f32 to vector<5000x1xf32>
    %div3A_4 = arith.divf %broadcast_in_dim3A, %div3A_3 : vector<5000x1xf32>
    %sub3A = vector.broadcast %div3A_4 : vector<5000x1xf32> to vector<5000x128xf32>
    %sub3A_5 = arith.subf %get3A_1, %sub3A : vector<5000x128xf32>
    %integer_pow3A = arith.mulf %sub3A_5, %sub3A_5 : vector<5000x128xf32>
    %reduce_sum3A_6 = arith.constant dense<0.000000e+00> : vector<5000xf32>
    %reduce_sum3A_7 = vector.multi_reduction <add>, %integer_pow3A, %reduce_sum3A_6 [1] : vector<5000x128xf32> to vector<5000xf32>
    %broadcast_in_dim3A_8 = vector.shape_cast %reduce_sum3A_7 : vector<5000xf32> to vector<5000x1xf32>
    %div3A_9 = arith.constant 1.280000e+02 : f32
    %div3A_10 = vector.broadcast %div3A_9 : f32 to vector<5000x1xf32>
    %div3A_11 = arith.divf %broadcast_in_dim3A_8, %div3A_10 : vector<5000x1xf32>
    %sub3A_12 = vector.broadcast %div3A_4 : vector<5000x1xf32> to vector<5000x128xf32>
    %sub3A_13 = arith.subf %get3A_1, %sub3A_12 : vector<5000x128xf32>
    %add3A = arith.constant 9.99999974E-6 : f32
    %add3A_14 = vector.broadcast %add3A : f32 to vector<5000x1xf32>
    %add3A_15 = arith.addf %div3A_11, %add3A_14 : vector<5000x1xf32>
    %rsqrt3A = math.rsqrt %add3A_15 : vector<5000x1xf32>
    %mul3A = vector.broadcast %rsqrt3A : vector<5000x1xf32> to vector<5000x128xf32>
    %mul3A_16 = arith.mulf %sub3A_13, %mul3A : vector<5000x128xf32>
    %get3A_17 = arith.constant 0 : index
    %get3A_18 = arith.constant 0 : index
    %get3A_19 = vector.load %arg1[%get3A_17, %get3A_18] : memref<1x128xf32, #tpu.memory_space<vmem>>, vector<1x128xf32>
    %mul3A_20 = vector.broadcast %get3A_19 : vector<1x128xf32> to vector<5000x128xf32>
    %mul3A_21 = arith.mulf %mul3A_16, %mul3A_20 : vector<5000x128xf32>
    %get3A_22 = arith.constant 0 : index
    %get3A_23 = arith.constant 0 : index
    %get3A_24 = vector.load %arg2[%get3A_22, %get3A_23] : memref<1x128xf32, #tpu.memory_space<vmem>>, vector<1x128xf32>
    %add3A_25 = vector.broadcast %get3A_24 : vector<1x128xf32> to vector<5000x128xf32>
    %add3A_26 = arith.addf %mul3A_21, %add3A_25 : vector<5000x128xf32>
    %swap3A = arith.constant 0 : index
    %swap3A_27 = arith.constant 0 : index
    %swap3A_28 = vector.load %arg3[%swap3A, %swap3A_27] : memref<5000x128xf32, #tpu.memory_space<vmem>>, vector<5000x128xf32>
    tpu.vector_store %arg3[%swap3A, %swap3A_27], %add3A_26 {strides = array<i32>} : memref<5000x128xf32, #tpu.memory_space<vmem>>, vector<5000x128xf32>,
    return
  }
}

module attributes {stable_mosaic.version = 14 : i64} {
  func.func @_fc_body(%arg0: memref<1024x128xf32, #tpu.memory_space<vmem>>, %arg1: memref<128x50xf32, #tpu.memory_space<vmem>>, %arg2: memref<1x50xf32, #tpu.memory_space<vmem>>, %arg3: memref<1024x50xf32, #tpu.memory_space<vmem>>) attributes {dimension_semantics = [], scalar_prefetch = 0 : i64, scratch_operands = 0 : i64, tpu.core_type = #tpu.core_type<tc>} {
    %get3A = arith.constant 0 : index
    %get3A_0 = arith.constant 0 : index
    %get3A_1 = vector.load %arg0[%get3A, %get3A_0] : memref<1024x128xf32, #tpu.memory_space<vmem>>, vector<1024x128xf32>
    %get3A_2 = arith.constant 0 : index
    %get3A_3 = arith.constant 0 : index
    %get3A_4 = vector.load %arg1[%get3A_2, %get3A_3] : memref<128x50xf32, #tpu.memory_space<vmem>>, vector<128x50xf32>
    %dot_general3A = arith.constant dense<0.000000e+00> : vector<1024x50xf32>
    %dot_general3A_5 = tpu.matmul %get3A_1, %get3A_4, %dot_general3A {dimension_numbers = #tpu.dot_dimension_numbers<[1], [0], [0], [1], [0, 0, 1, 1], [], []>, transpose_lhs_hint = false} : vector<1024x128xf32>, vector<128x50xf32>, vector<1024x50xf32> -> vector<1024x50xf32>
    %get3A_6 = arith.constant 0 : index
    %get3A_7 = arith.constant 0 : index
    %get3A_8 = vector.load %arg2[%get3A_6, %get3A_7] : memref<1x50xf32, #tpu.memory_space<vmem>>, vector<1x50xf32>
    %add3A = vector.broadcast %get3A_8 : vector<1x50xf32> to vector<1024x50xf32>
    %add3A_9 = arith.addf %dot_general3A_5, %add3A : vector<1024x50xf32>
    %swap3A = arith.constant 0 : index
    %swap3A_10 = arith.constant 0 : index
    %swap3A_11 = vector.load %arg3[%swap3A, %swap3A_10] : memref<1024x50xf32, #tpu.memory_space<vmem>>, vector<1024x50xf32>
    tpu.vector_store %arg3[%swap3A, %swap3A_10], %add3A_9 {strides = array<i32>} : memref<1024x50xf32, #tpu.memory_space<vmem>>, vector<1024x50xf32>,
    return
  }
}

</mosaic_0001>

<sc_bundles>
// kernel: kernel.5.cloned.1.call-start
scs
__scs_entry_jumppad:
0x0: {  	(pc) =	sbr.rel $0x88, $3  }
0x1: {  	(tag) =	ssettag $0x0;
	lr =	simm.s32 $0x1  }
0x2: {  	[smem:$0x3F97] =	sst lr;
	_ =	strace $0xD0000000  }
0x3: {  	_ = 	snop  }
0x4: {  	_ = 	snop  }
0x5: {  	_ = 	snop  }
0x6: {  	_ = 	snop  }
0x7: {  	_ = 	snop  }
__scs_overlays_trampoline_lowered:
0x8: {  	[smem:$0x3FA6] =	sst s0  }
0x9: {  	[smem:$0x3FA7] =	sst s1  }
0xa: {  	[smem:$0x3FA8] =	sst s2  }
0xb: {  	[smem:$0x3FA9] =	sst s3  }
0xc: {  	[smem:$0x3FAA] =	sst s4  }
0xd: {  	[smem:$0x3FAB] =	sst s5  }
0xe: {  	[smem:$0x3FAC] =	sst s6  }
0xf: {  	[smem:$0x3FAD] =	sst s7  }
0x10: {  	[smem:$0x3FAE] =	sst s8  }
0x11: {  	[smem:$0x3FAF] =	sst s9;
	s0 =	simm.s32 @!p0 $0x0  }
0x12: {  	s1 =	sld [smem:$0x3F95];
	s0 =	simm.s32 @p0 $0x1  }
0x13: {  	[smem:$0x3FB0] =	sst s0;
	s0 =	simm.s32 @!p1 $0x0  }
0x14: {  	s2 =	sld [smem:$0x3F94];
	s0 =	simm.s32 @p1 $0x1  }
0x15: {  	[smem:$0x3FB1] =	sst s0;
	s0 =	simm.s32 @!p2 $0x0  }
0x16: {  	s3 =	sld [smem:$0x3FDB];
	s0 =	simm.s32 @p2 $0x1  }
0x17: {  	s4 =	simm.s32 $0x1BF5;
	[smem:$0x3FB3] =	sst s0  }
0x18: {  	s0 =	sld [smem:$0x3F96];
	_ =	swait.ge [sflag:s4], $0x0  }
0x19: {  	s7 =	sld [smem:$0x3F97]  }
0x1a: {  	s8 =	sadd.s32 $0xFFFFE003, lr  }
0x1b: {  	s9 =	sadd.s32 $0xFFFFFEF7, lr;
	s5 =	simm.s32 $0xFFFFFFFF;
	p2 =	slt.u32 s8, $0xFFFFF086  }
0x1c: {  	p1 =	slt.u32 s9, $0xF7A;
	s5 =	simm.s32 @!p2 $0x0  }
0x1d: {  	s5 =	simm.s32 @p1 $0x1;
	p0 =	seq.s32 s7, s2  }
0x1e: {  	s7 =	smul.u32 @!p0 $0xF7A, s2;
	p2 =	seq.s32 @!p0 s5, $0x0  }
0x1f: {  	s9 =	smul.u32 $0xF7A, s1;
	s8 =	simm.s32 @!p0 $0x1BF5;
	p2 =	por !p2, p0  }
0x20: {  	[sflag:s8] =	ssyncset.s32 @!p0 $0xFFFFF086;
	s6 =	sadd.s32 @!p0 s3, s7;
	s7 =	simm.s32 @!p0 $0x108  }
0x21: {  	s3 =	sadd.s32 s3, s9;
	s6 =	sadd.s32 @!p0 $0x88, s6;
	s7 =	simm.s32 @p2 $0x1082  }
0x22: {  	[simem:s7], [sflag:s8] =	dma.local @!p0 [hbm:s6], $0xF7A  }
0x23: {  	s9 =	sor.u32 $0xD0000000, s2;
	s6 =	simm.s32 $0x108;
	_ =	swait.ge @!p0 [sflag:s8], $0x0  }
0x24: {  	s3 =	sadd.s32 $0x88, s3;
	s6 =	simm.s32 @!p1 $0x1082;
	[sflag:s4] =	ssyncset.s32 $0xFFFFF086  }
0x25: {  	[simem:s6], [sflag:s4] =	dma.local [hbm:s3], $0xF7A  }
0x26: {  	[smem:$0x3F97] =	sst s1;
	(tag) =	ssettag s2;
	_ =	strace s9  }
0x27: {  	s1 =	sld [smem:$0x3FA7]  }
0x28: {  	s2 =	sld [smem:$0x3FA8]  }
0x29: {  	s4 =	sld [smem:$0x3FAA]  }
0x2a: {  	p0 =	seq.s32 s5, $0x0;
	s5 =	sld [smem:$0x3FAB]  }
0x2b: {  	s6 =	sld [smem:$0x3FAC]  }
0x2c: {  	s7 =	sld [smem:$0x3FAD]  }
0x2d: {  	s3 =	simm.s32 $0x108;
	s8 =	sld [smem:$0x3FAE]  }
0x2e: {  	s3 =	simm.s32 @!p0 $0x1082;
	s9 =	sld [smem:$0x3FAF]  }
0x2f: {  	lr =	sadd.s32 s0, s3;
	s0 =	sld [smem:$0x3FA6]  }
0x30: {  	s3 =	sld [smem:$0x3FA9]  }
0x31: {  	[smem:$0x3FB2] =	sst s10  }
0x32: {  	s10 =	sld [smem:$0x3FB0];
	_ =	sdelay $0x3  }
0x33: {  	p0 =	seq.s32 s10, $0x1;
	s10 =	sld [smem:$0x3FB2];
	_ =	sdelay $0x3  }
0x34: {  	[smem:$0x3FB2] =	sst s10  }
0x35: {  	s10 =	sld [smem:$0x3FB1];
	_ =	sdelay $0x3  }
0x36: {  	p1 =	seq.s32 s10, $0x1;
	s10 =	sld [smem:$0x3FB2];
	_ =	sdelay $0x3  }
0x37: {  	[smem:$0x3FB2] =	sst s10  }
0x38: {  	s10 =	sld [smem:$0x3FB3]  }
0x39: {  	_ = 	snop;
	(pc) =	sbr.ind lr, $3  }
0x3a: {  	_ = 	snop  }
0x3b: {  	_ = 	snop  }
0x3c: {  	p2 =	seq.s32 s10, $0x1;
	s10 =	sld [smem:$0x3FB2]  }
0x3d: {  	_ =	shalt  }
0x3e: {  	_ =	shalt  }
0x3f: {  	_ =	shalt  }
0x40: {  	_ =	shalt  }
0x41: {  	_ =	shalt  }
0x42: {  	_ =	shalt  }
0x43: {  	_ =	shalt  }
0x44: {  	_ =	shalt  }
0x45: {  	_ =	shalt  }
0x46: {  	_ =	shalt  }
0x47: {  	_ =	shalt  }
0x48: {  	_ =	shalt  }
0x49: {  	_ =	shalt  }
0x4a: {  	_ =	shalt  }
0x4b: {  	_ =	shalt  }
0x4c: {  	_ =	shalt  }
0x4d: {  	_ =	shalt  }
0x4e: {  	_ =	shalt  }
0x4f: {  	_ =	shalt  }
0x50: {  	_ =	shalt  }
0x51: {  	_ =	shalt  }
0x52: {  	_ =	shalt  }
0x53: {  	_ =	shalt  }
0x54: {  	_ =	shalt  }
0x55: {  	_ =	shalt  }
0x56: {  	_ =	shalt  }
0x57: {  	_ =	shalt  }
0x58: {  	_ =	shalt  }
0x59: {  	_ =	shalt  }
0x5a: {  	_ =	shalt  }
0x5b: {  	_ =	shalt  }
0x5c: {  	_ =	shalt  }
0x5d: {  	_ =	shalt  }
0x5e: {  	_ =	shalt  }
0x5f: {  	_ =	shalt  }
0x60: {  	_ =	shalt  }
0x61: {  	_ =	shalt  }
0x62: {  	_ =	shalt  }
0x63: {  	_ =	shalt  }
0x64: {  	_ =	shalt  }
0x65: {  	_ =	shalt  }
0x66: {  	_ =	shalt  }
0x67: {  	_ =	shalt  }
0x68: {  	_ =	shalt  }
0x69: {  	_ =	shalt  }
0x6a: {  	_ =	shalt  }
0x6b: {  	_ =	shalt  }
0x6c: {  	_ =	shalt  }
0x6d: {  	_ =	shalt  }
0x6e: {  	_ =	shalt  }
0x6f: {  	_ =	shalt  }
0x70: {  	_ =	shalt  }
0x71: {  	_ =	shalt  }
0x72: {  	_ =	shalt  }
0x73: {  	_ =	shalt  }
0x74: {  	_ =	shalt  }
0x75: {  	_ =	shalt  }
0x76: {  	_ =	shalt  }
0x77: {  	_ =	shalt  }
0x78: {  	_ =	shalt  }
0x79: {  	_ =	shalt  }
0x7a: {  	_ =	shalt  }
0x7b: {  	_ =	shalt  }
0x7c: {  	_ =	shalt  }
0x7d: {  	_ =	shalt  }
0x7e: {  	_ =	shalt  }
0x7f: {  	_ =	shalt  }
0x80: {  	_ =	shalt  }
0x81: {  	_ =	shalt  }
0x82: {  	_ =	shalt  }
0x83: {  	_ =	shalt  }
0x84: {  	_ =	shalt  }
0x85: {  	_ =	shalt  }
0x86: {  	_ =	shalt  }
0x87: {  	_ =	shalt  }
.Lfunc_end0:
.L_simem_size_0:
called_computation_lowered:
.L_overlay_start_0:
0x88: {  	s2 =	sld [smem:$0x3FD9]  }
0x89: {  	s3 =	sld [smem:$0x3FFE];
	_ =	sdelay $0x1  }
0x8a: {  	s1 =	srdreg.scid  }
0x8b: {  	s0 =	sand.u32 $0x1, s1  }
0x8c: {  	s17 =	sshll.u32 s0, $0xA;
	s2 =	sadd.s32 s3, s2  }
0x8d: {  	s2 =	sadd.s32 s2, s17  }
0x8e: {  	[smem:$0x3FBE] =	sst s2  }
0x8f: {  	_ = 	snop  }
0x90: {  	s2 =	sld [smem:$0x3FC4]  }
0x91: {  	s18 =	sld [smem:$0x3FD0];
	(tm) =	ssettm $0x1  }
0x92: {  	s4 =	sld [smem:$0x3FFB];
	_ =	sdelay $0x3  }
0x93: {  	_ =	strace s4  }
0x94: {  	s4 =	sld [smem:$0x3FFC];
	_ =	sdelay $0x3  }
0x95: {  	_ =	strace s4  }
0x96: {  	s4 =	sld [smem:$0x3FFD];
	_ =	sdelay $0x3  }
0x97: {  	_ =	strace s4  }
0x98: {  	_ =	strace $0x8FFFFFFF  }
0x99: {  	s19 =	sld [smem:$0x3FDB];
	_ =	sdelay $0x1  }
0x9a: {  	s5 =	simm.s32 $_scs_section_size  }
0x9b: {  	s6 =	simm.s32 $_size__tile_overlayer_lowered;
	s7 =	simm.s32 $_tile_overlayer_lowered  }
0x9c: {  	s22 =	simm.s32 $0x1BFF;
	s21 =	sshll.u32 s7, $0x1;
	s4 =	sadd.s32 s5, s19  }
0x9d: {  	s8 =	simm.s32 $0x0;
	s20 =	sshll.u32 s6, $0x1;
	s6 =	sadd.s32 s21, s4  }
0x9e: {  	[timem:s8], [sflag:s22] =	dma.local [hbm:s6], s20  }
0x9f: {  	_ =	swait.ge [sflag:s22], s20  }
0xa0: {  	s5 =	ssub.s32 $0x0, s20;
	[sflag:s22] =	ssyncset.done $0x0  }
0xa1: {  	[sflag:s22] =	ssyncadd.s32 s5;
	_ =	sdelay $0x1  }
0xa2: {  	s23 =	simm.s32 $0x1B8B  }
0xa3: {  	_ =	swait.ge [sflag:s23], $0x1  }
0xa4: {  	[sflag:s23] =	ssyncset.done $0x0  }
0xa5: {  	s25 =	simm.s32 $0x1B8E;
	s24 =	sld [smem:$0x3FFE];
	[sflag:s23] =	ssyncadd.s32 $0xFFFFFFFF  }
0xa6: {  	s26 =	simm.s32 $execute0_lowered;
	[smem:$0x3FD2] =	sst s25  }
0xa7: {  	s6 =	sshll.u32 s26, $0x1;
	_ =	strace $0x80000046;
	[dreg:$0x1] =	wrdreg $0xFFFFFFFF  }
0xa8: {  	s28 =	simm.s32 $_size_execute0_lowered;
	s4 =	sadd.s32 s4, s6;
	[dreg:$0x0] =	wrdreg $0x0  }
0xa9: {  	s6 =	sshll.u32 s28, $0x1;
	[dreg:$0x2] =	wrdreg s4  }
0xaa: {  	[dreg:$0x3] =	wrdreg s6  }
0xab: {  	[dreg:$0x4] =	wrdreg $0xC0  }
0xac: {  	_ =	task [dreg:s8], $0x5FFFF  }
0xad: {  	[dreg:$0x1] =	wrdreg $0xFFFFFFFF  }
0xae: {  	[dreg:$0x0] =	wrdreg $0x60  }
0xaf: {  	[dreg:$0x2] =	wrdreg s24  }
0xb0: {  	[dreg:$0x3] =	wrdreg s2  }
0xb1: {  	[dreg:$0x4] =	wrdreg s18  }
0xb2: {  	[dreg:$0x5] =	wrdreg $0x9  }
0xb3: {  	_ =	task.clear_ibuf [dreg:s8], $0x6FFFF;
	_ =	strace $0x90000046  }
0xb4: {  	s29 =	simm.s32 $0x9;
	_ =	strace $0x80000048  }
0xb5: {  	_ =	swait.ge [sflag:s29], $0x1  }
0xb6: {  	[sflag:s29] =	ssyncadd.s32 $0xFFFFFFFF  }
0xb7: {  	_ =	strace $0x90000048  }
0xb8: {  	_ =	sfence  }
0xb9: {  	s30 =	sld [smem:$0x0];
	_ =	sdelay $0x2  }
0xba: {  	s31 =	sshll.u32 s1, $0xD;
	s1 =	sshrl.u32 s1, $0x2  }
0xbb: {  	s3 =	sand.u32 $0x4000, s31;
	s1 =	sadd.s32 s1, s30  }
0xbc: {  	s0 =	sor.u32 s3, s0;
	s1 =	sshll.u32 s1, $0x11  }
0xbd: {  	s0 =	sor.u32 s1, s0  }
0xbe: {  	s0 =	sadd.s32 $0x8F2B, s0  }
0xbf: {  	[sflag:s0] =	ssyncadd.remote.s32 $0x1  }
0xc0: {  	_ =	sfence.sel $0xFFFF  }
0xc1: {  	[dreg:$0x0] =	wrdreg $0xFFFFFFFF;
	(pc) =	sbr.abs _section_cstart, $3  }
0xc2: {  	[dreg:$0x1] =	wrdreg $0xFFFFFFFF  }
0xc3: {  	_ =	task.clear_ibuf [dreg:s8], $0x2FFFF;
	_ =	strace $0x9FFFFFFF  }
0xc4: {  	(tm) =	ssettm $0x7FFFFFFF  }
0xc5: {  	_ =	shalt  }
tec
execute0_lowered:
.L_overlay_start_1:
0x0: {  	(tag) =	ssettag $0x1  }
0x1: {  	s0 =	rddreg [dreg:$0x0]  }
0x2: {  	s2 =	rddreg [dreg:$0x1]  }
0x3: {  	s1 =	rddreg [dreg:$0x2]  }
0x4: {  	s3 =	srdreg.scid;
	s4 =	stileid.u32  }
0x5: {  	s10 =	simm.s32 $0x0;
	s14 =	simm.s32 $0x50;
	s15 =	simm.s32 $0x5400  }
0x6: {  	s16 =	simm.s32 $0xF400;
	s18 =	simm.s32 $0x7C00;
	s20 =	simm.s32 $0xF450  }
0x7: {  	s21 =	simm.s32 $0x20;
	s23 =	simm.s32 $0x11600;
	s28 =	simm.s32 $0xF550  }
0x8: {  	s29 =	simm.s32 $0x1;
	s30 =	simm.s32 $0x3;
	s31 =	simm.s32 $0x10600  }
0x9: {  	s17 =	simm.s32 $0x4;
	s3 =	sand.u32 $0x1, s3;
	s4 =	sshll.u32 s4, $0x1  }
0xa: {  	s22 =	simm.s32 $0x0;
	[smem:$0x7FF] =	sst s10;
	s6 =	sor.u32 s3, s4  }
0xb: {  	s5 =	sadd.s32 $0x15600, s0;
	s3 =	ssub.s32 $0x2, s3;
	s7 =	smul.u32 $0x500, s6  }
0xc: {  	s8 =	sshll.u32 s6, $0x9;
	s9 =	sshrl.u32 s3, $0x1;
	s6 =	sshll.u32 s6, $0x7  }
0xd: {  	_ =	strace $0x80000047;
	s3 =	ssub.s32 s3, s9;
	s1 =	sadd.s32 s1, s6  }
0xe: {  	s7 =	sadd.s32 s7, s0;
	[dreg:$0x4] =	wrdreg s1;
	s26 =	smax.u32 s3, $0x1  }
0xf: {  	s4 =	sadd.s32 $0x310400, s0;
	s24 =	sadd.s32 $0x1600, s7;
	[dreg:$0x8] =	wrdreg s26  }
0x10: {  	s0 =	sadd.s32 s8, s0;
	s25 =	sadd.s32 $0xB600, s7;
	[dreg:$0x5] =	wrdreg s24  }
0x11: {  	s6 =	simm.s32 $0x5;
	s0 =	sadd.s32 $0x323E00, s0;
	[dreg:$0x6] =	wrdreg s25  }
0x12: {  	s1 =	simm.s32 $0x2;
	s26 =	simm.s32 $0xCC00;
	[dreg:$0x7] =	wrdreg s0  }
0x13: {  	v0 =	vimm.f32 $0.0e+00;
	s24 =	simm.s32 $0xA400;
	s25 =	simm.s32 $0xF500;
	s0 =	simm.s32 $0x11680  }
.LBB2_1:
0x14: {  	s3 =	rddreg [dreg:$0x4]  }
0x15: {  	[tilespmem:s10], [sflag:$0x5] =	stream.linear.gather [hbm4b:s3+s10], $0x400, $0x38;
	[tilespmem:$0x12700] =	vst v63  }
0x16: {  	_ =	swait.ge [sflag:s6], $0x400  }
0x17: {  	[sflag:s6] =	ssyncset.done $0x0  }
0x18: {  	s7 =	simm.s32 $0x400;
	s9 =	rddreg [dreg:$0x5];
	[sflag:s6] =	ssyncadd.s32 $0xFFFFFC00  }
0x19: {  	[tilespmem:s7], [sflag:$0x5] =	stream.linear.gather [hbm4b:s9+s10], $0x2800, $0x38;
	[tilespmem:$0x12700] =	vst v63  }
0x1a: {  	_ =	swait.ge [sflag:s6], $0x2800  }
0x1b: {  	[sflag:s6] =	ssyncset.done $0x0  }
0x1c: {  	s8 =	simm.s32 $0x2C00;
	s11 =	rddreg [dreg:$0x6];
	[sflag:s6] =	ssyncadd.s32 $0xFFFFD800  }
0x1d: {  	[tilespmem:s8], [sflag:$0x5] =	stream.linear.gather [hbm4b:s11+s10], $0x2800, $0x38;
	[tilespmem:$0x12700] =	vst v63  }
0x1e: {  	_ =	swait.ge [sflag:s6], $0x2800  }
0x1f: {  	[sflag:s6] =	ssyncset.done $0x0  }
0x20: {  	[sflag:s6] =	ssyncadd.s32 $0xFFFFD800  }
0x21: {  	[tilespmem:s15], [sflag:$0x1] =	stream.indirect.gather [hbm4b:s4+s14], $0x80, s7, s14, $0xb8;
	[tilespmem:$0x12700] =	vst v63  }
0x22: {  	_ = 	snop  }
0x23: {  	[tilespmem:s16], [sflag:$0x1] =	stream.indirect.gather [hbm4b:s5+s14], $0x1, s8, s14, $0xb8;
	[tilespmem:$0x12700] =	vst v63  }
0x24: {  	s12 =	simm.s32 $0x450  }
0x25: {  	[tilespmem:s18], [sflag:$0x1] =	stream.indirect.gather [hbm4b:s4+s14], $0x80, s12, s14, $0xb8;
	[tilespmem:$0x12700] =	vst v63  }
0x26: {  	s13 =	simm.s32 $0x2C50  }
0x27: {  	[tilespmem:s20], [sflag:$0x1] =	stream.indirect.gather [hbm4b:s5+s14], $0x1, s13, s14, $0xb8;
	[tilespmem:$0x12700] =	vst v63  }
0x28: {  	s19 =	simm.s32 $0xF600  }
0x29: {  	[tilespmem:s19], [sflag:$0x3] =	stream.indirect.gather [hbm4b:s4+s21], $0x80, s10, s21, $0xb8;
	[tilespmem:$0x12700] =	vst v63  }
0x2a: {  	s19 =	simm.s32 $0x0  }
0x2b: {  	[tilespmem:s23], [sflag:$0x3] =	stream.indirect.gather [hbm4b:s2+s21], $0x1, s10, s21, $0xb8;
	[tilespmem:$0x12700] =	vst v63  }
.LBB2_2:
0x2c: {  	s3 =	smul.u32 $0x280, s19;
	_ =	sdelay $0x1  }
0x2d: {  	s6 =	sadd.s32 $0x4A0, s3  }
0x2e: {  	[tilespmem:s24], [sflag:$0x2] =	stream.indirect.gather [hbm4b:s4+s14], $0x80, s6, s14, $0xb8;
	[tilespmem:$0x12700] =	vst v63  }
0x2f: {  	s11 =	sadd.s32 $0x2CA0, s3  }
0x30: {  	[tilespmem:s25], [sflag:$0x2] =	stream.indirect.gather [hbm4b:s5+s14], $0x1, s11, s14, $0xb8;
	[tilespmem:$0x12700] =	vst v63  }
0x31: {  	s12 =	sadd.s32 $0x4F0, s3  }
0x32: {  	[tilespmem:s26], [sflag:$0x2] =	stream.indirect.gather [hbm4b:s4+s14], $0x80, s12, s14, $0xb8;
	[tilespmem:$0x12700] =	vst v63  }
0x33: {  	s3 =	sadd.s32 $0x2CF0, s3  }
0x34: {  	[tilespmem:s28], [sflag:$0x2] =	stream.indirect.gather [hbm4b:s5+s14], $0x1, s3, s14, $0xb8;
	[tilespmem:$0x12700] =	vst v63  }
0x35: {  	_ =	swait.ge [sflag:s29], $0x2800  }
0x36: {  	[sflag:s29] =	ssyncset.done $0x0  }
0x37: {  	[sflag:s29] =	ssyncadd.s32 $0xFFFFD800  }
0x38: {  	_ =	swait.ge [sflag:s29], $0x50  }
0x39: {  	[sflag:s29] =	ssyncset.done $0x0  }
0x3a: {  	[sflag:s29] =	ssyncadd.s32 $0xFFFFFFB0  }
0x3b: {  	_ =	swait.ge [sflag:s29], $0x2800  }
0x3c: {  	[sflag:s29] =	ssyncset.done $0x0  }
0x3d: {  	[sflag:s29] =	ssyncadd.s32 $0xFFFFD800  }
0x3e: {  	_ =	swait.ge [sflag:s29], $0x50  }
0x3f: {  	[sflag:s29] =	ssyncset.done $0x0  }
0x40: {  	[sflag:s29] =	ssyncadd.s32 $0xFFFFFFB0  }
0x41: {  	_ =	swait.ge [sflag:s30], $0x1000  }
0x42: {  	[sflag:s30] =	ssyncset.done $0x0  }
0x43: {  	[sflag:s30] =	ssyncadd.s32 $0xFFFFF000  }
0x44: {  	_ =	swait.ge [sflag:s30], $0x20  }
0x45: {  	s13 =	sshll.u32 s19, $0x8;
	[sflag:s30] =	ssyncset.done $0x0  }
0x46: {  	s6 =	sand.u32 $0x3FFFFF00, s13;
	[sflag:s30] =	ssyncadd.s32 $0xFFFFFFE0  }
0x47: {  	[tilespmem:s6+$0x11700] =	vst v0  }
0x48: {  	[tilespmem:s6+$0x11710] =	vst v0  }
0x49: {  	[tilespmem:s6+$0x11720] =	vst v0  }
0x4a: {  	[tilespmem:s6+$0x11730] =	vst v0  }
0x4b: {  	[tilespmem:s6+$0x11740] =	vst v0  }
0x4c: {  	[tilespmem:s6+$0x11750] =	vst v0  }
0x4d: {  	s7 =	simm.s32 $0x0;
	[tilespmem:s6+$0x11760] =	vst v0  }
0x4e: {  	s8 =	simm.s32 $0xF;
	s9 =	simm.s32 $0xF640;
	s10 =	simm.s32 $0x5800;
	[tilespmem:s6+$0x11770] =	vst v0  }
.LBB2_3:
0x4f: {  	v56 =	vld [tilespmem:s10+$0xFFFFFC00]  }
0x50: {  	s3 =	sadd.s32 $0xFFFFFFF1, s8;
	v57 =	vld [tilespmem:s10+$0xFFFFFC80]  }
0x51: {  	s12 =	sadd.s32 $0xFFFFFFF2, s8;
	s13 =	sadd.s32 $0xFFFFFFF3, s8;
	s11 =	sadd.s32 $0xFFFFFFF4, s8;
	v19 =	vld [tilespmem:s10+$0xFFFFFD00];
	v1 =	vmov s3  }
0x52: {  	v20 =	vld [tilespmem:s10+$0xFFFFFD80];
	v2 =	vmov s12;
	v3 =	vmov s13;
	v4 =	vmov s11  }
0x53: {  	v21 =	vld [tilespmem:s10+$0xFFFFFE00];
	s12 =	sadd.s32 $0xFFFFFFF5, s8;
	v1 =	vand.u32 $0xFFFFFFF0, v1;
	v2 =	vand.u32 $0xFFFFFFF1, v2;
	v3 =	vand.u32 $0xFFFFFFF2, v3  }
0x54: {  	v22 =	vld [tilespmem:s10+$0xFFFFFE80];
	s13 =	sadd.s32 $0xFFFFFFF6, s8;
	s11 =	sadd.s32 $0xFFFFFFF7, s8;
	v4 =	vand.u32 $0xFFFFFFF3, v4;
	v5 =	vmov s12;
	v1 =	vbroadcast v1, $0x0  }
0x55: {  	v23 =	vld [tilespmem:s10+$0xFFFFFF00];
	v6 =	vmov s13;
	v42 =	vmov s11;
	v2 =	vbroadcast v2, $0x0  }
0x56: {  	v24 =	vld [tilespmem:s10+$0xFFFFFF80];
	s12 =	sadd.s32 $0xFFFFFFF8, s8;
	v3 =	vbroadcast v3, $0x0;
	v4 =	vbroadcast v4, $0x0;
	v5 =	vand.u32 $0xFFFFFFF4, v5  }
0x57: {  	v59 =	vld [tilespmem:s10+$0x0];
	s13 =	sadd.s32 $0xFFFFFFF9, s8;
	s11 =	sadd.s32 $0xFFFFFFFA, s8;
	v41 =	vand.u32 $0xFFFFFFF5, v6;
	v43 =	vand.u32 $0xFFFFFFF6, v42;
	v44 =	vmov s12  }
0x58: {  	v61 =	vld [tilespmem:s10+$0x80];
	v46 =	vmov s13;
	v48 =	vmov s11;
	v7 =	vbroadcast v5, $0x0  }
0x59: {  	v63 =	vld [tilespmem:s10+$0x100];
	s12 =	sadd.s32 $0xFFFFFFFB, s8;
	s13 =	sadd.s32 $0xFFFFFFFC, s8;
	v9 =	vbroadcast v41, $0x0;
	v10 =	vbroadcast v43, $0x0;
	v45 =	vand.u32 $0xFFFFFFF7, v44  }
0x5a: {  	v6 =	vand.u32 $0xFFFFFFF9, v48;
	v8 =	vmov s12;
	v11 =	vmov s13;
	s13 =	sadd.s32 $0xFFFFFFFF, s8;
	v1 =	vld.idx.msk [tilespmem:v1+s16+$0x0], $0xffff  }
0x5b: {  	v12 =	vbroadcast v45, $0x0;
	v50 =	vand.u32 $0xFFFFFFFA, v8;
	v16 =	vmov s13;
	v2 =	vld.idx.msk [tilespmem:v2+s16+$0x0], $0xffff  }
0x5c: {  	s12 =	sadd.s32 $0xFFFFFFFE, s8;
	v49 =	vbroadcast v6, $0x0;
	v6 =	vbroadcast v50, $0x0;
	v54 =	vand.u32 $0xFFFFFFFE, v16;
	v3 =	vld.idx.msk [tilespmem:v3+s16+$0x0], $0xffff  }
0x5d: {  	v51 =	vand.u32 $0xFFFFFFFB, v11;
	v15 =	vmov s12;
	v18 =	vbroadcast v54, $0x0;
	v5 =	vld.idx.msk [tilespmem:v4+s16+$0x0], $0xffff  }
0x5e: {  	s11 =	sadd.s32 $0xFFFFFFFD, s8;
	v53 =	vand.u32 $0xFFFFFFFD, v15;
	v8 =	vld.idx.msk [tilespmem:v7+s16+$0x0], $0xffff;
	v7 =	vbroadcast v51, $0x0  }
0x5f: {  	v13 =	vmov s11;
	v17 =	vbroadcast v53, $0x0;
	v11 =	vld.idx.msk [tilespmem:v9+s16+$0x0], $0xffff  }
0x60: {  	v47 =	vand.u32 $0xFFFFFFF8, v46;
	v52 =	vand.u32 $0xFFFFFFFC, v13;
	v13 =	vld.idx.msk [tilespmem:v10+s16+$0x0], $0xffff  }
0x61: {  	v14 =	vbroadcast v47, $0x0;
	v15 =	vld.idx.msk [tilespmem:v12+s16+$0x0], $0xffff  }
0x62: {  	v12 =	vld.idx.msk [tilespmem:v6+s16+$0x0], $0xffff  }
0x63: {  	v6 =	vld.idx.msk [tilespmem:v18+s16+$0x0], $0xffff  }
0x64: {  	v9 =	vbroadcast v52, $0x0;
	v10 =	vld.idx.msk [tilespmem:v7+s16+$0x0], $0xffff  }
0x65: {  	v18 =	vmul.f32 v57, v2;
	v7 =	vld.idx.msk [tilespmem:v17+s16+$0x0], $0xffff;
	v17 =	vmul.f32 v56, v1  }
0x66: {  	v29 =	vld [tilespmem:s10+$0x180];
	v19 =	vmul.f32 v19, v3  }
0x67: {  	v16 =	vld.idx.msk [tilespmem:v14+s16+$0x0], $0xffff;
	v58 =	vmul.f32 v20, v5;
	v17 =	vmax.f32 v17, v18  }
0x68: {  	v14 =	vld.idx.msk [tilespmem:v49+s16+$0x0], $0xffff;
	v60 =	vmul.f32 v21, v8;
	v17 =	vmax.f32 v17, v19  }
0x69: {  	v55 =	vmov s8;
	v31 =	vld [tilespmem:s10+$0x200];
	v62 =	vmul.f32 v22, v11;
	v17 =	vmax.f32 v17, v58  }
0x6a: {  	v25 =	vmov s7;
	v33 =	vld [tilespmem:s10+$0x280];
	v28 =	vmul.f32 v23, v13;
	v17 =	vmax.f32 v17, v60  }
0x6b: {  	v9 =	vld.idx.msk [tilespmem:v9+s16+$0x0], $0xffff;
	v30 =	vmul.f32 v24, v15;
	v17 =	vmax.f32 v17, v62  }
0x6c: {  	v35 =	vld [tilespmem:s10+$0x300];
	v32 =	vmul.f32 v59, v16;
	v17 =	vmax.f32 v17, v28  }
0x6d: {  	v26 =	vld [tilespmem:s10+$0x380];
	v34 =	vmul.f32 v61, v14;
	v17 =	vmax.f32 v17, v30  }
0x6e: {  	v4 =	vld.idx.msk [tilespmem:v55+s16+$0x0], $0xffff;
	v22 =	vmul.f32 v63, v12;
	v19 =	vmax.f32 v17, v32  }
0x6f: {  	v36 =	vmul.f32 v29, v10;
	v17 =	vld.idx.msk [tilespmem:v25+s23+$0x0], $0xffff;
	v18 =	vmax.f32 v19, v34  }
0x70: {  	v37 =	vmul.f32 v31, v9;
	v18 =	vmax.f32 v18, v22  }
0x71: {  	v38 =	vmul.f32 v33, v7;
	v18 =	vmax.f32 v18, v36  }
0x72: {  	v40 =	vld [tilespmem:s6+$0x11700];
	v39 =	vmul.f32 v35, v6;
	v18 =	vmax.f32 v18, v37  }
0x73: {  	v42 =	vld [tilespmem:s9+$0xFFFFFFC0];
	v41 =	vmul.f32 v26, v4;
	v19 =	vmax.f32 v18, v38  }
0x74: {  	v18 =	vsub.f32 $1.000000000e+00, v17;
	v19 =	vmax.f32 v19, v39  }
0x75: {  	v19 =	vmax.f32 v19, v41  }
0x76: {  	v19 =	vmul.f32 v19, v18;
	_ =	sdelay $0x1  }
0x77: {  	v43 =	vmul.f32 v42, v17;
	v19 =	vadd.f32 v19, v40;
	_ =	sdelay $0x1  }
0x78: {  	v19 =	vadd.f32 v19, v43;
	_ =	sdelay $0x1  }
0x79: {  	[tilespmem:s6+$0x11700] =	vst v19  }
0x7a: {  	v19 =	vld [tilespmem:s10+$0xFFFFFC10]  }
0x7b: {  	v44 =	vld [tilespmem:s10+$0xFFFFFC90]  }
0x7c: {  	v45 =	vld [tilespmem:s10+$0xFFFFFD10]  }
0x7d: {  	v46 =	vld [tilespmem:s10+$0xFFFFFD90]  }
0x7e: {  	v47 =	vld [tilespmem:s10+$0xFFFFFE10]  }
0x7f: {  	v48 =	vld [tilespmem:s10+$0xFFFFFE90]  }
0x80: {  	v49 =	vld [tilespmem:s10+$0xFFFFFF10];
	v19 =	vmul.f32 v19, v1;
	v20 =	vmul.f32 v44, v2  }
0x81: {  	v50 =	vld [tilespmem:s10+$0xFFFFFF90];
	v21 =	vmul.f32 v45, v3  }
0x82: {  	v52 =	vld [tilespmem:s10+$0x10];
	v51 =	vmul.f32 v46, v5;
	v19 =	vmax.f32 v19, v20  }
0x83: {  	v54 =	vld [tilespmem:s10+$0x90];
	v53 =	vmul.f32 v47, v8;
	v19 =	vmax.f32 v19, v21  }
0x84: {  	v56 =	vld [tilespmem:s10+$0x110];
	v55 =	vmul.f32 v48, v11;
	v19 =	vmax.f32 v19, v51  }
0x85: {  	v58 =	vld [tilespmem:s10+$0x190];
	v57 =	vmul.f32 v49, v13;
	v19 =	vmax.f32 v19, v53  }
0x86: {  	v60 =	vld [tilespmem:s10+$0x210];
	v59 =	vmul.f32 v50, v15;
	v19 =	vmax.f32 v19, v55  }
0x87: {  	v62 =	vld [tilespmem:s10+$0x290];
	v61 =	vmul.f32 v52, v16;
	v19 =	vmax.f32 v19, v57  }
0x88: {  	v28 =	vld [tilespmem:s10+$0x310];
	v63 =	vmul.f32 v54, v14;
	v19 =	vmax.f32 v19, v59  }
0x89: {  	v30 =	vld [tilespmem:s10+$0x390];
	v29 =	vmul.f32 v56, v12;
	v19 =	vmax.f32 v19, v61  }
0x8a: {  	v31 =	vmul.f32 v58, v10;
	v19 =	vmax.f32 v19, v63  }
0x8b: {  	v32 =	vmul.f32 v60, v9;
	v19 =	vmax.f32 v19, v29  }
0x8c: {  	v33 =	vmul.f32 v62, v7;
	v19 =	vmax.f32 v19, v31  }
0x8d: {  	v35 =	vld [tilespmem:s6+$0x11710];
	v34 =	vmul.f32 v28, v6;
	v19 =	vmax.f32 v19, v32  }
0x8e: {  	v37 =	vld [tilespmem:s9+$0xFFFFFFD0];
	v36 =	vmul.f32 v30, v4;
	v19 =	vmax.f32 v19, v33  }
0x8f: {  	v19 =	vmax.f32 v19, v34  }
0x90: {  	v19 =	vmax.f32 v19, v36  }
0x91: {  	v19 =	vmul.f32 v19, v18;
	_ =	sdelay $0x1  }
0x92: {  	v38 =	vmul.f32 v37, v17;
	v19 =	vadd.f32 v19, v35;
	_ =	sdelay $0x1  }
0x93: {  	v19 =	vadd.f32 v19, v38;
	_ =	sdelay $0x1  }
0x94: {  	[tilespmem:s6+$0x11710] =	vst v19  }
0x95: {  	v19 =	vld [tilespmem:s10+$0xFFFFFC20]  }
0x96: {  	v39 =	vld [tilespmem:s10+$0xFFFFFCA0]  }
0x97: {  	v40 =	vld [tilespmem:s10+$0xFFFFFD20]  }
0x98: {  	v41 =	vld [tilespmem:s10+$0xFFFFFDA0]  }
0x99: {  	v42 =	vld [tilespmem:s10+$0xFFFFFE20]  }
0x9a: {  	v43 =	vld [tilespmem:s10+$0xFFFFFEA0]  }
0x9b: {  	v44 =	vld [tilespmem:s10+$0xFFFFFF20];
	v19 =	vmul.f32 v19, v1;
	v20 =	vmul.f32 v39, v2  }
0x9c: {  	v45 =	vld [tilespmem:s10+$0xFFFFFFA0];
	v21 =	vmul.f32 v40, v3  }
0x9d: {  	v47 =	vld [tilespmem:s10+$0x20];
	v46 =	vmul.f32 v41, v5;
	v19 =	vmax.f32 v19, v20  }
0x9e: {  	v49 =	vld [tilespmem:s10+$0xA0];
	v48 =	vmul.f32 v42, v8;
	v19 =	vmax.f32 v19, v21  }
0x9f: {  	v51 =	vld [tilespmem:s10+$0x120];
	v50 =	vmul.f32 v43, v11;
	v19 =	vmax.f32 v19, v46  }
0xa0: {  	v53 =	vld [tilespmem:s10+$0x1A0];
	v52 =	vmul.f32 v44, v13;
	v19 =	vmax.f32 v19, v48  }
0xa1: {  	v55 =	vld [tilespmem:s10+$0x220];
	v54 =	vmul.f32 v45, v15;
	v19 =	vmax.f32 v19, v50  }
0xa2: {  	v57 =	vld [tilespmem:s10+$0x2A0];
	v56 =	vmul.f32 v47, v16;
	v19 =	vmax.f32 v19, v52  }
0xa3: {  	v59 =	vld [tilespmem:s10+$0x320];
	v58 =	vmul.f32 v49, v14;
	v19 =	vmax.f32 v19, v54  }
0xa4: {  	v61 =	vld [tilespmem:s10+$0x3A0];
	v60 =	vmul.f32 v51, v12;
	v19 =	vmax.f32 v19, v56  }
0xa5: {  	v62 =	vmul.f32 v53, v10;
	v19 =	vmax.f32 v19, v58  }
0xa6: {  	v63 =	vmul.f32 v55, v9;
	v19 =	vmax.f32 v19, v60  }
0xa7: {  	v25 =	vmul.f32 v57, v7;
	v19 =	vmax.f32 v19, v62  }
0xa8: {  	v27 =	vld [tilespmem:s6+$0x11720];
	v26 =	vmul.f32 v59, v6;
	v19 =	vmax.f32 v19, v63  }
0xa9: {  	v29 =	vld [tilespmem:s9+$0xFFFFFFE0];
	v28 =	vmul.f32 v61, v4;
	v19 =	vmax.f32 v19, v25  }
0xaa: {  	v19 =	vmax.f32 v19, v26  }
0xab: {  	v19 =	vmax.f32 v19, v28  }
0xac: {  	v19 =	vmul.f32 v19, v18;
	_ =	sdelay $0x1  }
0xad: {  	v30 =	vmul.f32 v29, v17;
	v19 =	vadd.f32 v19, v27;
	_ =	sdelay $0x1  }
0xae: {  	v19 =	vadd.f32 v19, v30;
	_ =	sdelay $0x1  }
0xaf: {  	[tilespmem:s6+$0x11720] =	vst v19  }
0xb0: {  	v19 =	vld [tilespmem:s10+$0xFFFFFC30]  }
0xb1: {  	v31 =	vld [tilespmem:s10+$0xFFFFFCB0]  }
0xb2: {  	v32 =	vld [tilespmem:s10+$0xFFFFFD30]  }
0xb3: {  	v33 =	vld [tilespmem:s10+$0xFFFFFDB0]  }
0xb4: {  	v34 =	vld [tilespmem:s10+$0xFFFFFE30]  }
0xb5: {  	v35 =	vld [tilespmem:s10+$0xFFFFFEB0]  }
0xb6: {  	v36 =	vld [tilespmem:s10+$0xFFFFFF30];
	v19 =	vmul.f32 v19, v1;
	v20 =	vmul.f32 v31, v2  }
0xb7: {  	v37 =	vld [tilespmem:s10+$0xFFFFFFB0];
	v21 =	vmul.f32 v32, v3  }
0xb8: {  	v39 =	vld [tilespmem:s10+$0x30];
	v38 =	vmul.f32 v33, v5;
	v19 =	vmax.f32 v19, v20  }
0xb9: {  	v41 =	vld [tilespmem:s10+$0xB0];
	v40 =	vmul.f32 v34, v8;
	v19 =	vmax.f32 v19, v21  }
0xba: {  	v43 =	vld [tilespmem:s10+$0x130];
	v42 =	vmul.f32 v35, v11;
	v19 =	vmax.f32 v19, v38  }
0xbb: {  	v45 =	vld [tilespmem:s10+$0x1B0];
	v44 =	vmul.f32 v36, v13;
	v19 =	vmax.f32 v19, v40  }
0xbc: {  	v47 =	vld [tilespmem:s10+$0x230];
	v46 =	vmul.f32 v37, v15;
	v19 =	vmax.f32 v19, v42  }
0xbd: {  	v49 =	vld [tilespmem:s10+$0x2B0];
	v48 =	vmul.f32 v39, v16;
	v19 =	vmax.f32 v19, v44  }
0xbe: {  	v51 =	vld [tilespmem:s10+$0x330];
	v50 =	vmul.f32 v41, v14;
	v19 =	vmax.f32 v19, v46  }
0xbf: {  	v53 =	vld [tilespmem:s10+$0x3B0];
	v52 =	vmul.f32 v43, v12;
	v19 =	vmax.f32 v19, v48  }
0xc0: {  	v54 =	vmul.f32 v45, v10;
	v19 =	vmax.f32 v19, v50  }
0xc1: {  	v55 =	vmul.f32 v47, v9;
	v19 =	vmax.f32 v19, v52  }
0xc2: {  	v56 =	vmul.f32 v49, v7;
	v19 =	vmax.f32 v19, v54  }
0xc3: {  	v58 =	vld [tilespmem:s6+$0x11730];
	v57 =	vmul.f32 v51, v6;
	v19 =	vmax.f32 v19, v55  }
0xc4: {  	v60 =	vld [tilespmem:s9+$0xFFFFFFF0];
	v59 =	vmul.f32 v53, v4;
	v19 =	vmax.f32 v19, v56  }
0xc5: {  	v19 =	vmax.f32 v19, v57  }
0xc6: {  	v19 =	vmax.f32 v19, v59  }
0xc7: {  	v19 =	vmul.f32 v19, v18;
	_ =	sdelay $0x1  }
0xc8: {  	v61 =	vmul.f32 v60, v17;
	v19 =	vadd.f32 v19, v58;
	_ =	sdelay $0x1  }
0xc9: {  	v19 =	vadd.f32 v19, v61;
	_ =	sdelay $0x1  }
0xca: {  	[tilespmem:s6+$0x11730] =	vst v19  }
0xcb: {  	v19 =	vld [tilespmem:s10+$0xFFFFFC40]  }
0xcc: {  	v62 =	vld [tilespmem:s10+$0xFFFFFCC0]  }
0xcd: {  	v63 =	vld [tilespmem:s10+$0xFFFFFD40]  }
0xce: {  	v28 =	vld [tilespmem:s10+$0xFFFFFDC0]  }
0xcf: {  	v29 =	vld [tilespmem:s10+$0xFFFFFE40]  }
0xd0: {  	v30 =	vld [tilespmem:s10+$0xFFFFFEC0]  }
0xd1: {  	v31 =	vld [tilespmem:s10+$0xFFFFFF40];
	v19 =	vmul.f32 v19, v1;
	v20 =	vmul.f32 v62, v2  }
0xd2: {  	v32 =	vld [tilespmem:s10+$0xFFFFFFC0];
	v21 =	vmul.f32 v63, v3  }
0xd3: {  	v34 =	vld [tilespmem:s10+$0x40];
	v33 =	vmul.f32 v28, v5;
	v19 =	vmax.f32 v19, v20  }
0xd4: {  	v36 =	vld [tilespmem:s10+$0xC0];
	v35 =	vmul.f32 v29, v8;
	v19 =	vmax.f32 v19, v21  }
0xd5: {  	v38 =	vld [tilespmem:s10+$0x140];
	v37 =	vmul.f32 v30, v11;
	v19 =	vmax.f32 v19, v33  }
0xd6: {  	v40 =	vld [tilespmem:s10+$0x1C0];
	v39 =	vmul.f32 v31, v13;
	v19 =	vmax.f32 v19, v35  }
0xd7: {  	v42 =	vld [tilespmem:s10+$0x240];
	v41 =	vmul.f32 v32, v15;
	v19 =	vmax.f32 v19, v37  }
0xd8: {  	v44 =	vld [tilespmem:s10+$0x2C0];
	v43 =	vmul.f32 v34, v16;
	v19 =	vmax.f32 v19, v39  }
0xd9: {  	v46 =	vld [tilespmem:s10+$0x340];
	v45 =	vmul.f32 v36, v14;
	v19 =	vmax.f32 v19, v41  }
0xda: {  	v48 =	vld [tilespmem:s10+$0x3C0];
	v47 =	vmul.f32 v38, v12;
	v19 =	vmax.f32 v19, v43  }
0xdb: {  	v49 =	vmul.f32 v40, v10;
	v19 =	vmax.f32 v19, v45  }
0xdc: {  	v50 =	vmul.f32 v42, v9;
	v19 =	vmax.f32 v19, v47  }
0xdd: {  	v51 =	vmul.f32 v44, v7;
	v19 =	vmax.f32 v19, v49  }
0xde: {  	v53 =	vld [tilespmem:s6+$0x11740];
	v52 =	vmul.f32 v46, v6;
	v19 =	vmax.f32 v19, v50  }
0xdf: {  	v55 =	vld [tilespmem:s9+$0x0];
	v54 =	vmul.f32 v48, v4;
	v19 =	vmax.f32 v19, v51  }
0xe0: {  	v19 =	vmax.f32 v19, v52  }
0xe1: {  	v19 =	vmax.f32 v19, v54  }
0xe2: {  	v19 =	vmul.f32 v19, v18;
	_ =	sdelay $0x1  }
0xe3: {  	v56 =	vmul.f32 v55, v17;
	v19 =	vadd.f32 v19, v53;
	_ =	sdelay $0x1  }
0xe4: {  	v19 =	vadd.f32 v19, v56;
	_ =	sdelay $0x1  }
0xe5: {  	[tilespmem:s6+$0x11740] =	vst v19  }
0xe6: {  	v19 =	vld [tilespmem:s10+$0xFFFFFC50]  }
0xe7: {  	v57 =	vld [tilespmem:s10+$0xFFFFFCD0]  }
0xe8: {  	v58 =	vld [tilespmem:s10+$0xFFFFFD50]  }
0xe9: {  	v59 =	vld [tilespmem:s10+$0xFFFFFDD0]  }
0xea: {  	v60 =	vld [tilespmem:s10+$0xFFFFFE50]  }
0xeb: {  	v61 =	vld [tilespmem:s10+$0xFFFFFED0]  }
0xec: {  	v62 =	vld [tilespmem:s10+$0xFFFFFF50];
	v19 =	vmul.f32 v19, v1;
	v20 =	vmul.f32 v57, v2  }
0xed: {  	v63 =	vld [tilespmem:s10+$0xFFFFFFD0];
	v21 =	vmul.f32 v58, v3  }
0xee: {  	v29 =	vld [tilespmem:s10+$0x50];
	v28 =	vmul.f32 v59, v5;
	v19 =	vmax.f32 v19, v20  }
0xef: {  	v31 =	vld [tilespmem:s10+$0xD0];
	v30 =	vmul.f32 v60, v8;
	v19 =	vmax.f32 v19, v21  }
0xf0: {  	v33 =	vld [tilespmem:s10+$0x150];
	v32 =	vmul.f32 v61, v11;
	v19 =	vmax.f32 v19, v28  }
0xf1: {  	v35 =	vld [tilespmem:s10+$0x1D0];
	v34 =	vmul.f32 v62, v13;
	v19 =	vmax.f32 v19, v30  }
0xf2: {  	v37 =	vld [tilespmem:s10+$0x250];
	v36 =	vmul.f32 v63, v15;
	v19 =	vmax.f32 v19, v32  }
0xf3: {  	v39 =	vld [tilespmem:s10+$0x2D0];
	v38 =	vmul.f32 v29, v16;
	v19 =	vmax.f32 v19, v34  }
0xf4: {  	v41 =	vld [tilespmem:s10+$0x350];
	v40 =	vmul.f32 v31, v14;
	v19 =	vmax.f32 v19, v36  }
0xf5: {  	v43 =	vld [tilespmem:s10+$0x3D0];
	v42 =	vmul.f32 v33, v12;
	v19 =	vmax.f32 v19, v38  }
0xf6: {  	v44 =	vmul.f32 v35, v10;
	v19 =	vmax.f32 v19, v40  }
0xf7: {  	v45 =	vmul.f32 v37, v9;
	v19 =	vmax.f32 v19, v42  }
0xf8: {  	v46 =	vmul.f32 v39, v7;
	v19 =	vmax.f32 v19, v44  }
0xf9: {  	v48 =	vld [tilespmem:s6+$0x11750];
	v47 =	vmul.f32 v41, v6;
	v19 =	vmax.f32 v19, v45  }
0xfa: {  	v50 =	vld [tilespmem:s9+$0x10];
	v49 =	vmul.f32 v43, v4;
	v19 =	vmax.f32 v19, v46  }
0xfb: {  	v19 =	vmax.f32 v19, v47  }
0xfc: {  	v19 =	vmax.f32 v19, v49  }
0xfd: {  	v19 =	vmul.f32 v19, v18;
	_ =	sdelay $0x1  }
0xfe: {  	v51 =	vmul.f32 v50, v17;
	v19 =	vadd.f32 v19, v48;
	_ =	sdelay $0x1  }
0xff: {  	v19 =	vadd.f32 v19, v51;
	_ =	sdelay $0x1  }
0x100: {  	[tilespmem:s6+$0x11750] =	vst v19  }
0x101: {  	v19 =	vld [tilespmem:s10+$0xFFFFFC60]  }
0x102: {  	v52 =	vld [tilespmem:s10+$0xFFFFFCE0]  }
0x103: {  	v53 =	vld [tilespmem:s10+$0xFFFFFD60]  }
0x104: {  	v54 =	vld [tilespmem:s10+$0xFFFFFDE0]  }
0x105: {  	v55 =	vld [tilespmem:s10+$0xFFFFFE60]  }
0x106: {  	v56 =	vld [tilespmem:s10+$0xFFFFFEE0]  }
0x107: {  	v57 =	vld [tilespmem:s10+$0xFFFFFF60];
	v19 =	vmul.f32 v19, v1;
	v20 =	vmul.f32 v52, v2  }
0x108: {  	v58 =	vld [tilespmem:s10+$0xFFFFFFE0];
	v21 =	vmul.f32 v53, v3  }
0x109: {  	v60 =	vld [tilespmem:s10+$0x60];
	v59 =	vmul.f32 v54, v5;
	v19 =	vmax.f32 v19, v20  }
0x10a: {  	v62 =	vld [tilespmem:s10+$0xE0];
	v61 =	vmul.f32 v55, v8;
	v19 =	vmax.f32 v19, v21  }
0x10b: {  	v28 =	vld [tilespmem:s10+$0x160];
	v63 =	vmul.f32 v56, v11;
	v19 =	vmax.f32 v19, v59  }
0x10c: {  	v30 =	vld [tilespmem:s10+$0x1E0];
	v29 =	vmul.f32 v57, v13;
	v19 =	vmax.f32 v19, v61  }
0x10d: {  	v32 =	vld [tilespmem:s10+$0x260];
	v31 =	vmul.f32 v58, v15;
	v19 =	vmax.f32 v19, v63  }
0x10e: {  	v34 =	vld [tilespmem:s10+$0x2E0];
	v33 =	vmul.f32 v60, v16;
	v19 =	vmax.f32 v19, v29  }
0x10f: {  	v36 =	vld [tilespmem:s10+$0x360];
	v35 =	vmul.f32 v62, v14;
	v19 =	vmax.f32 v19, v31  }
0x110: {  	v38 =	vld [tilespmem:s10+$0x3E0];
	v37 =	vmul.f32 v28, v12;
	v19 =	vmax.f32 v19, v33  }
0x111: {  	v39 =	vmul.f32 v30, v10;
	v19 =	vmax.f32 v19, v35  }
0x112: {  	v40 =	vmul.f32 v32, v9;
	v19 =	vmax.f32 v19, v37  }
0x113: {  	v41 =	vmul.f32 v34, v7;
	v19 =	vmax.f32 v19, v39  }
0x114: {  	v43 =	vld [tilespmem:s6+$0x11760];
	v42 =	vmul.f32 v36, v6;
	v19 =	vmax.f32 v19, v40  }
0x115: {  	v45 =	vld [tilespmem:s9+$0x20];
	v44 =	vmul.f32 v38, v4;
	v19 =	vmax.f32 v19, v41  }
0x116: {  	v19 =	vmax.f32 v19, v42  }
0x117: {  	v19 =	vmax.f32 v19, v44  }
0x118: {  	v19 =	vmul.f32 v19, v18;
	_ =	sdelay $0x1  }
0x119: {  	v46 =	vmul.f32 v45, v17;
	v19 =	vadd.f32 v19, v43;
	_ =	sdelay $0x1  }
0x11a: {  	v19 =	vadd.f32 v19, v46;
	_ =	sdelay $0x1  }
0x11b: {  	[tilespmem:s6+$0x11760] =	vst v19  }
0x11c: {  	v19 =	vld [tilespmem:s10+$0xFFFFFC70]  }
0x11d: {  	v47 =	vld [tilespmem:s10+$0xFFFFFCF0]  }
0x11e: {  	v48 =	vld [tilespmem:s10+$0xFFFFFD70]  }
0x11f: {  	v49 =	vld [tilespmem:s10+$0xFFFFFDF0]  }
0x120: {  	v50 =	vld [tilespmem:s10+$0xFFFFFE70]  }
0x121: {  	v51 =	vld [tilespmem:s10+$0xFFFFFEF0]  }
0x122: {  	v52 =	vld [tilespmem:s10+$0xFFFFFF70];
	v1 =	vmul.f32 v19, v1;
	v2 =	vmul.f32 v47, v2  }
0x123: {  	v53 =	vld [tilespmem:s10+$0xFFFFFFF0];
	v3 =	vmul.f32 v48, v3  }
0x124: {  	v54 =	vld [tilespmem:s10+$0x70];
	v1 =	vmax.f32 v1, v2;
	v2 =	vmul.f32 v49, v5  }
0x125: {  	v55 =	vld [tilespmem:s10+$0xF0];
	v1 =	vmax.f32 v1, v3;
	v3 =	vmul.f32 v50, v8  }
0x126: {  	v56 =	vld [tilespmem:s10+$0x170];
	v1 =	vmax.f32 v1, v2;
	v2 =	vmul.f32 v51, v11  }
0x127: {  	v57 =	vld [tilespmem:s10+$0x1F0];
	v1 =	vmax.f32 v1, v3;
	v3 =	vmul.f32 v52, v13  }
0x128: {  	v58 =	vld [tilespmem:s10+$0x270];
	v1 =	vmax.f32 v1, v2;
	v2 =	vmul.f32 v53, v15  }
0x129: {  	v59 =	vld [tilespmem:s10+$0x2F0];
	v1 =	vmax.f32 v1, v3;
	v3 =	vmul.f32 v54, v16  }
0x12a: {  	v60 =	vld [tilespmem:s10+$0x370];
	v1 =	vmax.f32 v1, v2;
	v2 =	vmul.f32 v55, v14  }
0x12b: {  	v61 =	vld [tilespmem:s10+$0x3F0];
	v1 =	vmax.f32 v1, v3;
	v3 =	vmul.f32 v56, v12  }
0x12c: {  	v1 =	vmax.f32 v1, v2;
	v2 =	vmul.f32 v57, v10  }
0x12d: {  	v1 =	vmax.f32 v1, v3;
	v3 =	vmul.f32 v58, v9  }
0x12e: {  	v1 =	vmax.f32 v1, v2;
	v2 =	vmul.f32 v59, v7  }
0x12f: {  	v62 =	vld [tilespmem:s6+$0x11770];
	v1 =	vmax.f32 v1, v3;
	v3 =	vmul.f32 v60, v6  }
0x130: {  	v63 =	vld [tilespmem:s9+$0x30];
	v1 =	vmax.f32 v1, v2;
	v2 =	vmul.f32 v61, v4  }
0x131: {  	v1 =	vmax.f32 v1, v3  }
0x132: {  	v1 =	vmax.f32 v1, v2  }
0x133: {  	v1 =	vmul.f32 v1, v18  }
0x134: {  	p0 =	sne.s32 s8, $0x9F  }
.Ltmp0:
0x135: {  	v2 =	vmul.f32 v63, v17;
	v1 =	vadd.f32 v1, v62;
	(pc) =	sbr.rel @p0 .LBB2_3-.Ltmp0, $4  }
0x136: {  	_ = 	snop  }
0x137: {  	v1 =	vadd.f32 v1, v2  }
0x138: {  	s7 =	sadd.s32 $0x1, s7  }
0x139: {  	s8 =	sadd.s32 $0x10, s8;
	s9 =	sadd.s32 $0x80, s9;
	s10 =	sadd.s32 $0x800, s10;
	[tilespmem:s6+$0x11770] =	vst v1  }
0x13a: {  	s3 =	sshllo.u32 s19, $0x1  }
0x13b: {  	s7 =	smul.u32 $0x140, s3;
	_ =	sdelay $0x1  }
0x13c: {  	s8 =	sadd.s32 $0x400, s7  }
0x13d: {  	[tilespmem:s15], [sflag:$0x1] =	stream.indirect.gather [hbm4b:s4+s14], $0x80, s8, s14, $0xb8;
	[tilespmem:$0x12700] =	vst v63  }
0x13e: {  	s11 =	sadd.s32 $0x2C00, s7  }
0x13f: {  	[tilespmem:s16], [sflag:$0x1] =	stream.indirect.gather [hbm4b:s5+s14], $0x1, s11, s14, $0xb8;
	[tilespmem:$0x12700] =	vst v63  }
0x140: {  	s12 =	sadd.s32 $0x450, s7  }
0x141: {  	[tilespmem:s18], [sflag:$0x1] =	stream.indirect.gather [hbm4b:s4+s14], $0x80, s12, s14, $0xb8;
	[tilespmem:$0x12700] =	vst v63  }
0x142: {  	s13 =	sadd.s32 $0x2C50, s7;
	s12 =	sshll.u32 s3, $0x7  }
0x143: {  	[tilespmem:s20], [sflag:$0x1] =	stream.indirect.gather [hbm4b:s5+s14], $0x1, s13, s14, $0xb8;
	[tilespmem:$0x12700] =	vst v63  }
0x144: {  	s3 =	sshrl.u32 s12, $0x2  }
0x145: {  	[tilespmem:s31], [sflag:$0x4] =	stream.indirect.gather [hbm4b:s4+s21], $0x80, s3, s21, $0xb8;
	[tilespmem:$0x12700] =	vst v63  }
0x146: {  	_ = 	snop  }
0x147: {  	[tilespmem:s0], [sflag:$0x4] =	stream.indirect.gather [hbm4b:s2+s21], $0x1, s3, s21, $0xb8;
	[tilespmem:$0x12700] =	vst v63  }
0x148: {  	_ =	swait.ge [sflag:s1], $0x2800  }
0x149: {  	[sflag:s1] =	ssyncset.done $0x0  }
0x14a: {  	[sflag:s1] =	ssyncadd.s32 $0xFFFFD800  }
0x14b: {  	_ =	swait.ge [sflag:s1], $0x50  }
0x14c: {  	[sflag:s1] =	ssyncset.done $0x0  }
0x14d: {  	[sflag:s1] =	ssyncadd.s32 $0xFFFFFFB0  }
0x14e: {  	_ =	swait.ge [sflag:s1], $0x2800  }
0x14f: {  	[sflag:s1] =	ssyncset.done $0x0  }
0x150: {  	[sflag:s1] =	ssyncadd.s32 $0xFFFFD800  }
0x151: {  	s9 =	simm.s32 $0xA;
	_ =	swait.ge [sflag:s1], $0x50  }
0x152: {  	s10 =	simm.s32 $0xFB70;
	s8 =	simm.s32 $0xF;
	[sflag:s1] =	ssyncset.done $0x0  }
0x153: {  	s13 =	sshll.u32 s19, $0x1;
	s3 =	simm.s32 $0xA800;
	[sflag:s1] =	ssyncadd.s32 $0xFFFFFFB0  }
.LBB2_5:
0x154: {  	s11 =	sadd.s32 $0xFFFFFFF1, s8  }
0x155: {  	v56 =	vld [tilespmem:s3+$0xFFFFFC00];
	v1 =	vmov s11;
	s11 =	sadd.s32 $0xFFFFFFF2, s8  }
0x156: {  	v57 =	vld [tilespmem:s3+$0xFFFFFC80];
	v2 =	vmov s11;
	s11 =	sadd.s32 $0xFFFFFFF3, s8  }
0x157: {  	v19 =	vld [tilespmem:s3+$0xFFFFFD00];
	v3 =	vmov s11;
	s11 =	sadd.s32 $0xFFFFFFF4, s8  }
0x158: {  	v20 =	vld [tilespmem:s3+$0xFFFFFD80];
	v1 =	vand.u32 $0xFFFFFFF0, v1;
	v4 =	vmov s11;
	s11 =	sadd.s32 $0xFFFFFFF5, s8  }
0x159: {  	v21 =	vld [tilespmem:s3+$0xFFFFFE00];
	v1 =	vbroadcast v1, $0x0;
	v2 =	vand.u32 $0xFFFFFFF1, v2;
	v5 =	vmov s11;
	s11 =	sadd.s32 $0xFFFFFFF6, s8  }
0x15a: {  	v22 =	vld [tilespmem:s3+$0xFFFFFE80];
	v2 =	vbroadcast v2, $0x0;
	v3 =	vand.u32 $0xFFFFFFF2, v3;
	v6 =	vmov s11;
	s11 =	sadd.s32 $0xFFFFFFF7, s8  }
0x15b: {  	v23 =	vld [tilespmem:s3+$0xFFFFFF00];
	v3 =	vbroadcast v3, $0x0;
	v4 =	vand.u32 $0xFFFFFFF3, v4;
	v42 =	vmov s11;
	s11 =	sadd.s32 $0xFFFFFFF8, s8  }
0x15c: {  	v24 =	vld [tilespmem:s3+$0xFFFFFF80];
	v4 =	vbroadcast v4, $0x0;
	v5 =	vand.u32 $0xFFFFFFF4, v5;
	v44 =	vmov s11;
	s11 =	sadd.s32 $0xFFFFFFF9, s8  }
0x15d: {  	v59 =	vld [tilespmem:s3+$0x0];
	v7 =	vbroadcast v5, $0x0;
	v41 =	vand.u32 $0xFFFFFFF5, v6;
	v46 =	vmov s11;
	s11 =	sadd.s32 $0xFFFFFFFA, s8  }
0x15e: {  	v61 =	vld [tilespmem:s3+$0x80];
	v9 =	vbroadcast v41, $0x0;
	v43 =	vand.u32 $0xFFFFFFF6, v42;
	v48 =	vmov s11;
	s11 =	sadd.s32 $0xFFFFFFFB, s8  }
0x15f: {  	v63 =	vld [tilespmem:s3+$0x100];
	v10 =	vbroadcast v43, $0x0;
	v45 =	vand.u32 $0xFFFFFFF7, v44;
	v8 =	vmov s11;
	s11 =	sadd.s32 $0xFFFFFFFC, s8  }
0x160: {  	v1 =	vld.idx.msk [tilespmem:v1+s25+$0x0], $0xffff;
	v12 =	vbroadcast v45, $0x0;
	v6 =	vand.u32 $0xFFFFFFF9, v48;
	v11 =	vmov s11;
	s11 =	sadd.s32 $0xFFFFFFFD, s8  }
0x161: {  	v2 =	vld.idx.msk [tilespmem:v2+s25+$0x0], $0xffff;
	v49 =	vbroadcast v6, $0x0;
	v50 =	vand.u32 $0xFFFFFFFA, v8;
	v13 =	vmov s11;
	s11 =	sadd.s32 $0xFFFFFFFE, s8  }
0x162: {  	v3 =	vld.idx.msk [tilespmem:v3+s25+$0x0], $0xffff;
	v6 =	vbroadcast v50, $0x0;
	v51 =	vand.u32 $0xFFFFFFFB, v11;
	v15 =	vmov s11;
	s11 =	sadd.s32 $0xFFFFFFFF, s8  }
0x163: {  	v8 =	vld.idx.msk [tilespmem:v7+s25+$0x0], $0xffff;
	v7 =	vbroadcast v51, $0x0;
	v53 =	vand.u32 $0xFFFFFFFD, v15;
	v16 =	vmov s11  }
0x164: {  	v5 =	vld.idx.msk [tilespmem:v4+s25+$0x0], $0xffff;
	v17 =	vbroadcast v53, $0x0;
	v54 =	vand.u32 $0xFFFFFFFE, v16  }
0x165: {  	v11 =	vld.idx.msk [tilespmem:v9+s25+$0x0], $0xffff;
	v18 =	vbroadcast v54, $0x0  }
0x166: {  	v47 =	vand.u32 $0xFFFFFFF8, v46;
	v52 =	vand.u32 $0xFFFFFFFC, v13;
	v13 =	vld.idx.msk [tilespmem:v10+s25+$0x0], $0xffff  }
0x167: {  	v14 =	vbroadcast v47, $0x0;
	v15 =	vld.idx.msk [tilespmem:v12+s25+$0x0], $0xffff  }
0x168: {  	v12 =	vld.idx.msk [tilespmem:v6+s25+$0x0], $0xffff  }
0x169: {  	v10 =	vld.idx.msk [tilespmem:v7+s25+$0x0], $0xffff  }
0x16a: {  	v9 =	vbroadcast v52, $0x0;
	v7 =	vld.idx.msk [tilespmem:v17+s25+$0x0], $0xffff  }
0x16b: {  	v17 =	vmul.f32 v56, v1;
	v6 =	vld.idx.msk [tilespmem:v18+s25+$0x0], $0xffff;
	v18 =	vmul.f32 v57, v2  }
0x16c: {  	v29 =	vld [tilespmem:s3+$0x180];
	v19 =	vmul.f32 v19, v3  }
0x16d: {  	v16 =	vld.idx.msk [tilespmem:v14+s25+$0x0], $0xffff;
	v58 =	vmul.f32 v20, v5;
	v17 =	vmax.f32 v17, v18  }
0x16e: {  	v14 =	vld.idx.msk [tilespmem:v49+s25+$0x0], $0xffff;
	v60 =	vmul.f32 v21, v8;
	v17 =	vmax.f32 v17, v19  }
0x16f: {  	v55 =	vmov s8;
	v31 =	vld [tilespmem:s3+$0x200];
	v62 =	vmul.f32 v22, v11;
	v17 =	vmax.f32 v17, v58  }
0x170: {  	v25 =	vmov s9;
	v33 =	vld [tilespmem:s3+$0x280];
	v28 =	vmul.f32 v23, v13;
	v17 =	vmax.f32 v17, v60  }
0x171: {  	v9 =	vld.idx.msk [tilespmem:v9+s25+$0x0], $0xffff;
	v30 =	vmul.f32 v24, v15;
	v17 =	vmax.f32 v17, v62  }
0x172: {  	v35 =	vld [tilespmem:s3+$0x300];
	v32 =	vmul.f32 v59, v16;
	v17 =	vmax.f32 v17, v28  }
0x173: {  	v26 =	vld [tilespmem:s3+$0x380];
	v34 =	vmul.f32 v61, v14;
	v17 =	vmax.f32 v17, v30  }
0x174: {  	v4 =	vld.idx.msk [tilespmem:v55+s25+$0x0], $0xffff;
	v22 =	vmul.f32 v63, v12;
	v19 =	vmax.f32 v17, v32  }
0x175: {  	v36 =	vmul.f32 v29, v10;
	v17 =	vld.idx.msk [tilespmem:v25+s23+$0x0], $0xffff;
	v18 =	vmax.f32 v19, v34  }
0x176: {  	v37 =	vmul.f32 v31, v9;
	v18 =	vmax.f32 v18, v22  }
0x177: {  	v38 =	vmul.f32 v33, v7;
	v18 =	vmax.f32 v18, v36  }
0x178: {  	v40 =	vld [tilespmem:s6+$0x11700];
	v39 =	vmul.f32 v35, v6;
	v18 =	vmax.f32 v18, v37  }
0x179: {  	v42 =	vld [tilespmem:s10+$0xFFFFFF90];
	v41 =	vmul.f32 v26, v4;
	v19 =	vmax.f32 v18, v38  }
0x17a: {  	v18 =	vsub.f32 $1.000000000e+00, v17;
	v19 =	vmax.f32 v19, v39  }
0x17b: {  	v19 =	vmax.f32 v19, v41  }
0x17c: {  	v19 =	vmul.f32 v19, v18;
	_ =	sdelay $0x1  }
0x17d: {  	v43 =	vmul.f32 v42, v17;
	v19 =	vadd.f32 v19, v40;
	_ =	sdelay $0x1  }
0x17e: {  	v19 =	vadd.f32 v19, v43;
	_ =	sdelay $0x1  }
0x17f: {  	[tilespmem:s6+$0x11700] =	vst v19  }
0x180: {  	v19 =	vld [tilespmem:s3+$0xFFFFFC10]  }
0x181: {  	v44 =	vld [tilespmem:s3+$0xFFFFFC90]  }
0x182: {  	v45 =	vld [tilespmem:s3+$0xFFFFFD10]  }
0x183: {  	v46 =	vld [tilespmem:s3+$0xFFFFFD90]  }
0x184: {  	v47 =	vld [tilespmem:s3+$0xFFFFFE10]  }
0x185: {  	v48 =	vld [tilespmem:s3+$0xFFFFFE90]  }
0x186: {  	v49 =	vld [tilespmem:s3+$0xFFFFFF10];
	v19 =	vmul.f32 v19, v1;
	v20 =	vmul.f32 v44, v2  }
0x187: {  	v50 =	vld [tilespmem:s3+$0xFFFFFF90];
	v21 =	vmul.f32 v45, v3  }
0x188: {  	v52 =	vld [tilespmem:s3+$0x10];
	v51 =	vmul.f32 v46, v5;
	v19 =	vmax.f32 v19, v20  }
0x189: {  	v54 =	vld [tilespmem:s3+$0x90];
	v53 =	vmul.f32 v47, v8;
	v19 =	vmax.f32 v19, v21  }
0x18a: {  	v56 =	vld [tilespmem:s3+$0x110];
	v55 =	vmul.f32 v48, v11;
	v19 =	vmax.f32 v19, v51  }
0x18b: {  	v58 =	vld [tilespmem:s3+$0x190];
	v57 =	vmul.f32 v49, v13;
	v19 =	vmax.f32 v19, v53  }
0x18c: {  	v60 =	vld [tilespmem:s3+$0x210];
	v59 =	vmul.f32 v50, v15;
	v19 =	vmax.f32 v19, v55  }
0x18d: {  	v62 =	vld [tilespmem:s3+$0x290];
	v61 =	vmul.f32 v52, v16;
	v19 =	vmax.f32 v19, v57  }
0x18e: {  	v28 =	vld [tilespmem:s3+$0x310];
	v63 =	vmul.f32 v54, v14;
	v19 =	vmax.f32 v19, v59  }
0x18f: {  	v30 =	vld [tilespmem:s3+$0x390];
	v29 =	vmul.f32 v56, v12;
	v19 =	vmax.f32 v19, v61  }
0x190: {  	v31 =	vmul.f32 v58, v10;
	v19 =	vmax.f32 v19, v63  }
0x191: {  	v32 =	vmul.f32 v60, v9;
	v19 =	vmax.f32 v19, v29  }
0x192: {  	v33 =	vmul.f32 v62, v7;
	v19 =	vmax.f32 v19, v31  }
0x193: {  	v35 =	vld [tilespmem:s6+$0x11710];
	v34 =	vmul.f32 v28, v6;
	v19 =	vmax.f32 v19, v32  }
0x194: {  	v37 =	vld [tilespmem:s10+$0xFFFFFFA0];
	v36 =	vmul.f32 v30, v4;
	v19 =	vmax.f32 v19, v33  }
0x195: {  	v19 =	vmax.f32 v19, v34  }
0x196: {  	v19 =	vmax.f32 v19, v36  }
0x197: {  	v19 =	vmul.f32 v19, v18;
	_ =	sdelay $0x1  }
0x198: {  	v38 =	vmul.f32 v37, v17;
	v19 =	vadd.f32 v19, v35;
	_ =	sdelay $0x1  }
0x199: {  	v19 =	vadd.f32 v19, v38;
	_ =	sdelay $0x1  }
0x19a: {  	[tilespmem:s6+$0x11710] =	vst v19  }
0x19b: {  	v19 =	vld [tilespmem:s3+$0xFFFFFC20]  }
0x19c: {  	v39 =	vld [tilespmem:s3+$0xFFFFFCA0]  }
0x19d: {  	v40 =	vld [tilespmem:s3+$0xFFFFFD20]  }
0x19e: {  	v41 =	vld [tilespmem:s3+$0xFFFFFDA0]  }
0x19f: {  	v42 =	vld [tilespmem:s3+$0xFFFFFE20]  }
0x1a0: {  	v43 =	vld [tilespmem:s3+$0xFFFFFEA0]  }
0x1a1: {  	v44 =	vld [tilespmem:s3+$0xFFFFFF20];
	v19 =	vmul.f32 v19, v1;
	v20 =	vmul.f32 v39, v2  }
0x1a2: {  	v45 =	vld [tilespmem:s3+$0xFFFFFFA0];
	v21 =	vmul.f32 v40, v3  }
0x1a3: {  	v47 =	vld [tilespmem:s3+$0x20];
	v46 =	vmul.f32 v41, v5;
	v19 =	vmax.f32 v19, v20  }
0x1a4: {  	v49 =	vld [tilespmem:s3+$0xA0];
	v48 =	vmul.f32 v42, v8;
	v19 =	vmax.f32 v19, v21  }
0x1a5: {  	v51 =	vld [tilespmem:s3+$0x120];
	v50 =	vmul.f32 v43, v11;
	v19 =	vmax.f32 v19, v46  }
0x1a6: {  	v53 =	vld [tilespmem:s3+$0x1A0];
	v52 =	vmul.f32 v44, v13;
	v19 =	vmax.f32 v19, v48  }
0x1a7: {  	v55 =	vld [tilespmem:s3+$0x220];
	v54 =	vmul.f32 v45, v15;
	v19 =	vmax.f32 v19, v50  }
0x1a8: {  	v57 =	vld [tilespmem:s3+$0x2A0];
	v56 =	vmul.f32 v47, v16;
	v19 =	vmax.f32 v19, v52  }
0x1a9: {  	v59 =	vld [tilespmem:s3+$0x320];
	v58 =	vmul.f32 v49, v14;
	v19 =	vmax.f32 v19, v54  }
0x1aa: {  	v61 =	vld [tilespmem:s3+$0x3A0];
	v60 =	vmul.f32 v51, v12;
	v19 =	vmax.f32 v19, v56  }
0x1ab: {  	v62 =	vmul.f32 v53, v10;
	v19 =	vmax.f32 v19, v58  }
0x1ac: {  	v63 =	vmul.f32 v55, v9;
	v19 =	vmax.f32 v19, v60  }
0x1ad: {  	v25 =	vmul.f32 v57, v7;
	v19 =	vmax.f32 v19, v62  }
0x1ae: {  	v27 =	vld [tilespmem:s6+$0x11720];
	v26 =	vmul.f32 v59, v6;
	v19 =	vmax.f32 v19, v63  }
0x1af: {  	v29 =	vld [tilespmem:s10+$0xFFFFFFB0];
	v28 =	vmul.f32 v61, v4;
	v19 =	vmax.f32 v19, v25  }
0x1b0: {  	v19 =	vmax.f32 v19, v26  }
0x1b1: {  	v19 =	vmax.f32 v19, v28  }
0x1b2: {  	v19 =	vmul.f32 v19, v18;
	_ =	sdelay $0x1  }
0x1b3: {  	v30 =	vmul.f32 v29, v17;
	v19 =	vadd.f32 v19, v27;
	_ =	sdelay $0x1  }
0x1b4: {  	v19 =	vadd.f32 v19, v30;
	_ =	sdelay $0x1  }
0x1b5: {  	[tilespmem:s6+$0x11720] =	vst v19  }
0x1b6: {  	v19 =	vld [tilespmem:s3+$0xFFFFFC30]  }
0x1b7: {  	v31 =	vld [tilespmem:s3+$0xFFFFFCB0]  }
0x1b8: {  	v32 =	vld [tilespmem:s3+$0xFFFFFD30]  }
0x1b9: {  	v33 =	vld [tilespmem:s3+$0xFFFFFDB0]  }
0x1ba: {  	v34 =	vld [tilespmem:s3+$0xFFFFFE30]  }
0x1bb: {  	v35 =	vld [tilespmem:s3+$0xFFFFFEB0]  }
0x1bc: {  	v36 =	vld [tilespmem:s3+$0xFFFFFF30];
	v19 =	vmul.f32 v19, v1;
	v20 =	vmul.f32 v31, v2  }
0x1bd: {  	v37 =	vld [tilespmem:s3+$0xFFFFFFB0];
	v21 =	vmul.f32 v32, v3  }
0x1be: {  	v39 =	vld [tilespmem:s3+$0x30];
	v38 =	vmul.f32 v33, v5;
	v19 =	vmax.f32 v19, v20  }
0x1bf: {  	v41 =	vld [tilespmem:s3+$0xB0];
	v40 =	vmul.f32 v34, v8;
	v19 =	vmax.f32 v19, v21  }
0x1c0: {  	v43 =	vld [tilespmem:s3+$0x130];
	v42 =	vmul.f32 v35, v11;
	v19 =	vmax.f32 v19, v38  }
0x1c1: {  	v45 =	vld [tilespmem:s3+$0x1B0];
	v44 =	vmul.f32 v36, v13;
	v19 =	vmax.f32 v19, v40  }
0x1c2: {  	v47 =	vld [tilespmem:s3+$0x230];
	v46 =	vmul.f32 v37, v15;
	v19 =	vmax.f32 v19, v42  }
0x1c3: {  	v49 =	vld [tilespmem:s3+$0x2B0];
	v48 =	vmul.f32 v39, v16;
	v19 =	vmax.f32 v19, v44  }
0x1c4: {  	v51 =	vld [tilespmem:s3+$0x330];
	v50 =	vmul.f32 v41, v14;
	v19 =	vmax.f32 v19, v46  }
0x1c5: {  	v53 =	vld [tilespmem:s3+$0x3B0];
	v52 =	vmul.f32 v43, v12;
	v19 =	vmax.f32 v19, v48  }
0x1c6: {  	v54 =	vmul.f32 v45, v10;
	v19 =	vmax.f32 v19, v50  }
0x1c7: {  	v55 =	vmul.f32 v47, v9;
	v19 =	vmax.f32 v19, v52  }
0x1c8: {  	v56 =	vmul.f32 v49, v7;
	v19 =	vmax.f32 v19, v54  }
0x1c9: {  	v58 =	vld [tilespmem:s6+$0x11730];
	v57 =	vmul.f32 v51, v6;
	v19 =	vmax.f32 v19, v55  }
0x1ca: {  	v60 =	vld [tilespmem:s10+$0xFFFFFFC0];
	v59 =	vmul.f32 v53, v4;
	v19 =	vmax.f32 v19, v56  }
0x1cb: {  	v19 =	vmax.f32 v19, v57  }
0x1cc: {  	v19 =	vmax.f32 v19, v59  }
0x1cd: {  	v19 =	vmul.f32 v19, v18;
	_ =	sdelay $0x1  }
0x1ce: {  	v61 =	vmul.f32 v60, v17;
	v19 =	vadd.f32 v19, v58;
	_ =	sdelay $0x1  }
0x1cf: {  	v19 =	vadd.f32 v19, v61;
	_ =	sdelay $0x1  }
0x1d0: {  	[tilespmem:s6+$0x11730] =	vst v19  }
0x1d1: {  	v19 =	vld [tilespmem:s3+$0xFFFFFC40]  }
0x1d2: {  	v62 =	vld [tilespmem:s3+$0xFFFFFCC0]  }
0x1d3: {  	v63 =	vld [tilespmem:s3+$0xFFFFFD40]  }
0x1d4: {  	v28 =	vld [tilespmem:s3+$0xFFFFFDC0]  }
0x1d5: {  	v29 =	vld [tilespmem:s3+$0xFFFFFE40]  }
0x1d6: {  	v30 =	vld [tilespmem:s3+$0xFFFFFEC0]  }
0x1d7: {  	v31 =	vld [tilespmem:s3+$0xFFFFFF40];
	v19 =	vmul.f32 v19, v1;
	v20 =	vmul.f32 v62, v2  }
0x1d8: {  	v32 =	vld [tilespmem:s3+$0xFFFFFFC0];
	v21 =	vmul.f32 v63, v3  }
0x1d9: {  	v34 =	vld [tilespmem:s3+$0x40];
	v33 =	vmul.f32 v28, v5;
	v19 =	vmax.f32 v19, v20  }
0x1da: {  	v36 =	vld [tilespmem:s3+$0xC0];
	v35 =	vmul.f32 v29, v8;
	v19 =	vmax.f32 v19, v21  }
0x1db: {  	v38 =	vld [tilespmem:s3+$0x140];
	v37 =	vmul.f32 v30, v11;
	v19 =	vmax.f32 v19, v33  }
0x1dc: {  	v40 =	vld [tilespmem:s3+$0x1C0];
	v39 =	vmul.f32 v31, v13;
	v19 =	vmax.f32 v19, v35  }
0x1dd: {  	v42 =	vld [tilespmem:s3+$0x240];
	v41 =	vmul.f32 v32, v15;
	v19 =	vmax.f32 v19, v37  }
0x1de: {  	v44 =	vld [tilespmem:s3+$0x2C0];
	v43 =	vmul.f32 v34, v16;
	v19 =	vmax.f32 v19, v39  }
0x1df: {  	v46 =	vld [tilespmem:s3+$0x340];
	v45 =	vmul.f32 v36, v14;
	v19 =	vmax.f32 v19, v41  }
0x1e0: {  	v48 =	vld [tilespmem:s3+$0x3C0];
	v47 =	vmul.f32 v38, v12;
	v19 =	vmax.f32 v19, v43  }
0x1e1: {  	v49 =	vmul.f32 v40, v10;
	v19 =	vmax.f32 v19, v45  }
0x1e2: {  	v50 =	vmul.f32 v42, v9;
	v19 =	vmax.f32 v19, v47  }
0x1e3: {  	v51 =	vmul.f32 v44, v7;
	v19 =	vmax.f32 v19, v49  }
0x1e4: {  	v53 =	vld [tilespmem:s6+$0x11740];
	v52 =	vmul.f32 v46, v6;
	v19 =	vmax.f32 v19, v50  }
0x1e5: {  	v55 =	vld [tilespmem:s10+$0xFFFFFFD0];
	v54 =	vmul.f32 v48, v4;
	v19 =	vmax.f32 v19, v51  }
0x1e6: {  	v19 =	vmax.f32 v19, v52  }
0x1e7: {  	v19 =	vmax.f32 v19, v54  }
0x1e8: {  	v19 =	vmul.f32 v19, v18;
	_ =	sdelay $0x1  }
0x1e9: {  	v56 =	vmul.f32 v55, v17;
	v19 =	vadd.f32 v19, v53;
	_ =	sdelay $0x1  }
0x1ea: {  	v19 =	vadd.f32 v19, v56;
	_ =	sdelay $0x1  }
0x1eb: {  	[tilespmem:s6+$0x11740] =	vst v19  }
0x1ec: {  	v19 =	vld [tilespmem:s3+$0xFFFFFC50]  }
0x1ed: {  	v57 =	vld [tilespmem:s3+$0xFFFFFCD0]  }
0x1ee: {  	v58 =	vld [tilespmem:s3+$0xFFFFFD50]  }
0x1ef: {  	v59 =	vld [tilespmem:s3+$0xFFFFFDD0]  }
0x1f0: {  	v60 =	vld [tilespmem:s3+$0xFFFFFE50]  }
0x1f1: {  	v61 =	vld [tilespmem:s3+$0xFFFFFED0]  }
0x1f2: {  	v62 =	vld [tilespmem:s3+$0xFFFFFF50];
	v19 =	vmul.f32 v19, v1;
	v20 =	vmul.f32 v57, v2  }
0x1f3: {  	v63 =	vld [tilespmem:s3+$0xFFFFFFD0];
	v21 =	vmul.f32 v58, v3  }
0x1f4: {  	v29 =	vld [tilespmem:s3+$0x50];
	v28 =	vmul.f32 v59, v5;
	v19 =	vmax.f32 v19, v20  }
0x1f5: {  	v31 =	vld [tilespmem:s3+$0xD0];
	v30 =	vmul.f32 v60, v8;
	v19 =	vmax.f32 v19, v21  }
0x1f6: {  	v33 =	vld [tilespmem:s3+$0x150];
	v32 =	vmul.f32 v61, v11;
	v19 =	vmax.f32 v19, v28  }
0x1f7: {  	v35 =	vld [tilespmem:s3+$0x1D0];
	v34 =	vmul.f32 v62, v13;
	v19 =	vmax.f32 v19, v30  }
0x1f8: {  	v37 =	vld [tilespmem:s3+$0x250];
	v36 =	vmul.f32 v63, v15;
	v19 =	vmax.f32 v19, v32  }
0x1f9: {  	v39 =	vld [tilespmem:s3+$0x2D0];
	v38 =	vmul.f32 v29, v16;
	v19 =	vmax.f32 v19, v34  }
0x1fa: {  	v41 =	vld [tilespmem:s3+$0x350];
	v40 =	vmul.f32 v31, v14;
	v19 =	vmax.f32 v19, v36  }
0x1fb: {  	v43 =	vld [tilespmem:s3+$0x3D0];
	v42 =	vmul.f32 v33, v12;
	v19 =	vmax.f32 v19, v38  }
0x1fc: {  	v44 =	vmul.f32 v35, v10;
	v19 =	vmax.f32 v19, v40  }
0x1fd: {  	v45 =	vmul.f32 v37, v9;
	v19 =	vmax.f32 v19, v42  }
0x1fe: {  	v46 =	vmul.f32 v39, v7;
	v19 =	vmax.f32 v19, v44  }
0x1ff: {  	v48 =	vld [tilespmem:s6+$0x11750];
	v47 =	vmul.f32 v41, v6;
	v19 =	vmax.f32 v19, v45  }
0x200: {  	v50 =	vld [tilespmem:s10+$0xFFFFFFE0];
	v49 =	vmul.f32 v43, v4;
	v19 =	vmax.f32 v19, v46  }
0x201: {  	v19 =	vmax.f32 v19, v47  }
0x202: {  	v19 =	vmax.f32 v19, v49  }
0x203: {  	v19 =	vmul.f32 v19, v18;
	_ =	sdelay $0x1  }
0x204: {  	v51 =	vmul.f32 v50, v17;
	v19 =	vadd.f32 v19, v48;
	_ =	sdelay $0x1  }
0x205: {  	v19 =	vadd.f32 v19, v51;
	_ =	sdelay $0x1  }
0x206: {  	[tilespmem:s6+$0x11750] =	vst v19  }
0x207: {  	v19 =	vld [tilespmem:s3+$0xFFFFFC60]  }
0x208: {  	v52 =	vld [tilespmem:s3+$0xFFFFFCE0]  }
0x209: {  	v53 =	vld [tilespmem:s3+$0xFFFFFD60]  }
0x20a: {  	v54 =	vld [tilespmem:s3+$0xFFFFFDE0]  }
0x20b: {  	v55 =	vld [tilespmem:s3+$0xFFFFFE60]  }
0x20c: {  	v56 =	vld [tilespmem:s3+$0xFFFFFEE0]  }
0x20d: {  	v57 =	vld [tilespmem:s3+$0xFFFFFF60];
	v19 =	vmul.f32 v19, v1;
	v20 =	vmul.f32 v52, v2  }
0x20e: {  	v58 =	vld [tilespmem:s3+$0xFFFFFFE0];
	v21 =	vmul.f32 v53, v3  }
0x20f: {  	v60 =	vld [tilespmem:s3+$0x60];
	v59 =	vmul.f32 v54, v5;
	v19 =	vmax.f32 v19, v20  }
0x210: {  	v62 =	vld [tilespmem:s3+$0xE0];
	v61 =	vmul.f32 v55, v8;
	v19 =	vmax.f32 v19, v21  }
0x211: {  	v28 =	vld [tilespmem:s3+$0x160];
	v63 =	vmul.f32 v56, v11;
	v19 =	vmax.f32 v19, v59  }
0x212: {  	v30 =	vld [tilespmem:s3+$0x1E0];
	v29 =	vmul.f32 v57, v13;
	v19 =	vmax.f32 v19, v61  }
0x213: {  	v32 =	vld [tilespmem:s3+$0x260];
	v31 =	vmul.f32 v58, v15;
	v19 =	vmax.f32 v19, v63  }
0x214: {  	v34 =	vld [tilespmem:s3+$0x2E0];
	v33 =	vmul.f32 v60, v16;
	v19 =	vmax.f32 v19, v29  }
0x215: {  	v36 =	vld [tilespmem:s3+$0x360];
	v35 =	vmul.f32 v62, v14;
	v19 =	vmax.f32 v19, v31  }
0x216: {  	v38 =	vld [tilespmem:s3+$0x3E0];
	v37 =	vmul.f32 v28, v12;
	v19 =	vmax.f32 v19, v33  }
0x217: {  	v39 =	vmul.f32 v30, v10;
	v19 =	vmax.f32 v19, v35  }
0x218: {  	v40 =	vmul.f32 v32, v9;
	v19 =	vmax.f32 v19, v37  }
0x219: {  	v41 =	vmul.f32 v34, v7;
	v19 =	vmax.f32 v19, v39  }
0x21a: {  	v43 =	vld [tilespmem:s6+$0x11760];
	v42 =	vmul.f32 v36, v6;
	v19 =	vmax.f32 v19, v40  }
0x21b: {  	v45 =	vld [tilespmem:s10+$0xFFFFFFF0];
	v44 =	vmul.f32 v38, v4;
	v19 =	vmax.f32 v19, v41  }
0x21c: {  	v19 =	vmax.f32 v19, v42  }
0x21d: {  	v19 =	vmax.f32 v19, v44  }
0x21e: {  	v19 =	vmul.f32 v19, v18;
	_ =	sdelay $0x1  }
0x21f: {  	v46 =	vmul.f32 v45, v17;
	v19 =	vadd.f32 v19, v43;
	_ =	sdelay $0x1  }
0x220: {  	v19 =	vadd.f32 v19, v46;
	_ =	sdelay $0x1  }
0x221: {  	[tilespmem:s6+$0x11760] =	vst v19  }
0x222: {  	v19 =	vld [tilespmem:s3+$0xFFFFFC70]  }
0x223: {  	v47 =	vld [tilespmem:s3+$0xFFFFFCF0]  }
0x224: {  	v48 =	vld [tilespmem:s3+$0xFFFFFD70]  }
0x225: {  	v49 =	vld [tilespmem:s3+$0xFFFFFDF0]  }
0x226: {  	v50 =	vld [tilespmem:s3+$0xFFFFFE70]  }
0x227: {  	v51 =	vld [tilespmem:s3+$0xFFFFFEF0]  }
0x228: {  	v52 =	vld [tilespmem:s3+$0xFFFFFF70];
	v1 =	vmul.f32 v19, v1;
	v2 =	vmul.f32 v47, v2  }
0x229: {  	v53 =	vld [tilespmem:s3+$0xFFFFFFF0];
	v3 =	vmul.f32 v48, v3  }
0x22a: {  	v54 =	vld [tilespmem:s3+$0x70];
	v1 =	vmax.f32 v1, v2;
	v2 =	vmul.f32 v49, v5  }
0x22b: {  	v55 =	vld [tilespmem:s3+$0xF0];
	v1 =	vmax.f32 v1, v3;
	v3 =	vmul.f32 v50, v8  }
0x22c: {  	v56 =	vld [tilespmem:s3+$0x170];
	v1 =	vmax.f32 v1, v2;
	v2 =	vmul.f32 v51, v11  }
0x22d: {  	v57 =	vld [tilespmem:s3+$0x1F0];
	v1 =	vmax.f32 v1, v3;
	v3 =	vmul.f32 v52, v13  }
0x22e: {  	v58 =	vld [tilespmem:s3+$0x270];
	v1 =	vmax.f32 v1, v2;
	v2 =	vmul.f32 v53, v15  }
0x22f: {  	v59 =	vld [tilespmem:s3+$0x2F0];
	v1 =	vmax.f32 v1, v3;
	v3 =	vmul.f32 v54, v16  }
0x230: {  	v60 =	vld [tilespmem:s3+$0x370];
	v1 =	vmax.f32 v1, v2;
	v2 =	vmul.f32 v55, v14  }
0x231: {  	v61 =	vld [tilespmem:s3+$0x3F0];
	v1 =	vmax.f32 v1, v3;
	v3 =	vmul.f32 v56, v12  }
0x232: {  	v1 =	vmax.f32 v1, v2;
	v2 =	vmul.f32 v57, v10  }
0x233: {  	v1 =	vmax.f32 v1, v3;
	v3 =	vmul.f32 v58, v9  }
0x234: {  	v1 =	vmax.f32 v1, v2;
	v2 =	vmul.f32 v59, v7  }
0x235: {  	v62 =	vld [tilespmem:s6+$0x11770];
	v1 =	vmax.f32 v1, v3;
	v3 =	vmul.f32 v60, v6  }
0x236: {  	v63 =	vld [tilespmem:s10+$0x0];
	v1 =	vmax.f32 v1, v2;
	v2 =	vmul.f32 v61, v4  }
0x237: {  	v1 =	vmax.f32 v1, v3  }
0x238: {  	v1 =	vmax.f32 v1, v2  }
0x239: {  	v1 =	vmul.f32 v1, v18  }
0x23a: {  	p0 =	sne.s32 s8, $0x9F  }
.Ltmp1:
0x23b: {  	v2 =	vmul.f32 v63, v17;
	v1 =	vadd.f32 v1, v62;
	(pc) =	sbr.rel @p0 .LBB2_5-.Ltmp1, $4  }
0x23c: {  	_ = 	snop  }
0x23d: {  	v1 =	vadd.f32 v1, v2  }
0x23e: {  	s9 =	sadd.s32 $0x1, s9  }
0x23f: {  	s8 =	sadd.s32 $0x10, s8;
	s10 =	sadd.s32 $0x80, s10;
	s3 =	sadd.s32 $0x800, s3;
	[tilespmem:s6+$0x11770] =	vst v1  }
0x240: {  	s3 =	sadd.s32 $0x4A0, s7  }
0x241: {  	[tilespmem:s24], [sflag:$0x2] =	stream.indirect.gather [hbm4b:s4+s14], $0x80, s3, s14, $0xb8;
	[tilespmem:$0x12700] =	vst v63  }
0x242: {  	s9 =	sadd.s32 $0x2CA0, s7  }
0x243: {  	[tilespmem:s25], [sflag:$0x2] =	stream.indirect.gather [hbm4b:s5+s14], $0x1, s9, s14, $0xb8;
	[tilespmem:$0x12700] =	vst v63  }
0x244: {  	s10 =	sadd.s32 $0x4F0, s7  }
0x245: {  	[tilespmem:s26], [sflag:$0x2] =	stream.indirect.gather [hbm4b:s4+s14], $0x80, s10, s14, $0xb8;
	[tilespmem:$0x12700] =	vst v63  }
0x246: {  	s11 =	sadd.s32 $0x2CF0, s7  }
0x247: {  	[tilespmem:s28], [sflag:$0x2] =	stream.indirect.gather [hbm4b:s5+s14], $0x1, s11, s14, $0xb8;
	[tilespmem:$0x12700] =	vst v63  }
0x248: {  	_ =	swait.ge [sflag:s29], $0x2800  }
0x249: {  	[sflag:s29] =	ssyncset.done $0x0  }
0x24a: {  	[sflag:s29] =	ssyncadd.s32 $0xFFFFD800  }
0x24b: {  	_ =	swait.ge [sflag:s29], $0x50  }
0x24c: {  	[sflag:s29] =	ssyncset.done $0x0  }
0x24d: {  	[sflag:s29] =	ssyncadd.s32 $0xFFFFFFB0  }
0x24e: {  	_ =	swait.ge [sflag:s29], $0x2800  }
0x24f: {  	[sflag:s29] =	ssyncset.done $0x0  }
0x250: {  	[sflag:s29] =	ssyncadd.s32 $0xFFFFD800  }
0x251: {  	_ =	swait.ge [sflag:s29], $0x50  }
0x252: {  	[sflag:s29] =	ssyncset.done $0x0  }
0x253: {  	[sflag:s29] =	ssyncadd.s32 $0xFFFFFFB0  }
0x254: {  	_ =	swait.ge [sflag:s17], $0x1000  }
0x255: {  	[sflag:s17] =	ssyncset.done $0x0  }
0x256: {  	[sflag:s17] =	ssyncadd.s32 $0xFFFFF000  }
0x257: {  	_ =	swait.ge [sflag:s17], $0x20  }
0x258: {  	[sflag:s17] =	ssyncset.done $0x0  }
0x259: {  	[sflag:s17] =	ssyncadd.s32 $0xFFFFFFE0  }
0x25a: {  	[tilespmem:s12+$0x11700] =	vst v0  }
0x25b: {  	[tilespmem:s12+$0x11710] =	vst v0  }
0x25c: {  	[tilespmem:s12+$0x11720] =	vst v0  }
0x25d: {  	[tilespmem:s12+$0x11730] =	vst v0  }
0x25e: {  	[tilespmem:s12+$0x11740] =	vst v0  }
0x25f: {  	[tilespmem:s12+$0x11750] =	vst v0  }
0x260: {  	s6 =	simm.s32 $0x0;
	[tilespmem:s12+$0x11760] =	vst v0  }
0x261: {  	s7 =	simm.s32 $0xF;
	s8 =	simm.s32 $0x10640;
	s3 =	simm.s32 $0x5800;
	[tilespmem:s12+$0x11770] =	vst v0  }
.LBB2_7:
0x262: {  	v56 =	vld [tilespmem:s3+$0xFFFFFC00]  }
0x263: {  	s9 =	sadd.s32 $0xFFFFFFF1, s7;
	s10 =	sadd.s32 $0xFFFFFFF2, s7;
	v57 =	vld [tilespmem:s3+$0xFFFFFC80]  }
0x264: {  	s11 =	sadd.s32 $0xFFFFFFF3, s7;
	v19 =	vld [tilespmem:s3+$0xFFFFFD00];
	v1 =	vmov s9;
	v2 =	vmov s10  }
0x265: {  	v20 =	vld [tilespmem:s3+$0xFFFFFD80];
	v3 =	vmov s11;
	s10 =	sadd.s32 $0xFFFFFFF4, s7;
	v1 =	vand.u32 $0xFFFFFFF0, v1;
	v2 =	vand.u32 $0xFFFFFFF1, v2  }
0x266: {  	v21 =	vld [tilespmem:s3+$0xFFFFFE00];
	s11 =	sadd.s32 $0xFFFFFFF5, s7;
	v3 =	vand.u32 $0xFFFFFFF2, v3;
	v4 =	vmov s10;
	v1 =	vbroadcast v1, $0x0  }
0x267: {  	v22 =	vld [tilespmem:s3+$0xFFFFFE80];
	v5 =	vmov s11;
	s10 =	sadd.s32 $0xFFFFFFF6, s7;
	v2 =	vbroadcast v2, $0x0;
	v3 =	vbroadcast v3, $0x0  }
0x268: {  	v23 =	vld [tilespmem:s3+$0xFFFFFF00];
	s11 =	sadd.s32 $0xFFFFFFF7, s7;
	v4 =	vand.u32 $0xFFFFFFF3, v4;
	v5 =	vand.u32 $0xFFFFFFF4, v5;
	v6 =	vmov s10  }
0x269: {  	v24 =	vld [tilespmem:s3+$0xFFFFFF80];
	v42 =	vmov s11;
	s10 =	sadd.s32 $0xFFFFFFF8, s7;
	v4 =	vbroadcast v4, $0x0;
	v7 =	vbroadcast v5, $0x0  }
0x26a: {  	v59 =	vld [tilespmem:s3+$0x0];
	s11 =	sadd.s32 $0xFFFFFFF9, s7;
	v41 =	vand.u32 $0xFFFFFFF5, v6;
	v43 =	vand.u32 $0xFFFFFFF6, v42;
	v44 =	vmov s10  }
0x26b: {  	v61 =	vld [tilespmem:s3+$0x80];
	v46 =	vmov s11;
	s10 =	sadd.s32 $0xFFFFFFFA, s7;
	s11 =	sadd.s32 $0xFFFFFFFB, s7;
	v9 =	vbroadcast v41, $0x0;
	v10 =	vbroadcast v43, $0x0  }
0x26c: {  	v63 =	vld [tilespmem:s3+$0x100];
	v45 =	vand.u32 $0xFFFFFFF7, v44;
	v48 =	vmov s10;
	v8 =	vmov s11;
	s11 =	sadd.s32 $0xFFFFFFFD, s7  }
0x26d: {  	s10 =	sadd.s32 $0xFFFFFFFC, s7;
	v12 =	vbroadcast v45, $0x0;
	v6 =	vand.u32 $0xFFFFFFF9, v48;
	v13 =	vmov s11;
	s11 =	sadd.s32 $0xFFFFFFFF, s7;
	v1 =	vld.idx.msk [tilespmem:v1+s16+$0x0], $0xffff  }
0x26e: {  	v50 =	vand.u32 $0xFFFFFFFA, v8;
	v11 =	vmov s10;
	v16 =	vmov s11;
	v2 =	vld.idx.msk [tilespmem:v2+s16+$0x0], $0xffff  }
0x26f: {  	s10 =	sadd.s32 $0xFFFFFFFE, s7;
	v49 =	vbroadcast v6, $0x0;
	v6 =	vbroadcast v50, $0x0;
	v54 =	vand.u32 $0xFFFFFFFE, v16;
	v3 =	vld.idx.msk [tilespmem:v3+s16+$0x0], $0xffff  }
0x270: {  	v51 =	vand.u32 $0xFFFFFFFB, v11;
	v15 =	vmov s10;
	v18 =	vbroadcast v54, $0x0;
	v5 =	vld.idx.msk [tilespmem:v4+s16+$0x0], $0xffff  }
0x271: {  	v53 =	vand.u32 $0xFFFFFFFD, v15;
	v8 =	vld.idx.msk [tilespmem:v7+s16+$0x0], $0xffff;
	v7 =	vbroadcast v51, $0x0  }
0x272: {  	v17 =	vbroadcast v53, $0x0;
	v11 =	vld.idx.msk [tilespmem:v9+s16+$0x0], $0xffff  }
0x273: {  	v47 =	vand.u32 $0xFFFFFFF8, v46;
	v52 =	vand.u32 $0xFFFFFFFC, v13;
	v13 =	vld.idx.msk [tilespmem:v10+s16+$0x0], $0xffff  }
0x274: {  	v14 =	vbroadcast v47, $0x0;
	v15 =	vld.idx.msk [tilespmem:v12+s16+$0x0], $0xffff  }
0x275: {  	v12 =	vld.idx.msk [tilespmem:v6+s16+$0x0], $0xffff  }
0x276: {  	v6 =	vld.idx.msk [tilespmem:v18+s16+$0x0], $0xffff  }
0x277: {  	v9 =	vbroadcast v52, $0x0;
	v10 =	vld.idx.msk [tilespmem:v7+s16+$0x0], $0xffff  }
0x278: {  	v18 =	vmul.f32 v57, v2;
	v7 =	vld.idx.msk [tilespmem:v17+s16+$0x0], $0xffff;
	v17 =	vmul.f32 v56, v1  }
0x279: {  	v29 =	vld [tilespmem:s3+$0x180];
	v19 =	vmul.f32 v19, v3  }
0x27a: {  	v16 =	vld.idx.msk [tilespmem:v14+s16+$0x0], $0xffff;
	v58 =	vmul.f32 v20, v5;
	v17 =	vmax.f32 v17, v18  }
0x27b: {  	v14 =	vld.idx.msk [tilespmem:v49+s16+$0x0], $0xffff;
	v60 =	vmul.f32 v21, v8;
	v17 =	vmax.f32 v17, v19  }
0x27c: {  	v55 =	vmov s7;
	v31 =	vld [tilespmem:s3+$0x200];
	v62 =	vmul.f32 v22, v11;
	v17 =	vmax.f32 v17, v58  }
0x27d: {  	v25 =	vmov s6;
	v33 =	vld [tilespmem:s3+$0x280];
	v28 =	vmul.f32 v23, v13;
	v17 =	vmax.f32 v17, v60  }
0x27e: {  	v9 =	vld.idx.msk [tilespmem:v9+s16+$0x0], $0xffff;
	v30 =	vmul.f32 v24, v15;
	v17 =	vmax.f32 v17, v62  }
0x27f: {  	v35 =	vld [tilespmem:s3+$0x300];
	v32 =	vmul.f32 v59, v16;
	v17 =	vmax.f32 v17, v28  }
0x280: {  	v26 =	vld [tilespmem:s3+$0x380];
	v34 =	vmul.f32 v61, v14;
	v17 =	vmax.f32 v17, v30  }
0x281: {  	v4 =	vld.idx.msk [tilespmem:v55+s16+$0x0], $0xffff;
	v22 =	vmul.f32 v63, v12;
	v19 =	vmax.f32 v17, v32  }
0x282: {  	v36 =	vmul.f32 v29, v10;
	v17 =	vld.idx.msk [tilespmem:v25+s0+$0x0], $0xffff;
	v18 =	vmax.f32 v19, v34  }
0x283: {  	v37 =	vmul.f32 v31, v9;
	v18 =	vmax.f32 v18, v22  }
0x284: {  	v38 =	vmul.f32 v33, v7;
	v18 =	vmax.f32 v18, v36  }
0x285: {  	v40 =	vld [tilespmem:s12+$0x11700];
	v39 =	vmul.f32 v35, v6;
	v18 =	vmax.f32 v18, v37  }
0x286: {  	v42 =	vld [tilespmem:s8+$0xFFFFFFC0];
	v41 =	vmul.f32 v26, v4;
	v19 =	vmax.f32 v18, v38  }
0x287: {  	v18 =	vsub.f32 $1.000000000e+00, v17;
	v19 =	vmax.f32 v19, v39  }
0x288: {  	v19 =	vmax.f32 v19, v41  }
0x289: {  	v19 =	vmul.f32 v19, v18;
	_ =	sdelay $0x1  }
0x28a: {  	v43 =	vmul.f32 v42, v17;
	v19 =	vadd.f32 v19, v40;
	_ =	sdelay $0x1  }
0x28b: {  	v19 =	vadd.f32 v19, v43;
	_ =	sdelay $0x1  }
0x28c: {  	[tilespmem:s12+$0x11700] =	vst v19  }
0x28d: {  	v19 =	vld [tilespmem:s3+$0xFFFFFC10]  }
0x28e: {  	v44 =	vld [tilespmem:s3+$0xFFFFFC90]  }
0x28f: {  	v45 =	vld [tilespmem:s3+$0xFFFFFD10]  }
0x290: {  	v46 =	vld [tilespmem:s3+$0xFFFFFD90]  }
0x291: {  	v47 =	vld [tilespmem:s3+$0xFFFFFE10]  }
0x292: {  	v48 =	vld [tilespmem:s3+$0xFFFFFE90]  }
0x293: {  	v49 =	vld [tilespmem:s3+$0xFFFFFF10];
	v19 =	vmul.f32 v19, v1;
	v20 =	vmul.f32 v44, v2  }
0x294: {  	v50 =	vld [tilespmem:s3+$0xFFFFFF90];
	v21 =	vmul.f32 v45, v3  }
0x295: {  	v52 =	vld [tilespmem:s3+$0x10];
	v51 =	vmul.f32 v46, v5;
	v19 =	vmax.f32 v19, v20  }
0x296: {  	v54 =	vld [tilespmem:s3+$0x90];
	v53 =	vmul.f32 v47, v8;
	v19 =	vmax.f32 v19, v21  }
0x297: {  	v56 =	vld [tilespmem:s3+$0x110];
	v55 =	vmul.f32 v48, v11;
	v19 =	vmax.f32 v19, v51  }
0x298: {  	v58 =	vld [tilespmem:s3+$0x190];
	v57 =	vmul.f32 v49, v13;
	v19 =	vmax.f32 v19, v53  }
0x299: {  	v60 =	vld [tilespmem:s3+$0x210];
	v59 =	vmul.f32 v50, v15;
	v19 =	vmax.f32 v19, v55  }
0x29a: {  	v62 =	vld [tilespmem:s3+$0x290];
	v61 =	vmul.f32 v52, v16;
	v19 =	vmax.f32 v19, v57  }
0x29b: {  	v28 =	vld [tilespmem:s3+$0x310];
	v63 =	vmul.f32 v54, v14;
	v19 =	vmax.f32 v19, v59  }
0x29c: {  	v30 =	vld [tilespmem:s3+$0x390];
	v29 =	vmul.f32 v56, v12;
	v19 =	vmax.f32 v19, v61  }
0x29d: {  	v31 =	vmul.f32 v58, v10;
	v19 =	vmax.f32 v19, v63  }
0x29e: {  	v32 =	vmul.f32 v60, v9;
	v19 =	vmax.f32 v19, v29  }
0x29f: {  	v33 =	vmul.f32 v62, v7;
	v19 =	vmax.f32 v19, v31  }
0x2a0: {  	v35 =	vld [tilespmem:s12+$0x11710];
	v34 =	vmul.f32 v28, v6;
	v19 =	vmax.f32 v19, v32  }
0x2a1: {  	v37 =	vld [tilespmem:s8+$0xFFFFFFD0];
	v36 =	vmul.f32 v30, v4;
	v19 =	vmax.f32 v19, v33  }
0x2a2: {  	v19 =	vmax.f32 v19, v34  }
0x2a3: {  	v19 =	vmax.f32 v19, v36  }
0x2a4: {  	v19 =	vmul.f32 v19, v18;
	_ =	sdelay $0x1  }
0x2a5: {  	v38 =	vmul.f32 v37, v17;
	v19 =	vadd.f32 v19, v35;
	_ =	sdelay $0x1  }
0x2a6: {  	v19 =	vadd.f32 v19, v38;
	_ =	sdelay $0x1  }
0x2a7: {  	[tilespmem:s12+$0x11710] =	vst v19  }
0x2a8: {  	v19 =	vld [tilespmem:s3+$0xFFFFFC20]  }
0x2a9: {  	v39 =	vld [tilespmem:s3+$0xFFFFFCA0]  }
0x2aa: {  	v40 =	vld [tilespmem:s3+$0xFFFFFD20]  }
0x2ab: {  	v41 =	vld [tilespmem:s3+$0xFFFFFDA0]  }
0x2ac: {  	v42 =	vld [tilespmem:s3+$0xFFFFFE20]  }
0x2ad: {  	v43 =	vld [tilespmem:s3+$0xFFFFFEA0]  }
0x2ae: {  	v44 =	vld [tilespmem:s3+$0xFFFFFF20];
	v19 =	vmul.f32 v19, v1;
	v20 =	vmul.f32 v39, v2  }
0x2af: {  	v45 =	vld [tilespmem:s3+$0xFFFFFFA0];
	v21 =	vmul.f32 v40, v3  }
0x2b0: {  	v47 =	vld [tilespmem:s3+$0x20];
	v46 =	vmul.f32 v41, v5;
	v19 =	vmax.f32 v19, v20  }
0x2b1: {  	v49 =	vld [tilespmem:s3+$0xA0];
	v48 =	vmul.f32 v42, v8;
	v19 =	vmax.f32 v19, v21  }
0x2b2: {  	v51 =	vld [tilespmem:s3+$0x120];
	v50 =	vmul.f32 v43, v11;
	v19 =	vmax.f32 v19, v46  }
0x2b3: {  	v53 =	vld [tilespmem:s3+$0x1A0];
	v52 =	vmul.f32 v44, v13;
	v19 =	vmax.f32 v19, v48  }
0x2b4: {  	v55 =	vld [tilespmem:s3+$0x220];
	v54 =	vmul.f32 v45, v15;
	v19 =	vmax.f32 v19, v50  }
0x2b5: {  	v57 =	vld [tilespmem:s3+$0x2A0];
	v56 =	vmul.f32 v47, v16;
	v19 =	vmax.f32 v19, v52  }
0x2b6: {  	v59 =	vld [tilespmem:s3+$0x320];
	v58 =	vmul.f32 v49, v14;
	v19 =	vmax.f32 v19, v54  }
0x2b7: {  	v61 =	vld [tilespmem:s3+$0x3A0];
	v60 =	vmul.f32 v51, v12;
	v19 =	vmax.f32 v19, v56  }
0x2b8: {  	v62 =	vmul.f32 v53, v10;
	v19 =	vmax.f32 v19, v58  }
0x2b9: {  	v63 =	vmul.f32 v55, v9;
	v19 =	vmax.f32 v19, v60  }
0x2ba: {  	v25 =	vmul.f32 v57, v7;
	v19 =	vmax.f32 v19, v62  }
0x2bb: {  	v27 =	vld [tilespmem:s12+$0x11720];
	v26 =	vmul.f32 v59, v6;
	v19 =	vmax.f32 v19, v63  }
0x2bc: {  	v29 =	vld [tilespmem:s8+$0xFFFFFFE0];
	v28 =	vmul.f32 v61, v4;
	v19 =	vmax.f32 v19, v25  }
0x2bd: {  	v19 =	vmax.f32 v19, v26  }
0x2be: {  	v19 =	vmax.f32 v19, v28  }
0x2bf: {  	v19 =	vmul.f32 v19, v18;
	_ =	sdelay $0x1  }
0x2c0: {  	v30 =	vmul.f32 v29, v17;
	v19 =	vadd.f32 v19, v27;
	_ =	sdelay $0x1  }
0x2c1: {  	v19 =	vadd.f32 v19, v30;
	_ =	sdelay $0x1  }
0x2c2: {  	[tilespmem:s12+$0x11720] =	vst v19  }
0x2c3: {  	v19 =	vld [tilespmem:s3+$0xFFFFFC30]  }
0x2c4: {  	v31 =	vld [tilespmem:s3+$0xFFFFFCB0]  }
0x2c5: {  	v32 =	vld [tilespmem:s3+$0xFFFFFD30]  }
0x2c6: {  	v33 =	vld [tilespmem:s3+$0xFFFFFDB0]  }
0x2c7: {  	v34 =	vld [tilespmem:s3+$0xFFFFFE30]  }
0x2c8: {  	v35 =	vld [tilespmem:s3+$0xFFFFFEB0]  }
0x2c9: {  	v36 =	vld [tilespmem:s3+$0xFFFFFF30];
	v19 =	vmul.f32 v19, v1;
	v20 =	vmul.f32 v31, v2  }
0x2ca: {  	v37 =	vld [tilespmem:s3+$0xFFFFFFB0];
	v21 =	vmul.f32 v32, v3  }
0x2cb: {  	v39 =	vld [tilespmem:s3+$0x30];
	v38 =	vmul.f32 v33, v5;
	v19 =	vmax.f32 v19, v20  }
0x2cc: {  	v41 =	vld [tilespmem:s3+$0xB0];
	v40 =	vmul.f32 v34, v8;
	v19 =	vmax.f32 v19, v21  }
0x2cd: {  	v43 =	vld [tilespmem:s3+$0x130];
	v42 =	vmul.f32 v35, v11;
	v19 =	vmax.f32 v19, v38  }
0x2ce: {  	v45 =	vld [tilespmem:s3+$0x1B0];
	v44 =	vmul.f32 v36, v13;
	v19 =	vmax.f32 v19, v40  }
0x2cf: {  	v47 =	vld [tilespmem:s3+$0x230];
	v46 =	vmul.f32 v37, v15;
	v19 =	vmax.f32 v19, v42  }
0x2d0: {  	v49 =	vld [tilespmem:s3+$0x2B0];
	v48 =	vmul.f32 v39, v16;
	v19 =	vmax.f32 v19, v44  }
0x2d1: {  	v51 =	vld [tilespmem:s3+$0x330];
	v50 =	vmul.f32 v41, v14;
	v19 =	vmax.f32 v19, v46  }
0x2d2: {  	v53 =	vld [tilespmem:s3+$0x3B0];
	v52 =	vmul.f32 v43, v12;
	v19 =	vmax.f32 v19, v48  }
0x2d3: {  	v54 =	vmul.f32 v45, v10;
	v19 =	vmax.f32 v19, v50  }
0x2d4: {  	v55 =	vmul.f32 v47, v9;
	v19 =	vmax.f32 v19, v52  }
0x2d5: {  	v56 =	vmul.f32 v49, v7;
	v19 =	vmax.f32 v19, v54  }
0x2d6: {  	v58 =	vld [tilespmem:s12+$0x11730];
	v57 =	vmul.f32 v51, v6;
	v19 =	vmax.f32 v19, v55  }
0x2d7: {  	v60 =	vld [tilespmem:s8+$0xFFFFFFF0];
	v59 =	vmul.f32 v53, v4;
	v19 =	vmax.f32 v19, v56  }
0x2d8: {  	v19 =	vmax.f32 v19, v57  }
0x2d9: {  	v19 =	vmax.f32 v19, v59  }
0x2da: {  	v19 =	vmul.f32 v19, v18;
	_ =	sdelay $0x1  }
0x2db: {  	v61 =	vmul.f32 v60, v17;
	v19 =	vadd.f32 v19, v58;
	_ =	sdelay $0x1  }
0x2dc: {  	v19 =	vadd.f32 v19, v61;
	_ =	sdelay $0x1  }
0x2dd: {  	[tilespmem:s12+$0x11730] =	vst v19  }
0x2de: {  	v19 =	vld [tilespmem:s3+$0xFFFFFC40]  }
0x2df: {  	v62 =	vld [tilespmem:s3+$0xFFFFFCC0]  }
0x2e0: {  	v63 =	vld [tilespmem:s3+$0xFFFFFD40]  }
0x2e1: {  	v28 =	vld [tilespmem:s3+$0xFFFFFDC0]  }
0x2e2: {  	v29 =	vld [tilespmem:s3+$0xFFFFFE40]  }
0x2e3: {  	v30 =	vld [tilespmem:s3+$0xFFFFFEC0]  }
0x2e4: {  	v31 =	vld [tilespmem:s3+$0xFFFFFF40];
	v19 =	vmul.f32 v19, v1;
	v20 =	vmul.f32 v62, v2  }
0x2e5: {  	v32 =	vld [tilespmem:s3+$0xFFFFFFC0];
	v21 =	vmul.f32 v63, v3  }
0x2e6: {  	v34 =	vld [tilespmem:s3+$0x40];
	v33 =	vmul.f32 v28, v5;
	v19 =	vmax.f32 v19, v20  }
0x2e7: {  	v36 =	vld [tilespmem:s3+$0xC0];
	v35 =	vmul.f32 v29, v8;
	v19 =	vmax.f32 v19, v21  }
0x2e8: {  	v38 =	vld [tilespmem:s3+$0x140];
	v37 =	vmul.f32 v30, v11;
	v19 =	vmax.f32 v19, v33  }
0x2e9: {  	v40 =	vld [tilespmem:s3+$0x1C0];
	v39 =	vmul.f32 v31, v13;
	v19 =	vmax.f32 v19, v35  }
0x2ea: {  	v42 =	vld [tilespmem:s3+$0x240];
	v41 =	vmul.f32 v32, v15;
	v19 =	vmax.f32 v19, v37  }
0x2eb: {  	v44 =	vld [tilespmem:s3+$0x2C0];
	v43 =	vmul.f32 v34, v16;
	v19 =	vmax.f32 v19, v39  }
0x2ec: {  	v46 =	vld [tilespmem:s3+$0x340];
	v45 =	vmul.f32 v36, v14;
	v19 =	vmax.f32 v19, v41  }
0x2ed: {  	v48 =	vld [tilespmem:s3+$0x3C0];
	v47 =	vmul.f32 v38, v12;
	v19 =	vmax.f32 v19, v43  }
0x2ee: {  	v49 =	vmul.f32 v40, v10;
	v19 =	vmax.f32 v19, v45  }
0x2ef: {  	v50 =	vmul.f32 v42, v9;
	v19 =	vmax.f32 v19, v47  }
0x2f0: {  	v51 =	vmul.f32 v44, v7;
	v19 =	vmax.f32 v19, v49  }
0x2f1: {  	v53 =	vld [tilespmem:s12+$0x11740];
	v52 =	vmul.f32 v46, v6;
	v19 =	vmax.f32 v19, v50  }
0x2f2: {  	v55 =	vld [tilespmem:s8+$0x0];
	v54 =	vmul.f32 v48, v4;
	v19 =	vmax.f32 v19, v51  }
0x2f3: {  	v19 =	vmax.f32 v19, v52  }
0x2f4: {  	v19 =	vmax.f32 v19, v54  }
0x2f5: {  	v19 =	vmul.f32 v19, v18;
	_ =	sdelay $0x1  }
0x2f6: {  	v56 =	vmul.f32 v55, v17;
	v19 =	vadd.f32 v19, v53;
	_ =	sdelay $0x1  }
0x2f7: {  	v19 =	vadd.f32 v19, v56;
	_ =	sdelay $0x1  }
0x2f8: {  	[tilespmem:s12+$0x11740] =	vst v19  }
0x2f9: {  	v19 =	vld [tilespmem:s3+$0xFFFFFC50]  }
0x2fa: {  	v57 =	vld [tilespmem:s3+$0xFFFFFCD0]  }
0x2fb: {  	v58 =	vld [tilespmem:s3+$0xFFFFFD50]  }
0x2fc: {  	v59 =	vld [tilespmem:s3+$0xFFFFFDD0]  }
0x2fd: {  	v60 =	vld [tilespmem:s3+$0xFFFFFE50]  }
0x2fe: {  	v61 =	vld [tilespmem:s3+$0xFFFFFED0]  }
0x2ff: {  	v62 =	vld [tilespmem:s3+$0xFFFFFF50];
	v19 =	vmul.f32 v19, v1;
	v20 =	vmul.f32 v57, v2  }
0x300: {  	v63 =	vld [tilespmem:s3+$0xFFFFFFD0];
	v21 =	vmul.f32 v58, v3  }
0x301: {  	v29 =	vld [tilespmem:s3+$0x50];
	v28 =	vmul.f32 v59, v5;
	v19 =	vmax.f32 v19, v20  }
0x302: {  	v31 =	vld [tilespmem:s3+$0xD0];
	v30 =	vmul.f32 v60, v8;
	v19 =	vmax.f32 v19, v21  }
0x303: {  	v33 =	vld [tilespmem:s3+$0x150];
	v32 =	vmul.f32 v61, v11;
	v19 =	vmax.f32 v19, v28  }
0x304: {  	v35 =	vld [tilespmem:s3+$0x1D0];
	v34 =	vmul.f32 v62, v13;
	v19 =	vmax.f32 v19, v30  }
0x305: {  	v37 =	vld [tilespmem:s3+$0x250];
	v36 =	vmul.f32 v63, v15;
	v19 =	vmax.f32 v19, v32  }
0x306: {  	v39 =	vld [tilespmem:s3+$0x2D0];
	v38 =	vmul.f32 v29, v16;
	v19 =	vmax.f32 v19, v34  }
0x307: {  	v41 =	vld [tilespmem:s3+$0x350];
	v40 =	vmul.f32 v31, v14;
	v19 =	vmax.f32 v19, v36  }
0x308: {  	v43 =	vld [tilespmem:s3+$0x3D0];
	v42 =	vmul.f32 v33, v12;
	v19 =	vmax.f32 v19, v38  }
0x309: {  	v44 =	vmul.f32 v35, v10;
	v19 =	vmax.f32 v19, v40  }
0x30a: {  	v45 =	vmul.f32 v37, v9;
	v19 =	vmax.f32 v19, v42  }
0x30b: {  	v46 =	vmul.f32 v39, v7;
	v19 =	vmax.f32 v19, v44  }
0x30c: {  	v48 =	vld [tilespmem:s12+$0x11750];
	v47 =	vmul.f32 v41, v6;
	v19 =	vmax.f32 v19, v45  }
0x30d: {  	v50 =	vld [tilespmem:s8+$0x10];
	v49 =	vmul.f32 v43, v4;
	v19 =	vmax.f32 v19, v46  }
0x30e: {  	v19 =	vmax.f32 v19, v47  }
0x30f: {  	v19 =	vmax.f32 v19, v49  }
0x310: {  	v19 =	vmul.f32 v19, v18;
	_ =	sdelay $0x1  }
0x311: {  	v51 =	vmul.f32 v50, v17;
	v19 =	vadd.f32 v19, v48;
	_ =	sdelay $0x1  }
0x312: {  	v19 =	vadd.f32 v19, v51;
	_ =	sdelay $0x1  }
0x313: {  	[tilespmem:s12+$0x11750] =	vst v19  }
0x314: {  	v19 =	vld [tilespmem:s3+$0xFFFFFC60]  }
0x315: {  	v52 =	vld [tilespmem:s3+$0xFFFFFCE0]  }
0x316: {  	v53 =	vld [tilespmem:s3+$0xFFFFFD60]  }
0x317: {  	v54 =	vld [tilespmem:s3+$0xFFFFFDE0]  }
0x318: {  	v55 =	vld [tilespmem:s3+$0xFFFFFE60]  }
0x319: {  	v56 =	vld [tilespmem:s3+$0xFFFFFEE0]  }
0x31a: {  	v57 =	vld [tilespmem:s3+$0xFFFFFF60];
	v19 =	vmul.f32 v19, v1;
	v20 =	vmul.f32 v52, v2  }
0x31b: {  	v58 =	vld [tilespmem:s3+$0xFFFFFFE0];
	v21 =	vmul.f32 v53, v3  }
0x31c: {  	v60 =	vld [tilespmem:s3+$0x60];
	v59 =	vmul.f32 v54, v5;
	v19 =	vmax.f32 v19, v20  }
0x31d: {  	v62 =	vld [tilespmem:s3+$0xE0];
	v61 =	vmul.f32 v55, v8;
	v19 =	vmax.f32 v19, v21  }
0x31e: {  	v28 =	vld [tilespmem:s3+$0x160];
	v63 =	vmul.f32 v56, v11;
	v19 =	vmax.f32 v19, v59  }
0x31f: {  	v30 =	vld [tilespmem:s3+$0x1E0];
	v29 =	vmul.f32 v57, v13;
	v19 =	vmax.f32 v19, v61  }
0x320: {  	v32 =	vld [tilespmem:s3+$0x260];
	v31 =	vmul.f32 v58, v15;
	v19 =	vmax.f32 v19, v63  }
0x321: {  	v34 =	vld [tilespmem:s3+$0x2E0];
	v33 =	vmul.f32 v60, v16;
	v19 =	vmax.f32 v19, v29  }
0x322: {  	v36 =	vld [tilespmem:s3+$0x360];
	v35 =	vmul.f32 v62, v14;
	v19 =	vmax.f32 v19, v31  }
0x323: {  	v38 =	vld [tilespmem:s3+$0x3E0];
	v37 =	vmul.f32 v28, v12;
	v19 =	vmax.f32 v19, v33  }
0x324: {  	v39 =	vmul.f32 v30, v10;
	v19 =	vmax.f32 v19, v35  }
0x325: {  	v40 =	vmul.f32 v32, v9;
	v19 =	vmax.f32 v19, v37  }
0x326: {  	v41 =	vmul.f32 v34, v7;
	v19 =	vmax.f32 v19, v39  }
0x327: {  	v43 =	vld [tilespmem:s12+$0x11760];
	v42 =	vmul.f32 v36, v6;
	v19 =	vmax.f32 v19, v40  }
0x328: {  	v45 =	vld [tilespmem:s8+$0x20];
	v44 =	vmul.f32 v38, v4;
	v19 =	vmax.f32 v19, v41  }
0x329: {  	v19 =	vmax.f32 v19, v42  }
0x32a: {  	v19 =	vmax.f32 v19, v44  }
0x32b: {  	v19 =	vmul.f32 v19, v18;
	_ =	sdelay $0x1  }
0x32c: {  	v46 =	vmul.f32 v45, v17;
	v19 =	vadd.f32 v19, v43;
	_ =	sdelay $0x1  }
0x32d: {  	v19 =	vadd.f32 v19, v46;
	_ =	sdelay $0x1  }
0x32e: {  	[tilespmem:s12+$0x11760] =	vst v19  }
0x32f: {  	v19 =	vld [tilespmem:s3+$0xFFFFFC70]  }
0x330: {  	v47 =	vld [tilespmem:s3+$0xFFFFFCF0]  }
0x331: {  	v48 =	vld [tilespmem:s3+$0xFFFFFD70]  }
0x332: {  	v49 =	vld [tilespmem:s3+$0xFFFFFDF0]  }
0x333: {  	v50 =	vld [tilespmem:s3+$0xFFFFFE70]  }
0x334: {  	v51 =	vld [tilespmem:s3+$0xFFFFFEF0]  }
0x335: {  	v52 =	vld [tilespmem:s3+$0xFFFFFF70];
	v1 =	vmul.f32 v19, v1;
	v2 =	vmul.f32 v47, v2  }
0x336: {  	v53 =	vld [tilespmem:s3+$0xFFFFFFF0];
	v3 =	vmul.f32 v48, v3  }
0x337: {  	v54 =	vld [tilespmem:s3+$0x70];
	v1 =	vmax.f32 v1, v2;
	v2 =	vmul.f32 v49, v5  }
0x338: {  	v55 =	vld [tilespmem:s3+$0xF0];
	v1 =	vmax.f32 v1, v3;
	v3 =	vmul.f32 v50, v8  }
0x339: {  	v56 =	vld [tilespmem:s3+$0x170];
	v1 =	vmax.f32 v1, v2;
	v2 =	vmul.f32 v51, v11  }
0x33a: {  	v57 =	vld [tilespmem:s3+$0x1F0];
	v1 =	vmax.f32 v1, v3;
	v3 =	vmul.f32 v52, v13  }
0x33b: {  	v58 =	vld [tilespmem:s3+$0x270];
	v1 =	vmax.f32 v1, v2;
	v2 =	vmul.f32 v53, v15  }
0x33c: {  	v59 =	vld [tilespmem:s3+$0x2F0];
	v1 =	vmax.f32 v1, v3;
	v3 =	vmul.f32 v54, v16  }
0x33d: {  	v60 =	vld [tilespmem:s3+$0x370];
	v1 =	vmax.f32 v1, v2;
	v2 =	vmul.f32 v55, v14  }
0x33e: {  	v61 =	vld [tilespmem:s3+$0x3F0];
	v1 =	vmax.f32 v1, v3;
	v3 =	vmul.f32 v56, v12  }
0x33f: {  	v1 =	vmax.f32 v1, v2;
	v2 =	vmul.f32 v57, v10  }
0x340: {  	v1 =	vmax.f32 v1, v3;
	v3 =	vmul.f32 v58, v9  }
0x341: {  	v1 =	vmax.f32 v1, v2;
	v2 =	vmul.f32 v59, v7  }
0x342: {  	v62 =	vld [tilespmem:s12+$0x11770];
	v1 =	vmax.f32 v1, v3;
	v3 =	vmul.f32 v60, v6  }
0x343: {  	v63 =	vld [tilespmem:s8+$0x30];
	v1 =	vmax.f32 v1, v2;
	v2 =	vmul.f32 v61, v4  }
0x344: {  	v1 =	vmax.f32 v1, v3  }
0x345: {  	v1 =	vmax.f32 v1, v2  }
0x346: {  	v1 =	vmul.f32 v1, v18  }
0x347: {  	p0 =	sne.s32 s7, $0x9F  }
.Ltmp2:
0x348: {  	v2 =	vmul.f32 v63, v17;
	v1 =	vadd.f32 v1, v62;
	(pc) =	sbr.rel @p0 .LBB2_7-.Ltmp2, $4  }
0x349: {  	_ = 	snop  }
0x34a: {  	v1 =	vadd.f32 v1, v2  }
0x34b: {  	s6 =	sadd.s32 $0x1, s6  }
0x34c: {  	s7 =	sadd.s32 $0x10, s7;
	s8 =	sadd.s32 $0x80, s8;
	s3 =	sadd.s32 $0x800, s3;
	[tilespmem:s12+$0x11770] =	vst v1  }
0x34d: {  	p0 =	seq.s32 s19, $0xF  }
0x34e: {  	s3 =	sadd.s32 @!p0 $0x2, s13  }
0x34f: {  	s6 =	smul.u32 @!p0 $0x140, s3;
	_ =	sdelay $0x1  }
0x350: {  	s8 =	simm.s32 @!p0 $0x50;
	s9 =	simm.s32 @!p0 $0x5400;
	s7 =	sadd.s32 @!p0 $0x400, s6  }
0x351: {  	[tilespmem:s9], [sflag:$0x1] =	stream.indirect.gather @!p0 [hbm4b:s4+s8], $0x80, s7, s8, $0xb8;
	[tilespmem:$0x12700] =	vst v63  }
0x352: {  	s7 =	sadd.s32 @!p0 $0x2C00, s6;
	s9 =	simm.s32 @!p0 $0xF400  }
0x353: {  	[tilespmem:s9], [sflag:$0x1] =	stream.indirect.gather @!p0 [hbm4b:s5+s8], $0x1, s7, s8, $0xb8;
	[tilespmem:$0x12700] =	vst v63  }
0x354: {  	s7 =	sadd.s32 @!p0 $0x450, s6;
	s9 =	simm.s32 @!p0 $0x7C00  }
0x355: {  	[tilespmem:s9], [sflag:$0x1] =	stream.indirect.gather @!p0 [hbm4b:s4+s8], $0x80, s7, s8, $0xb8;
	[tilespmem:$0x12700] =	vst v63  }
0x356: {  	s3 =	sshll.u32 @!p0 s3, $0x5;
	s6 =	sadd.s32 @!p0 $0x2C50, s6;
	s7 =	simm.s32 @!p0 $0xF450  }
0x357: {  	[tilespmem:s7], [sflag:$0x1] =	stream.indirect.gather @!p0 [hbm4b:s5+s8], $0x1, s6, s8, $0xb8;
	[tilespmem:$0x12700] =	vst v63  }
0x358: {  	s3 =	sand.u32 @!p0 $0x3FFFFFE0, s3;
	s6 =	simm.s32 @!p0 $0x20;
	s7 =	simm.s32 @!p0 $0xF600  }
0x359: {  	[tilespmem:s7], [sflag:$0x3] =	stream.indirect.gather @!p0 [hbm4b:s4+s6], $0x80, s3, s6, $0xb8;
	[tilespmem:$0x12700] =	vst v63  }
0x35a: {  	s7 =	simm.s32 @!p0 $0x11600  }
0x35b: {  	[tilespmem:s7], [sflag:$0x3] =	stream.indirect.gather @!p0 [hbm4b:s2+s6], $0x1, s3, s6, $0xb8;
	[tilespmem:$0x12700] =	vst v63  }
0x35c: {  	_ =	swait.ge [sflag:s1], $0x2800  }
0x35d: {  	[sflag:s1] =	ssyncset.done $0x0  }
0x35e: {  	[sflag:s1] =	ssyncadd.s32 $0xFFFFD800  }
0x35f: {  	_ =	swait.ge [sflag:s1], $0x50  }
0x360: {  	[sflag:s1] =	ssyncset.done $0x0  }
0x361: {  	[sflag:s1] =	ssyncadd.s32 $0xFFFFFFB0  }
0x362: {  	_ =	swait.ge [sflag:s1], $0x2800  }
0x363: {  	[sflag:s1] =	ssyncset.done $0x0  }
0x364: {  	[sflag:s1] =	ssyncadd.s32 $0xFFFFD800  }
0x365: {  	_ =	swait.ge [sflag:s1], $0x50  }
0x366: {  	s8 =	simm.s32 $0x10B70;
	s6 =	simm.s32 $0xF;
	[sflag:s1] =	ssyncset.done $0x0  }
0x367: {  	s7 =	simm.s32 $0xA;
	s3 =	simm.s32 $0xA800;
	[sflag:s1] =	ssyncadd.s32 $0xFFFFFFB0  }
.LBB2_9:
0x368: {  	v56 =	vld [tilespmem:s3+$0xFFFFFC00]  }
0x369: {  	s9 =	sadd.s32 $0xFFFFFFF1, s6;
	v57 =	vld [tilespmem:s3+$0xFFFFFC80]  }
0x36a: {  	s11 =	sadd.s32 $0xFFFFFFF2, s6;
	s13 =	sadd.s32 $0xFFFFFFF3, s6;
	s10 =	sadd.s32 $0xFFFFFFF4, s6;
	v19 =	vld [tilespmem:s3+$0xFFFFFD00];
	v1 =	vmov s9  }
0x36b: {  	v20 =	vld [tilespmem:s3+$0xFFFFFD80];
	v2 =	vmov s11;
	v3 =	vmov s13;
	v4 =	vmov s10  }
0x36c: {  	v21 =	vld [tilespmem:s3+$0xFFFFFE00];
	s11 =	sadd.s32 $0xFFFFFFF5, s6;
	v1 =	vand.u32 $0xFFFFFFF0, v1;
	v2 =	vand.u32 $0xFFFFFFF1, v2;
	v3 =	vand.u32 $0xFFFFFFF2, v3  }
0x36d: {  	v22 =	vld [tilespmem:s3+$0xFFFFFE80];
	s13 =	sadd.s32 $0xFFFFFFF6, s6;
	s10 =	sadd.s32 $0xFFFFFFF7, s6;
	v4 =	vand.u32 $0xFFFFFFF3, v4;
	v5 =	vmov s11;
	v1 =	vbroadcast v1, $0x0  }
0x36e: {  	v23 =	vld [tilespmem:s3+$0xFFFFFF00];
	v6 =	vmov s13;
	v42 =	vmov s10;
	v2 =	vbroadcast v2, $0x0  }
0x36f: {  	v24 =	vld [tilespmem:s3+$0xFFFFFF80];
	s11 =	sadd.s32 $0xFFFFFFF8, s6;
	v3 =	vbroadcast v3, $0x0;
	v4 =	vbroadcast v4, $0x0;
	v5 =	vand.u32 $0xFFFFFFF4, v5  }
0x370: {  	v59 =	vld [tilespmem:s3+$0x0];
	s13 =	sadd.s32 $0xFFFFFFF9, s6;
	s10 =	sadd.s32 $0xFFFFFFFA, s6;
	v41 =	vand.u32 $0xFFFFFFF5, v6;
	v43 =	vand.u32 $0xFFFFFFF6, v42;
	v44 =	vmov s11  }
0x371: {  	v61 =	vld [tilespmem:s3+$0x80];
	v46 =	vmov s13;
	v48 =	vmov s10;
	v7 =	vbroadcast v5, $0x0  }
0x372: {  	v63 =	vld [tilespmem:s3+$0x100];
	s11 =	sadd.s32 $0xFFFFFFFB, s6;
	s13 =	sadd.s32 $0xFFFFFFFC, s6;
	v9 =	vbroadcast v41, $0x0;
	v10 =	vbroadcast v43, $0x0;
	v45 =	vand.u32 $0xFFFFFFF7, v44  }
0x373: {  	v6 =	vand.u32 $0xFFFFFFF9, v48;
	v8 =	vmov s11;
	v11 =	vmov s13;
	s13 =	sadd.s32 $0xFFFFFFFF, s6;
	v1 =	vld.idx.msk [tilespmem:v1+s25+$0x0], $0xffff  }
0x374: {  	v12 =	vbroadcast v45, $0x0;
	v50 =	vand.u32 $0xFFFFFFFA, v8;
	v16 =	vmov s13;
	v2 =	vld.idx.msk [tilespmem:v2+s25+$0x0], $0xffff  }
0x375: {  	s11 =	sadd.s32 $0xFFFFFFFE, s6;
	v49 =	vbroadcast v6, $0x0;
	v6 =	vbroadcast v50, $0x0;
	v54 =	vand.u32 $0xFFFFFFFE, v16;
	v3 =	vld.idx.msk [tilespmem:v3+s25+$0x0], $0xffff  }
0x376: {  	v51 =	vand.u32 $0xFFFFFFFB, v11;
	v15 =	vmov s11;
	v18 =	vbroadcast v54, $0x0;
	v5 =	vld.idx.msk [tilespmem:v4+s25+$0x0], $0xffff  }
0x377: {  	s10 =	sadd.s32 $0xFFFFFFFD, s6;
	v53 =	vand.u32 $0xFFFFFFFD, v15;
	v8 =	vld.idx.msk [tilespmem:v7+s25+$0x0], $0xffff;
	v7 =	vbroadcast v51, $0x0  }
0x378: {  	v13 =	vmov s10;
	v17 =	vbroadcast v53, $0x0;
	v11 =	vld.idx.msk [tilespmem:v9+s25+$0x0], $0xffff  }
0x379: {  	v47 =	vand.u32 $0xFFFFFFF8, v46;
	v52 =	vand.u32 $0xFFFFFFFC, v13;
	v13 =	vld.idx.msk [tilespmem:v10+s25+$0x0], $0xffff  }
0x37a: {  	v14 =	vbroadcast v47, $0x0;
	v15 =	vld.idx.msk [tilespmem:v12+s25+$0x0], $0xffff  }
0x37b: {  	v12 =	vld.idx.msk [tilespmem:v6+s25+$0x0], $0xffff  }
0x37c: {  	v6 =	vld.idx.msk [tilespmem:v18+s25+$0x0], $0xffff  }
0x37d: {  	v9 =	vbroadcast v52, $0x0;
	v10 =	vld.idx.msk [tilespmem:v7+s25+$0x0], $0xffff  }
0x37e: {  	v18 =	vmul.f32 v57, v2;
	v7 =	vld.idx.msk [tilespmem:v17+s25+$0x0], $0xffff;
	v17 =	vmul.f32 v56, v1  }
0x37f: {  	v29 =	vld [tilespmem:s3+$0x180];
	v19 =	vmul.f32 v19, v3  }
0x380: {  	v16 =	vld.idx.msk [tilespmem:v14+s25+$0x0], $0xffff;
	v58 =	vmul.f32 v20, v5;
	v17 =	vmax.f32 v17, v18  }
0x381: {  	v14 =	vld.idx.msk [tilespmem:v49+s25+$0x0], $0xffff;
	v60 =	vmul.f32 v21, v8;
	v17 =	vmax.f32 v17, v19  }
0x382: {  	v55 =	vmov s6;
	v31 =	vld [tilespmem:s3+$0x200];
	v62 =	vmul.f32 v22, v11;
	v17 =	vmax.f32 v17, v58  }
0x383: {  	v25 =	vmov s7;
	v33 =	vld [tilespmem:s3+$0x280];
	v28 =	vmul.f32 v23, v13;
	v17 =	vmax.f32 v17, v60  }
0x384: {  	v9 =	vld.idx.msk [tilespmem:v9+s25+$0x0], $0xffff;
	v30 =	vmul.f32 v24, v15;
	v17 =	vmax.f32 v17, v62  }
0x385: {  	v35 =	vld [tilespmem:s3+$0x300];
	v32 =	vmul.f32 v59, v16;
	v17 =	vmax.f32 v17, v28  }
0x386: {  	v26 =	vld [tilespmem:s3+$0x380];
	v34 =	vmul.f32 v61, v14;
	v17 =	vmax.f32 v17, v30  }
0x387: {  	v4 =	vld.idx.msk [tilespmem:v55+s25+$0x0], $0xffff;
	v22 =	vmul.f32 v63, v12;
	v19 =	vmax.f32 v17, v32  }
0x388: {  	v36 =	vmul.f32 v29, v10;
	v17 =	vld.idx.msk [tilespmem:v25+s0+$0x0], $0xffff;
	v18 =	vmax.f32 v19, v34  }
0x389: {  	v37 =	vmul.f32 v31, v9;
	v18 =	vmax.f32 v18, v22  }
0x38a: {  	v38 =	vmul.f32 v33, v7;
	v18 =	vmax.f32 v18, v36  }
0x38b: {  	v40 =	vld [tilespmem:s12+$0x11700];
	v39 =	vmul.f32 v35, v6;
	v18 =	vmax.f32 v18, v37  }
0x38c: {  	v42 =	vld [tilespmem:s8+$0xFFFFFF90];
	v41 =	vmul.f32 v26, v4;
	v19 =	vmax.f32 v18, v38  }
0x38d: {  	v18 =	vsub.f32 $1.000000000e+00, v17;
	v19 =	vmax.f32 v19, v39  }
0x38e: {  	v19 =	vmax.f32 v19, v41  }
0x38f: {  	v19 =	vmul.f32 v19, v18;
	_ =	sdelay $0x1  }
0x390: {  	v43 =	vmul.f32 v42, v17;
	v19 =	vadd.f32 v19, v40;
	_ =	sdelay $0x1  }
0x391: {  	v19 =	vadd.f32 v19, v43;
	_ =	sdelay $0x1  }
0x392: {  	[tilespmem:s12+$0x11700] =	vst v19  }
0x393: {  	v19 =	vld [tilespmem:s3+$0xFFFFFC10]  }
0x394: {  	v44 =	vld [tilespmem:s3+$0xFFFFFC90]  }
0x395: {  	v45 =	vld [tilespmem:s3+$0xFFFFFD10]  }
0x396: {  	v46 =	vld [tilespmem:s3+$0xFFFFFD90]  }
0x397: {  	v47 =	vld [tilespmem:s3+$0xFFFFFE10]  }
0x398: {  	v48 =	vld [tilespmem:s3+$0xFFFFFE90]  }
0x399: {  	v49 =	vld [tilespmem:s3+$0xFFFFFF10];
	v19 =	vmul.f32 v19, v1;
	v20 =	vmul.f32 v44, v2  }
0x39a: {  	v50 =	vld [tilespmem:s3+$0xFFFFFF90];
	v21 =	vmul.f32 v45, v3  }
0x39b: {  	v52 =	vld [tilespmem:s3+$0x10];
	v51 =	vmul.f32 v46, v5;
	v19 =	vmax.f32 v19, v20  }
0x39c: {  	v54 =	vld [tilespmem:s3+$0x90];
	v53 =	vmul.f32 v47, v8;
	v19 =	vmax.f32 v19, v21  }
0x39d: {  	v56 =	vld [tilespmem:s3+$0x110];
	v55 =	vmul.f32 v48, v11;
	v19 =	vmax.f32 v19, v51  }
0x39e: {  	v58 =	vld [tilespmem:s3+$0x190];
	v57 =	vmul.f32 v49, v13;
	v19 =	vmax.f32 v19, v53  }
0x39f: {  	v60 =	vld [tilespmem:s3+$0x210];
	v59 =	vmul.f32 v50, v15;
	v19 =	vmax.f32 v19, v55  }
0x3a0: {  	v62 =	vld [tilespmem:s3+$0x290];
	v61 =	vmul.f32 v52, v16;
	v19 =	vmax.f32 v19, v57  }
0x3a1: {  	v28 =	vld [tilespmem:s3+$0x310];
	v63 =	vmul.f32 v54, v14;
	v19 =	vmax.f32 v19, v59  }
0x3a2: {  	v30 =	vld [tilespmem:s3+$0x390];
	v29 =	vmul.f32 v56, v12;
	v19 =	vmax.f32 v19, v61  }
0x3a3: {  	v31 =	vmul.f32 v58, v10;
	v19 =	vmax.f32 v19, v63  }
0x3a4: {  	v32 =	vmul.f32 v60, v9;
	v19 =	vmax.f32 v19, v29  }
0x3a5: {  	v33 =	vmul.f32 v62, v7;
	v19 =	vmax.f32 v19, v31  }
0x3a6: {  	v35 =	vld [tilespmem:s12+$0x11710];
	v34 =	vmul.f32 v28, v6;
	v19 =	vmax.f32 v19, v32  }
0x3a7: {  	v37 =	vld [tilespmem:s8+$0xFFFFFFA0];
	v36 =	vmul.f32 v30, v4;
	v19 =	vmax.f32 v19, v33  }
0x3a8: {  	v19 =	vmax.f32 v19, v34  }
0x3a9: {  	v19 =	vmax.f32 v19, v36  }
0x3aa: {  	v19 =	vmul.f32 v19, v18;
	_ =	sdelay $0x1  }
0x3ab: {  	v38 =	vmul.f32 v37, v17;
	v19 =	vadd.f32 v19, v35;
	_ =	sdelay $0x1  }
0x3ac: {  	v19 =	vadd.f32 v19, v38;
	_ =	sdelay $0x1  }
0x3ad: {  	[tilespmem:s12+$0x11710] =	vst v19  }
0x3ae: {  	v19 =	vld [tilespmem:s3+$0xFFFFFC20]  }
0x3af: {  	v39 =	vld [tilespmem:s3+$0xFFFFFCA0]  }
0x3b0: {  	v40 =	vld [tilespmem:s3+$0xFFFFFD20]  }
0x3b1: {  	v41 =	vld [tilespmem:s3+$0xFFFFFDA0]  }
0x3b2: {  	v42 =	vld [tilespmem:s3+$0xFFFFFE20]  }
0x3b3: {  	v43 =	vld [tilespmem:s3+$0xFFFFFEA0]  }
0x3b4: {  	v44 =	vld [tilespmem:s3+$0xFFFFFF20];
	v19 =	vmul.f32 v19, v1;
	v20 =	vmul.f32 v39, v2  }
0x3b5: {  	v45 =	vld [tilespmem:s3+$0xFFFFFFA0];
	v21 =	vmul.f32 v40, v3  }
0x3b6: {  	v47 =	vld [tilespmem:s3+$0x20];
	v46 =	vmul.f32 v41, v5;
	v19 =	vmax.f32 v19, v20  }
0x3b7: {  	v49 =	vld [tilespmem:s3+$0xA0];
	v48 =	vmul.f32 v42, v8;
	v19 =	vmax.f32 v19, v21  }
0x3b8: {  	v51 =	vld [tilespmem:s3+$0x120];
	v50 =	vmul.f32 v43, v11;
	v19 =	vmax.f32 v19, v46  }
0x3b9: {  	v53 =	vld [tilespmem:s3+$0x1A0];
	v52 =	vmul.f32 v44, v13;
	v19 =	vmax.f32 v19, v48  }
0x3ba: {  	v55 =	vld [tilespmem:s3+$0x220];
	v54 =	vmul.f32 v45, v15;
	v19 =	vmax.f32 v19, v50  }
0x3bb: {  	v57 =	vld [tilespmem:s3+$0x2A0];
	v56 =	vmul.f32 v47, v16;
	v19 =	vmax.f32 v19, v52  }
0x3bc: {  	v59 =	vld [tilespmem:s3+$0x320];
	v58 =	vmul.f32 v49, v14;
	v19 =	vmax.f32 v19, v54  }
0x3bd: {  	v61 =	vld [tilespmem:s3+$0x3A0];
	v60 =	vmul.f32 v51, v12;
	v19 =	vmax.f32 v19, v56  }
0x3be: {  	v62 =	vmul.f32 v53, v10;
	v19 =	vmax.f32 v19, v58  }
0x3bf: {  	v63 =	vmul.f32 v55, v9;
	v19 =	vmax.f32 v19, v60  }
0x3c0: {  	v25 =	vmul.f32 v57, v7;
	v19 =	vmax.f32 v19, v62  }
0x3c1: {  	v27 =	vld [tilespmem:s12+$0x11720];
	v26 =	vmul.f32 v59, v6;
	v19 =	vmax.f32 v19, v63  }
0x3c2: {  	v29 =	vld [tilespmem:s8+$0xFFFFFFB0];
	v28 =	vmul.f32 v61, v4;
	v19 =	vmax.f32 v19, v25  }
0x3c3: {  	v19 =	vmax.f32 v19, v26  }
0x3c4: {  	v19 =	vmax.f32 v19, v28  }
0x3c5: {  	v19 =	vmul.f32 v19, v18;
	_ =	sdelay $0x1  }
0x3c6: {  	v30 =	vmul.f32 v29, v17;
	v19 =	vadd.f32 v19, v27;
	_ =	sdelay $0x1  }
0x3c7: {  	v19 =	vadd.f32 v19, v30;
	_ =	sdelay $0x1  }
0x3c8: {  	[tilespmem:s12+$0x11720] =	vst v19  }
0x3c9: {  	v19 =	vld [tilespmem:s3+$0xFFFFFC30]  }
0x3ca: {  	v31 =	vld [tilespmem:s3+$0xFFFFFCB0]  }
0x3cb: {  	v32 =	vld [tilespmem:s3+$0xFFFFFD30]  }
0x3cc: {  	v33 =	vld [tilespmem:s3+$0xFFFFFDB0]  }
0x3cd: {  	v34 =	vld [tilespmem:s3+$0xFFFFFE30]  }
0x3ce: {  	v35 =	vld [tilespmem:s3+$0xFFFFFEB0]  }
0x3cf: {  	v36 =	vld [tilespmem:s3+$0xFFFFFF30];
	v19 =	vmul.f32 v19, v1;
	v20 =	vmul.f32 v31, v2  }
0x3d0: {  	v37 =	vld [tilespmem:s3+$0xFFFFFFB0];
	v21 =	vmul.f32 v32, v3  }
0x3d1: {  	v39 =	vld [tilespmem:s3+$0x30];
	v38 =	vmul.f32 v33, v5;
	v19 =	vmax.f32 v19, v20  }
0x3d2: {  	v41 =	vld [tilespmem:s3+$0xB0];
	v40 =	vmul.f32 v34, v8;
	v19 =	vmax.f32 v19, v21  }
0x3d3: {  	v43 =	vld [tilespmem:s3+$0x130];
	v42 =	vmul.f32 v35, v11;
	v19 =	vmax.f32 v19, v38  }
0x3d4: {  	v45 =	vld [tilespmem:s3+$0x1B0];
	v44 =	vmul.f32 v36, v13;
	v19 =	vmax.f32 v19, v40  }
0x3d5: {  	v47 =	vld [tilespmem:s3+$0x230];
	v46 =	vmul.f32 v37, v15;
	v19 =	vmax.f32 v19, v42  }
0x3d6: {  	v49 =	vld [tilespmem:s3+$0x2B0];
	v48 =	vmul.f32 v39, v16;
	v19 =	vmax.f32 v19, v44  }
0x3d7: {  	v51 =	vld [tilespmem:s3+$0x330];
	v50 =	vmul.f32 v41, v14;
	v19 =	vmax.f32 v19, v46  }
0x3d8: {  	v53 =	vld [tilespmem:s3+$0x3B0];
	v52 =	vmul.f32 v43, v12;
	v19 =	vmax.f32 v19, v48  }
0x3d9: {  	v54 =	vmul.f32 v45, v10;
	v19 =	vmax.f32 v19, v50  }
0x3da: {  	v55 =	vmul.f32 v47, v9;
	v19 =	vmax.f32 v19, v52  }
0x3db: {  	v56 =	vmul.f32 v49, v7;
	v19 =	vmax.f32 v19, v54  }
0x3dc: {  	v58 =	vld [tilespmem:s12+$0x11730];
	v57 =	vmul.f32 v51, v6;
	v19 =	vmax.f32 v19, v55  }
0x3dd: {  	v60 =	vld [tilespmem:s8+$0xFFFFFFC0];
	v59 =	vmul.f32 v53, v4;
	v19 =	vmax.f32 v19, v56  }
0x3de: {  	v19 =	vmax.f32 v19, v57  }
0x3df: {  	v19 =	vmax.f32 v19, v59  }
0x3e0: {  	v19 =	vmul.f32 v19, v18;
	_ =	sdelay $0x1  }
0x3e1: {  	v61 =	vmul.f32 v60, v17;
	v19 =	vadd.f32 v19, v58;
	_ =	sdelay $0x1  }
0x3e2: {  	v19 =	vadd.f32 v19, v61;
	_ =	sdelay $0x1  }
0x3e3: {  	[tilespmem:s12+$0x11730] =	vst v19  }
0x3e4: {  	v19 =	vld [tilespmem:s3+$0xFFFFFC40]  }
0x3e5: {  	v62 =	vld [tilespmem:s3+$0xFFFFFCC0]  }
0x3e6: {  	v63 =	vld [tilespmem:s3+$0xFFFFFD40]  }
0x3e7: {  	v28 =	vld [tilespmem:s3+$0xFFFFFDC0]  }
0x3e8: {  	v29 =	vld [tilespmem:s3+$0xFFFFFE40]  }
0x3e9: {  	v30 =	vld [tilespmem:s3+$0xFFFFFEC0]  }
0x3ea: {  	v31 =	vld [tilespmem:s3+$0xFFFFFF40];
	v19 =	vmul.f32 v19, v1;
	v20 =	vmul.f32 v62, v2  }
0x3eb: {  	v32 =	vld [tilespmem:s3+$0xFFFFFFC0];
	v21 =	vmul.f32 v63, v3  }
0x3ec: {  	v34 =	vld [tilespmem:s3+$0x40];
	v33 =	vmul.f32 v28, v5;
	v19 =	vmax.f32 v19, v20  }
0x3ed: {  	v36 =	vld [tilespmem:s3+$0xC0];
	v35 =	vmul.f32 v29, v8;
	v19 =	vmax.f32 v19, v21  }
0x3ee: {  	v38 =	vld [tilespmem:s3+$0x140];
	v37 =	vmul.f32 v30, v11;
	v19 =	vmax.f32 v19, v33  }
0x3ef: {  	v40 =	vld [tilespmem:s3+$0x1C0];
	v39 =	vmul.f32 v31, v13;
	v19 =	vmax.f32 v19, v35  }
0x3f0: {  	v42 =	vld [tilespmem:s3+$0x240];
	v41 =	vmul.f32 v32, v15;
	v19 =	vmax.f32 v19, v37  }
0x3f1: {  	v44 =	vld [tilespmem:s3+$0x2C0];
	v43 =	vmul.f32 v34, v16;
	v19 =	vmax.f32 v19, v39  }
0x3f2: {  	v46 =	vld [tilespmem:s3+$0x340];
	v45 =	vmul.f32 v36, v14;
	v19 =	vmax.f32 v19, v41  }
0x3f3: {  	v48 =	vld [tilespmem:s3+$0x3C0];
	v47 =	vmul.f32 v38, v12;
	v19 =	vmax.f32 v19, v43  }
0x3f4: {  	v49 =	vmul.f32 v40, v10;
	v19 =	vmax.f32 v19, v45  }
0x3f5: {  	v50 =	vmul.f32 v42, v9;
	v19 =	vmax.f32 v19, v47  }
0x3f6: {  	v51 =	vmul.f32 v44, v7;
	v19 =	vmax.f32 v19, v49  }
0x3f7: {  	v53 =	vld [tilespmem:s12+$0x11740];
	v52 =	vmul.f32 v46, v6;
	v19 =	vmax.f32 v19, v50  }
0x3f8: {  	v55 =	vld [tilespmem:s8+$0xFFFFFFD0];
	v54 =	vmul.f32 v48, v4;
	v19 =	vmax.f32 v19, v51  }
0x3f9: {  	v19 =	vmax.f32 v19, v52  }
0x3fa: {  	v19 =	vmax.f32 v19, v54  }
0x3fb: {  	v19 =	vmul.f32 v19, v18;
	_ =	sdelay $0x1  }
0x3fc: {  	v56 =	vmul.f32 v55, v17;
	v19 =	vadd.f32 v19, v53;
	_ =	sdelay $0x1  }
0x3fd: {  	v19 =	vadd.f32 v19, v56;
	_ =	sdelay $0x1  }
0x3fe: {  	[tilespmem:s12+$0x11740] =	vst v19  }
0x3ff: {  	v19 =	vld [tilespmem:s3+$0xFFFFFC50]  }
0x400: {  	v57 =	vld [tilespmem:s3+$0xFFFFFCD0]  }
0x401: {  	v58 =	vld [tilespmem:s3+$0xFFFFFD50]  }
0x402: {  	v59 =	vld [tilespmem:s3+$0xFFFFFDD0]  }
0x403: {  	v60 =	vld [tilespmem:s3+$0xFFFFFE50]  }
0x404: {  	v61 =	vld [tilespmem:s3+$0xFFFFFED0]  }
0x405: {  	v62 =	vld [tilespmem:s3+$0xFFFFFF50];
	v19 =	vmul.f32 v19, v1;
	v20 =	vmul.f32 v57, v2  }
0x406: {  	v63 =	vld [tilespmem:s3+$0xFFFFFFD0];
	v21 =	vmul.f32 v58, v3  }
0x407: {  	v29 =	vld [tilespmem:s3+$0x50];
	v28 =	vmul.f32 v59, v5;
	v19 =	vmax.f32 v19, v20  }
0x408: {  	v31 =	vld [tilespmem:s3+$0xD0];
	v30 =	vmul.f32 v60, v8;
	v19 =	vmax.f32 v19, v21  }
0x409: {  	v33 =	vld [tilespmem:s3+$0x150];
	v32 =	vmul.f32 v61, v11;
	v19 =	vmax.f32 v19, v28  }
0x40a: {  	v35 =	vld [tilespmem:s3+$0x1D0];
	v34 =	vmul.f32 v62, v13;
	v19 =	vmax.f32 v19, v30  }
0x40b: {  	v37 =	vld [tilespmem:s3+$0x250];
	v36 =	vmul.f32 v63, v15;
	v19 =	vmax.f32 v19, v32  }
0x40c: {  	v39 =	vld [tilespmem:s3+$0x2D0];
	v38 =	vmul.f32 v29, v16;
	v19 =	vmax.f32 v19, v34  }
0x40d: {  	v41 =	vld [tilespmem:s3+$0x350];
	v40 =	vmul.f32 v31, v14;
	v19 =	vmax.f32 v19, v36  }
0x40e: {  	v43 =	vld [tilespmem:s3+$0x3D0];
	v42 =	vmul.f32 v33, v12;
	v19 =	vmax.f32 v19, v38  }
0x40f: {  	v44 =	vmul.f32 v35, v10;
	v19 =	vmax.f32 v19, v40  }
0x410: {  	v45 =	vmul.f32 v37, v9;
	v19 =	vmax.f32 v19, v42  }
0x411: {  	v46 =	vmul.f32 v39, v7;
	v19 =	vmax.f32 v19, v44  }
0x412: {  	v48 =	vld [tilespmem:s12+$0x11750];
	v47 =	vmul.f32 v41, v6;
	v19 =	vmax.f32 v19, v45  }
0x413: {  	v50 =	vld [tilespmem:s8+$0xFFFFFFE0];
	v49 =	vmul.f32 v43, v4;
	v19 =	vmax.f32 v19, v46  }
0x414: {  	v19 =	vmax.f32 v19, v47  }
0x415: {  	v19 =	vmax.f32 v19, v49  }
0x416: {  	v19 =	vmul.f32 v19, v18;
	_ =	sdelay $0x1  }
0x417: {  	v51 =	vmul.f32 v50, v17;
	v19 =	vadd.f32 v19, v48;
	_ =	sdelay $0x1  }
0x418: {  	v19 =	vadd.f32 v19, v51;
	_ =	sdelay $0x1  }
0x419: {  	[tilespmem:s12+$0x11750] =	vst v19  }
0x41a: {  	v19 =	vld [tilespmem:s3+$0xFFFFFC60]  }
0x41b: {  	v52 =	vld [tilespmem:s3+$0xFFFFFCE0]  }
0x41c: {  	v53 =	vld [tilespmem:s3+$0xFFFFFD60]  }
0x41d: {  	v54 =	vld [tilespmem:s3+$0xFFFFFDE0]  }
0x41e: {  	v55 =	vld [tilespmem:s3+$0xFFFFFE60]  }
0x41f: {  	v56 =	vld [tilespmem:s3+$0xFFFFFEE0]  }
0x420: {  	v57 =	vld [tilespmem:s3+$0xFFFFFF60];
	v19 =	vmul.f32 v19, v1;
	v20 =	vmul.f32 v52, v2  }
0x421: {  	v58 =	vld [tilespmem:s3+$0xFFFFFFE0];
	v21 =	vmul.f32 v53, v3  }
0x422: {  	v60 =	vld [tilespmem:s3+$0x60];
	v59 =	vmul.f32 v54, v5;
	v19 =	vmax.f32 v19, v20  }
0x423: {  	v62 =	vld [tilespmem:s3+$0xE0];
	v61 =	vmul.f32 v55, v8;
	v19 =	vmax.f32 v19, v21  }
0x424: {  	v28 =	vld [tilespmem:s3+$0x160];
	v63 =	vmul.f32 v56, v11;
	v19 =	vmax.f32 v19, v59  }
0x425: {  	v30 =	vld [tilespmem:s3+$0x1E0];
	v29 =	vmul.f32 v57, v13;
	v19 =	vmax.f32 v19, v61  }
0x426: {  	v32 =	vld [tilespmem:s3+$0x260];
	v31 =	vmul.f32 v58, v15;
	v19 =	vmax.f32 v19, v63  }
0x427: {  	v34 =	vld [tilespmem:s3+$0x2E0];
	v33 =	vmul.f32 v60, v16;
	v19 =	vmax.f32 v19, v29  }
0x428: {  	v36 =	vld [tilespmem:s3+$0x360];
	v35 =	vmul.f32 v62, v14;
	v19 =	vmax.f32 v19, v31  }
0x429: {  	v38 =	vld [tilespmem:s3+$0x3E0];
	v37 =	vmul.f32 v28, v12;
	v19 =	vmax.f32 v19, v33  }
0x42a: {  	v39 =	vmul.f32 v30, v10;
	v19 =	vmax.f32 v19, v35  }
0x42b: {  	v40 =	vmul.f32 v32, v9;
	v19 =	vmax.f32 v19, v37  }
0x42c: {  	v41 =	vmul.f32 v34, v7;
	v19 =	vmax.f32 v19, v39  }
0x42d: {  	v43 =	vld [tilespmem:s12+$0x11760];
	v42 =	vmul.f32 v36, v6;
	v19 =	vmax.f32 v19, v40  }
0x42e: {  	v45 =	vld [tilespmem:s8+$0xFFFFFFF0];
	v44 =	vmul.f32 v38, v4;
	v19 =	vmax.f32 v19, v41  }
0x42f: {  	v19 =	vmax.f32 v19, v42  }
0x430: {  	v19 =	vmax.f32 v19, v44  }
0x431: {  	v19 =	vmul.f32 v19, v18;
	_ =	sdelay $0x1  }
0x432: {  	v46 =	vmul.f32 v45, v17;
	v19 =	vadd.f32 v19, v43;
	_ =	sdelay $0x1  }
0x433: {  	v19 =	vadd.f32 v19, v46;
	_ =	sdelay $0x1  }
0x434: {  	[tilespmem:s12+$0x11760] =	vst v19  }
0x435: {  	v19 =	vld [tilespmem:s3+$0xFFFFFC70]  }
0x436: {  	v47 =	vld [tilespmem:s3+$0xFFFFFCF0]  }
0x437: {  	v48 =	vld [tilespmem:s3+$0xFFFFFD70]  }
0x438: {  	v49 =	vld [tilespmem:s3+$0xFFFFFDF0]  }
0x439: {  	v50 =	vld [tilespmem:s3+$0xFFFFFE70]  }
0x43a: {  	v51 =	vld [tilespmem:s3+$0xFFFFFEF0]  }
0x43b: {  	v52 =	vld [tilespmem:s3+$0xFFFFFF70];
	v1 =	vmul.f32 v19, v1;
	v2 =	vmul.f32 v47, v2  }
0x43c: {  	v53 =	vld [tilespmem:s3+$0xFFFFFFF0];
	v3 =	vmul.f32 v48, v3  }
0x43d: {  	v54 =	vld [tilespmem:s3+$0x70];
	v1 =	vmax.f32 v1, v2;
	v2 =	vmul.f32 v49, v5  }
0x43e: {  	v55 =	vld [tilespmem:s3+$0xF0];
	v1 =	vmax.f32 v1, v3;
	v3 =	vmul.f32 v50, v8  }
0x43f: {  	v56 =	vld [tilespmem:s3+$0x170];
	v1 =	vmax.f32 v1, v2;
	v2 =	vmul.f32 v51, v11  }
0x440: {  	v57 =	vld [tilespmem:s3+$0x1F0];
	v1 =	vmax.f32 v1, v3;
	v3 =	vmul.f32 v52, v13  }
0x441: {  	v58 =	vld [tilespmem:s3+$0x270];
	v1 =	vmax.f32 v1, v2;
	v2 =	vmul.f32 v53, v15  }
0x442: {  	v59 =	vld [tilespmem:s3+$0x2F0];
	v1 =	vmax.f32 v1, v3;
	v3 =	vmul.f32 v54, v16  }
0x443: {  	v60 =	vld [tilespmem:s3+$0x370];
	v1 =	vmax.f32 v1, v2;
	v2 =	vmul.f32 v55, v14  }
0x444: {  	v61 =	vld [tilespmem:s3+$0x3F0];
	v1 =	vmax.f32 v1, v3;
	v3 =	vmul.f32 v56, v12  }
0x445: {  	v1 =	vmax.f32 v1, v2;
	v2 =	vmul.f32 v57, v10  }
0x446: {  	v1 =	vmax.f32 v1, v3;
	v3 =	vmul.f32 v58, v9  }
0x447: {  	v1 =	vmax.f32 v1, v2;
	v2 =	vmul.f32 v59, v7  }
0x448: {  	v62 =	vld [tilespmem:s12+$0x11770];
	v1 =	vmax.f32 v1, v3;
	v3 =	vmul.f32 v60, v6  }
0x449: {  	v63 =	vld [tilespmem:s8+$0x0];
	v1 =	vmax.f32 v1, v2;
	v2 =	vmul.f32 v61, v4  }
0x44a: {  	v1 =	vmax.f32 v1, v3  }
0x44b: {  	v1 =	vmax.f32 v1, v2  }
0x44c: {  	v1 =	vmul.f32 v1, v18  }
0x44d: {  	p0 =	sne.s32 s6, $0x9F  }
.Ltmp3:
0x44e: {  	v2 =	vmul.f32 v63, v17;
	v1 =	vadd.f32 v1, v62;
	(pc) =	sbr.rel @p0 .LBB2_9-.Ltmp3, $4  }
0x44f: {  	_ = 	snop  }
0x450: {  	v1 =	vadd.f32 v1, v2  }
0x451: {  	s7 =	sadd.s32 $0x1, s7  }
0x452: {  	s6 =	sadd.s32 $0x10, s6;
	s8 =	sadd.s32 $0x80, s8;
	s3 =	sadd.s32 $0x800, s3;
	[tilespmem:s12+$0x11770] =	vst v1  }
0x453: {  	s19 =	sadd.s32 $0x1, s19  }
0x454: {  	p0 =	sne.s32 s19, $0x10  }
.Ltmp4:
0x455: {  	_ = 	snop;
	(pc) =	sbr.rel @p0 .LBB2_2-.Ltmp4, $1  }
0x456: {  	_ =	sdelay $0x3  }
0x457: {  	s10 =	simm.s32 $0x0;
	s3 =	rddreg [dreg:$0x7];
	s6 =	simm.s32 $0x11700  }
0x458: {  	[hbm4b:s3+s10] =	stream.linear.scatter [tilespmem:s6], [sflag:$0x5], $0x1000, $0x38;
	[tilespmem:$0x12700] =	vst v63  }
0x459: {  	s6 =	simm.s32 $0x5  }
0x45a: {  	_ =	swait.ge [sflag:s6], $0x1000  }
0x45b: {  	s22 =	sadd.s32 $0x1, s22;
	s19 =	rddreg [dreg:$0x8]  }
0x45c: {  	p0 =	sne.s32 s22, s19  }
.Ltmp5:
0x45d: {  	_ = 	snop;
	(pc) =	sbr.rel @p0 .LBB2_1-.Ltmp5, $3  }
0x45e: {  	_ =	sdelay $0x1  }
0x45f: {  	[sflag:s6] =	ssyncset.done $0x0  }
0x460: {  	[sflag:s6] =	ssyncadd.s32 $0xFFFFF000  }
0x461: {  	_ =	sfence.sel $0x180000  }
0x462: {  	[bflag:$0x0] =	sbarrier.arrive $0xFFFF  }
0x463: {  	_ =	strace $0x90000047  }
0x464: {  	s0 =	stileid.u32;
	[bflag:$0x2] =	sbarrier.arrive $0xFFFF  }
0x465: {  	p0 =	sne.s32 s0, $0x0;
	s0 =	rddreg [dreg:$0x3]  }
0x466: {  	s0 =	sadd.s32 @!p0 $0x100000, s0  }
0x467: {  	[sflag:s0] =	ssyncadd.tile.s32 @!p0 $0x1;
	_ =	shalt  }
.Lfunc_end2:
_tile_overlayer_lowered:
.L_overlay_start_2:
0x468: {  	(tag) =	ssettag $0x2  }
0x469: {  	s0 =	rddreg [dreg:$0x0];
	s2 =	stileid.u32  }
0x46a: {  	s1 =	rddreg [dreg:$0x1];
	p0 =	sne.s32 s2, $0x0  }
0x46b: {  	s3 =	rddreg [dreg:$0x2];
	[bflag:$0x3] =	sbarrier.arrive $0xFFFF;
	s2 =	simm.s32 @!p0 $0x1C05  }
0x46c: {  	[timem:s3], [sflag:s2] =	dma.local @!p0 [hbm:s0], s1  }
0x46d: {  	s0 =	simm.s32 @!p0 $0x5  }
0x46e: {  	_ =	swait.ge @!p0 [sflag:s0], s1  }
0x46f: {  	s1 =	ssub.s32 @!p0 $0x0, s1;
	[sflag:s0] =	ssyncset.done @!p0 $0x0  }
0x470: {  	[sflag:s0] =	ssyncadd.s32 @!p0 s1  }
0x471: {  	[bflag:$0x3] =	sbarrier.arrive $0xFFFF  }
0x472: {  	_ =	shalt  }

</sc_bundles>
